<compile_context>
chip_gen: v7x
topology: tpu7x:2x2x1
jax: 0.10.2.dev20260603
libtpu: 0.0.44.dev20260713+nightly
codegen_flags: <defaults>
</compile_context>

<pallas_src>
import functools
import math

import jax
import jax.numpy as jnp
from jax import lax
from jax.experimental import pallas as pl
from jax.experimental.pallas import tpu as pltpu
from jax.experimental.pallas import tpu_sc as plsc

_N = 10000
_E = 160000
_D = 128
_DA = 16
_EPS = 1e-9

_BN = 200
_BE = 1280
_GCH = 200
_SCH = 200


def _rownorm(x):
    m = jnp.mean(x, axis=1, keepdims=True)
    var = jnp.sum((x - m) ** 2, axis=1, keepdims=True) / (_D - 1)
    return x / (jnp.sqrt(var) + _EPS)


def _silu(x):
    return x * jax.nn.sigmoid(x)



def _node_mix_body(xn_ref, attr_ref, wbT_ref, wA_ref, wB_ref, wC_ref, bl_ref,
                   out_ref):
    x1 = xn_ref[...]
    x2 = attr_ref[...]
    p = jnp.concatenate([x2[:, j:j + 1] * x1 for j in range(_DA)], axis=1)
    xbi = jnp.dot(p, wbT_ref[...], preferred_element_type=jnp.float32)
    x = (jnp.dot(x1, wA_ref[...], preferred_element_type=jnp.float32)
         + jnp.dot(x2, wB_ref[...], preferred_element_type=jnp.float32)
         + jnp.dot(xbi, wC_ref[...], preferred_element_type=jnp.float32)
         + bl_ref[...])
    out_ref[...] = _rownorm(x)



def _colnorm(x):
    m = jnp.mean(x, axis=0, keepdims=True)
    var = jnp.sum((x - m) ** 2, axis=0, keepdims=True) / (_D - 1)
    return x / (jnp.sqrt(var) + _EPS)


def _bilinear_bf16_t(uT, vT, w2_ref):
    n = uT.shape[1]
    xbiT = jnp.zeros((_D, n), dtype=jnp.float32)
    for g in range(16):
        blocks = [uT[i:i + 1, :] * vT for i in range(8 * g, 8 * g + 8)]
        pT = jnp.concatenate(blocks, axis=0).astype(jnp.bfloat16)
        xbiT += jnp.dot(w2_ref[:, 8 * g * _D:(8 * g + 8) * _D], pT,
                        preferred_element_type=jnp.float32)
    return xbiT


def _edge_body(s_ref, d_ref, ea_ref, wf1_ref, bf1_ref, wb2_ref,
               wnA_ref, wnB_ref, wnC_ref, bln_ref,
               wbxe_ref, wxA_ref, wxb_ref, wxC_ref, blx_ref,
               wf2_ref, bf2_ref, out_ref):
    sT = s_ref[...].T
    dT = d_ref[...].T
    ea = ea_ref[...]
    w = _silu(ea * wf1_ref[...] + bf1_ref[...])
    uT = w * (sT - dT)
    vT = w * (sT + dT) * 0.5
    xbiT = _bilinear_bf16_t(uT, vT, wb2_ref)
    xeT = (jnp.dot(wnA_ref[...], uT, preferred_element_type=jnp.float32)
           + jnp.dot(wnB_ref[...], vT, preferred_element_type=jnp.float32)
           + jnp.dot(wnC_ref[...], xbiT, preferred_element_type=jnp.float32)
           + bln_ref[...])
    xbi2T = jnp.dot(wbxe_ref[...], xeT,
                    preferred_element_type=jnp.float32) * ea
    xe2T = (jnp.dot(wxA_ref[...], xeT, preferred_element_type=jnp.float32)
            + wxb_ref[...] * ea
            + jnp.dot(wxC_ref[...], xbi2T, preferred_element_type=jnp.float32)
            + blx_ref[...])
    xe2T = _colnorm(xe2T)
    w2 = _silu(ea * wf2_ref[...] + bf2_ref[...])
    out_ref[...] = (w2 * xe2T).T



def _final_body(x1a_ref, x1b_ref, x2a_ref, x2b_ref, wb2_ref,
                wA_ref, wB_ref, wC_ref, bl_ref, out_ref):
    nrm = 1.0 / math.sqrt(20.0)
    x1T = (x1a_ref[...] + x1b_ref[...]).T
    x2T = (x2a_ref[...] + x2b_ref[...]).T
    aT = (x1T - x2T) * nrm
    bT = (x1T + x2T) * nrm
    xbiT = _bilinear_bf16_t(aT, bT, wb2_ref)
    xT = (jnp.dot(wA_ref[...], aT, preferred_element_type=jnp.float32)
          + jnp.dot(wB_ref[...], bT, preferred_element_type=jnp.float32)
          + jnp.dot(wC_ref[...], xbiT, preferred_element_type=jnp.float32)
          + bl_ref[...])
    out_ref[...] = _colnorm(_silu(xT)).T


def _full(shape):
    return pl.BlockSpec(shape, lambda i: tuple(0 for _ in shape))



def _make_gather(e_tot, chunk):
    mesh = plsc.VectorSubcoreMesh(core_axis_name="c", subcore_axis_name="s")
    nw = 32
    per_w = e_tot // nw
    nch = per_w // chunk

    @functools.partial(
        pl.kernel, mesh=mesh,
        out_type=(jax.ShapeDtypeStruct((e_tot, _D), jnp.float32),
                  jax.ShapeDtypeStruct((e_tot, _D), jnp.float32)),
        scratch_types=[pltpu.VMEM((chunk,), jnp.int32),
                       pltpu.VMEM((chunk, _D), jnp.float32),
                       pltpu.VMEM((chunk,), jnp.int32),
                       pltpu.VMEM((chunk, _D), jnp.float32),
                       pltpu.SemaphoreType.DMA,
                       pltpu.SemaphoreType.DMA],
    )
    def gather(xn_hbm, src_hbm, dst_hbm, outs_hbm, outd_hbm,
               idx1_v, rows1_v, idx2_v, rows2_v, sem1, sem2):
        wid = lax.axis_index("s") * 2 + lax.axis_index("c")
        base = wid * per_w

        def body(k, carry):
            off = base + k * chunk
            pltpu.sync_copy(src_hbm.at[pl.ds(off, chunk)], idx1_v)
            cp1 = pltpu.async_copy(xn_hbm.at[idx1_v], rows1_v, sem1)
            pltpu.sync_copy(dst_hbm.at[pl.ds(off, chunk)], idx2_v)
            cp2 = pltpu.async_copy(xn_hbm.at[idx2_v], rows2_v, sem2)
            cp1.wait()
            pltpu.sync_copy(rows1_v, outs_hbm.at[pl.ds(off, chunk)])
            cp2.wait()
            pltpu.sync_copy(rows2_v, outd_hbm.at[pl.ds(off, chunk)])
            return carry

        lax.fori_loop(0, nch, body, 0)

    return gather


def _make_scatter(e_p, e_q, chunk):
    mesh = plsc.VectorSubcoreMesh(core_axis_name="c", subcore_axis_name="s")
    per_p = e_p // 16
    nch_p = per_p // chunk
    per_q = e_q // 16
    nch_q = per_q // chunk
    nzc = _N // _SCH

    @functools.partial(
        pl.kernel, mesh=mesh,
        out_type=(jax.ShapeDtypeStruct((_N, _D), jnp.float32),
                  jax.ShapeDtypeStruct((_N, _D), jnp.float32)),
        scratch_types=[pltpu.VMEM((chunk,), jnp.int32),
                       pltpu.VMEM((chunk, _D), jnp.float32),
                       pltpu.VMEM_SHARED((_N, _D), jnp.float32)],
    )
    def scatter(yp_hbm, yq_hbm, dstp_hbm, srcp_hbm, dstq_hbm, srcq_hbm,
                zb_hbm, out1_hbm, out2_hbm, idx_v, y_v, acc_sh):
        cid = lax.axis_index("c")
        sid = lax.axis_index("s")

        for t in range((nzc + 15) // 16):
            kk = sid + t * 16

            @pl.when(kk < nzc)
            def _():
                pltpu.sync_copy(zb_hbm, acc_sh.at[pl.ds(kk * _SCH, _SCH)])

        plsc.subcore_barrier()

        def do_chunk(y_hbm, idx_hbm, per_t, k):
            off = sid * per_t + k * chunk
            pltpu.sync_copy(idx_hbm.at[pl.ds(off, chunk)], idx_v)
            pltpu.sync_copy(y_hbm.at[pl.ds(off, chunk)], y_v)
            pltpu.sync_copy(y_v, acc_sh.at[idx_v], add=True)

        @pl.when(cid == 0)
        def _():
            lax.fori_loop(
                0, nch_p, lambda k, c: (do_chunk(yp_hbm, dstp_hbm, per_p, k), c)[1], 0)
            lax.fori_loop(
                0, nch_q, lambda k, c: (do_chunk(yq_hbm, dstq_hbm, per_q, k), c)[1], 0)

        @pl.when(cid == 1)
        def _():
            lax.fori_loop(
                0, nch_p, lambda k, c: (do_chunk(yp_hbm, srcp_hbm, per_p, k), c)[1], 0)
            lax.fori_loop(
                0, nch_q, lambda k, c: (do_chunk(yq_hbm, srcq_hbm, per_q, k), c)[1], 0)

        plsc.subcore_barrier()

        for t in range((nzc + 15) // 16):
            kk = sid + t * 16

            @pl.when(kk < nzc)
            def _():
                sl = pl.ds(kk * _SCH, _SCH)

                @pl.when(cid == 0)
                def _():
                    pltpu.sync_copy(acc_sh.at[sl], out1_hbm.at[sl])

                @pl.when(cid == 1)
                def _():
                    pltpu.sync_copy(acc_sh.at[sl], out2_hbm.at[sl])

    return scatter


_PARTS = (38400, 38400, 38400, 44800)
_POFF = (0, 38400, 76800, 115200)


@functools.lru_cache(maxsize=1)
def _sc_kernels():
    g1 = _make_gather(38400, 200)
    g2 = _make_gather(44800, 200)
    return ((g1, g1, g1, g2),
            (_make_scatter(38400, 38400, 200),
             _make_scatter(38400, 44800, 200)))


def kernel(xn, xn_attr, xe_attr, xe_src, xe_dst, Wb_xn, Wl_xn, bl_xn,
           W_fc1, b_fc1, Wb_n2e, Wl_n2e, bl_n2e, Wb_xe, Wl_xe, bl_xe,
           W_fc2, b_fc2, Wb_e2n, Wl_e2n, bl_e2n):
    f32 = jnp.float32
    wbxnT = Wb_xn.transpose(2, 1, 0).reshape(_DA * _D, _D)
    wxnA = Wl_xn[:, :_D].T
    wxnB = Wl_xn[:, _D:_D + _DA].T
    wxnC = Wl_xn[:, _D + _DA:].T
    blxn = bl_xn.reshape(1, _D)
    wbn2e2 = Wb_n2e.reshape(_D, _D * _D).astype(jnp.bfloat16)
    wnA = Wl_n2e[:, :_D]
    wnB = Wl_n2e[:, _D:2 * _D]
    wnC = Wl_n2e[:, 2 * _D:]
    bln = bl_n2e.reshape(_D, 1)
    wbxe = Wb_xe[:, :, 0]
    wxA = Wl_xe[:, :_D]
    wxb = Wl_xe[:, _D].reshape(_D, 1)
    wxC = Wl_xe[:, _D + 1:]
    blx = bl_xe.reshape(_D, 1)
    wbe2n2 = Wb_e2n.reshape(_D, _D * _D).astype(jnp.bfloat16)
    weA = Wl_e2n[:, :_D]
    weB = Wl_e2n[:, _D:2 * _D]
    weC = Wl_e2n[:, 2 * _D:]
    ble = bl_e2n.reshape(_D, 1)
    wf1 = W_fc1.reshape(_D, 1)
    bf1 = b_fc1.reshape(_D, 1)
    wf2 = W_fc2.reshape(_D, 1)
    bf2 = b_fc2.reshape(_D, 1)
    ea_row = xe_attr.reshape(1, _E)
    src = xe_src.astype(jnp.int32)
    dst = xe_dst.astype(jnp.int32)

    xn_m = pl.pallas_call(
        _node_mix_body,
        grid=(_N // _BN,),
        in_specs=[pl.BlockSpec((_BN, _D), lambda i: (i, 0)),
                  pl.BlockSpec((_BN, _DA), lambda i: (i, 0)),
                  _full((_DA * _D, _D)), _full((_D, _D)), _full((_DA, _D)),
                  _full((_D, _D)), _full((1, _D))],
        out_specs=pl.BlockSpec((_BN, _D), lambda i: (i, 0)),
        out_shape=jax.ShapeDtypeStruct((_N, _D), f32),
    )(xn, xn_attr, wbxnT, wxnA, wxnB, wxnC, blxn)

    _gathers, _scatters = _sc_kernels()
    srcs = [lax.dynamic_slice_in_dim(src, o, p) for o, p in zip(_POFF, _PARTS)]
    dsts = [lax.dynamic_slice_in_dim(dst, o, p) for o, p in zip(_POFF, _PARTS)]
    rows = [g(xn_m, s_, d_) for g, s_, d_ in zip(_gathers, srcs, dsts)]

    def edge(s_rows, d_rows, ea, ne):
        return pl.pallas_call(
            _edge_body,
            grid=(ne // _BE,),
            in_specs=[pl.BlockSpec((_BE, _D), lambda i: (i, 0)),
                      pl.BlockSpec((_BE, _D), lambda i: (i, 0)),
                      pl.BlockSpec((1, _BE), lambda i: (0, i)),
                      _full((_D, 1)), _full((_D, 1)),
                      _full((_D, _D * _D)),
                      _full((_D, _D)), _full((_D, _D)), _full((_D, _D)),
                      _full((_D, 1)),
                      _full((_D, _D)), _full((_D, _D)), _full((_D, 1)),
                      _full((_D, _D)), _full((_D, 1)),
                      _full((_D, 1)), _full((_D, 1))],
            out_specs=pl.BlockSpec((_BE, _D), lambda i: (i, 0)),
            out_shape=jax.ShapeDtypeStruct((ne, _D), f32),
        )(s_rows, d_rows, ea, wf1, bf1, wbn2e2, wnA, wnB, wnC, bln,
          wbxe, wxA, wxb, wxC, blx, wf2, bf2)

    ys = [edge(s_, d_, lax.dynamic_slice_in_dim(ea_row, o, p, axis=1), p)
          for (s_, d_), o, p in zip(rows, _POFF, _PARTS)]

    zb = jnp.zeros((_SCH, _D), f32)
    x1a, x2a = _scatters[0](ys[0], ys[1], dsts[0], srcs[0], dsts[1], srcs[1],
                            zb)
    x1b, x2b = _scatters[1](ys[2], ys[3], dsts[2], srcs[2], dsts[3], srcs[3],
                            zb)

    out = pl.pallas_call(
        _final_body,
        grid=(_N // _BN,),
        in_specs=[pl.BlockSpec((_BN, _D), lambda i: (i, 0)),
                  pl.BlockSpec((_BN, _D), lambda i: (i, 0)),
                  pl.BlockSpec((_BN, _D), lambda i: (i, 0)),
                  pl.BlockSpec((_BN, _D), lambda i: (i, 0)),
                  _full((_D, _D * _D)),
                  _full((_D, _D)), _full((_D, _D)), _full((_D, _D)),
                  _full((_D, 1))],
        out_specs=pl.BlockSpec((_BN, _D), lambda i: (i, 0)),
        out_shape=jax.ShapeDtypeStruct((_N, _D), f32),
    )(x1a, x1b, x2a, x2b, wbe2n2, weA, weB, weC, ble)

    return out

# --- scband reference (transcript-rebuilt; emitter-appended) ---
"""Pipeline reference for scband-propagation-block-11819749998953 (READ-ONLY COPY).

The authoritative reference and input builder live on the scoring server;
editing this copy changes nothing except your own understanding.
"""

import jax, jax.numpy as jnp
import numpy as np
import math

N = 10000
E = 160000
D = 128
DA = 16


def _mix(x1, x2, Wb, Wl, bl):
    # Mixing: bilinear (nn.Bilinear / scalar-irrep tensor product) + concat + linear
    xbi = jnp.einsum('bi,oij,bj->bo', x1, Wb, x2)
    x = jnp.concatenate([x1, x2, xbi], axis=-1)
    return x @ Wl.T + bl


def setup_inputs(seed: int = 0):
    key = jax.random.key(seed)
    ks = jax.random.split(key, 25)
    inp = {}
    inp['xn'] = jax.random.normal(ks[0], (N, D), dtype=jnp.float32)
    inp['xn_attr'] = jax.random.normal(ks[1], (N, DA), dtype=jnp.float32)
    inp['xe_attr'] = jax.random.normal(ks[2], (E, 1), dtype=jnp.float32)
    inp['xe_src'] = jax.random.randint(ks[3], (E,), 0, N)
    inp['xe_dst'] = jax.random.randint(ks[4], (E,), 0, N)
    # mix_xn: Mixing(D, DA, D)
    inp['Wb_xn'] = jax.random.normal(ks[5], (D, D, DA), dtype=jnp.float32) * 0.05
    inp['Wl_xn'] = jax.random.normal(ks[6], (D, 2 * D + DA), dtype=jnp.float32) * (1.0 / math.sqrt(2 * D + DA))
    inp['bl_xn'] = jnp.zeros((D,), dtype=jnp.float32)
    # fc1: FullyConnectedNet([1, xe_dim])
    inp['W_fc1'] = jax.random.normal(ks[7], (D, 1), dtype=jnp.float32)
    inp['b_fc1'] = jnp.zeros((D,), dtype=jnp.float32)
    # nodes_to_edges.mix: Mixing(D, D, D)
    inp['Wb_n2e'] = jax.random.normal(ks[8], (D, D, D), dtype=jnp.float32) * 0.05
    inp['Wl_n2e'] = jax.random.normal(ks[9], (D, 3 * D), dtype=jnp.float32) * (1.0 / math.sqrt(3 * D))
    inp['bl_n2e'] = jnp.zeros((D,), dtype=jnp.float32)
    # mix_xe: Mixing(D, 1, D)
    inp['Wb_xe'] = jax.random.normal(ks[10], (D, D, 1), dtype=jnp.float32) * 0.05
    inp['Wl_xe'] = jax.random.normal(ks[11], (D, 2 * D + 1), dtype=jnp.float32) * (1.0 / math.sqrt(2 * D + 1))
    inp['bl_xe'] = jnp.zeros((D,), dtype=jnp.float32)
    # fc2: FullyConnectedNet([1, xn_dim])
    inp['W_fc2'] = jax.random.normal(ks[12], (D, 1), dtype=jnp.float32)
    inp['b_fc2'] = jnp.zeros((D,), dtype=jnp.float32)
    # edges_to_nodes.mix: Mixing(D, D, D)
    inp['Wb_e2n'] = jax.random.normal(ks[13], (D, D, D), dtype=jnp.float32) * 0.05
    inp['Wl_e2n'] = jax.random.normal(ks[14], (D, 3 * D), dtype=jnp.float32) * (1.0 / math.sqrt(3 * D))
    inp['bl_e2n'] = jnp.zeros((D,), dtype=jnp.float32)
    return inp


def reference(xn, xn_attr, xe_attr, xe_src, xe_dst, Wb_xn, Wl_xn, bl_xn, W_fc1, b_fc1, Wb_n2e, Wl_n2e, bl_n2e, Wb_xe, Wl_xe, bl_xe, W_fc2, b_fc2, Wb_e2n, Wl_e2n, bl_e2n):
    eps = 1e-09
    # xn = mix_xn(xn, xn_attr); row-std normalize (torch std is unbiased -> ddof=1)
    xn = _mix(xn, xn_attr, Wb_xn, Wl_xn, bl_xn)
    xn = xn / (jnp.std(xn, axis=1, ddof=1)[:, None] + eps)
    # weight = fc1(xe_attr)
    w = jax.nn.silu(xe_attr @ W_fc1.T + b_fc1)
    # NodesToEdges: gather endpoints, grad/ave features, mix
    xn_src = xn[xe_src]
    xn_dst = xn[xe_dst]
    xe_grad = w * (xn_src - xn_dst)
    xe_ave = w * (xn_src + xn_dst) / 2
    xe = _mix(xe_grad, xe_ave, Wb_n2e, Wl_n2e, bl_n2e)
    # xe = mix_xe(xe, xe_attr); normalize
    xe = _mix(xe, xe_attr, Wb_xe, Wl_xe, bl_xe)
    xe = xe / (jnp.std(xe, axis=1, ddof=1)[:, None] + eps)
    # weight = fc2(xe_attr)
    w2 = jax.nn.silu(xe_attr @ W_fc2.T + b_fc2)
    # EdgesToNodes: scatter-add to dst and src, mix(diff, sum)
    norm = 1.0 / math.sqrt(20.0)
    xn1 = jax.ops.segment_sum(w2 * xe, xe_dst, num_segments=N) * norm
    xn2 = jax.ops.segment_sum(w2 * xe, xe_src, num_segments=N) * norm
    xn = _mix(xn1 - xn2, xn1 + xn2, Wb_e2n, Wl_e2n, bl_e2n)
    xn = jax.nn.silu(xn)
    xn = xn / (jnp.std(xn, axis=1, ddof=1)[:, None] + eps)
    return xn

if __name__ == "__main__":
    import jax
    _d = setup_inputs()
    print(jax.jit(kernel)(*tuple(_d.values())))

</pallas_src>

<mosaic_0001>
#map = affine_map<(d0, d1) -> (0, 0)>
#map1 = affine_map<(d0, d1) -> (0)>
module attributes {stable_mosaic.version = 14 : i64} {
  func.func @gather(%arg0: i32, %arg1: i32, %arg2: memref<10000x128xf32, #tpu.memory_space<hbm>>, %arg3: memref<38400xi32, #tpu.memory_space<hbm>>, %arg4: memref<38400xi32, #tpu.memory_space<hbm>>, %arg5: memref<38400x128xf32, #tpu.memory_space<hbm>>, %arg6: memref<38400x128xf32, #tpu.memory_space<hbm>>, %arg7: memref<200xi32, #tpu.memory_space<vmem>>, %arg8: memref<200x128xf32, #tpu.memory_space<vmem>>, %arg9: memref<200xi32, #tpu.memory_space<vmem>>, %arg10: memref<200x128xf32, #tpu.memory_space<vmem>>, %arg11: memref<!tpu.dma_semaphore, #tpu.memory_space<semaphore_mem>>, %arg12: memref<!tpu.dma_semaphore, #tpu.memory_space<semaphore_mem>>) attributes {dimension_semantics = [#tpu.dimension_semantics<core_parallel>, #tpu.dimension_semantics<subcore_parallel>], iteration_bounds = array<i64: 2, 16>, scalar_prefetch = 0 : i64, scratch_operands = 6 : i64, tpu.core_type = #tpu.core_type<sc_vector_subcore>, window_params = [{transform_indices = #map}, {transform_indices = #map1}, {transform_indices = #map1}, {transform_indices = #map}, {transform_indices = #map}]} {
    %mul3A = arith.constant 2 : i32
    %mul3A_0 = arith.muli %arg1, %mul3A : i32
    %add3A = arith.addi %mul3A_0, %arg0 : i32
    %mul3A_1 = arith.constant 1200 : i32
    %mul3A_2 = arith.muli %add3A, %mul3A_1 : i32
    %scan3A = arith.constant 0 : i32
    %scan3A_3 = arith.constant 0 : i32
    %scan3A_4 = arith.constant 6 : i32
    %scan3A_5 = arith.addi %scan3A_3, %scan3A_4 : i32
    %scan3A_6 = arith.constant 1 : i32
    scf.for %scan3A_8 = %scan3A_3 to %scan3A_5 step %scan3A_6  : i32 {
      %mul3A_9 = arith.constant 200 : i32
      %mul3A_10 = arith.muli %scan3A_8, %mul3A_9 : i32
      %add3A_11 = arith.addi %mul3A_2, %mul3A_10 : i32
      "tpu.region"() ({
        %run_scoped3A = tpu.sem_alloc : memref<!tpu.dma_semaphore, #tpu.memory_space<semaphore_mem>>
        %dma_start3A_22 = tpu.memref_slice %arg3[%add3A_11] : memref<38400xi32, #tpu.memory_space<hbm>> -> memref<200xi32, #tpu.memory_space<hbm>>
        %dma_start3A_23 = tpu.memref_slice %arg3[%add3A_11] : memref<38400xi32, #tpu.memory_space<hbm>> -> memref<200xi32, #tpu.memory_space<hbm>>
        tpu.enqueue_dma source(%dma_start3A_23 : memref<200xi32, #tpu.memory_space<hbm>>) target(%arg7 : memref<200xi32, #tpu.memory_space<vmem>>) target_semaphore(%run_scoped3A : memref<!tpu.dma_semaphore, #tpu.memory_space<semaphore_mem>>)
        %dma_wait3A_24 = tpu.memref_slice %arg3[%add3A_11] : memref<38400xi32, #tpu.memory_space<hbm>> -> memref<200xi32, #tpu.memory_space<hbm>>
        %dma_wait3A_25 = tpu.memref_slice %arg3[%add3A_11] : memref<38400xi32, #tpu.memory_space<hbm>> -> memref<200xi32, #tpu.memory_space<hbm>>
        tpu.wait_dma2 semaphore(%run_scoped3A : memref<!tpu.dma_semaphore, #tpu.memory_space<semaphore_mem>>) src(%dma_wait3A_25 : memref<200xi32, #tpu.memory_space<hbm>>) dst(%arg7 : memref<200xi32, #tpu.memory_space<vmem>>)
        tpu.yield
      }) : () -> ()
      %dma_start3A = arith.constant 0 : i32
      %dma_start3A_12 = arith.constant 0 : i32
      %dma_start3A_13 = tpu.memref_slice %arg2[%dma_start3A, %dma_start3A_12] : memref<10000x128xf32, #tpu.memory_space<hbm>> -> memref<10000x128xf32, #tpu.memory_space<hbm>>
      tpu.enqueue_indirect_dma source(%dma_start3A_13 : memref<10000x128xf32, #tpu.memory_space<hbm>>) target(%arg8 : memref<200x128xf32, #tpu.memory_space<vmem>>) offsets(%arg7 : memref<200xi32, #tpu.memory_space<vmem>>) semaphore(%arg11 : memref<!tpu.dma_semaphore, #tpu.memory_space<semaphore_mem>>)
      "tpu.region"() ({
        %run_scoped3A = tpu.sem_alloc : memref<!tpu.dma_semaphore, #tpu.memory_space<semaphore_mem>>
        %dma_start3A_22 = tpu.memref_slice %arg4[%add3A_11] : memref<38400xi32, #tpu.memory_space<hbm>> -> memref<200xi32, #tpu.memory_space<hbm>>
        %dma_start3A_23 = tpu.memref_slice %arg4[%add3A_11] : memref<38400xi32, #tpu.memory_space<hbm>> -> memref<200xi32, #tpu.memory_space<hbm>>
        tpu.enqueue_dma source(%dma_start3A_23 : memref<200xi32, #tpu.memory_space<hbm>>) target(%arg9 : memref<200xi32, #tpu.memory_space<vmem>>) target_semaphore(%run_scoped3A : memref<!tpu.dma_semaphore, #tpu.memory_space<semaphore_mem>>)
        %dma_wait3A_24 = tpu.memref_slice %arg4[%add3A_11] : memref<38400xi32, #tpu.memory_space<hbm>> -> memref<200xi32, #tpu.memory_space<hbm>>
        %dma_wait3A_25 = tpu.memref_slice %arg4[%add3A_11] : memref<38400xi32, #tpu.memory_space<hbm>> -> memref<200xi32, #tpu.memory_space<hbm>>
        tpu.wait_dma2 semaphore(%run_scoped3A : memref<!tpu.dma_semaphore, #tpu.memory_space<semaphore_mem>>) src(%dma_wait3A_25 : memref<200xi32, #tpu.memory_space<hbm>>) dst(%arg9 : memref<200xi32, #tpu.memory_space<vmem>>)
        tpu.yield
      }) : () -> ()
      %dma_start3A_14 = arith.constant 0 : i32
      %dma_start3A_15 = arith.constant 0 : i32
      %dma_start3A_16 = tpu.memref_slice %arg2[%dma_start3A_14, %dma_start3A_15] : memref<10000x128xf32, #tpu.memory_space<hbm>> -> memref<10000x128xf32, #tpu.memory_space<hbm>>
      tpu.enqueue_indirect_dma source(%dma_start3A_16 : memref<10000x128xf32, #tpu.memory_space<hbm>>) target(%arg10 : memref<200x128xf32, #tpu.memory_space<vmem>>) offsets(%arg9 : memref<200xi32, #tpu.memory_space<vmem>>) semaphore(%arg12 : memref<!tpu.dma_semaphore, #tpu.memory_space<semaphore_mem>>)
      %dma_wait3A = arith.constant 0 : i32
      %dma_wait3A_17 = arith.constant 0 : i32
      %dma_wait3A_18 = tpu.memref_slice %arg2[%dma_wait3A, %dma_wait3A_17] : memref<10000x128xf32, #tpu.memory_space<hbm>> -> memref<10000x128xf32, #tpu.memory_space<hbm>>
      tpu.wait_indirect_dma semaphore(%arg11 : memref<!tpu.dma_semaphore, #tpu.memory_space<semaphore_mem>>) src(%dma_wait3A_18 : memref<10000x128xf32, #tpu.memory_space<hbm>>) dst(%arg8 : memref<200x128xf32, #tpu.memory_space<vmem>>)
      "tpu.region"() ({
        %run_scoped3A = tpu.sem_alloc : memref<!tpu.dma_semaphore, #tpu.memory_space<semaphore_mem>>
        %dma_start3A_22 = arith.constant 0 : i32
        %dma_start3A_23 = tpu.memref_slice %arg5[%add3A_11, %dma_start3A_22] : memref<38400x128xf32, #tpu.memory_space<hbm>> -> memref<200x128xf32, #tpu.memory_space<hbm>>
        %dma_start3A_24 = arith.constant 0 : i32
        %dma_start3A_25 = tpu.memref_slice %arg5[%add3A_11, %dma_start3A_24] : memref<38400x128xf32, #tpu.memory_space<hbm>> -> memref<200x128xf32, #tpu.memory_space<hbm>>
        tpu.enqueue_dma source(%arg8 : memref<200x128xf32, #tpu.memory_space<vmem>>) target(%dma_start3A_25 : memref<200x128xf32, #tpu.memory_space<hbm>>) target_semaphore(%run_scoped3A : memref<!tpu.dma_semaphore, #tpu.memory_space<semaphore_mem>>)
        %dma_wait3A_26 = arith.constant 0 : i32
        %dma_wait3A_27 = tpu.memref_slice %arg5[%add3A_11, %dma_wait3A_26] : memref<38400x128xf32, #tpu.memory_space<hbm>> -> memref<200x128xf32, #tpu.memory_space<hbm>>
        %dma_wait3A_28 = arith.constant 0 : i32
        %dma_wait3A_29 = tpu.memref_slice %arg5[%add3A_11, %dma_wait3A_28] : memref<38400x128xf32, #tpu.memory_space<hbm>> -> memref<200x128xf32, #tpu.memory_space<hbm>>
        tpu.wait_dma2 semaphore(%run_scoped3A : memref<!tpu.dma_semaphore, #tpu.memory_space<semaphore_mem>>) src(%arg8 : memref<200x128xf32, #tpu.memory_space<vmem>>) dst(%dma_wait3A_29 : memref<200x128xf32, #tpu.memory_space<hbm>>)
        tpu.yield
      }) : () -> ()
      %dma_wait3A_19 = arith.constant 0 : i32
      %dma_wait3A_20 = arith.constant 0 : i32
      %dma_wait3A_21 = tpu.memref_slice %arg2[%dma_wait3A_19, %dma_wait3A_20] : memref<10000x128xf32, #tpu.memory_space<hbm>> -> memref<10000x128xf32, #tpu.memory_space<hbm>>
      tpu.wait_indirect_dma semaphore(%arg12 : memref<!tpu.dma_semaphore, #tpu.memory_space<semaphore_mem>>) src(%dma_wait3A_21 : memref<10000x128xf32, #tpu.memory_space<hbm>>) dst(%arg10 : memref<200x128xf32, #tpu.memory_space<vmem>>)
      "tpu.region"() ({
        %run_scoped3A = tpu.sem_alloc : memref<!tpu.dma_semaphore, #tpu.memory_space<semaphore_mem>>
        %dma_start3A_22 = arith.constant 0 : i32
        %dma_start3A_23 = tpu.memref_slice %arg6[%add3A_11, %dma_start3A_22] : memref<38400x128xf32, #tpu.memory_space<hbm>> -> memref<200x128xf32, #tpu.memory_space<hbm>>
        %dma_start3A_24 = arith.constant 0 : i32
        %dma_start3A_25 = tpu.memref_slice %arg6[%add3A_11, %dma_start3A_24] : memref<38400x128xf32, #tpu.memory_space<hbm>> -> memref<200x128xf32, #tpu.memory_space<hbm>>
        tpu.enqueue_dma source(%arg10 : memref<200x128xf32, #tpu.memory_space<vmem>>) target(%dma_start3A_25 : memref<200x128xf32, #tpu.memory_space<hbm>>) target_semaphore(%run_scoped3A : memref<!tpu.dma_semaphore, #tpu.memory_space<semaphore_mem>>)
        %dma_wait3A_26 = arith.constant 0 : i32
        %dma_wait3A_27 = tpu.memref_slice %arg6[%add3A_11, %dma_wait3A_26] : memref<38400x128xf32, #tpu.memory_space<hbm>> -> memref<200x128xf32, #tpu.memory_space<hbm>>
        %dma_wait3A_28 = arith.constant 0 : i32
        %dma_wait3A_29 = tpu.memref_slice %arg6[%add3A_11, %dma_wait3A_28] : memref<38400x128xf32, #tpu.memory_space<hbm>> -> memref<200x128xf32, #tpu.memory_space<hbm>>
        tpu.wait_dma2 semaphore(%run_scoped3A : memref<!tpu.dma_semaphore, #tpu.memory_space<semaphore_mem>>) src(%arg10 : memref<200x128xf32, #tpu.memory_space<vmem>>) dst(%dma_wait3A_29 : memref<200x128xf32, #tpu.memory_space<hbm>>)
        tpu.yield
      }) : () -> ()
    }
    %scan3A_7 = arith.constant 6 : i32
    return
  }
}

#map = affine_map<(d0, d1) -> (0, 0)>
#map1 = affine_map<(d0, d1) -> (0)>
module attributes {stable_mosaic.version = 14 : i64} {
  func.func @gather(%arg0: i32, %arg1: i32, %arg2: memref<10000x128xf32, #tpu.memory_space<hbm>>, %arg3: memref<38400xi32, #tpu.memory_space<hbm>>, %arg4: memref<38400xi32, #tpu.memory_space<hbm>>, %arg5: memref<38400x128xf32, #tpu.memory_space<hbm>>, %arg6: memref<38400x128xf32, #tpu.memory_space<hbm>>, %arg7: memref<200xi32, #tpu.memory_space<vmem>>, %arg8: memref<200x128xf32, #tpu.memory_space<vmem>>, %arg9: memref<200xi32, #tpu.memory_space<vmem>>, %arg10: memref<200x128xf32, #tpu.memory_space<vmem>>, %arg11: memref<!tpu.dma_semaphore, #tpu.memory_space<semaphore_mem>>, %arg12: memref<!tpu.dma_semaphore, #tpu.memory_space<semaphore_mem>>) attributes {dimension_semantics = [#tpu.dimension_semantics<core_parallel>, #tpu.dimension_semantics<subcore_parallel>], iteration_bounds = array<i64: 2, 16>, scalar_prefetch = 0 : i64, scratch_operands = 6 : i64, tpu.core_type = #tpu.core_type<sc_vector_subcore>, window_params = [{transform_indices = #map}, {transform_indices = #map1}, {transform_indices = #map1}, {transform_indices = #map}, {transform_indices = #map}]} {
    %mul3A = arith.constant 2 : i32
    %mul3A_0 = arith.muli %arg1, %mul3A : i32
    %add3A = arith.addi %mul3A_0, %arg0 : i32
    %mul3A_1 = arith.constant 1200 : i32
    %mul3A_2 = arith.muli %add3A, %mul3A_1 : i32
    %scan3A = arith.constant 0 : i32
    %scan3A_3 = arith.constant 0 : i32
    %scan3A_4 = arith.constant 6 : i32
    %scan3A_5 = arith.addi %scan3A_3, %scan3A_4 : i32
    %scan3A_6 = arith.constant 1 : i32
    scf.for %scan3A_8 = %scan3A_3 to %scan3A_5 step %scan3A_6  : i32 {
      %mul3A_9 = arith.constant 200 : i32
      %mul3A_10 = arith.muli %scan3A_8, %mul3A_9 : i32
      %add3A_11 = arith.addi %mul3A_2, %mul3A_10 : i32
      "tpu.region"() ({
        %run_scoped3A = tpu.sem_alloc : memref<!tpu.dma_semaphore, #tpu.memory_space<semaphore_mem>>
        %dma_start3A_22 = tpu.memref_slice %arg3[%add3A_11] : memref<38400xi32, #tpu.memory_space<hbm>> -> memref<200xi32, #tpu.memory_space<hbm>>
        %dma_start3A_23 = tpu.memref_slice %arg3[%add3A_11] : memref<38400xi32, #tpu.memory_space<hbm>> -> memref<200xi32, #tpu.memory_space<hbm>>
        tpu.enqueue_dma source(%dma_start3A_23 : memref<200xi32, #tpu.memory_space<hbm>>) target(%arg7 : memref<200xi32, #tpu.memory_space<vmem>>) target_semaphore(%run_scoped3A : memref<!tpu.dma_semaphore, #tpu.memory_space<semaphore_mem>>)
        %dma_wait3A_24 = tpu.memref_slice %arg3[%add3A_11] : memref<38400xi32, #tpu.memory_space<hbm>> -> memref<200xi32, #tpu.memory_space<hbm>>
        %dma_wait3A_25 = tpu.memref_slice %arg3[%add3A_11] : memref<38400xi32, #tpu.memory_space<hbm>> -> memref<200xi32, #tpu.memory_space<hbm>>
        tpu.wait_dma2 semaphore(%run_scoped3A : memref<!tpu.dma_semaphore, #tpu.memory_space<semaphore_mem>>) src(%dma_wait3A_25 : memref<200xi32, #tpu.memory_space<hbm>>) dst(%arg7 : memref<200xi32, #tpu.memory_space<vmem>>)
        tpu.yield
      }) : () -> ()
      %dma_start3A = arith.constant 0 : i32
      %dma_start3A_12 = arith.constant 0 : i32
      %dma_start3A_13 = tpu.memref_slice %arg2[%dma_start3A, %dma_start3A_12] : memref<10000x128xf32, #tpu.memory_space<hbm>> -> memref<10000x128xf32, #tpu.memory_space<hbm>>
      tpu.enqueue_indirect_dma source(%dma_start3A_13 : memref<10000x128xf32, #tpu.memory_space<hbm>>) target(%arg8 : memref<200x128xf32, #tpu.memory_space<vmem>>) offsets(%arg7 : memref<200xi32, #tpu.memory_space<vmem>>) semaphore(%arg11 : memref<!tpu.dma_semaphore, #tpu.memory_space<semaphore_mem>>)
      "tpu.region"() ({
        %run_scoped3A = tpu.sem_alloc : memref<!tpu.dma_semaphore, #tpu.memory_space<semaphore_mem>>
        %dma_start3A_22 = tpu.memref_slice %arg4[%add3A_11] : memref<38400xi32, #tpu.memory_space<hbm>> -> memref<200xi32, #tpu.memory_space<hbm>>
        %dma_start3A_23 = tpu.memref_slice %arg4[%add3A_11] : memref<38400xi32, #tpu.memory_space<hbm>> -> memref<200xi32, #tpu.memory_space<hbm>>
        tpu.enqueue_dma source(%dma_start3A_23 : memref<200xi32, #tpu.memory_space<hbm>>) target(%arg9 : memref<200xi32, #tpu.memory_space<vmem>>) target_semaphore(%run_scoped3A : memref<!tpu.dma_semaphore, #tpu.memory_space<semaphore_mem>>)
        %dma_wait3A_24 = tpu.memref_slice %arg4[%add3A_11] : memref<38400xi32, #tpu.memory_space<hbm>> -> memref<200xi32, #tpu.memory_space<hbm>>
        %dma_wait3A_25 = tpu.memref_slice %arg4[%add3A_11] : memref<38400xi32, #tpu.memory_space<hbm>> -> memref<200xi32, #tpu.memory_space<hbm>>
        tpu.wait_dma2 semaphore(%run_scoped3A : memref<!tpu.dma_semaphore, #tpu.memory_space<semaphore_mem>>) src(%dma_wait3A_25 : memref<200xi32, #tpu.memory_space<hbm>>) dst(%arg9 : memref<200xi32, #tpu.memory_space<vmem>>)
        tpu.yield
      }) : () -> ()
      %dma_start3A_14 = arith.constant 0 : i32
      %dma_start3A_15 = arith.constant 0 : i32
      %dma_start3A_16 = tpu.memref_slice %arg2[%dma_start3A_14, %dma_start3A_15] : memref<10000x128xf32, #tpu.memory_space<hbm>> -> memref<10000x128xf32, #tpu.memory_space<hbm>>
      tpu.enqueue_indirect_dma source(%dma_start3A_16 : memref<10000x128xf32, #tpu.memory_space<hbm>>) target(%arg10 : memref<200x128xf32, #tpu.memory_space<vmem>>) offsets(%arg9 : memref<200xi32, #tpu.memory_space<vmem>>) semaphore(%arg12 : memref<!tpu.dma_semaphore, #tpu.memory_space<semaphore_mem>>)
      %dma_wait3A = arith.constant 0 : i32
      %dma_wait3A_17 = arith.constant 0 : i32
      %dma_wait3A_18 = tpu.memref_slice %arg2[%dma_wait3A, %dma_wait3A_17] : memref<10000x128xf32, #tpu.memory_space<hbm>> -> memref<10000x128xf32, #tpu.memory_space<hbm>>
      tpu.wait_indirect_dma semaphore(%arg11 : memref<!tpu.dma_semaphore, #tpu.memory_space<semaphore_mem>>) src(%dma_wait3A_18 : memref<10000x128xf32, #tpu.memory_space<hbm>>) dst(%arg8 : memref<200x128xf32, #tpu.memory_space<vmem>>)
      "tpu.region"() ({
        %run_scoped3A = tpu.sem_alloc : memref<!tpu.dma_semaphore, #tpu.memory_space<semaphore_mem>>
        %dma_start3A_22 = arith.constant 0 : i32
        %dma_start3A_23 = tpu.memref_slice %arg5[%add3A_11, %dma_start3A_22] : memref<38400x128xf32, #tpu.memory_space<hbm>> -> memref<200x128xf32, #tpu.memory_space<hbm>>
        %dma_start3A_24 = arith.constant 0 : i32
        %dma_start3A_25 = tpu.memref_slice %arg5[%add3A_11, %dma_start3A_24] : memref<38400x128xf32, #tpu.memory_space<hbm>> -> memref<200x128xf32, #tpu.memory_space<hbm>>
        tpu.enqueue_dma source(%arg8 : memref<200x128xf32, #tpu.memory_space<vmem>>) target(%dma_start3A_25 : memref<200x128xf32, #tpu.memory_space<hbm>>) target_semaphore(%run_scoped3A : memref<!tpu.dma_semaphore, #tpu.memory_space<semaphore_mem>>)
        %dma_wait3A_26 = arith.constant 0 : i32
        %dma_wait3A_27 = tpu.memref_slice %arg5[%add3A_11, %dma_wait3A_26] : memref<38400x128xf32, #tpu.memory_space<hbm>> -> memref<200x128xf32, #tpu.memory_space<hbm>>
        %dma_wait3A_28 = arith.constant 0 : i32
        %dma_wait3A_29 = tpu.memref_slice %arg5[%add3A_11, %dma_wait3A_28] : memref<38400x128xf32, #tpu.memory_space<hbm>> -> memref<200x128xf32, #tpu.memory_space<hbm>>
        tpu.wait_dma2 semaphore(%run_scoped3A : memref<!tpu.dma_semaphore, #tpu.memory_space<semaphore_mem>>) src(%arg8 : memref<200x128xf32, #tpu.memory_space<vmem>>) dst(%dma_wait3A_29 : memref<200x128xf32, #tpu.memory_space<hbm>>)
        tpu.yield
      }) : () -> ()
      %dma_wait3A_19 = arith.constant 0 : i32
      %dma_wait3A_20 = arith.constant 0 : i32
      %dma_wait3A_21 = tpu.memref_slice %arg2[%dma_wait3A_19, %dma_wait3A_20] : memref<10000x128xf32, #tpu.memory_space<hbm>> -> memref<10000x128xf32, #tpu.memory_space<hbm>>
      tpu.wait_indirect_dma semaphore(%arg12 : memref<!tpu.dma_semaphore, #tpu.memory_space<semaphore_mem>>) src(%dma_wait3A_21 : memref<10000x128xf32, #tpu.memory_space<hbm>>) dst(%arg10 : memref<200x128xf32, #tpu.memory_space<vmem>>)
      "tpu.region"() ({
        %run_scoped3A = tpu.sem_alloc : memref<!tpu.dma_semaphore, #tpu.memory_space<semaphore_mem>>
        %dma_start3A_22 = arith.constant 0 : i32
        %dma_start3A_23 = tpu.memref_slice %arg6[%add3A_11, %dma_start3A_22] : memref<38400x128xf32, #tpu.memory_space<hbm>> -> memref<200x128xf32, #tpu.memory_space<hbm>>
        %dma_start3A_24 = arith.constant 0 : i32
        %dma_start3A_25 = tpu.memref_slice %arg6[%add3A_11, %dma_start3A_24] : memref<38400x128xf32, #tpu.memory_space<hbm>> -> memref<200x128xf32, #tpu.memory_space<hbm>>
        tpu.enqueue_dma source(%arg10 : memref<200x128xf32, #tpu.memory_space<vmem>>) target(%dma_start3A_25 : memref<200x128xf32, #tpu.memory_space<hbm>>) target_semaphore(%run_scoped3A : memref<!tpu.dma_semaphore, #tpu.memory_space<semaphore_mem>>)
        %dma_wait3A_26 = arith.constant 0 : i32
        %dma_wait3A_27 = tpu.memref_slice %arg6[%add3A_11, %dma_wait3A_26] : memref<38400x128xf32, #tpu.memory_space<hbm>> -> memref<200x128xf32, #tpu.memory_space<hbm>>
        %dma_wait3A_28 = arith.constant 0 : i32
        %dma_wait3A_29 = tpu.memref_slice %arg6[%add3A_11, %dma_wait3A_28] : memref<38400x128xf32, #tpu.memory_space<hbm>> -> memref<200x128xf32, #tpu.memory_space<hbm>>
        tpu.wait_dma2 semaphore(%run_scoped3A : memref<!tpu.dma_semaphore, #tpu.memory_space<semaphore_mem>>) src(%arg10 : memref<200x128xf32, #tpu.memory_space<vmem>>) dst(%dma_wait3A_29 : memref<200x128xf32, #tpu.memory_space<hbm>>)
        tpu.yield
      }) : () -> ()
    }
    %scan3A_7 = arith.constant 6 : i32
    return
  }
}

#map = affine_map<(d0, d1) -> (0, 0)>
#map1 = affine_map<(d0, d1) -> (0)>
module attributes {stable_mosaic.version = 14 : i64} {
  func.func @gather(%arg0: i32, %arg1: i32, %arg2: memref<10000x128xf32, #tpu.memory_space<hbm>>, %arg3: memref<38400xi32, #tpu.memory_space<hbm>>, %arg4: memref<38400xi32, #tpu.memory_space<hbm>>, %arg5: memref<38400x128xf32, #tpu.memory_space<hbm>>, %arg6: memref<38400x128xf32, #tpu.memory_space<hbm>>, %arg7: memref<200xi32, #tpu.memory_space<vmem>>, %arg8: memref<200x128xf32, #tpu.memory_space<vmem>>, %arg9: memref<200xi32, #tpu.memory_space<vmem>>, %arg10: memref<200x128xf32, #tpu.memory_space<vmem>>, %arg11: memref<!tpu.dma_semaphore, #tpu.memory_space<semaphore_mem>>, %arg12: memref<!tpu.dma_semaphore, #tpu.memory_space<semaphore_mem>>) attributes {dimension_semantics = [#tpu.dimension_semantics<core_parallel>, #tpu.dimension_semantics<subcore_parallel>], iteration_bounds = array<i64: 2, 16>, scalar_prefetch = 0 : i64, scratch_operands = 6 : i64, tpu.core_type = #tpu.core_type<sc_vector_subcore>, window_params = [{transform_indices = #map}, {transform_indices = #map1}, {transform_indices = #map1}, {transform_indices = #map}, {transform_indices = #map}]} {
    %mul3A = arith.constant 2 : i32
    %mul3A_0 = arith.muli %arg1, %mul3A : i32
    %add3A = arith.addi %mul3A_0, %arg0 : i32
    %mul3A_1 = arith.constant 1200 : i32
    %mul3A_2 = arith.muli %add3A, %mul3A_1 : i32
    %scan3A = arith.constant 0 : i32
    %scan3A_3 = arith.constant 0 : i32
    %scan3A_4 = arith.constant 6 : i32
    %scan3A_5 = arith.addi %scan3A_3, %scan3A_4 : i32
    %scan3A_6 = arith.constant 1 : i32
    scf.for %scan3A_8 = %scan3A_3 to %scan3A_5 step %scan3A_6  : i32 {
      %mul3A_9 = arith.constant 200 : i32
      %mul3A_10 = arith.muli %scan3A_8, %mul3A_9 : i32
      %add3A_11 = arith.addi %mul3A_2, %mul3A_10 : i32
      "tpu.region"() ({
        %run_scoped3A = tpu.sem_alloc : memref<!tpu.dma_semaphore, #tpu.memory_space<semaphore_mem>>
        %dma_start3A_22 = tpu.memref_slice %arg3[%add3A_11] : memref<38400xi32, #tpu.memory_space<hbm>> -> memref<200xi32, #tpu.memory_space<hbm>>
        %dma_start3A_23 = tpu.memref_slice %arg3[%add3A_11] : memref<38400xi32, #tpu.memory_space<hbm>> -> memref<200xi32, #tpu.memory_space<hbm>>
        tpu.enqueue_dma source(%dma_start3A_23 : memref<200xi32, #tpu.memory_space<hbm>>) target(%arg7 : memref<200xi32, #tpu.memory_space<vmem>>) target_semaphore(%run_scoped3A : memref<!tpu.dma_semaphore, #tpu.memory_space<semaphore_mem>>)
        %dma_wait3A_24 = tpu.memref_slice %arg3[%add3A_11] : memref<38400xi32, #tpu.memory_space<hbm>> -> memref<200xi32, #tpu.memory_space<hbm>>
        %dma_wait3A_25 = tpu.memref_slice %arg3[%add3A_11] : memref<38400xi32, #tpu.memory_space<hbm>> -> memref<200xi32, #tpu.memory_space<hbm>>
        tpu.wait_dma2 semaphore(%run_scoped3A : memref<!tpu.dma_semaphore, #tpu.memory_space<semaphore_mem>>) src(%dma_wait3A_25 : memref<200xi32, #tpu.memory_space<hbm>>) dst(%arg7 : memref<200xi32, #tpu.memory_space<vmem>>)
        tpu.yield
      }) : () -> ()
      %dma_start3A = arith.constant 0 : i32
      %dma_start3A_12 = arith.constant 0 : i32
      %dma_start3A_13 = tpu.memref_slice %arg2[%dma_start3A, %dma_start3A_12] : memref<10000x128xf32, #tpu.memory_space<hbm>> -> memref<10000x128xf32, #tpu.memory_space<hbm>>
      tpu.enqueue_indirect_dma source(%dma_start3A_13 : memref<10000x128xf32, #tpu.memory_space<hbm>>) target(%arg8 : memref<200x128xf32, #tpu.memory_space<vmem>>) offsets(%arg7 : memref<200xi32, #tpu.memory_space<vmem>>) semaphore(%arg11 : memref<!tpu.dma_semaphore, #tpu.memory_space<semaphore_mem>>)
      "tpu.region"() ({
        %run_scoped3A = tpu.sem_alloc : memref<!tpu.dma_semaphore, #tpu.memory_space<semaphore_mem>>
        %dma_start3A_22 = tpu.memref_slice %arg4[%add3A_11] : memref<38400xi32, #tpu.memory_space<hbm>> -> memref<200xi32, #tpu.memory_space<hbm>>
        %dma_start3A_23 = tpu.memref_slice %arg4[%add3A_11] : memref<38400xi32, #tpu.memory_space<hbm>> -> memref<200xi32, #tpu.memory_space<hbm>>
        tpu.enqueue_dma source(%dma_start3A_23 : memref<200xi32, #tpu.memory_space<hbm>>) target(%arg9 : memref<200xi32, #tpu.memory_space<vmem>>) target_semaphore(%run_scoped3A : memref<!tpu.dma_semaphore, #tpu.memory_space<semaphore_mem>>)
        %dma_wait3A_24 = tpu.memref_slice %arg4[%add3A_11] : memref<38400xi32, #tpu.memory_space<hbm>> -> memref<200xi32, #tpu.memory_space<hbm>>
        %dma_wait3A_25 = tpu.memref_slice %arg4[%add3A_11] : memref<38400xi32, #tpu.memory_space<hbm>> -> memref<200xi32, #tpu.memory_space<hbm>>
        tpu.wait_dma2 semaphore(%run_scoped3A : memref<!tpu.dma_semaphore, #tpu.memory_space<semaphore_mem>>) src(%dma_wait3A_25 : memref<200xi32, #tpu.memory_space<hbm>>) dst(%arg9 : memref<200xi32, #tpu.memory_space<vmem>>)
        tpu.yield
      }) : () -> ()
      %dma_start3A_14 = arith.constant 0 : i32
      %dma_start3A_15 = arith.constant 0 : i32
      %dma_start3A_16 = tpu.memref_slice %arg2[%dma_start3A_14, %dma_start3A_15] : memref<10000x128xf32, #tpu.memory_space<hbm>> -> memref<10000x128xf32, #tpu.memory_space<hbm>>
      tpu.enqueue_indirect_dma source(%dma_start3A_16 : memref<10000x128xf32, #tpu.memory_space<hbm>>) target(%arg10 : memref<200x128xf32, #tpu.memory_space<vmem>>) offsets(%arg9 : memref<200xi32, #tpu.memory_space<vmem>>) semaphore(%arg12 : memref<!tpu.dma_semaphore, #tpu.memory_space<semaphore_mem>>)
      %dma_wait3A = arith.constant 0 : i32
      %dma_wait3A_17 = arith.constant 0 : i32
      %dma_wait3A_18 = tpu.memref_slice %arg2[%dma_wait3A, %dma_wait3A_17] : memref<10000x128xf32, #tpu.memory_space<hbm>> -> memref<10000x128xf32, #tpu.memory_space<hbm>>
      tpu.wait_indirect_dma semaphore(%arg11 : memref<!tpu.dma_semaphore, #tpu.memory_space<semaphore_mem>>) src(%dma_wait3A_18 : memref<10000x128xf32, #tpu.memory_space<hbm>>) dst(%arg8 : memref<200x128xf32, #tpu.memory_space<vmem>>)
      "tpu.region"() ({
        %run_scoped3A = tpu.sem_alloc : memref<!tpu.dma_semaphore, #tpu.memory_space<semaphore_mem>>
        %dma_start3A_22 = arith.constant 0 : i32
        %dma_start3A_23 = tpu.memref_slice %arg5[%add3A_11, %dma_start3A_22] : memref<38400x128xf32, #tpu.memory_space<hbm>> -> memref<200x128xf32, #tpu.memory_space<hbm>>
        %dma_start3A_24 = arith.constant 0 : i32
        %dma_start3A_25 = tpu.memref_slice %arg5[%add3A_11, %dma_start3A_24] : memref<38400x128xf32, #tpu.memory_space<hbm>> -> memref<200x128xf32, #tpu.memory_space<hbm>>
        tpu.enqueue_dma source(%arg8 : memref<200x128xf32, #tpu.memory_space<vmem>>) target(%dma_start3A_25 : memref<200x128xf32, #tpu.memory_space<hbm>>) target_semaphore(%run_scoped3A : memref<!tpu.dma_semaphore, #tpu.memory_space<semaphore_mem>>)
        %dma_wait3A_26 = arith.constant 0 : i32
        %dma_wait3A_27 = tpu.memref_slice %arg5[%add3A_11, %dma_wait3A_26] : memref<38400x128xf32, #tpu.memory_space<hbm>> -> memref<200x128xf32, #tpu.memory_space<hbm>>
        %dma_wait3A_28 = arith.constant 0 : i32
        %dma_wait3A_29 = tpu.memref_slice %arg5[%add3A_11, %dma_wait3A_28] : memref<38400x128xf32, #tpu.memory_space<hbm>> -> memref<200x128xf32, #tpu.memory_space<hbm>>
        tpu.wait_dma2 semaphore(%run_scoped3A : memref<!tpu.dma_semaphore, #tpu.memory_space<semaphore_mem>>) src(%arg8 : memref<200x128xf32, #tpu.memory_space<vmem>>) dst(%dma_wait3A_29 : memref<200x128xf32, #tpu.memory_space<hbm>>)
        tpu.yield
      }) : () -> ()
      %dma_wait3A_19 = arith.constant 0 : i32
      %dma_wait3A_20 = arith.constant 0 : i32
      %dma_wait3A_21 = tpu.memref_slice %arg2[%dma_wait3A_19, %dma_wait3A_20] : memref<10000x128xf32, #tpu.memory_space<hbm>> -> memref<10000x128xf32, #tpu.memory_space<hbm>>
      tpu.wait_indirect_dma semaphore(%arg12 : memref<!tpu.dma_semaphore, #tpu.memory_space<semaphore_mem>>) src(%dma_wait3A_21 : memref<10000x128xf32, #tpu.memory_space<hbm>>) dst(%arg10 : memref<200x128xf32, #tpu.memory_space<vmem>>)
      "tpu.region"() ({
        %run_scoped3A = tpu.sem_alloc : memref<!tpu.dma_semaphore, #tpu.memory_space<semaphore_mem>>
        %dma_start3A_22 = arith.constant 0 : i32
        %dma_start3A_23 = tpu.memref_slice %arg6[%add3A_11, %dma_start3A_22] : memref<38400x128xf32, #tpu.memory_space<hbm>> -> memref<200x128xf32, #tpu.memory_space<hbm>>
        %dma_start3A_24 = arith.constant 0 : i32
        %dma_start3A_25 = tpu.memref_slice %arg6[%add3A_11, %dma_start3A_24] : memref<38400x128xf32, #tpu.memory_space<hbm>> -> memref<200x128xf32, #tpu.memory_space<hbm>>
        tpu.enqueue_dma source(%arg10 : memref<200x128xf32, #tpu.memory_space<vmem>>) target(%dma_start3A_25 : memref<200x128xf32, #tpu.memory_space<hbm>>) target_semaphore(%run_scoped3A : memref<!tpu.dma_semaphore, #tpu.memory_space<semaphore_mem>>)
        %dma_wait3A_26 = arith.constant 0 : i32
        %dma_wait3A_27 = tpu.memref_slice %arg6[%add3A_11, %dma_wait3A_26] : memref<38400x128xf32, #tpu.memory_space<hbm>> -> memref<200x128xf32, #tpu.memory_space<hbm>>
        %dma_wait3A_28 = arith.constant 0 : i32
        %dma_wait3A_29 = tpu.memref_slice %arg6[%add3A_11, %dma_wait3A_28] : memref<38400x128xf32, #tpu.memory_space<hbm>> -> memref<200x128xf32, #tpu.memory_space<hbm>>
        tpu.wait_dma2 semaphore(%run_scoped3A : memref<!tpu.dma_semaphore, #tpu.memory_space<semaphore_mem>>) src(%arg10 : memref<200x128xf32, #tpu.memory_space<vmem>>) dst(%dma_wait3A_29 : memref<200x128xf32, #tpu.memory_space<hbm>>)
        tpu.yield
      }) : () -> ()
    }
    %scan3A_7 = arith.constant 6 : i32
    return
  }
}

#map = affine_map<(d0, d1) -> (0, 0)>
#map1 = affine_map<(d0, d1) -> (0)>
module attributes {stable_mosaic.version = 14 : i64} {
  func.func @gather(%arg0: i32, %arg1: i32, %arg2: memref<10000x128xf32, #tpu.memory_space<hbm>>, %arg3: memref<44800xi32, #tpu.memory_space<hbm>>, %arg4: memref<44800xi32, #tpu.memory_space<hbm>>, %arg5: memref<44800x128xf32, #tpu.memory_space<hbm>>, %arg6: memref<44800x128xf32, #tpu.memory_space<hbm>>, %arg7: memref<200xi32, #tpu.memory_space<vmem>>, %arg8: memref<200x128xf32, #tpu.memory_space<vmem>>, %arg9: memref<200xi32, #tpu.memory_space<vmem>>, %arg10: memref<200x128xf32, #tpu.memory_space<vmem>>, %arg11: memref<!tpu.dma_semaphore, #tpu.memory_space<semaphore_mem>>, %arg12: memref<!tpu.dma_semaphore, #tpu.memory_space<semaphore_mem>>) attributes {dimension_semantics = [#tpu.dimension_semantics<core_parallel>, #tpu.dimension_semantics<subcore_parallel>], iteration_bounds = array<i64: 2, 16>, scalar_prefetch = 0 : i64, scratch_operands = 6 : i64, tpu.core_type = #tpu.core_type<sc_vector_subcore>, window_params = [{transform_indices = #map}, {transform_indices = #map1}, {transform_indices = #map1}, {transform_indices = #map}, {transform_indices = #map}]} {
    %mul3A = arith.constant 2 : i32
    %mul3A_0 = arith.muli %arg1, %mul3A : i32
    %add3A = arith.addi %mul3A_0, %arg0 : i32
    %mul3A_1 = arith.constant 1400 : i32
    %mul3A_2 = arith.muli %add3A, %mul3A_1 : i32
    %scan3A = arith.constant 0 : i32
    %scan3A_3 = arith.constant 0 : i32
    %scan3A_4 = arith.constant 7 : i32
    %scan3A_5 = arith.addi %scan3A_3, %scan3A_4 : i32
    %scan3A_6 = arith.constant 1 : i32
    scf.for %scan3A_8 = %scan3A_3 to %scan3A_5 step %scan3A_6  : i32 {
      %mul3A_9 = arith.constant 200 : i32
      %mul3A_10 = arith.muli %scan3A_8, %mul3A_9 : i32
      %add3A_11 = arith.addi %mul3A_2, %mul3A_10 : i32
      "tpu.region"() ({
        %run_scoped3A = tpu.sem_alloc : memref<!tpu.dma_semaphore, #tpu.memory_space<semaphore_mem>>
        %dma_start3A_22 = tpu.memref_slice %arg3[%add3A_11] : memref<44800xi32, #tpu.memory_space<hbm>> -> memref<200xi32, #tpu.memory_space<hbm>>
        %dma_start3A_23 = tpu.memref_slice %arg3[%add3A_11] : memref<44800xi32, #tpu.memory_space<hbm>> -> memref<200xi32, #tpu.memory_space<hbm>>
        tpu.enqueue_dma source(%dma_start3A_23 : memref<200xi32, #tpu.memory_space<hbm>>) target(%arg7 : memref<200xi32, #tpu.memory_space<vmem>>) target_semaphore(%run_scoped3A : memref<!tpu.dma_semaphore, #tpu.memory_space<semaphore_mem>>)
        %dma_wait3A_24 = tpu.memref_slice %arg3[%add3A_11] : memref<44800xi32, #tpu.memory_space<hbm>> -> memref<200xi32, #tpu.memory_space<hbm>>
        %dma_wait3A_25 = tpu.memref_slice %arg3[%add3A_11] : memref<44800xi32, #tpu.memory_space<hbm>> -> memref<200xi32, #tpu.memory_space<hbm>>
        tpu.wait_dma2 semaphore(%run_scoped3A : memref<!tpu.dma_semaphore, #tpu.memory_space<semaphore_mem>>) src(%dma_wait3A_25 : memref<200xi32, #tpu.memory_space<hbm>>) dst(%arg7 : memref<200xi32, #tpu.memory_space<vmem>>)
        tpu.yield
      }) : () -> ()
      %dma_start3A = arith.constant 0 : i32
      %dma_start3A_12 = arith.constant 0 : i32
      %dma_start3A_13 = tpu.memref_slice %arg2[%dma_start3A, %dma_start3A_12] : memref<10000x128xf32, #tpu.memory_space<hbm>> -> memref<10000x128xf32, #tpu.memory_space<hbm>>
      tpu.enqueue_indirect_dma source(%dma_start3A_13 : memref<10000x128xf32, #tpu.memory_space<hbm>>) target(%arg8 : memref<200x128xf32, #tpu.memory_space<vmem>>) offsets(%arg7 : memref<200xi32, #tpu.memory_space<vmem>>) semaphore(%arg11 : memref<!tpu.dma_semaphore, #tpu.memory_space<semaphore_mem>>)
      "tpu.region"() ({
        %run_scoped3A = tpu.sem_alloc : memref<!tpu.dma_semaphore, #tpu.memory_space<semaphore_mem>>
        %dma_start3A_22 = tpu.memref_slice %arg4[%add3A_11] : memref<44800xi32, #tpu.memory_space<hbm>> -> memref<200xi32, #tpu.memory_space<hbm>>
        %dma_start3A_23 = tpu.memref_slice %arg4[%add3A_11] : memref<44800xi32, #tpu.memory_space<hbm>> -> memref<200xi32, #tpu.memory_space<hbm>>
        tpu.enqueue_dma source(%dma_start3A_23 : memref<200xi32, #tpu.memory_space<hbm>>) target(%arg9 : memref<200xi32, #tpu.memory_space<vmem>>) target_semaphore(%run_scoped3A : memref<!tpu.dma_semaphore, #tpu.memory_space<semaphore_mem>>)
        %dma_wait3A_24 = tpu.memref_slice %arg4[%add3A_11] : memref<44800xi32, #tpu.memory_space<hbm>> -> memref<200xi32, #tpu.memory_space<hbm>>
        %dma_wait3A_25 = tpu.memref_slice %arg4[%add3A_11] : memref<44800xi32, #tpu.memory_space<hbm>> -> memref<200xi32, #tpu.memory_space<hbm>>
        tpu.wait_dma2 semaphore(%run_scoped3A : memref<!tpu.dma_semaphore, #tpu.memory_space<semaphore_mem>>) src(%dma_wait3A_25 : memref<200xi32, #tpu.memory_space<hbm>>) dst(%arg9 : memref<200xi32, #tpu.memory_space<vmem>>)
        tpu.yield
      }) : () -> ()
      %dma_start3A_14 = arith.constant 0 : i32
      %dma_start3A_15 = arith.constant 0 : i32
      %dma_start3A_16 = tpu.memref_slice %arg2[%dma_start3A_14, %dma_start3A_15] : memref<10000x128xf32, #tpu.memory_space<hbm>> -> memref<10000x128xf32, #tpu.memory_space<hbm>>
      tpu.enqueue_indirect_dma source(%dma_start3A_16 : memref<10000x128xf32, #tpu.memory_space<hbm>>) target(%arg10 : memref<200x128xf32, #tpu.memory_space<vmem>>) offsets(%arg9 : memref<200xi32, #tpu.memory_space<vmem>>) semaphore(%arg12 : memref<!tpu.dma_semaphore, #tpu.memory_space<semaphore_mem>>)
      %dma_wait3A = arith.constant 0 : i32
      %dma_wait3A_17 = arith.constant 0 : i32
      %dma_wait3A_18 = tpu.memref_slice %arg2[%dma_wait3A, %dma_wait3A_17] : memref<10000x128xf32, #tpu.memory_space<hbm>> -> memref<10000x128xf32, #tpu.memory_space<hbm>>
      tpu.wait_indirect_dma semaphore(%arg11 : memref<!tpu.dma_semaphore, #tpu.memory_space<semaphore_mem>>) src(%dma_wait3A_18 : memref<10000x128xf32, #tpu.memory_space<hbm>>) dst(%arg8 : memref<200x128xf32, #tpu.memory_space<vmem>>)
      "tpu.region"() ({
        %run_scoped3A = tpu.sem_alloc : memref<!tpu.dma_semaphore, #tpu.memory_space<semaphore_mem>>
        %dma_start3A_22 = arith.constant 0 : i32
        %dma_start3A_23 = tpu.memref_slice %arg5[%add3A_11, %dma_start3A_22] : memref<44800x128xf32, #tpu.memory_space<hbm>> -> memref<200x128xf32, #tpu.memory_space<hbm>>
        %dma_start3A_24 = arith.constant 0 : i32
        %dma_start3A_25 = tpu.memref_slice %arg5[%add3A_11, %dma_start3A_24] : memref<44800x128xf32, #tpu.memory_space<hbm>> -> memref<200x128xf32, #tpu.memory_space<hbm>>
        tpu.enqueue_dma source(%arg8 : memref<200x128xf32, #tpu.memory_space<vmem>>) target(%dma_start3A_25 : memref<200x128xf32, #tpu.memory_space<hbm>>) target_semaphore(%run_scoped3A : memref<!tpu.dma_semaphore, #tpu.memory_space<semaphore_mem>>)
        %dma_wait3A_26 = arith.constant 0 : i32
        %dma_wait3A_27 = tpu.memref_slice %arg5[%add3A_11, %dma_wait3A_26] : memref<44800x128xf32, #tpu.memory_space<hbm>> -> memref<200x128xf32, #tpu.memory_space<hbm>>
        %dma_wait3A_28 = arith.constant 0 : i32
        %dma_wait3A_29 = tpu.memref_slice %arg5[%add3A_11, %dma_wait3A_28] : memref<44800x128xf32, #tpu.memory_space<hbm>> -> memref<200x128xf32, #tpu.memory_space<hbm>>
        tpu.wait_dma2 semaphore(%run_scoped3A : memref<!tpu.dma_semaphore, #tpu.memory_space<semaphore_mem>>) src(%arg8 : memref<200x128xf32, #tpu.memory_space<vmem>>) dst(%dma_wait3A_29 : memref<200x128xf32, #tpu.memory_space<hbm>>)
        tpu.yield
      }) : () -> ()
      %dma_wait3A_19 = arith.constant 0 : i32
      %dma_wait3A_20 = arith.constant 0 : i32
      %dma_wait3A_21 = tpu.memref_slice %arg2[%dma_wait3A_19, %dma_wait3A_20] : memref<10000x128xf32, #tpu.memory_space<hbm>> -> memref<10000x128xf32, #tpu.memory_space<hbm>>
      tpu.wait_indirect_dma semaphore(%arg12 : memref<!tpu.dma_semaphore, #tpu.memory_space<semaphore_mem>>) src(%dma_wait3A_21 : memref<10000x128xf32, #tpu.memory_space<hbm>>) dst(%arg10 : memref<200x128xf32, #tpu.memory_space<vmem>>)
      "tpu.region"() ({
        %run_scoped3A = tpu.sem_alloc : memref<!tpu.dma_semaphore, #tpu.memory_space<semaphore_mem>>
        %dma_start3A_22 = arith.constant 0 : i32
        %dma_start3A_23 = tpu.memref_slice %arg6[%add3A_11, %dma_start3A_22] : memref<44800x128xf32, #tpu.memory_space<hbm>> -> memref<200x128xf32, #tpu.memory_space<hbm>>
        %dma_start3A_24 = arith.constant 0 : i32
        %dma_start3A_25 = tpu.memref_slice %arg6[%add3A_11, %dma_start3A_24] : memref<44800x128xf32, #tpu.memory_space<hbm>> -> memref<200x128xf32, #tpu.memory_space<hbm>>
        tpu.enqueue_dma source(%arg10 : memref<200x128xf32, #tpu.memory_space<vmem>>) target(%dma_start3A_25 : memref<200x128xf32, #tpu.memory_space<hbm>>) target_semaphore(%run_scoped3A : memref<!tpu.dma_semaphore, #tpu.memory_space<semaphore_mem>>)
        %dma_wait3A_26 = arith.constant 0 : i32
        %dma_wait3A_27 = tpu.memref_slice %arg6[%add3A_11, %dma_wait3A_26] : memref<44800x128xf32, #tpu.memory_space<hbm>> -> memref<200x128xf32, #tpu.memory_space<hbm>>
        %dma_wait3A_28 = arith.constant 0 : i32
        %dma_wait3A_29 = tpu.memref_slice %arg6[%add3A_11, %dma_wait3A_28] : memref<44800x128xf32, #tpu.memory_space<hbm>> -> memref<200x128xf32, #tpu.memory_space<hbm>>
        tpu.wait_dma2 semaphore(%run_scoped3A : memref<!tpu.dma_semaphore, #tpu.memory_space<semaphore_mem>>) src(%arg10 : memref<200x128xf32, #tpu.memory_space<vmem>>) dst(%dma_wait3A_29 : memref<200x128xf32, #tpu.memory_space<hbm>>)
        tpu.yield
      }) : () -> ()
    }
    %scan3A_7 = arith.constant 7 : i32
    return
  }
}

#map = affine_map<(d0, d1) -> (0, 0)>
#map1 = affine_map<(d0, d1) -> (0)>
module attributes {stable_mosaic.version = 14 : i64} {
  func.func @scatter(%arg0: i32, %arg1: i32, %arg2: memref<38400x128xf32, #tpu.memory_space<hbm>>, %arg3: memref<44800x128xf32, #tpu.memory_space<hbm>>, %arg4: memref<38400xi32, #tpu.memory_space<hbm>>, %arg5: memref<38400xi32, #tpu.memory_space<hbm>>, %arg6: memref<44800xi32, #tpu.memory_space<hbm>>, %arg7: memref<44800xi32, #tpu.memory_space<hbm>>, %arg8: memref<200x128xf32, #tpu.memory_space<hbm>>, %arg9: memref<10000x128xf32, #tpu.memory_space<hbm>>, %arg10: memref<10000x128xf32, #tpu.memory_space<hbm>>, %arg11: memref<200xi32, #tpu.memory_space<vmem>>, %arg12: memref<200x128xf32, #tpu.memory_space<vmem>>, %arg13: memref<10000x128xf32, #tpu.memory_space<vmem_shared>>) attributes {dimension_semantics = [#tpu.dimension_semantics<core_parallel>, #tpu.dimension_semantics<subcore_parallel>], iteration_bounds = array<i64: 2, 16>, scalar_prefetch = 0 : i64, scratch_operands = 3 : i64, tpu.core_type = #tpu.core_type<sc_vector_subcore>, window_params = [{transform_indices = #map}, {transform_indices = #map}, {transform_indices = #map1}, {transform_indices = #map1}, {transform_indices = #map1}, {transform_indices = #map1}, {transform_indices = #map}, {transform_indices = #map}, {transform_indices = #map}]} {
    %add3A = arith.constant 0 : i32
    %add3A_0 = arith.addi %arg1, %add3A : i32
    %lt3A = arith.constant 50 : i32
    %lt3A_1 = arith.cmpi slt, %add3A_0, %lt3A : i32
    %convert_element_type3A = arith.extui %lt3A_1 : i1 to i32
    %cond3A = arith.constant 0 : i32
    %cond3A_2 = arith.cmpi ne, %convert_element_type3A, %cond3A : i32
    scf.if %cond3A_2 {
      %mul3A = arith.constant 200 : i32
      %mul3A_62 = arith.muli %add3A_0, %mul3A : i32
      "tpu.region"() ({
        %run_scoped3A = tpu.sem_alloc : memref<!tpu.dma_semaphore, #tpu.memory_space<semaphore_mem>>
        %dma_start3A = arith.constant 0 : i32
        %dma_start3A_63 = tpu.memref_slice %arg13[%mul3A_62, %dma_start3A] : memref<10000x128xf32, #tpu.memory_space<vmem_shared>> -> memref<200x128xf32, #tpu.memory_space<vmem_shared>>
        tpu.enqueue_dma source(%arg8 : memref<200x128xf32, #tpu.memory_space<hbm>>) target(%dma_start3A_63 : memref<200x128xf32, #tpu.memory_space<vmem_shared>>) target_semaphore(%run_scoped3A : memref<!tpu.dma_semaphore, #tpu.memory_space<semaphore_mem>>)
        %dma_wait3A = arith.constant 0 : i32
        %dma_wait3A_64 = tpu.memref_slice %arg13[%mul3A_62, %dma_wait3A] : memref<10000x128xf32, #tpu.memory_space<vmem_shared>> -> memref<200x128xf32, #tpu.memory_space<vmem_shared>>
        tpu.wait_dma2 semaphore(%run_scoped3A : memref<!tpu.dma_semaphore, #tpu.memory_space<semaphore_mem>>) src(%arg8 : memref<200x128xf32, #tpu.memory_space<hbm>>) dst(%dma_wait3A_64 : memref<200x128xf32, #tpu.memory_space<vmem_shared>>)
        tpu.yield
      }) : () -> ()
    } else {
    }
    %add3A_3 = arith.constant 16 : i32
    %add3A_4 = arith.addi %arg1, %add3A_3 : i32
    %lt3A_5 = arith.constant 50 : i32
    %lt3A_6 = arith.cmpi slt, %add3A_4, %lt3A_5 : i32
    %convert_element_type3A_7 = arith.extui %lt3A_6 : i1 to i32
    %cond3A_8 = arith.constant 0 : i32
    %cond3A_9 = arith.cmpi ne, %convert_element_type3A_7, %cond3A_8 : i32
    scf.if %cond3A_9 {
      %mul3A = arith.constant 200 : i32
      %mul3A_62 = arith.muli %add3A_4, %mul3A : i32
      "tpu.region"() ({
        %run_scoped3A = tpu.sem_alloc : memref<!tpu.dma_semaphore, #tpu.memory_space<semaphore_mem>>
        %dma_start3A = arith.constant 0 : i32
        %dma_start3A_63 = tpu.memref_slice %arg13[%mul3A_62, %dma_start3A] : memref<10000x128xf32, #tpu.memory_space<vmem_shared>> -> memref<200x128xf32, #tpu.memory_space<vmem_shared>>
        tpu.enqueue_dma source(%arg8 : memref<200x128xf32, #tpu.memory_space<hbm>>) target(%dma_start3A_63 : memref<200x128xf32, #tpu.memory_space<vmem_shared>>) target_semaphore(%run_scoped3A : memref<!tpu.dma_semaphore, #tpu.memory_space<semaphore_mem>>)
        %dma_wait3A = arith.constant 0 : i32
        %dma_wait3A_64 = tpu.memref_slice %arg13[%mul3A_62, %dma_wait3A] : memref<10000x128xf32, #tpu.memory_space<vmem_shared>> -> memref<200x128xf32, #tpu.memory_space<vmem_shared>>
        tpu.wait_dma2 semaphore(%run_scoped3A : memref<!tpu.dma_semaphore, #tpu.memory_space<semaphore_mem>>) src(%arg8 : memref<200x128xf32, #tpu.memory_space<hbm>>) dst(%dma_wait3A_64 : memref<200x128xf32, #tpu.memory_space<vmem_shared>>)
        tpu.yield
      }) : () -> ()
    } else {
    }
    %add3A_10 = arith.constant 32 : i32
    %add3A_11 = arith.addi %arg1, %add3A_10 : i32
    %lt3A_12 = arith.constant 50 : i32
    %lt3A_13 = arith.cmpi slt, %add3A_11, %lt3A_12 : i32
    %convert_element_type3A_14 = arith.extui %lt3A_13 : i1 to i32
    %cond3A_15 = arith.constant 0 : i32
    %cond3A_16 = arith.cmpi ne, %convert_element_type3A_14, %cond3A_15 : i32
    scf.if %cond3A_16 {
      %mul3A = arith.constant 200 : i32
      %mul3A_62 = arith.muli %add3A_11, %mul3A : i32
      "tpu.region"() ({
        %run_scoped3A = tpu.sem_alloc : memref<!tpu.dma_semaphore, #tpu.memory_space<semaphore_mem>>
        %dma_start3A = arith.constant 0 : i32
        %dma_start3A_63 = tpu.memref_slice %arg13[%mul3A_62, %dma_start3A] : memref<10000x128xf32, #tpu.memory_space<vmem_shared>> -> memref<200x128xf32, #tpu.memory_space<vmem_shared>>
        tpu.enqueue_dma source(%arg8 : memref<200x128xf32, #tpu.memory_space<hbm>>) target(%dma_start3A_63 : memref<200x128xf32, #tpu.memory_space<vmem_shared>>) target_semaphore(%run_scoped3A : memref<!tpu.dma_semaphore, #tpu.memory_space<semaphore_mem>>)
        %dma_wait3A = arith.constant 0 : i32
        %dma_wait3A_64 = tpu.memref_slice %arg13[%mul3A_62, %dma_wait3A] : memref<10000x128xf32, #tpu.memory_space<vmem_shared>> -> memref<200x128xf32, #tpu.memory_space<vmem_shared>>
        tpu.wait_dma2 semaphore(%run_scoped3A : memref<!tpu.dma_semaphore, #tpu.memory_space<semaphore_mem>>) src(%arg8 : memref<200x128xf32, #tpu.memory_space<hbm>>) dst(%dma_wait3A_64 : memref<200x128xf32, #tpu.memory_space<vmem_shared>>)
        tpu.yield
      }) : () -> ()
    } else {
    }
    %add3A_17 = arith.constant 48 : i32
    %add3A_18 = arith.addi %arg1, %add3A_17 : i32
    %lt3A_19 = arith.constant 50 : i32
    %lt3A_20 = arith.cmpi slt, %add3A_18, %lt3A_19 : i32
    %convert_element_type3A_21 = arith.extui %lt3A_20 : i1 to i32
    %cond3A_22 = arith.constant 0 : i32
    %cond3A_23 = arith.cmpi ne, %convert_element_type3A_21, %cond3A_22 : i32
    scf.if %cond3A_23 {
      %mul3A = arith.constant 200 : i32
      %mul3A_62 = arith.muli %add3A_18, %mul3A : i32
      "tpu.region"() ({
        %run_scoped3A = tpu.sem_alloc : memref<!tpu.dma_semaphore, #tpu.memory_space<semaphore_mem>>
        %dma_start3A = arith.constant 0 : i32
        %dma_start3A_63 = tpu.memref_slice %arg13[%mul3A_62, %dma_start3A] : memref<10000x128xf32, #tpu.memory_space<vmem_shared>> -> memref<200x128xf32, #tpu.memory_space<vmem_shared>>
        tpu.enqueue_dma source(%arg8 : memref<200x128xf32, #tpu.memory_space<hbm>>) target(%dma_start3A_63 : memref<200x128xf32, #tpu.memory_space<vmem_shared>>) target_semaphore(%run_scoped3A : memref<!tpu.dma_semaphore, #tpu.memory_space<semaphore_mem>>)
        %dma_wait3A = arith.constant 0 : i32
        %dma_wait3A_64 = tpu.memref_slice %arg13[%mul3A_62, %dma_wait3A] : memref<10000x128xf32, #tpu.memory_space<vmem_shared>> -> memref<200x128xf32, #tpu.memory_space<vmem_shared>>
        tpu.wait_dma2 semaphore(%run_scoped3A : memref<!tpu.dma_semaphore, #tpu.memory_space<semaphore_mem>>) src(%arg8 : memref<200x128xf32, #tpu.memory_space<hbm>>) dst(%dma_wait3A_64 : memref<200x128xf32, #tpu.memory_space<vmem_shared>>)
        tpu.yield
      }) : () -> ()
    } else {
    }
    %barrier3A = arith.constant 0 : index
    tpu.barrier barrier_id(%barrier3A)
    %eq3A = arith.constant 0 : i32
    %eq3A_24 = arith.cmpi eq, %arg0, %eq3A : i32
    %convert_element_type3A_25 = arith.extui %eq3A_24 : i1 to i32
    %cond3A_26 = arith.constant 0 : i32
    %cond3A_27 = arith.cmpi ne, %convert_element_type3A_25, %cond3A_26 : i32
    scf.if %cond3A_27 {
      %scan3A = arith.constant 0 : i32
      %scan3A_62 = arith.constant 0 : i32
      %scan3A_63 = arith.constant 12 : i32
      %scan3A_64 = arith.addi %scan3A_62, %scan3A_63 : i32
      %scan3A_65 = arith.constant 1 : i32
      scf.for %scan3A_73 = %scan3A_62 to %scan3A_64 step %scan3A_65  : i32 {
        %mul3A = arith.constant 2400 : i32
        %mul3A_74 = arith.muli %arg1, %mul3A : i32
        %mul3A_75 = arith.constant 200 : i32
        %mul3A_76 = arith.muli %scan3A_73, %mul3A_75 : i32
        %add3A_77 = arith.addi %mul3A_74, %mul3A_76 : i32
        "tpu.region"() ({
          %run_scoped3A = tpu.sem_alloc : memref<!tpu.dma_semaphore, #tpu.memory_space<semaphore_mem>>
          %dma_start3A = tpu.memref_slice %arg4[%add3A_77] : memref<38400xi32, #tpu.memory_space<hbm>> -> memref<200xi32, #tpu.memory_space<hbm>>
          %dma_start3A_78 = tpu.memref_slice %arg4[%add3A_77] : memref<38400xi32, #tpu.memory_space<hbm>> -> memref<200xi32, #tpu.memory_space<hbm>>
          tpu.enqueue_dma source(%dma_start3A_78 : memref<200xi32, #tpu.memory_space<hbm>>) target(%arg11 : memref<200xi32, #tpu.memory_space<vmem>>) target_semaphore(%run_scoped3A : memref<!tpu.dma_semaphore, #tpu.memory_space<semaphore_mem>>)
          %dma_wait3A = tpu.memref_slice %arg4[%add3A_77] : memref<38400xi32, #tpu.memory_space<hbm>> -> memref<200xi32, #tpu.memory_space<hbm>>
          %dma_wait3A_79 = tpu.memref_slice %arg4[%add3A_77] : memref<38400xi32, #tpu.memory_space<hbm>> -> memref<200xi32, #tpu.memory_space<hbm>>
          tpu.wait_dma2 semaphore(%run_scoped3A : memref<!tpu.dma_semaphore, #tpu.memory_space<semaphore_mem>>) src(%dma_wait3A_79 : memref<200xi32, #tpu.memory_space<hbm>>) dst(%arg11 : memref<200xi32, #tpu.memory_space<vmem>>)
          tpu.yield
        }) : () -> ()
        "tpu.region"() ({
          %run_scoped3A = tpu.sem_alloc : memref<!tpu.dma_semaphore, #tpu.memory_space<semaphore_mem>>
          %dma_start3A = arith.constant 0 : i32
          %dma_start3A_78 = tpu.memref_slice %arg2[%add3A_77, %dma_start3A] : memref<38400x128xf32, #tpu.memory_space<hbm>> -> memref<200x128xf32, #tpu.memory_space<hbm>>
          %dma_start3A_79 = arith.constant 0 : i32
          %dma_start3A_80 = tpu.memref_slice %arg2[%add3A_77, %dma_start3A_79] : memref<38400x128xf32, #tpu.memory_space<hbm>> -> memref<200x128xf32, #tpu.memory_space<hbm>>
          tpu.enqueue_dma source(%dma_start3A_80 : memref<200x128xf32, #tpu.memory_space<hbm>>) target(%arg12 : memref<200x128xf32, #tpu.memory_space<vmem>>) target_semaphore(%run_scoped3A : memref<!tpu.dma_semaphore, #tpu.memory_space<semaphore_mem>>)
          %dma_wait3A = arith.constant 0 : i32
          %dma_wait3A_81 = tpu.memref_slice %arg2[%add3A_77, %dma_wait3A] : memref<38400x128xf32, #tpu.memory_space<hbm>> -> memref<200x128xf32, #tpu.memory_space<hbm>>
          %dma_wait3A_82 = arith.constant 0 : i32
          %dma_wait3A_83 = tpu.memref_slice %arg2[%add3A_77, %dma_wait3A_82] : memref<38400x128xf32, #tpu.memory_space<hbm>> -> memref<200x128xf32, #tpu.memory_space<hbm>>
          tpu.wait_dma2 semaphore(%run_scoped3A : memref<!tpu.dma_semaphore, #tpu.memory_space<semaphore_mem>>) src(%dma_wait3A_83 : memref<200x128xf32, #tpu.memory_space<hbm>>) dst(%arg12 : memref<200x128xf32, #tpu.memory_space<vmem>>)
          tpu.yield
        }) : () -> ()
        "tpu.region"() ({
          %run_scoped3A = tpu.sem_alloc : memref<!tpu.dma_semaphore, #tpu.memory_space<semaphore_mem>>
          %dma_start3A = arith.constant 0 : i32
          %dma_start3A_78 = arith.constant 0 : i32
          %dma_start3A_79 = tpu.memref_slice %arg13[%dma_start3A, %dma_start3A_78] : memref<10000x128xf32, #tpu.memory_space<vmem_shared>> -> memref<10000x128xf32, #tpu.memory_space<vmem_shared>>
          tpu.enqueue_indirect_dma source(%arg12 : memref<200x128xf32, #tpu.memory_space<vmem>>) target(%dma_start3A_79 : memref<10000x128xf32, #tpu.memory_space<vmem_shared>>) offsets(%arg11 : memref<200xi32, #tpu.memory_space<vmem>>) semaphore(%run_scoped3A : memref<!tpu.dma_semaphore, #tpu.memory_space<semaphore_mem>>) {add = true}
          %dma_wait3A = arith.constant 0 : i32
          %dma_wait3A_80 = arith.constant 0 : i32
          %dma_wait3A_81 = tpu.memref_slice %arg13[%dma_wait3A, %dma_wait3A_80] : memref<10000x128xf32, #tpu.memory_space<vmem_shared>> -> memref<10000x128xf32, #tpu.memory_space<vmem_shared>>
          tpu.wait_indirect_dma semaphore(%run_scoped3A : memref<!tpu.dma_semaphore, #tpu.memory_space<semaphore_mem>>) src(%arg12 : memref<200x128xf32, #tpu.memory_space<vmem>>) dst(%dma_wait3A_81 : memref<10000x128xf32, #tpu.memory_space<vmem_shared>>)
          tpu.yield
        }) : () -> ()
      }
      %scan3A_66 = arith.constant 12 : i32
      %scan3A_67 = arith.constant 0 : i32
      %scan3A_68 = arith.constant 0 : i32
      %scan3A_69 = arith.constant 14 : i32
      %scan3A_70 = arith.addi %scan3A_68, %scan3A_69 : i32
      %scan3A_71 = arith.constant 1 : i32
      scf.for %scan3A_73 = %scan3A_68 to %scan3A_70 step %scan3A_71  : i32 {
        %mul3A = arith.constant 2800 : i32
        %mul3A_74 = arith.muli %arg1, %mul3A : i32
        %mul3A_75 = arith.constant 200 : i32
        %mul3A_76 = arith.muli %scan3A_73, %mul3A_75 : i32
        %add3A_77 = arith.addi %mul3A_74, %mul3A_76 : i32
        "tpu.region"() ({
          %run_scoped3A = tpu.sem_alloc : memref<!tpu.dma_semaphore, #tpu.memory_space<semaphore_mem>>
          %dma_start3A = tpu.memref_slice %arg6[%add3A_77] : memref<44800xi32, #tpu.memory_space<hbm>> -> memref<200xi32, #tpu.memory_space<hbm>>
          %dma_start3A_78 = tpu.memref_slice %arg6[%add3A_77] : memref<44800xi32, #tpu.memory_space<hbm>> -> memref<200xi32, #tpu.memory_space<hbm>>
          tpu.enqueue_dma source(%dma_start3A_78 : memref<200xi32, #tpu.memory_space<hbm>>) target(%arg11 : memref<200xi32, #tpu.memory_space<vmem>>) target_semaphore(%run_scoped3A : memref<!tpu.dma_semaphore, #tpu.memory_space<semaphore_mem>>)
          %dma_wait3A = tpu.memref_slice %arg6[%add3A_77] : memref<44800xi32, #tpu.memory_space<hbm>> -> memref<200xi32, #tpu.memory_space<hbm>>
          %dma_wait3A_79 = tpu.memref_slice %arg6[%add3A_77] : memref<44800xi32, #tpu.memory_space<hbm>> -> memref<200xi32, #tpu.memory_space<hbm>>
          tpu.wait_dma2 semaphore(%run_scoped3A : memref<!tpu.dma_semaphore, #tpu.memory_space<semaphore_mem>>) src(%dma_wait3A_79 : memref<200xi32, #tpu.memory_space<hbm>>) dst(%arg11 : memref<200xi32, #tpu.memory_space<vmem>>)
          tpu.yield
        }) : () -> ()
        "tpu.region"() ({
          %run_scoped3A = tpu.sem_alloc : memref<!tpu.dma_semaphore, #tpu.memory_space<semaphore_mem>>
          %dma_start3A = arith.constant 0 : i32
          %dma_start3A_78 = tpu.memref_slice %arg3[%add3A_77, %dma_start3A] : memref<44800x128xf32, #tpu.memory_space<hbm>> -> memref<200x128xf32, #tpu.memory_space<hbm>>
          %dma_start3A_79 = arith.constant 0 : i32
          %dma_start3A_80 = tpu.memref_slice %arg3[%add3A_77, %dma_start3A_79] : memref<44800x128xf32, #tpu.memory_space<hbm>> -> memref<200x128xf32, #tpu.memory_space<hbm>>
          tpu.enqueue_dma source(%dma_start3A_80 : memref<200x128xf32, #tpu.memory_space<hbm>>) target(%arg12 : memref<200x128xf32, #tpu.memory_space<vmem>>) target_semaphore(%run_scoped3A : memref<!tpu.dma_semaphore, #tpu.memory_space<semaphore_mem>>)
          %dma_wait3A = arith.constant 0 : i32
          %dma_wait3A_81 = tpu.memref_slice %arg3[%add3A_77, %dma_wait3A] : memref<44800x128xf32, #tpu.memory_space<hbm>> -> memref<200x128xf32, #tpu.memory_space<hbm>>
          %dma_wait3A_82 = arith.constant 0 : i32
          %dma_wait3A_83 = tpu.memref_slice %arg3[%add3A_77, %dma_wait3A_82] : memref<44800x128xf32, #tpu.memory_space<hbm>> -> memref<200x128xf32, #tpu.memory_space<hbm>>
          tpu.wait_dma2 semaphore(%run_scoped3A : memref<!tpu.dma_semaphore, #tpu.memory_space<semaphore_mem>>) src(%dma_wait3A_83 : memref<200x128xf32, #tpu.memory_space<hbm>>) dst(%arg12 : memref<200x128xf32, #tpu.memory_space<vmem>>)
          tpu.yield
        }) : () -> ()
        "tpu.region"() ({
          %run_scoped3A = tpu.sem_alloc : memref<!tpu.dma_semaphore, #tpu.memory_space<semaphore_mem>>
          %dma_start3A = arith.constant 0 : i32
          %dma_start3A_78 = arith.constant 0 : i32
          %dma_start3A_79 = tpu.memref_slice %arg13[%dma_start3A, %dma_start3A_78] : memref<10000x128xf32, #tpu.memory_space<vmem_shared>> -> memref<10000x128xf32, #tpu.memory_space<vmem_shared>>
          tpu.enqueue_indirect_dma source(%arg12 : memref<200x128xf32, #tpu.memory_space<vmem>>) target(%dma_start3A_79 : memref<10000x128xf32, #tpu.memory_space<vmem_shared>>) offsets(%arg11 : memref<200xi32, #tpu.memory_space<vmem>>) semaphore(%run_scoped3A : memref<!tpu.dma_semaphore, #tpu.memory_space<semaphore_mem>>) {add = true}
          %dma_wait3A = arith.constant 0 : i32
          %dma_wait3A_80 = arith.constant 0 : i32
          %dma_wait3A_81 = tpu.memref_slice %arg13[%dma_wait3A, %dma_wait3A_80] : memref<10000x128xf32, #tpu.memory_space<vmem_shared>> -> memref<10000x128xf32, #tpu.memory_space<vmem_shared>>
          tpu.wait_indirect_dma semaphore(%run_scoped3A : memref<!tpu.dma_semaphore, #tpu.memory_space<semaphore_mem>>) src(%arg12 : memref<200x128xf32, #tpu.memory_space<vmem>>) dst(%dma_wait3A_81 : memref<10000x128xf32, #tpu.memory_space<vmem_shared>>)
          tpu.yield
        }) : () -> ()
      }
      %scan3A_72 = arith.constant 14 : i32
    } else {
    }
    %eq3A_28 = arith.constant 1 : i32
    %eq3A_29 = arith.cmpi eq, %arg0, %eq3A_28 : i32
    %convert_element_type3A_30 = arith.extui %eq3A_29 : i1 to i32
    %cond3A_31 = arith.constant 0 : i32
    %cond3A_32 = arith.cmpi ne, %convert_element_type3A_30, %cond3A_31 : i32
    scf.if %cond3A_32 {
      %scan3A = arith.constant 0 : i32
      %scan3A_62 = arith.constant 0 : i32
      %scan3A_63 = arith.constant 12 : i32
      %scan3A_64 = arith.addi %scan3A_62, %scan3A_63 : i32
      %scan3A_65 = arith.constant 1 : i32
      scf.for %scan3A_73 = %scan3A_62 to %scan3A_64 step %scan3A_65  : i32 {
        %mul3A = arith.constant 2400 : i32
        %mul3A_74 = arith.muli %arg1, %mul3A : i32
        %mul3A_75 = arith.constant 200 : i32
        %mul3A_76 = arith.muli %scan3A_73, %mul3A_75 : i32
        %add3A_77 = arith.addi %mul3A_74, %mul3A_76 : i32
        "tpu.region"() ({
          %run_scoped3A = tpu.sem_alloc : memref<!tpu.dma_semaphore, #tpu.memory_space<semaphore_mem>>
          %dma_start3A = tpu.memref_slice %arg5[%add3A_77] : memref<38400xi32, #tpu.memory_space<hbm>> -> memref<200xi32, #tpu.memory_space<hbm>>
          %dma_start3A_78 = tpu.memref_slice %arg5[%add3A_77] : memref<38400xi32, #tpu.memory_space<hbm>> -> memref<200xi32, #tpu.memory_space<hbm>>
          tpu.enqueue_dma source(%dma_start3A_78 : memref<200xi32, #tpu.memory_space<hbm>>) target(%arg11 : memref<200xi32, #tpu.memory_space<vmem>>) target_semaphore(%run_scoped3A : memref<!tpu.dma_semaphore, #tpu.memory_space<semaphore_mem>>)
          %dma_wait3A = tpu.memref_slice %arg5[%add3A_77] : memref<38400xi32, #tpu.memory_space<hbm>> -> memref<200xi32, #tpu.memory_space<hbm>>
          %dma_wait3A_79 = tpu.memref_slice %arg5[%add3A_77] : memref<38400xi32, #tpu.memory_space<hbm>> -> memref<200xi32, #tpu.memory_space<hbm>>
          tpu.wait_dma2 semaphore(%run_scoped3A : memref<!tpu.dma_semaphore, #tpu.memory_space<semaphore_mem>>) src(%dma_wait3A_79 : memref<200xi32, #tpu.memory_space<hbm>>) dst(%arg11 : memref<200xi32, #tpu.memory_space<vmem>>)
          tpu.yield
        }) : () -> ()
        "tpu.region"() ({
          %run_scoped3A = tpu.sem_alloc : memref<!tpu.dma_semaphore, #tpu.memory_space<semaphore_mem>>
          %dma_start3A = arith.constant 0 : i32
          %dma_start3A_78 = tpu.memref_slice %arg2[%add3A_77, %dma_start3A] : memref<38400x128xf32, #tpu.memory_space<hbm>> -> memref<200x128xf32, #tpu.memory_space<hbm>>
          %dma_start3A_79 = arith.constant 0 : i32
          %dma_start3A_80 = tpu.memref_slice %arg2[%add3A_77, %dma_start3A_79] : memref<38400x128xf32, #tpu.memory_space<hbm>> -> memref<200x128xf32, #tpu.memory_space<hbm>>
          tpu.enqueue_dma source(%dma_start3A_80 : memref<200x128xf32, #tpu.memory_space<hbm>>) target(%arg12 : memref<200x128xf32, #tpu.memory_space<vmem>>) target_semaphore(%run_scoped3A : memref<!tpu.dma_semaphore, #tpu.memory_space<semaphore_mem>>)
          %dma_wait3A = arith.constant 0 : i32
          %dma_wait3A_81 = tpu.memref_slice %arg2[%add3A_77, %dma_wait3A] : memref<38400x128xf32, #tpu.memory_space<hbm>> -> memref<200x128xf32, #tpu.memory_space<hbm>>
          %dma_wait3A_82 = arith.constant 0 : i32
          %dma_wait3A_83 = tpu.memref_slice %arg2[%add3A_77, %dma_wait3A_82] : memref<38400x128xf32, #tpu.memory_space<hbm>> -> memref<200x128xf32, #tpu.memory_space<hbm>>
          tpu.wait_dma2 semaphore(%run_scoped3A : memref<!tpu.dma_semaphore, #tpu.memory_space<semaphore_mem>>) src(%dma_wait3A_83 : memref<200x128xf32, #tpu.memory_space<hbm>>) dst(%arg12 : memref<200x128xf32, #tpu.memory_space<vmem>>)
          tpu.yield
        }) : () -> ()
        "tpu.region"() ({
          %run_scoped3A = tpu.sem_alloc : memref<!tpu.dma_semaphore, #tpu.memory_space<semaphore_mem>>
          %dma_start3A = arith.constant 0 : i32
          %dma_start3A_78 = arith.constant 0 : i32
          %dma_start3A_79 = tpu.memref_slice %arg13[%dma_start3A, %dma_start3A_78] : memref<10000x128xf32, #tpu.memory_space<vmem_shared>> -> memref<10000x128xf32, #tpu.memory_space<vmem_shared>>
          tpu.enqueue_indirect_dma source(%arg12 : memref<200x128xf32, #tpu.memory_space<vmem>>) target(%dma_start3A_79 : memref<10000x128xf32, #tpu.memory_space<vmem_shared>>) offsets(%arg11 : memref<200xi32, #tpu.memory_space<vmem>>) semaphore(%run_scoped3A : memref<!tpu.dma_semaphore, #tpu.memory_space<semaphore_mem>>) {add = true}
          %dma_wait3A = arith.constant 0 : i32
          %dma_wait3A_80 = arith.constant 0 : i32
          %dma_wait3A_81 = tpu.memref_slice %arg13[%dma_wait3A, %dma_wait3A_80] : memref<10000x128xf32, #tpu.memory_space<vmem_shared>> -> memref<10000x128xf32, #tpu.memory_space<vmem_shared>>
          tpu.wait_indirect_dma semaphore(%run_scoped3A : memref<!tpu.dma_semaphore, #tpu.memory_space<semaphore_mem>>) src(%arg12 : memref<200x128xf32, #tpu.memory_space<vmem>>) dst(%dma_wait3A_81 : memref<10000x128xf32, #tpu.memory_space<vmem_shared>>)
          tpu.yield
        }) : () -> ()
      }
      %scan3A_66 = arith.constant 12 : i32
      %scan3A_67 = arith.constant 0 : i32
      %scan3A_68 = arith.constant 0 : i32
      %scan3A_69 = arith.constant 14 : i32
      %scan3A_70 = arith.addi %scan3A_68, %scan3A_69 : i32
      %scan3A_71 = arith.constant 1 : i32
      scf.for %scan3A_73 = %scan3A_68 to %scan3A_70 step %scan3A_71  : i32 {
        %mul3A = arith.constant 2800 : i32
        %mul3A_74 = arith.muli %arg1, %mul3A : i32
        %mul3A_75 = arith.constant 200 : i32
        %mul3A_76 = arith.muli %scan3A_73, %mul3A_75 : i32
        %add3A_77 = arith.addi %mul3A_74, %mul3A_76 : i32
        "tpu.region"() ({
          %run_scoped3A = tpu.sem_alloc : memref<!tpu.dma_semaphore, #tpu.memory_space<semaphore_mem>>
          %dma_start3A = tpu.memref_slice %arg7[%add3A_77] : memref<44800xi32, #tpu.memory_space<hbm>> -> memref<200xi32, #tpu.memory_space<hbm>>
          %dma_start3A_78 = tpu.memref_slice %arg7[%add3A_77] : memref<44800xi32, #tpu.memory_space<hbm>> -> memref<200xi32, #tpu.memory_space<hbm>>
          tpu.enqueue_dma source(%dma_start3A_78 : memref<200xi32, #tpu.memory_space<hbm>>) target(%arg11 : memref<200xi32, #tpu.memory_space<vmem>>) target_semaphore(%run_scoped3A : memref<!tpu.dma_semaphore, #tpu.memory_space<semaphore_mem>>)
          %dma_wait3A = tpu.memref_slice %arg7[%add3A_77] : memref<44800xi32, #tpu.memory_space<hbm>> -> memref<200xi32, #tpu.memory_space<hbm>>
          %dma_wait3A_79 = tpu.memref_slice %arg7[%add3A_77] : memref<44800xi32, #tpu.memory_space<hbm>> -> memref<200xi32, #tpu.memory_space<hbm>>
          tpu.wait_dma2 semaphore(%run_scoped3A : memref<!tpu.dma_semaphore, #tpu.memory_space<semaphore_mem>>) src(%dma_wait3A_79 : memref<200xi32, #tpu.memory_space<hbm>>) dst(%arg11 : memref<200xi32, #tpu.memory_space<vmem>>)
          tpu.yield
        }) : () -> ()
        "tpu.region"() ({
          %run_scoped3A = tpu.sem_alloc : memref<!tpu.dma_semaphore, #tpu.memory_space<semaphore_mem>>
          %dma_start3A = arith.constant 0 : i32
          %dma_start3A_78 = tpu.memref_slice %arg3[%add3A_77, %dma_start3A] : memref<44800x128xf32, #tpu.memory_space<hbm>> -> memref<200x128xf32, #tpu.memory_space<hbm>>
          %dma_start3A_79 = arith.constant 0 : i32
          %dma_start3A_80 = tpu.memref_slice %arg3[%add3A_77, %dma_start3A_79] : memref<44800x128xf32, #tpu.memory_space<hbm>> -> memref<200x128xf32, #tpu.memory_space<hbm>>
          tpu.enqueue_dma source(%dma_start3A_80 : memref<200x128xf32, #tpu.memory_space<hbm>>) target(%arg12 : memref<200x128xf32, #tpu.memory_space<vmem>>) target_semaphore(%run_scoped3A : memref<!tpu.dma_semaphore, #tpu.memory_space<semaphore_mem>>)
          %dma_wait3A = arith.constant 0 : i32
          %dma_wait3A_81 = tpu.memref_slice %arg3[%add3A_77, %dma_wait3A] : memref<44800x128xf32, #tpu.memory_space<hbm>> -> memref<200x128xf32, #tpu.memory_space<hbm>>
          %dma_wait3A_82 = arith.constant 0 : i32
          %dma_wait3A_83 = tpu.memref_slice %arg3[%add3A_77, %dma_wait3A_82] : memref<44800x128xf32, #tpu.memory_space<hbm>> -> memref<200x128xf32, #tpu.memory_space<hbm>>
          tpu.wait_dma2 semaphore(%run_scoped3A : memref<!tpu.dma_semaphore, #tpu.memory_space<semaphore_mem>>) src(%dma_wait3A_83 : memref<200x128xf32, #tpu.memory_space<hbm>>) dst(%arg12 : memref<200x128xf32, #tpu.memory_space<vmem>>)
          tpu.yield
        }) : () -> ()
        "tpu.region"() ({
          %run_scoped3A = tpu.sem_alloc : memref<!tpu.dma_semaphore, #tpu.memory_space<semaphore_mem>>
          %dma_start3A = arith.constant 0 : i32
          %dma_start3A_78 = arith.constant 0 : i32
          %dma_start3A_79 = tpu.memref_slice %arg13[%dma_start3A, %dma_start3A_78] : memref<10000x128xf32, #tpu.memory_space<vmem_shared>> -> memref<10000x128xf32, #tpu.memory_space<vmem_shared>>
          tpu.enqueue_indirect_dma source(%arg12 : memref<200x128xf32, #tpu.memory_space<vmem>>) target(%dma_start3A_79 : memref<10000x128xf32, #tpu.memory_space<vmem_shared>>) offsets(%arg11 : memref<200xi32, #tpu.memory_space<vmem>>) semaphore(%run_scoped3A : memref<!tpu.dma_semaphore, #tpu.memory_space<semaphore_mem>>) {add = true}
          %dma_wait3A = arith.constant 0 : i32
          %dma_wait3A_80 = arith.constant 0 : i32
          %dma_wait3A_81 = tpu.memref_slice %arg13[%dma_wait3A, %dma_wait3A_80] : memref<10000x128xf32, #tpu.memory_space<vmem_shared>> -> memref<10000x128xf32, #tpu.memory_space<vmem_shared>>
          tpu.wait_indirect_dma semaphore(%run_scoped3A : memref<!tpu.dma_semaphore, #tpu.memory_space<semaphore_mem>>) src(%arg12 : memref<200x128xf32, #tpu.memory_space<vmem>>) dst(%dma_wait3A_81 : memref<10000x128xf32, #tpu.memory_space<vmem_shared>>)
          tpu.yield
        }) : () -> ()
      }
      %scan3A_72 = arith.constant 14 : i32
    } else {
    }
    %barrier3A_33 = arith.constant 0 : index
    tpu.barrier barrier_id(%barrier3A_33)
    %add3A_34 = arith.constant 0 : i32
    %add3A_35 = arith.addi %arg1, %add3A_34 : i32
    %lt3A_36 = arith.constant 50 : i32
    %lt3A_37 = arith.cmpi slt, %add3A_35, %lt3A_36 : i32
    %convert_element_type3A_38 = arith.extui %lt3A_37 : i1 to i32
    %cond3A_39 = arith.constant 0 : i32
    %cond3A_40 = arith.cmpi ne, %convert_element_type3A_38, %cond3A_39 : i32
    scf.if %cond3A_40 {
      %mul3A = arith.constant 200 : i32
      %mul3A_62 = arith.muli %add3A_35, %mul3A : i32
      %eq3A_63 = arith.constant 0 : i32
      %eq3A_64 = arith.cmpi eq, %arg0, %eq3A_63 : i32
      %convert_element_type3A_65 = arith.extui %eq3A_64 : i1 to i32
      %cond3A_66 = arith.constant 0 : i32
      %cond3A_67 = arith.cmpi ne, %convert_element_type3A_65, %cond3A_66 : i32
      scf.if %cond3A_67 {
        "tpu.region"() ({
          %run_scoped3A = tpu.sem_alloc : memref<!tpu.dma_semaphore, #tpu.memory_space<semaphore_mem>>
          %dma_start3A = arith.constant 0 : i32
          %dma_start3A_73 = tpu.memref_slice %arg9[%mul3A_62, %dma_start3A] : memref<10000x128xf32, #tpu.memory_space<hbm>> -> memref<200x128xf32, #tpu.memory_space<hbm>>
          %dma_start3A_74 = arith.constant 0 : i32
          %dma_start3A_75 = tpu.memref_slice %arg13[%mul3A_62, %dma_start3A_74] : memref<10000x128xf32, #tpu.memory_space<vmem_shared>> -> memref<200x128xf32, #tpu.memory_space<vmem_shared>>
          tpu.enqueue_dma source(%dma_start3A_75 : memref<200x128xf32, #tpu.memory_space<vmem_shared>>) target(%dma_start3A_73 : memref<200x128xf32, #tpu.memory_space<hbm>>) target_semaphore(%run_scoped3A : memref<!tpu.dma_semaphore, #tpu.memory_space<semaphore_mem>>)
          %dma_wait3A = arith.constant 0 : i32
          %dma_wait3A_76 = tpu.memref_slice %arg9[%mul3A_62, %dma_wait3A] : memref<10000x128xf32, #tpu.memory_space<hbm>> -> memref<200x128xf32, #tpu.memory_space<hbm>>
          %dma_wait3A_77 = arith.constant 0 : i32
          %dma_wait3A_78 = tpu.memref_slice %arg13[%mul3A_62, %dma_wait3A_77] : memref<10000x128xf32, #tpu.memory_space<vmem_shared>> -> memref<200x128xf32, #tpu.memory_space<vmem_shared>>
          tpu.wait_dma2 semaphore(%run_scoped3A : memref<!tpu.dma_semaphore, #tpu.memory_space<semaphore_mem>>) src(%dma_wait3A_78 : memref<200x128xf32, #tpu.memory_space<vmem_shared>>) dst(%dma_wait3A_76 : memref<200x128xf32, #tpu.memory_space<hbm>>)
          tpu.yield
        }) : () -> ()
      } else {
      }
      %eq3A_68 = arith.constant 1 : i32
      %eq3A_69 = arith.cmpi eq, %arg0, %eq3A_68 : i32
      %convert_element_type3A_70 = arith.extui %eq3A_69 : i1 to i32
      %cond3A_71 = arith.constant 0 : i32
      %cond3A_72 = arith.cmpi ne, %convert_element_type3A_70, %cond3A_71 : i32
      scf.if %cond3A_72 {
        "tpu.region"() ({
          %run_scoped3A = tpu.sem_alloc : memref<!tpu.dma_semaphore, #tpu.memory_space<semaphore_mem>>
          %dma_start3A = arith.constant 0 : i32
          %dma_start3A_73 = tpu.memref_slice %arg10[%mul3A_62, %dma_start3A] : memref<10000x128xf32, #tpu.memory_space<hbm>> -> memref<200x128xf32, #tpu.memory_space<hbm>>
          %dma_start3A_74 = arith.constant 0 : i32
          %dma_start3A_75 = tpu.memref_slice %arg13[%mul3A_62, %dma_start3A_74] : memref<10000x128xf32, #tpu.memory_space<vmem_shared>> -> memref<200x128xf32, #tpu.memory_space<vmem_shared>>
          tpu.enqueue_dma source(%dma_start3A_75 : memref<200x128xf32, #tpu.memory_space<vmem_shared>>) target(%dma_start3A_73 : memref<200x128xf32, #tpu.memory_space<hbm>>) target_semaphore(%run_scoped3A : memref<!tpu.dma_semaphore, #tpu.memory_space<semaphore_mem>>)
          %dma_wait3A = arith.constant 0 : i32
          %dma_wait3A_76 = tpu.memref_slice %arg10[%mul3A_62, %dma_wait3A] : memref<10000x128xf32, #tpu.memory_space<hbm>> -> memref<200x128xf32, #tpu.memory_space<hbm>>
          %dma_wait3A_77 = arith.constant 0 : i32
          %dma_wait3A_78 = tpu.memref_slice %arg13[%mul3A_62, %dma_wait3A_77] : memref<10000x128xf32, #tpu.memory_space<vmem_shared>> -> memref<200x128xf32, #tpu.memory_space<vmem_shared>>
          tpu.wait_dma2 semaphore(%run_scoped3A : memref<!tpu.dma_semaphore, #tpu.memory_space<semaphore_mem>>) src(%dma_wait3A_78 : memref<200x128xf32, #tpu.memory_space<vmem_shared>>) dst(%dma_wait3A_76 : memref<200x128xf32, #tpu.memory_space<hbm>>)
          tpu.yield
        }) : () -> ()
      } else {
      }
    } else {
    }
    %add3A_41 = arith.constant 16 : i32
    %add3A_42 = arith.addi %arg1, %add3A_41 : i32
    %lt3A_43 = arith.constant 50 : i32
    %lt3A_44 = arith.cmpi slt, %add3A_42, %lt3A_43 : i32
    %convert_element_type3A_45 = arith.extui %lt3A_44 : i1 to i32
    %cond3A_46 = arith.constant 0 : i32
    %cond3A_47 = arith.cmpi ne, %convert_element_type3A_45, %cond3A_46 : i32
    scf.if %cond3A_47 {
      %mul3A = arith.constant 200 : i32
      %mul3A_62 = arith.muli %add3A_42, %mul3A : i32
      %eq3A_63 = arith.constant 0 : i32
      %eq3A_64 = arith.cmpi eq, %arg0, %eq3A_63 : i32
      %convert_element_type3A_65 = arith.extui %eq3A_64 : i1 to i32
      %cond3A_66 = arith.constant 0 : i32
      %cond3A_67 = arith.cmpi ne, %convert_element_type3A_65, %cond3A_66 : i32
      scf.if %cond3A_67 {
        "tpu.region"() ({
          %run_scoped3A = tpu.sem_alloc : memref<!tpu.dma_semaphore, #tpu.memory_space<semaphore_mem>>
          %dma_start3A = arith.constant 0 : i32
          %dma_start3A_73 = tpu.memref_slice %arg9[%mul3A_62, %dma_start3A] : memref<10000x128xf32, #tpu.memory_space<hbm>> -> memref<200x128xf32, #tpu.memory_space<hbm>>
          %dma_start3A_74 = arith.constant 0 : i32
          %dma_start3A_75 = tpu.memref_slice %arg13[%mul3A_62, %dma_start3A_74] : memref<10000x128xf32, #tpu.memory_space<vmem_shared>> -> memref<200x128xf32, #tpu.memory_space<vmem_shared>>
          tpu.enqueue_dma source(%dma_start3A_75 : memref<200x128xf32, #tpu.memory_space<vmem_shared>>) target(%dma_start3A_73 : memref<200x128xf32, #tpu.memory_space<hbm>>) target_semaphore(%run_scoped3A : memref<!tpu.dma_semaphore, #tpu.memory_space<semaphore_mem>>)
          %dma_wait3A = arith.constant 0 : i32
          %dma_wait3A_76 = tpu.memref_slice %arg9[%mul3A_62, %dma_wait3A] : memref<10000x128xf32, #tpu.memory_space<hbm>> -> memref<200x128xf32, #tpu.memory_space<hbm>>
          %dma_wait3A_77 = arith.constant 0 : i32
          %dma_wait3A_78 = tpu.memref_slice %arg13[%mul3A_62, %dma_wait3A_77] : memref<10000x128xf32, #tpu.memory_space<vmem_shared>> -> memref<200x128xf32, #tpu.memory_space<vmem_shared>>
          tpu.wait_dma2 semaphore(%run_scoped3A : memref<!tpu.dma_semaphore, #tpu.memory_space<semaphore_mem>>) src(%dma_wait3A_78 : memref<200x128xf32, #tpu.memory_space<vmem_shared>>) dst(%dma_wait3A_76 : memref<200x128xf32, #tpu.memory_space<hbm>>)
          tpu.yield
        }) : () -> ()
      } else {
      }
      %eq3A_68 = arith.constant 1 : i32
      %eq3A_69 = arith.cmpi eq, %arg0, %eq3A_68 : i32
      %convert_element_type3A_70 = arith.extui %eq3A_69 : i1 to i32
      %cond3A_71 = arith.constant 0 : i32
      %cond3A_72 = arith.cmpi ne, %convert_element_type3A_70, %cond3A_71 : i32
      scf.if %cond3A_72 {
        "tpu.region"() ({
          %run_scoped3A = tpu.sem_alloc : memref<!tpu.dma_semaphore, #tpu.memory_space<semaphore_mem>>
          %dma_start3A = arith.constant 0 : i32
          %dma_start3A_73 = tpu.memref_slice %arg10[%mul3A_62, %dma_start3A] : memref<10000x128xf32, #tpu.memory_space<hbm>> -> memref<200x128xf32, #tpu.memory_space<hbm>>
          %dma_start3A_74 = arith.constant 0 : i32
          %dma_start3A_75 = tpu.memref_slice %arg13[%mul3A_62, %dma_start3A_74] : memref<10000x128xf32, #tpu.memory_space<vmem_shared>> -> memref<200x128xf32, #tpu.memory_space<vmem_shared>>
          tpu.enqueue_dma source(%dma_start3A_75 : memref<200x128xf32, #tpu.memory_space<vmem_shared>>) target(%dma_start3A_73 : memref<200x128xf32, #tpu.memory_space<hbm>>) target_semaphore(%run_scoped3A : memref<!tpu.dma_semaphore, #tpu.memory_space<semaphore_mem>>)
          %dma_wait3A = arith.constant 0 : i32
          %dma_wait3A_76 = tpu.memref_slice %arg10[%mul3A_62, %dma_wait3A] : memref<10000x128xf32, #tpu.memory_space<hbm>> -> memref<200x128xf32, #tpu.memory_space<hbm>>
          %dma_wait3A_77 = arith.constant 0 : i32
          %dma_wait3A_78 = tpu.memref_slice %arg13[%mul3A_62, %dma_wait3A_77] : memref<10000x128xf32, #tpu.memory_space<vmem_shared>> -> memref<200x128xf32, #tpu.memory_space<vmem_shared>>
          tpu.wait_dma2 semaphore(%run_scoped3A : memref<!tpu.dma_semaphore, #tpu.memory_space<semaphore_mem>>) src(%dma_wait3A_78 : memref<200x128xf32, #tpu.memory_space<vmem_shared>>) dst(%dma_wait3A_76 : memref<200x128xf32, #tpu.memory_space<hbm>>)
          tpu.yield
        }) : () -> ()
      } else {
      }
    } else {
    }
    %add3A_48 = arith.constant 32 : i32
    %add3A_49 = arith.addi %arg1, %add3A_48 : i32
    %lt3A_50 = arith.constant 50 : i32
    %lt3A_51 = arith.cmpi slt, %add3A_49, %lt3A_50 : i32
    %convert_element_type3A_52 = arith.extui %lt3A_51 : i1 to i32
    %cond3A_53 = arith.constant 0 : i32
    %cond3A_54 = arith.cmpi ne, %convert_element_type3A_52, %cond3A_53 : i32
    scf.if %cond3A_54 {
      %mul3A = arith.constant 200 : i32
      %mul3A_62 = arith.muli %add3A_49, %mul3A : i32
      %eq3A_63 = arith.constant 0 : i32
      %eq3A_64 = arith.cmpi eq, %arg0, %eq3A_63 : i32
      %convert_element_type3A_65 = arith.extui %eq3A_64 : i1 to i32
      %cond3A_66 = arith.constant 0 : i32
      %cond3A_67 = arith.cmpi ne, %convert_element_type3A_65, %cond3A_66 : i32
      scf.if %cond3A_67 {
        "tpu.region"() ({
          %run_scoped3A = tpu.sem_alloc : memref<!tpu.dma_semaphore, #tpu.memory_space<semaphore_mem>>
          %dma_start3A = arith.constant 0 : i32
          %dma_start3A_73 = tpu.memref_slice %arg9[%mul3A_62, %dma_start3A] : memref<10000x128xf32, #tpu.memory_space<hbm>> -> memref<200x128xf32, #tpu.memory_space<hbm>>
          %dma_start3A_74 = arith.constant 0 : i32
          %dma_start3A_75 = tpu.memref_slice %arg13[%mul3A_62, %dma_start3A_74] : memref<10000x128xf32, #tpu.memory_space<vmem_shared>> -> memref<200x128xf32, #tpu.memory_space<vmem_shared>>
          tpu.enqueue_dma source(%dma_start3A_75 : memref<200x128xf32, #tpu.memory_space<vmem_shared>>) target(%dma_start3A_73 : memref<200x128xf32, #tpu.memory_space<hbm>>) target_semaphore(%run_scoped3A : memref<!tpu.dma_semaphore, #tpu.memory_space<semaphore_mem>>)
          %dma_wait3A = arith.constant 0 : i32
          %dma_wait3A_76 = tpu.memref_slice %arg9[%mul3A_62, %dma_wait3A] : memref<10000x128xf32, #tpu.memory_space<hbm>> -> memref<200x128xf32, #tpu.memory_space<hbm>>
          %dma_wait3A_77 = arith.constant 0 : i32
          %dma_wait3A_78 = tpu.memref_slice %arg13[%mul3A_62, %dma_wait3A_77] : memref<10000x128xf32, #tpu.memory_space<vmem_shared>> -> memref<200x128xf32, #tpu.memory_space<vmem_shared>>
          tpu.wait_dma2 semaphore(%run_scoped3A : memref<!tpu.dma_semaphore, #tpu.memory_space<semaphore_mem>>) src(%dma_wait3A_78 : memref<200x128xf32, #tpu.memory_space<vmem_shared>>) dst(%dma_wait3A_76 : memref<200x128xf32, #tpu.memory_space<hbm>>)
          tpu.yield
        }) : () -> ()
      } else {
      }
      %eq3A_68 = arith.constant 1 : i32
      %eq3A_69 = arith.cmpi eq, %arg0, %eq3A_68 : i32
      %convert_element_type3A_70 = arith.extui %eq3A_69 : i1 to i32
      %cond3A_71 = arith.constant 0 : i32
      %cond3A_72 = arith.cmpi ne, %convert_element_type3A_70, %cond3A_71 : i32
      scf.if %cond3A_72 {
        "tpu.region"() ({
          %run_scoped3A = tpu.sem_alloc : memref<!tpu.dma_semaphore, #tpu.memory_space<semaphore_mem>>
          %dma_start3A = arith.constant 0 : i32
          %dma_start3A_73 = tpu.memref_slice %arg10[%mul3A_62, %dma_start3A] : memref<10000x128xf32, #tpu.memory_space<hbm>> -> memref<200x128xf32, #tpu.memory_space<hbm>>
          %dma_start3A_74 = arith.constant 0 : i32
          %dma_start3A_75 = tpu.memref_slice %arg13[%mul3A_62, %dma_start3A_74] : memref<10000x128xf32, #tpu.memory_space<vmem_shared>> -> memref<200x128xf32, #tpu.memory_space<vmem_shared>>
          tpu.enqueue_dma source(%dma_start3A_75 : memref<200x128xf32, #tpu.memory_space<vmem_shared>>) target(%dma_start3A_73 : memref<200x128xf32, #tpu.memory_space<hbm>>) target_semaphore(%run_scoped3A : memref<!tpu.dma_semaphore, #tpu.memory_space<semaphore_mem>>)
          %dma_wait3A = arith.constant 0 : i32
          %dma_wait3A_76 = tpu.memref_slice %arg10[%mul3A_62, %dma_wait3A] : memref<10000x128xf32, #tpu.memory_space<hbm>> -> memref<200x128xf32, #tpu.memory_space<hbm>>
          %dma_wait3A_77 = arith.constant 0 : i32
          %dma_wait3A_78 = tpu.memref_slice %arg13[%mul3A_62, %dma_wait3A_77] : memref<10000x128xf32, #tpu.memory_space<vmem_shared>> -> memref<200x128xf32, #tpu.memory_space<vmem_shared>>
          tpu.wait_dma2 semaphore(%run_scoped3A : memref<!tpu.dma_semaphore, #tpu.memory_space<semaphore_mem>>) src(%dma_wait3A_78 : memref<200x128xf32, #tpu.memory_space<vmem_shared>>) dst(%dma_wait3A_76 : memref<200x128xf32, #tpu.memory_space<hbm>>)
          tpu.yield
        }) : () -> ()
      } else {
      }
    } else {
    }
    %add3A_55 = arith.constant 48 : i32
    %add3A_56 = arith.addi %arg1, %add3A_55 : i32
    %lt3A_57 = arith.constant 50 : i32
    %lt3A_58 = arith.cmpi slt, %add3A_56, %lt3A_57 : i32
    %convert_element_type3A_59 = arith.extui %lt3A_58 : i1 to i32
    %cond3A_60 = arith.constant 0 : i32
    %cond3A_61 = arith.cmpi ne, %convert_element_type3A_59, %cond3A_60 : i32
    scf.if %cond3A_61 {
      %mul3A = arith.constant 200 : i32
      %mul3A_62 = arith.muli %add3A_56, %mul3A : i32
      %eq3A_63 = arith.constant 0 : i32
      %eq3A_64 = arith.cmpi eq, %arg0, %eq3A_63 : i32
      %convert_element_type3A_65 = arith.extui %eq3A_64 : i1 to i32
      %cond3A_66 = arith.constant 0 : i32
      %cond3A_67 = arith.cmpi ne, %convert_element_type3A_65, %cond3A_66 : i32
      scf.if %cond3A_67 {
        "tpu.region"() ({
          %run_scoped3A = tpu.sem_alloc : memref<!tpu.dma_semaphore, #tpu.memory_space<semaphore_mem>>
          %dma_start3A = arith.constant 0 : i32
          %dma_start3A_73 = tpu.memref_slice %arg9[%mul3A_62, %dma_start3A] : memref<10000x128xf32, #tpu.memory_space<hbm>> -> memref<200x128xf32, #tpu.memory_space<hbm>>
          %dma_start3A_74 = arith.constant 0 : i32
          %dma_start3A_75 = tpu.memref_slice %arg13[%mul3A_62, %dma_start3A_74] : memref<10000x128xf32, #tpu.memory_space<vmem_shared>> -> memref<200x128xf32, #tpu.memory_space<vmem_shared>>
          tpu.enqueue_dma source(%dma_start3A_75 : memref<200x128xf32, #tpu.memory_space<vmem_shared>>) target(%dma_start3A_73 : memref<200x128xf32, #tpu.memory_space<hbm>>) target_semaphore(%run_scoped3A : memref<!tpu.dma_semaphore, #tpu.memory_space<semaphore_mem>>)
          %dma_wait3A = arith.constant 0 : i32
          %dma_wait3A_76 = tpu.memref_slice %arg9[%mul3A_62, %dma_wait3A] : memref<10000x128xf32, #tpu.memory_space<hbm>> -> memref<200x128xf32, #tpu.memory_space<hbm>>
          %dma_wait3A_77 = arith.constant 0 : i32
          %dma_wait3A_78 = tpu.memref_slice %arg13[%mul3A_62, %dma_wait3A_77] : memref<10000x128xf32, #tpu.memory_space<vmem_shared>> -> memref<200x128xf32, #tpu.memory_space<vmem_shared>>
          tpu.wait_dma2 semaphore(%run_scoped3A : memref<!tpu.dma_semaphore, #tpu.memory_space<semaphore_mem>>) src(%dma_wait3A_78 : memref<200x128xf32, #tpu.memory_space<vmem_shared>>) dst(%dma_wait3A_76 : memref<200x128xf32, #tpu.memory_space<hbm>>)
          tpu.yield
        }) : () -> ()
      } else {
      }
      %eq3A_68 = arith.constant 1 : i32
      %eq3A_69 = arith.cmpi eq, %arg0, %eq3A_68 : i32
      %convert_element_type3A_70 = arith.extui %eq3A_69 : i1 to i32
      %cond3A_71 = arith.constant 0 : i32
      %cond3A_72 = arith.cmpi ne, %convert_element_type3A_70, %cond3A_71 : i32
      scf.if %cond3A_72 {
        "tpu.region"() ({
          %run_scoped3A = tpu.sem_alloc : memref<!tpu.dma_semaphore, #tpu.memory_space<semaphore_mem>>
          %dma_start3A = arith.constant 0 : i32
          %dma_start3A_73 = tpu.memref_slice %arg10[%mul3A_62, %dma_start3A] : memref<10000x128xf32, #tpu.memory_space<hbm>> -> memref<200x128xf32, #tpu.memory_space<hbm>>
          %dma_start3A_74 = arith.constant 0 : i32
          %dma_start3A_75 = tpu.memref_slice %arg13[%mul3A_62, %dma_start3A_74] : memref<10000x128xf32, #tpu.memory_space<vmem_shared>> -> memref<200x128xf32, #tpu.memory_space<vmem_shared>>
          tpu.enqueue_dma source(%dma_start3A_75 : memref<200x128xf32, #tpu.memory_space<vmem_shared>>) target(%dma_start3A_73 : memref<200x128xf32, #tpu.memory_space<hbm>>) target_semaphore(%run_scoped3A : memref<!tpu.dma_semaphore, #tpu.memory_space<semaphore_mem>>)
          %dma_wait3A = arith.constant 0 : i32
          %dma_wait3A_76 = tpu.memref_slice %arg10[%mul3A_62, %dma_wait3A] : memref<10000x128xf32, #tpu.memory_space<hbm>> -> memref<200x128xf32, #tpu.memory_space<hbm>>
          %dma_wait3A_77 = arith.constant 0 : i32
          %dma_wait3A_78 = tpu.memref_slice %arg13[%mul3A_62, %dma_wait3A_77] : memref<10000x128xf32, #tpu.memory_space<vmem_shared>> -> memref<200x128xf32, #tpu.memory_space<vmem_shared>>
          tpu.wait_dma2 semaphore(%run_scoped3A : memref<!tpu.dma_semaphore, #tpu.memory_space<semaphore_mem>>) src(%dma_wait3A_78 : memref<200x128xf32, #tpu.memory_space<vmem_shared>>) dst(%dma_wait3A_76 : memref<200x128xf32, #tpu.memory_space<hbm>>)
          tpu.yield
        }) : () -> ()
      } else {
      }
    } else {
    }
    return
  }
}

#map = affine_map<(d0, d1) -> (0, 0)>
#map1 = affine_map<(d0, d1) -> (0)>
module attributes {stable_mosaic.version = 14 : i64} {
  func.func @scatter(%arg0: i32, %arg1: i32, %arg2: memref<38400x128xf32, #tpu.memory_space<hbm>>, %arg3: memref<38400x128xf32, #tpu.memory_space<hbm>>, %arg4: memref<38400xi32, #tpu.memory_space<hbm>>, %arg5: memref<38400xi32, #tpu.memory_space<hbm>>, %arg6: memref<38400xi32, #tpu.memory_space<hbm>>, %arg7: memref<38400xi32, #tpu.memory_space<hbm>>, %arg8: memref<200x128xf32, #tpu.memory_space<hbm>>, %arg9: memref<10000x128xf32, #tpu.memory_space<hbm>>, %arg10: memref<10000x128xf32, #tpu.memory_space<hbm>>, %arg11: memref<200xi32, #tpu.memory_space<vmem>>, %arg12: memref<200x128xf32, #tpu.memory_space<vmem>>, %arg13: memref<10000x128xf32, #tpu.memory_space<vmem_shared>>) attributes {dimension_semantics = [#tpu.dimension_semantics<core_parallel>, #tpu.dimension_semantics<subcore_parallel>], iteration_bounds = array<i64: 2, 16>, scalar_prefetch = 0 : i64, scratch_operands = 3 : i64, tpu.core_type = #tpu.core_type<sc_vector_subcore>, window_params = [{transform_indices = #map}, {transform_indices = #map}, {transform_indices = #map1}, {transform_indices = #map1}, {transform_indices = #map1}, {transform_indices = #map1}, {transform_indices = #map}, {transform_indices = #map}, {transform_indices = #map}]} {
    %add3A = arith.constant 0 : i32
    %add3A_0 = arith.addi %arg1, %add3A : i32
    %lt3A = arith.constant 50 : i32
    %lt3A_1 = arith.cmpi slt, %add3A_0, %lt3A : i32
    %convert_element_type3A = arith.extui %lt3A_1 : i1 to i32
    %cond3A = arith.constant 0 : i32
    %cond3A_2 = arith.cmpi ne, %convert_element_type3A, %cond3A : i32
    scf.if %cond3A_2 {
      %mul3A = arith.constant 200 : i32
      %mul3A_62 = arith.muli %add3A_0, %mul3A : i32
      "tpu.region"() ({
        %run_scoped3A = tpu.sem_alloc : memref<!tpu.dma_semaphore, #tpu.memory_space<semaphore_mem>>
        %dma_start3A = arith.constant 0 : i32
        %dma_start3A_63 = tpu.memref_slice %arg13[%mul3A_62, %dma_start3A] : memref<10000x128xf32, #tpu.memory_space<vmem_shared>> -> memref<200x128xf32, #tpu.memory_space<vmem_shared>>
        tpu.enqueue_dma source(%arg8 : memref<200x128xf32, #tpu.memory_space<hbm>>) target(%dma_start3A_63 : memref<200x128xf32, #tpu.memory_space<vmem_shared>>) target_semaphore(%run_scoped3A : memref<!tpu.dma_semaphore, #tpu.memory_space<semaphore_mem>>)
        %dma_wait3A = arith.constant 0 : i32
        %dma_wait3A_64 = tpu.memref_slice %arg13[%mul3A_62, %dma_wait3A] : memref<10000x128xf32, #tpu.memory_space<vmem_shared>> -> memref<200x128xf32, #tpu.memory_space<vmem_shared>>
        tpu.wait_dma2 semaphore(%run_scoped3A : memref<!tpu.dma_semaphore, #tpu.memory_space<semaphore_mem>>) src(%arg8 : memref<200x128xf32, #tpu.memory_space<hbm>>) dst(%dma_wait3A_64 : memref<200x128xf32, #tpu.memory_space<vmem_shared>>)
        tpu.yield
      }) : () -> ()
    } else {
    }
    %add3A_3 = arith.constant 16 : i32
    %add3A_4 = arith.addi %arg1, %add3A_3 : i32
    %lt3A_5 = arith.constant 50 : i32
    %lt3A_6 = arith.cmpi slt, %add3A_4, %lt3A_5 : i32
    %convert_element_type3A_7 = arith.extui %lt3A_6 : i1 to i32
    %cond3A_8 = arith.constant 0 : i32
    %cond3A_9 = arith.cmpi ne, %convert_element_type3A_7, %cond3A_8 : i32
    scf.if %cond3A_9 {
      %mul3A = arith.constant 200 : i32
      %mul3A_62 = arith.muli %add3A_4, %mul3A : i32
      "tpu.region"() ({
        %run_scoped3A = tpu.sem_alloc : memref<!tpu.dma_semaphore, #tpu.memory_space<semaphore_mem>>
        %dma_start3A = arith.constant 0 : i32
        %dma_start3A_63 = tpu.memref_slice %arg13[%mul3A_62, %dma_start3A] : memref<10000x128xf32, #tpu.memory_space<vmem_shared>> -> memref<200x128xf32, #tpu.memory_space<vmem_shared>>
        tpu.enqueue_dma source(%arg8 : memref<200x128xf32, #tpu.memory_space<hbm>>) target(%dma_start3A_63 : memref<200x128xf32, #tpu.memory_space<vmem_shared>>) target_semaphore(%run_scoped3A : memref<!tpu.dma_semaphore, #tpu.memory_space<semaphore_mem>>)
        %dma_wait3A = arith.constant 0 : i32
        %dma_wait3A_64 = tpu.memref_slice %arg13[%mul3A_62, %dma_wait3A] : memref<10000x128xf32, #tpu.memory_space<vmem_shared>> -> memref<200x128xf32, #tpu.memory_space<vmem_shared>>
        tpu.wait_dma2 semaphore(%run_scoped3A : memref<!tpu.dma_semaphore, #tpu.memory_space<semaphore_mem>>) src(%arg8 : memref<200x128xf32, #tpu.memory_space<hbm>>) dst(%dma_wait3A_64 : memref<200x128xf32, #tpu.memory_space<vmem_shared>>)
        tpu.yield
      }) : () -> ()
    } else {
    }
    %add3A_10 = arith.constant 32 : i32
    %add3A_11 = arith.addi %arg1, %add3A_10 : i32
    %lt3A_12 = arith.constant 50 : i32
    %lt3A_13 = arith.cmpi slt, %add3A_11, %lt3A_12 : i32
    %convert_element_type3A_14 = arith.extui %lt3A_13 : i1 to i32
    %cond3A_15 = arith.constant 0 : i32
    %cond3A_16 = arith.cmpi ne, %convert_element_type3A_14, %cond3A_15 : i32
    scf.if %cond3A_16 {
      %mul3A = arith.constant 200 : i32
      %mul3A_62 = arith.muli %add3A_11, %mul3A : i32
      "tpu.region"() ({
        %run_scoped3A = tpu.sem_alloc : memref<!tpu.dma_semaphore, #tpu.memory_space<semaphore_mem>>
        %dma_start3A = arith.constant 0 : i32
        %dma_start3A_63 = tpu.memref_slice %arg13[%mul3A_62, %dma_start3A] : memref<10000x128xf32, #tpu.memory_space<vmem_shared>> -> memref<200x128xf32, #tpu.memory_space<vmem_shared>>
        tpu.enqueue_dma source(%arg8 : memref<200x128xf32, #tpu.memory_space<hbm>>) target(%dma_start3A_63 : memref<200x128xf32, #tpu.memory_space<vmem_shared>>) target_semaphore(%run_scoped3A : memref<!tpu.dma_semaphore, #tpu.memory_space<semaphore_mem>>)
        %dma_wait3A = arith.constant 0 : i32
        %dma_wait3A_64 = tpu.memref_slice %arg13[%mul3A_62, %dma_wait3A] : memref<10000x128xf32, #tpu.memory_space<vmem_shared>> -> memref<200x128xf32, #tpu.memory_space<vmem_shared>>
        tpu.wait_dma2 semaphore(%run_scoped3A : memref<!tpu.dma_semaphore, #tpu.memory_space<semaphore_mem>>) src(%arg8 : memref<200x128xf32, #tpu.memory_space<hbm>>) dst(%dma_wait3A_64 : memref<200x128xf32, #tpu.memory_space<vmem_shared>>)
        tpu.yield
      }) : () -> ()
    } else {
    }
    %add3A_17 = arith.constant 48 : i32
    %add3A_18 = arith.addi %arg1, %add3A_17 : i32
    %lt3A_19 = arith.constant 50 : i32
    %lt3A_20 = arith.cmpi slt, %add3A_18, %lt3A_19 : i32
    %convert_element_type3A_21 = arith.extui %lt3A_20 : i1 to i32
    %cond3A_22 = arith.constant 0 : i32
    %cond3A_23 = arith.cmpi ne, %convert_element_type3A_21, %cond3A_22 : i32
    scf.if %cond3A_23 {
      %mul3A = arith.constant 200 : i32
      %mul3A_62 = arith.muli %add3A_18, %mul3A : i32
      "tpu.region"() ({
        %run_scoped3A = tpu.sem_alloc : memref<!tpu.dma_semaphore, #tpu.memory_space<semaphore_mem>>
        %dma_start3A = arith.constant 0 : i32
        %dma_start3A_63 = tpu.memref_slice %arg13[%mul3A_62, %dma_start3A] : memref<10000x128xf32, #tpu.memory_space<vmem_shared>> -> memref<200x128xf32, #tpu.memory_space<vmem_shared>>
        tpu.enqueue_dma source(%arg8 : memref<200x128xf32, #tpu.memory_space<hbm>>) target(%dma_start3A_63 : memref<200x128xf32, #tpu.memory_space<vmem_shared>>) target_semaphore(%run_scoped3A : memref<!tpu.dma_semaphore, #tpu.memory_space<semaphore_mem>>)
        %dma_wait3A = arith.constant 0 : i32
        %dma_wait3A_64 = tpu.memref_slice %arg13[%mul3A_62, %dma_wait3A] : memref<10000x128xf32, #tpu.memory_space<vmem_shared>> -> memref<200x128xf32, #tpu.memory_space<vmem_shared>>
        tpu.wait_dma2 semaphore(%run_scoped3A : memref<!tpu.dma_semaphore, #tpu.memory_space<semaphore_mem>>) src(%arg8 : memref<200x128xf32, #tpu.memory_space<hbm>>) dst(%dma_wait3A_64 : memref<200x128xf32, #tpu.memory_space<vmem_shared>>)
        tpu.yield
      }) : () -> ()
    } else {
    }
    %barrier3A = arith.constant 0 : index
    tpu.barrier barrier_id(%barrier3A)
    %eq3A = arith.constant 0 : i32
    %eq3A_24 = arith.cmpi eq, %arg0, %eq3A : i32
    %convert_element_type3A_25 = arith.extui %eq3A_24 : i1 to i32
    %cond3A_26 = arith.constant 0 : i32
    %cond3A_27 = arith.cmpi ne, %convert_element_type3A_25, %cond3A_26 : i32
    scf.if %cond3A_27 {
      %scan3A = arith.constant 0 : i32
      %scan3A_62 = arith.constant 0 : i32
      %scan3A_63 = arith.constant 12 : i32
      %scan3A_64 = arith.addi %scan3A_62, %scan3A_63 : i32
      %scan3A_65 = arith.constant 1 : i32
      scf.for %scan3A_73 = %scan3A_62 to %scan3A_64 step %scan3A_65  : i32 {
        %mul3A = arith.constant 2400 : i32
        %mul3A_74 = arith.muli %arg1, %mul3A : i32
        %mul3A_75 = arith.constant 200 : i32
        %mul3A_76 = arith.muli %scan3A_73, %mul3A_75 : i32
        %add3A_77 = arith.addi %mul3A_74, %mul3A_76 : i32
        "tpu.region"() ({
          %run_scoped3A = tpu.sem_alloc : memref<!tpu.dma_semaphore, #tpu.memory_space<semaphore_mem>>
          %dma_start3A = tpu.memref_slice %arg4[%add3A_77] : memref<38400xi32, #tpu.memory_space<hbm>> -> memref<200xi32, #tpu.memory_space<hbm>>
          %dma_start3A_78 = tpu.memref_slice %arg4[%add3A_77] : memref<38400xi32, #tpu.memory_space<hbm>> -> memref<200xi32, #tpu.memory_space<hbm>>
          tpu.enqueue_dma source(%dma_start3A_78 : memref<200xi32, #tpu.memory_space<hbm>>) target(%arg11 : memref<200xi32, #tpu.memory_space<vmem>>) target_semaphore(%run_scoped3A : memref<!tpu.dma_semaphore, #tpu.memory_space<semaphore_mem>>)
          %dma_wait3A = tpu.memref_slice %arg4[%add3A_77] : memref<38400xi32, #tpu.memory_space<hbm>> -> memref<200xi32, #tpu.memory_space<hbm>>
          %dma_wait3A_79 = tpu.memref_slice %arg4[%add3A_77] : memref<38400xi32, #tpu.memory_space<hbm>> -> memref<200xi32, #tpu.memory_space<hbm>>
          tpu.wait_dma2 semaphore(%run_scoped3A : memref<!tpu.dma_semaphore, #tpu.memory_space<semaphore_mem>>) src(%dma_wait3A_79 : memref<200xi32, #tpu.memory_space<hbm>>) dst(%arg11 : memref<200xi32, #tpu.memory_space<vmem>>)
          tpu.yield
        }) : () -> ()
        "tpu.region"() ({
          %run_scoped3A = tpu.sem_alloc : memref<!tpu.dma_semaphore, #tpu.memory_space<semaphore_mem>>
          %dma_start3A = arith.constant 0 : i32
          %dma_start3A_78 = tpu.memref_slice %arg2[%add3A_77, %dma_start3A] : memref<38400x128xf32, #tpu.memory_space<hbm>> -> memref<200x128xf32, #tpu.memory_space<hbm>>
          %dma_start3A_79 = arith.constant 0 : i32
          %dma_start3A_80 = tpu.memref_slice %arg2[%add3A_77, %dma_start3A_79] : memref<38400x128xf32, #tpu.memory_space<hbm>> -> memref<200x128xf32, #tpu.memory_space<hbm>>
          tpu.enqueue_dma source(%dma_start3A_80 : memref<200x128xf32, #tpu.memory_space<hbm>>) target(%arg12 : memref<200x128xf32, #tpu.memory_space<vmem>>) target_semaphore(%run_scoped3A : memref<!tpu.dma_semaphore, #tpu.memory_space<semaphore_mem>>)
          %dma_wait3A = arith.constant 0 : i32
          %dma_wait3A_81 = tpu.memref_slice %arg2[%add3A_77, %dma_wait3A] : memref<38400x128xf32, #tpu.memory_space<hbm>> -> memref<200x128xf32, #tpu.memory_space<hbm>>
          %dma_wait3A_82 = arith.constant 0 : i32
          %dma_wait3A_83 = tpu.memref_slice %arg2[%add3A_77, %dma_wait3A_82] : memref<38400x128xf32, #tpu.memory_space<hbm>> -> memref<200x128xf32, #tpu.memory_space<hbm>>
          tpu.wait_dma2 semaphore(%run_scoped3A : memref<!tpu.dma_semaphore, #tpu.memory_space<semaphore_mem>>) src(%dma_wait3A_83 : memref<200x128xf32, #tpu.memory_space<hbm>>) dst(%arg12 : memref<200x128xf32, #tpu.memory_space<vmem>>)
          tpu.yield
        }) : () -> ()
        "tpu.region"() ({
          %run_scoped3A = tpu.sem_alloc : memref<!tpu.dma_semaphore, #tpu.memory_space<semaphore_mem>>
          %dma_start3A = arith.constant 0 : i32
          %dma_start3A_78 = arith.constant 0 : i32
          %dma_start3A_79 = tpu.memref_slice %arg13[%dma_start3A, %dma_start3A_78] : memref<10000x128xf32, #tpu.memory_space<vmem_shared>> -> memref<10000x128xf32, #tpu.memory_space<vmem_shared>>
          tpu.enqueue_indirect_dma source(%arg12 : memref<200x128xf32, #tpu.memory_space<vmem>>) target(%dma_start3A_79 : memref<10000x128xf32, #tpu.memory_space<vmem_shared>>) offsets(%arg11 : memref<200xi32, #tpu.memory_space<vmem>>) semaphore(%run_scoped3A : memref<!tpu.dma_semaphore, #tpu.memory_space<semaphore_mem>>) {add = true}
          %dma_wait3A = arith.constant 0 : i32
          %dma_wait3A_80 = arith.constant 0 : i32
          %dma_wait3A_81 = tpu.memref_slice %arg13[%dma_wait3A, %dma_wait3A_80] : memref<10000x128xf32, #tpu.memory_space<vmem_shared>> -> memref<10000x128xf32, #tpu.memory_space<vmem_shared>>
          tpu.wait_indirect_dma semaphore(%run_scoped3A : memref<!tpu.dma_semaphore, #tpu.memory_space<semaphore_mem>>) src(%arg12 : memref<200x128xf32, #tpu.memory_space<vmem>>) dst(%dma_wait3A_81 : memref<10000x128xf32, #tpu.memory_space<vmem_shared>>)
          tpu.yield
        }) : () -> ()
      }
      %scan3A_66 = arith.constant 12 : i32
      %scan3A_67 = arith.constant 0 : i32
      %scan3A_68 = arith.constant 0 : i32
      %scan3A_69 = arith.constant 12 : i32
      %scan3A_70 = arith.addi %scan3A_68, %scan3A_69 : i32
      %scan3A_71 = arith.constant 1 : i32
      scf.for %scan3A_73 = %scan3A_68 to %scan3A_70 step %scan3A_71  : i32 {
        %mul3A = arith.constant 2400 : i32
        %mul3A_74 = arith.muli %arg1, %mul3A : i32
        %mul3A_75 = arith.constant 200 : i32
        %mul3A_76 = arith.muli %scan3A_73, %mul3A_75 : i32
        %add3A_77 = arith.addi %mul3A_74, %mul3A_76 : i32
        "tpu.region"() ({
          %run_scoped3A = tpu.sem_alloc : memref<!tpu.dma_semaphore, #tpu.memory_space<semaphore_mem>>
          %dma_start3A = tpu.memref_slice %arg6[%add3A_77] : memref<38400xi32, #tpu.memory_space<hbm>> -> memref<200xi32, #tpu.memory_space<hbm>>
          %dma_start3A_78 = tpu.memref_slice %arg6[%add3A_77] : memref<38400xi32, #tpu.memory_space<hbm>> -> memref<200xi32, #tpu.memory_space<hbm>>
          tpu.enqueue_dma source(%dma_start3A_78 : memref<200xi32, #tpu.memory_space<hbm>>) target(%arg11 : memref<200xi32, #tpu.memory_space<vmem>>) target_semaphore(%run_scoped3A : memref<!tpu.dma_semaphore, #tpu.memory_space<semaphore_mem>>)
          %dma_wait3A = tpu.memref_slice %arg6[%add3A_77] : memref<38400xi32, #tpu.memory_space<hbm>> -> memref<200xi32, #tpu.memory_space<hbm>>
          %dma_wait3A_79 = tpu.memref_slice %arg6[%add3A_77] : memref<38400xi32, #tpu.memory_space<hbm>> -> memref<200xi32, #tpu.memory_space<hbm>>
          tpu.wait_dma2 semaphore(%run_scoped3A : memref<!tpu.dma_semaphore, #tpu.memory_space<semaphore_mem>>) src(%dma_wait3A_79 : memref<200xi32, #tpu.memory_space<hbm>>) dst(%arg11 : memref<200xi32, #tpu.memory_space<vmem>>)
          tpu.yield
        }) : () -> ()
        "tpu.region"() ({
          %run_scoped3A = tpu.sem_alloc : memref<!tpu.dma_semaphore, #tpu.memory_space<semaphore_mem>>
          %dma_start3A = arith.constant 0 : i32
          %dma_start3A_78 = tpu.memref_slice %arg3[%add3A_77, %dma_start3A] : memref<38400x128xf32, #tpu.memory_space<hbm>> -> memref<200x128xf32, #tpu.memory_space<hbm>>
          %dma_start3A_79 = arith.constant 0 : i32
          %dma_start3A_80 = tpu.memref_slice %arg3[%add3A_77, %dma_start3A_79] : memref<38400x128xf32, #tpu.memory_space<hbm>> -> memref<200x128xf32, #tpu.memory_space<hbm>>
          tpu.enqueue_dma source(%dma_start3A_80 : memref<200x128xf32, #tpu.memory_space<hbm>>) target(%arg12 : memref<200x128xf32, #tpu.memory_space<vmem>>) target_semaphore(%run_scoped3A : memref<!tpu.dma_semaphore, #tpu.memory_space<semaphore_mem>>)
          %dma_wait3A = arith.constant 0 : i32
          %dma_wait3A_81 = tpu.memref_slice %arg3[%add3A_77, %dma_wait3A] : memref<38400x128xf32, #tpu.memory_space<hbm>> -> memref<200x128xf32, #tpu.memory_space<hbm>>
          %dma_wait3A_82 = arith.constant 0 : i32
          %dma_wait3A_83 = tpu.memref_slice %arg3[%add3A_77, %dma_wait3A_82] : memref<38400x128xf32, #tpu.memory_space<hbm>> -> memref<200x128xf32, #tpu.memory_space<hbm>>
          tpu.wait_dma2 semaphore(%run_scoped3A : memref<!tpu.dma_semaphore, #tpu.memory_space<semaphore_mem>>) src(%dma_wait3A_83 : memref<200x128xf32, #tpu.memory_space<hbm>>) dst(%arg12 : memref<200x128xf32, #tpu.memory_space<vmem>>)
          tpu.yield
        }) : () -> ()
        "tpu.region"() ({
          %run_scoped3A = tpu.sem_alloc : memref<!tpu.dma_semaphore, #tpu.memory_space<semaphore_mem>>
          %dma_start3A = arith.constant 0 : i32
          %dma_start3A_78 = arith.constant 0 : i32
          %dma_start3A_79 = tpu.memref_slice %arg13[%dma_start3A, %dma_start3A_78] : memref<10000x128xf32, #tpu.memory_space<vmem_shared>> -> memref<10000x128xf32, #tpu.memory_space<vmem_shared>>
          tpu.enqueue_indirect_dma source(%arg12 : memref<200x128xf32, #tpu.memory_space<vmem>>) target(%dma_start3A_79 : memref<10000x128xf32, #tpu.memory_space<vmem_shared>>) offsets(%arg11 : memref<200xi32, #tpu.memory_space<vmem>>) semaphore(%run_scoped3A : memref<!tpu.dma_semaphore, #tpu.memory_space<semaphore_mem>>) {add = true}
          %dma_wait3A = arith.constant 0 : i32
          %dma_wait3A_80 = arith.constant 0 : i32
          %dma_wait3A_81 = tpu.memref_slice %arg13[%dma_wait3A, %dma_wait3A_80] : memref<10000x128xf32, #tpu.memory_space<vmem_shared>> -> memref<10000x128xf32, #tpu.memory_space<vmem_shared>>
          tpu.wait_indirect_dma semaphore(%run_scoped3A : memref<!tpu.dma_semaphore, #tpu.memory_space<semaphore_mem>>) src(%arg12 : memref<200x128xf32, #tpu.memory_space<vmem>>) dst(%dma_wait3A_81 : memref<10000x128xf32, #tpu.memory_space<vmem_shared>>)
          tpu.yield
        }) : () -> ()
      }
      %scan3A_72 = arith.constant 12 : i32
    } else {
    }
    %eq3A_28 = arith.constant 1 : i32
    %eq3A_29 = arith.cmpi eq, %arg0, %eq3A_28 : i32
    %convert_element_type3A_30 = arith.extui %eq3A_29 : i1 to i32
    %cond3A_31 = arith.constant 0 : i32
    %cond3A_32 = arith.cmpi ne, %convert_element_type3A_30, %cond3A_31 : i32
    scf.if %cond3A_32 {
      %scan3A = arith.constant 0 : i32
      %scan3A_62 = arith.constant 0 : i32
      %scan3A_63 = arith.constant 12 : i32
      %scan3A_64 = arith.addi %scan3A_62, %scan3A_63 : i32
      %scan3A_65 = arith.constant 1 : i32
      scf.for %scan3A_73 = %scan3A_62 to %scan3A_64 step %scan3A_65  : i32 {
        %mul3A = arith.constant 2400 : i32
        %mul3A_74 = arith.muli %arg1, %mul3A : i32
        %mul3A_75 = arith.constant 200 : i32
        %mul3A_76 = arith.muli %scan3A_73, %mul3A_75 : i32
        %add3A_77 = arith.addi %mul3A_74, %mul3A_76 : i32
        "tpu.region"() ({
          %run_scoped3A = tpu.sem_alloc : memref<!tpu.dma_semaphore, #tpu.memory_space<semaphore_mem>>
          %dma_start3A = tpu.memref_slice %arg5[%add3A_77] : memref<38400xi32, #tpu.memory_space<hbm>> -> memref<200xi32, #tpu.memory_space<hbm>>
          %dma_start3A_78 = tpu.memref_slice %arg5[%add3A_77] : memref<38400xi32, #tpu.memory_space<hbm>> -> memref<200xi32, #tpu.memory_space<hbm>>
          tpu.enqueue_dma source(%dma_start3A_78 : memref<200xi32, #tpu.memory_space<hbm>>) target(%arg11 : memref<200xi32, #tpu.memory_space<vmem>>) target_semaphore(%run_scoped3A : memref<!tpu.dma_semaphore, #tpu.memory_space<semaphore_mem>>)
          %dma_wait3A = tpu.memref_slice %arg5[%add3A_77] : memref<38400xi32, #tpu.memory_space<hbm>> -> memref<200xi32, #tpu.memory_space<hbm>>
          %dma_wait3A_79 = tpu.memref_slice %arg5[%add3A_77] : memref<38400xi32, #tpu.memory_space<hbm>> -> memref<200xi32, #tpu.memory_space<hbm>>
          tpu.wait_dma2 semaphore(%run_scoped3A : memref<!tpu.dma_semaphore, #tpu.memory_space<semaphore_mem>>) src(%dma_wait3A_79 : memref<200xi32, #tpu.memory_space<hbm>>) dst(%arg11 : memref<200xi32, #tpu.memory_space<vmem>>)
          tpu.yield
        }) : () -> ()
        "tpu.region"() ({
          %run_scoped3A = tpu.sem_alloc : memref<!tpu.dma_semaphore, #tpu.memory_space<semaphore_mem>>
          %dma_start3A = arith.constant 0 : i32
          %dma_start3A_78 = tpu.memref_slice %arg2[%add3A_77, %dma_start3A] : memref<38400x128xf32, #tpu.memory_space<hbm>> -> memref<200x128xf32, #tpu.memory_space<hbm>>
          %dma_start3A_79 = arith.constant 0 : i32
          %dma_start3A_80 = tpu.memref_slice %arg2[%add3A_77, %dma_start3A_79] : memref<38400x128xf32, #tpu.memory_space<hbm>> -> memref<200x128xf32, #tpu.memory_space<hbm>>
          tpu.enqueue_dma source(%dma_start3A_80 : memref<200x128xf32, #tpu.memory_space<hbm>>) target(%arg12 : memref<200x128xf32, #tpu.memory_space<vmem>>) target_semaphore(%run_scoped3A : memref<!tpu.dma_semaphore, #tpu.memory_space<semaphore_mem>>)
          %dma_wait3A = arith.constant 0 : i32
          %dma_wait3A_81 = tpu.memref_slice %arg2[%add3A_77, %dma_wait3A] : memref<38400x128xf32, #tpu.memory_space<hbm>> -> memref<200x128xf32, #tpu.memory_space<hbm>>
          %dma_wait3A_82 = arith.constant 0 : i32
          %dma_wait3A_83 = tpu.memref_slice %arg2[%add3A_77, %dma_wait3A_82] : memref<38400x128xf32, #tpu.memory_space<hbm>> -> memref<200x128xf32, #tpu.memory_space<hbm>>
          tpu.wait_dma2 semaphore(%run_scoped3A : memref<!tpu.dma_semaphore, #tpu.memory_space<semaphore_mem>>) src(%dma_wait3A_83 : memref<200x128xf32, #tpu.memory_space<hbm>>) dst(%arg12 : memref<200x128xf32, #tpu.memory_space<vmem>>)
          tpu.yield
        }) : () -> ()
        "tpu.region"() ({
          %run_scoped3A = tpu.sem_alloc : memref<!tpu.dma_semaphore, #tpu.memory_space<semaphore_mem>>
          %dma_start3A = arith.constant 0 : i32
          %dma_start3A_78 = arith.constant 0 : i32
          %dma_start3A_79 = tpu.memref_slice %arg13[%dma_start3A, %dma_start3A_78] : memref<10000x128xf32, #tpu.memory_space<vmem_shared>> -> memref<10000x128xf32, #tpu.memory_space<vmem_shared>>
          tpu.enqueue_indirect_dma source(%arg12 : memref<200x128xf32, #tpu.memory_space<vmem>>) target(%dma_start3A_79 : memref<10000x128xf32, #tpu.memory_space<vmem_shared>>) offsets(%arg11 : memref<200xi32, #tpu.memory_space<vmem>>) semaphore(%run_scoped3A : memref<!tpu.dma_semaphore, #tpu.memory_space<semaphore_mem>>) {add = true}
          %dma_wait3A = arith.constant 0 : i32
          %dma_wait3A_80 = arith.constant 0 : i32
          %dma_wait3A_81 = tpu.memref_slice %arg13[%dma_wait3A, %dma_wait3A_80] : memref<10000x128xf32, #tpu.memory_space<vmem_shared>> -> memref<10000x128xf32, #tpu.memory_space<vmem_shared>>
          tpu.wait_indirect_dma semaphore(%run_scoped3A : memref<!tpu.dma_semaphore, #tpu.memory_space<semaphore_mem>>) src(%arg12 : memref<200x128xf32, #tpu.memory_space<vmem>>) dst(%dma_wait3A_81 : memref<10000x128xf32, #tpu.memory_space<vmem_shared>>)
          tpu.yield
        }) : () -> ()
      }
      %scan3A_66 = arith.constant 12 : i32
      %scan3A_67 = arith.constant 0 : i32
      %scan3A_68 = arith.constant 0 : i32
      %scan3A_69 = arith.constant 12 : i32
      %scan3A_70 = arith.addi %scan3A_68, %scan3A_69 : i32
      %scan3A_71 = arith.constant 1 : i32
      scf.for %scan3A_73 = %scan3A_68 to %scan3A_70 step %scan3A_71  : i32 {
        %mul3A = arith.constant 2400 : i32
        %mul3A_74 = arith.muli %arg1, %mul3A : i32
        %mul3A_75 = arith.constant 200 : i32
        %mul3A_76 = arith.muli %scan3A_73, %mul3A_75 : i32
        %add3A_77 = arith.addi %mul3A_74, %mul3A_76 : i32
        "tpu.region"() ({
          %run_scoped3A = tpu.sem_alloc : memref<!tpu.dma_semaphore, #tpu.memory_space<semaphore_mem>>
          %dma_start3A = tpu.memref_slice %arg7[%add3A_77] : memref<38400xi32, #tpu.memory_space<hbm>> -> memref<200xi32, #tpu.memory_space<hbm>>
          %dma_start3A_78 = tpu.memref_slice %arg7[%add3A_77] : memref<38400xi32, #tpu.memory_space<hbm>> -> memref<200xi32, #tpu.memory_space<hbm>>
          tpu.enqueue_dma source(%dma_start3A_78 : memref<200xi32, #tpu.memory_space<hbm>>) target(%arg11 : memref<200xi32, #tpu.memory_space<vmem>>) target_semaphore(%run_scoped3A : memref<!tpu.dma_semaphore, #tpu.memory_space<semaphore_mem>>)
          %dma_wait3A = tpu.memref_slice %arg7[%add3A_77] : memref<38400xi32, #tpu.memory_space<hbm>> -> memref<200xi32, #tpu.memory_space<hbm>>
          %dma_wait3A_79 = tpu.memref_slice %arg7[%add3A_77] : memref<38400xi32, #tpu.memory_space<hbm>> -> memref<200xi32, #tpu.memory_space<hbm>>
          tpu.wait_dma2 semaphore(%run_scoped3A : memref<!tpu.dma_semaphore, #tpu.memory_space<semaphore_mem>>) src(%dma_wait3A_79 : memref<200xi32, #tpu.memory_space<hbm>>) dst(%arg11 : memref<200xi32, #tpu.memory_space<vmem>>)
          tpu.yield
        }) : () -> ()
        "tpu.region"() ({
          %run_scoped3A = tpu.sem_alloc : memref<!tpu.dma_semaphore, #tpu.memory_space<semaphore_mem>>
          %dma_start3A = arith.constant 0 : i32
          %dma_start3A_78 = tpu.memref_slice %arg3[%add3A_77, %dma_start3A] : memref<38400x128xf32, #tpu.memory_space<hbm>> -> memref<200x128xf32, #tpu.memory_space<hbm>>
          %dma_start3A_79 = arith.constant 0 : i32
          %dma_start3A_80 = tpu.memref_slice %arg3[%add3A_77, %dma_start3A_79] : memref<38400x128xf32, #tpu.memory_space<hbm>> -> memref<200x128xf32, #tpu.memory_space<hbm>>
          tpu.enqueue_dma source(%dma_start3A_80 : memref<200x128xf32, #tpu.memory_space<hbm>>) target(%arg12 : memref<200x128xf32, #tpu.memory_space<vmem>>) target_semaphore(%run_scoped3A : memref<!tpu.dma_semaphore, #tpu.memory_space<semaphore_mem>>)
          %dma_wait3A = arith.constant 0 : i32
          %dma_wait3A_81 = tpu.memref_slice %arg3[%add3A_77, %dma_wait3A] : memref<38400x128xf32, #tpu.memory_space<hbm>> -> memref<200x128xf32, #tpu.memory_space<hbm>>
          %dma_wait3A_82 = arith.constant 0 : i32
          %dma_wait3A_83 = tpu.memref_slice %arg3[%add3A_77, %dma_wait3A_82] : memref<38400x128xf32, #tpu.memory_space<hbm>> -> memref<200x128xf32, #tpu.memory_space<hbm>>
          tpu.wait_dma2 semaphore(%run_scoped3A : memref<!tpu.dma_semaphore, #tpu.memory_space<semaphore_mem>>) src(%dma_wait3A_83 : memref<200x128xf32, #tpu.memory_space<hbm>>) dst(%arg12 : memref<200x128xf32, #tpu.memory_space<vmem>>)
          tpu.yield
        }) : () -> ()
        "tpu.region"() ({
          %run_scoped3A = tpu.sem_alloc : memref<!tpu.dma_semaphore, #tpu.memory_space<semaphore_mem>>
          %dma_start3A = arith.constant 0 : i32
          %dma_start3A_78 = arith.constant 0 : i32
          %dma_start3A_79 = tpu.memref_slice %arg13[%dma_start3A, %dma_start3A_78] : memref<10000x128xf32, #tpu.memory_space<vmem_shared>> -> memref<10000x128xf32, #tpu.memory_space<vmem_shared>>
          tpu.enqueue_indirect_dma source(%arg12 : memref<200x128xf32, #tpu.memory_space<vmem>>) target(%dma_start3A_79 : memref<10000x128xf32, #tpu.memory_space<vmem_shared>>) offsets(%arg11 : memref<200xi32, #tpu.memory_space<vmem>>) semaphore(%run_scoped3A : memref<!tpu.dma_semaphore, #tpu.memory_space<semaphore_mem>>) {add = true}
          %dma_wait3A = arith.constant 0 : i32
          %dma_wait3A_80 = arith.constant 0 : i32
          %dma_wait3A_81 = tpu.memref_slice %arg13[%dma_wait3A, %dma_wait3A_80] : memref<10000x128xf32, #tpu.memory_space<vmem_shared>> -> memref<10000x128xf32, #tpu.memory_space<vmem_shared>>
          tpu.wait_indirect_dma semaphore(%run_scoped3A : memref<!tpu.dma_semaphore, #tpu.memory_space<semaphore_mem>>) src(%arg12 : memref<200x128xf32, #tpu.memory_space<vmem>>) dst(%dma_wait3A_81 : memref<10000x128xf32, #tpu.memory_space<vmem_shared>>)
          tpu.yield
        }) : () -> ()
      }
      %scan3A_72 = arith.constant 12 : i32
    } else {
    }
    %barrier3A_33 = arith.constant 0 : index
    tpu.barrier barrier_id(%barrier3A_33)
    %add3A_34 = arith.constant 0 : i32
    %add3A_35 = arith.addi %arg1, %add3A_34 : i32
    %lt3A_36 = arith.constant 50 : i32
    %lt3A_37 = arith.cmpi slt, %add3A_35, %lt3A_36 : i32
    %convert_element_type3A_38 = arith.extui %lt3A_37 : i1 to i32
    %cond3A_39 = arith.constant 0 : i32
    %cond3A_40 = arith.cmpi ne, %convert_element_type3A_38, %cond3A_39 : i32
    scf.if %cond3A_40 {
      %mul3A = arith.constant 200 : i32
      %mul3A_62 = arith.muli %add3A_35, %mul3A : i32
      %eq3A_63 = arith.constant 0 : i32
      %eq3A_64 = arith.cmpi eq, %arg0, %eq3A_63 : i32
      %convert_element_type3A_65 = arith.extui %eq3A_64 : i1 to i32
      %cond3A_66 = arith.constant 0 : i32
      %cond3A_67 = arith.cmpi ne, %convert_element_type3A_65, %cond3A_66 : i32
      scf.if %cond3A_67 {
        "tpu.region"() ({
          %run_scoped3A = tpu.sem_alloc : memref<!tpu.dma_semaphore, #tpu.memory_space<semaphore_mem>>
          %dma_start3A = arith.constant 0 : i32
          %dma_start3A_73 = tpu.memref_slice %arg9[%mul3A_62, %dma_start3A] : memref<10000x128xf32, #tpu.memory_space<hbm>> -> memref<200x128xf32, #tpu.memory_space<hbm>>
          %dma_start3A_74 = arith.constant 0 : i32
          %dma_start3A_75 = tpu.memref_slice %arg13[%mul3A_62, %dma_start3A_74] : memref<10000x128xf32, #tpu.memory_space<vmem_shared>> -> memref<200x128xf32, #tpu.memory_space<vmem_shared>>
          tpu.enqueue_dma source(%dma_start3A_75 : memref<200x128xf32, #tpu.memory_space<vmem_shared>>) target(%dma_start3A_73 : memref<200x128xf32, #tpu.memory_space<hbm>>) target_semaphore(%run_scoped3A : memref<!tpu.dma_semaphore, #tpu.memory_space<semaphore_mem>>)
          %dma_wait3A = arith.constant 0 : i32
          %dma_wait3A_76 = tpu.memref_slice %arg9[%mul3A_62, %dma_wait3A] : memref<10000x128xf32, #tpu.memory_space<hbm>> -> memref<200x128xf32, #tpu.memory_space<hbm>>
          %dma_wait3A_77 = arith.constant 0 : i32
          %dma_wait3A_78 = tpu.memref_slice %arg13[%mul3A_62, %dma_wait3A_77] : memref<10000x128xf32, #tpu.memory_space<vmem_shared>> -> memref<200x128xf32, #tpu.memory_space<vmem_shared>>
          tpu.wait_dma2 semaphore(%run_scoped3A : memref<!tpu.dma_semaphore, #tpu.memory_space<semaphore_mem>>) src(%dma_wait3A_78 : memref<200x128xf32, #tpu.memory_space<vmem_shared>>) dst(%dma_wait3A_76 : memref<200x128xf32, #tpu.memory_space<hbm>>)
          tpu.yield
        }) : () -> ()
      } else {
      }
      %eq3A_68 = arith.constant 1 : i32
      %eq3A_69 = arith.cmpi eq, %arg0, %eq3A_68 : i32
      %convert_element_type3A_70 = arith.extui %eq3A_69 : i1 to i32
      %cond3A_71 = arith.constant 0 : i32
      %cond3A_72 = arith.cmpi ne, %convert_element_type3A_70, %cond3A_71 : i32
      scf.if %cond3A_72 {
        "tpu.region"() ({
          %run_scoped3A = tpu.sem_alloc : memref<!tpu.dma_semaphore, #tpu.memory_space<semaphore_mem>>
          %dma_start3A = arith.constant 0 : i32
          %dma_start3A_73 = tpu.memref_slice %arg10[%mul3A_62, %dma_start3A] : memref<10000x128xf32, #tpu.memory_space<hbm>> -> memref<200x128xf32, #tpu.memory_space<hbm>>
          %dma_start3A_74 = arith.constant 0 : i32
          %dma_start3A_75 = tpu.memref_slice %arg13[%mul3A_62, %dma_start3A_74] : memref<10000x128xf32, #tpu.memory_space<vmem_shared>> -> memref<200x128xf32, #tpu.memory_space<vmem_shared>>
          tpu.enqueue_dma source(%dma_start3A_75 : memref<200x128xf32, #tpu.memory_space<vmem_shared>>) target(%dma_start3A_73 : memref<200x128xf32, #tpu.memory_space<hbm>>) target_semaphore(%run_scoped3A : memref<!tpu.dma_semaphore, #tpu.memory_space<semaphore_mem>>)
          %dma_wait3A = arith.constant 0 : i32
          %dma_wait3A_76 = tpu.memref_slice %arg10[%mul3A_62, %dma_wait3A] : memref<10000x128xf32, #tpu.memory_space<hbm>> -> memref<200x128xf32, #tpu.memory_space<hbm>>
          %dma_wait3A_77 = arith.constant 0 : i32
          %dma_wait3A_78 = tpu.memref_slice %arg13[%mul3A_62, %dma_wait3A_77] : memref<10000x128xf32, #tpu.memory_space<vmem_shared>> -> memref<200x128xf32, #tpu.memory_space<vmem_shared>>
          tpu.wait_dma2 semaphore(%run_scoped3A : memref<!tpu.dma_semaphore, #tpu.memory_space<semaphore_mem>>) src(%dma_wait3A_78 : memref<200x128xf32, #tpu.memory_space<vmem_shared>>) dst(%dma_wait3A_76 : memref<200x128xf32, #tpu.memory_space<hbm>>)
          tpu.yield
        }) : () -> ()
      } else {
      }
    } else {
    }
    %add3A_41 = arith.constant 16 : i32
    %add3A_42 = arith.addi %arg1, %add3A_41 : i32
    %lt3A_43 = arith.constant 50 : i32
    %lt3A_44 = arith.cmpi slt, %add3A_42, %lt3A_43 : i32
    %convert_element_type3A_45 = arith.extui %lt3A_44 : i1 to i32
    %cond3A_46 = arith.constant 0 : i32
    %cond3A_47 = arith.cmpi ne, %convert_element_type3A_45, %cond3A_46 : i32
    scf.if %cond3A_47 {
      %mul3A = arith.constant 200 : i32
      %mul3A_62 = arith.muli %add3A_42, %mul3A : i32
      %eq3A_63 = arith.constant 0 : i32
      %eq3A_64 = arith.cmpi eq, %arg0, %eq3A_63 : i32
      %convert_element_type3A_65 = arith.extui %eq3A_64 : i1 to i32
      %cond3A_66 = arith.constant 0 : i32
      %cond3A_67 = arith.cmpi ne, %convert_element_type3A_65, %cond3A_66 : i32
      scf.if %cond3A_67 {
        "tpu.region"() ({
          %run_scoped3A = tpu.sem_alloc : memref<!tpu.dma_semaphore, #tpu.memory_space<semaphore_mem>>
          %dma_start3A = arith.constant 0 : i32
          %dma_start3A_73 = tpu.memref_slice %arg9[%mul3A_62, %dma_start3A] : memref<10000x128xf32, #tpu.memory_space<hbm>> -> memref<200x128xf32, #tpu.memory_space<hbm>>
          %dma_start3A_74 = arith.constant 0 : i32
          %dma_start3A_75 = tpu.memref_slice %arg13[%mul3A_62, %dma_start3A_74] : memref<10000x128xf32, #tpu.memory_space<vmem_shared>> -> memref<200x128xf32, #tpu.memory_space<vmem_shared>>
          tpu.enqueue_dma source(%dma_start3A_75 : memref<200x128xf32, #tpu.memory_space<vmem_shared>>) target(%dma_start3A_73 : memref<200x128xf32, #tpu.memory_space<hbm>>) target_semaphore(%run_scoped3A : memref<!tpu.dma_semaphore, #tpu.memory_space<semaphore_mem>>)
          %dma_wait3A = arith.constant 0 : i32
          %dma_wait3A_76 = tpu.memref_slice %arg9[%mul3A_62, %dma_wait3A] : memref<10000x128xf32, #tpu.memory_space<hbm>> -> memref<200x128xf32, #tpu.memory_space<hbm>>
          %dma_wait3A_77 = arith.constant 0 : i32
          %dma_wait3A_78 = tpu.memref_slice %arg13[%mul3A_62, %dma_wait3A_77] : memref<10000x128xf32, #tpu.memory_space<vmem_shared>> -> memref<200x128xf32, #tpu.memory_space<vmem_shared>>
          tpu.wait_dma2 semaphore(%run_scoped3A : memref<!tpu.dma_semaphore, #tpu.memory_space<semaphore_mem>>) src(%dma_wait3A_78 : memref<200x128xf32, #tpu.memory_space<vmem_shared>>) dst(%dma_wait3A_76 : memref<200x128xf32, #tpu.memory_space<hbm>>)
          tpu.yield
        }) : () -> ()
      } else {
      }
      %eq3A_68 = arith.constant 1 : i32
      %eq3A_69 = arith.cmpi eq, %arg0, %eq3A_68 : i32
      %convert_element_type3A_70 = arith.extui %eq3A_69 : i1 to i32
      %cond3A_71 = arith.constant 0 : i32
      %cond3A_72 = arith.cmpi ne, %convert_element_type3A_70, %cond3A_71 : i32
      scf.if %cond3A_72 {
        "tpu.region"() ({
          %run_scoped3A = tpu.sem_alloc : memref<!tpu.dma_semaphore, #tpu.memory_space<semaphore_mem>>
          %dma_start3A = arith.constant 0 : i32
          %dma_start3A_73 = tpu.memref_slice %arg10[%mul3A_62, %dma_start3A] : memref<10000x128xf32, #tpu.memory_space<hbm>> -> memref<200x128xf32, #tpu.memory_space<hbm>>
          %dma_start3A_74 = arith.constant 0 : i32
          %dma_start3A_75 = tpu.memref_slice %arg13[%mul3A_62, %dma_start3A_74] : memref<10000x128xf32, #tpu.memory_space<vmem_shared>> -> memref<200x128xf32, #tpu.memory_space<vmem_shared>>
          tpu.enqueue_dma source(%dma_start3A_75 : memref<200x128xf32, #tpu.memory_space<vmem_shared>>) target(%dma_start3A_73 : memref<200x128xf32, #tpu.memory_space<hbm>>) target_semaphore(%run_scoped3A : memref<!tpu.dma_semaphore, #tpu.memory_space<semaphore_mem>>)
          %dma_wait3A = arith.constant 0 : i32
          %dma_wait3A_76 = tpu.memref_slice %arg10[%mul3A_62, %dma_wait3A] : memref<10000x128xf32, #tpu.memory_space<hbm>> -> memref<200x128xf32, #tpu.memory_space<hbm>>
          %dma_wait3A_77 = arith.constant 0 : i32
          %dma_wait3A_78 = tpu.memref_slice %arg13[%mul3A_62, %dma_wait3A_77] : memref<10000x128xf32, #tpu.memory_space<vmem_shared>> -> memref<200x128xf32, #tpu.memory_space<vmem_shared>>
          tpu.wait_dma2 semaphore(%run_scoped3A : memref<!tpu.dma_semaphore, #tpu.memory_space<semaphore_mem>>) src(%dma_wait3A_78 : memref<200x128xf32, #tpu.memory_space<vmem_shared>>) dst(%dma_wait3A_76 : memref<200x128xf32, #tpu.memory_space<hbm>>)
          tpu.yield
        }) : () -> ()
      } else {
      }
    } else {
    }
    %add3A_48 = arith.constant 32 : i32
    %add3A_49 = arith.addi %arg1, %add3A_48 : i32
    %lt3A_50 = arith.constant 50 : i32
    %lt3A_51 = arith.cmpi slt, %add3A_49, %lt3A_50 : i32
    %convert_element_type3A_52 = arith.extui %lt3A_51 : i1 to i32
    %cond3A_53 = arith.constant 0 : i32
    %cond3A_54 = arith.cmpi ne, %convert_element_type3A_52, %cond3A_53 : i32
    scf.if %cond3A_54 {
      %mul3A = arith.constant 200 : i32
      %mul3A_62 = arith.muli %add3A_49, %mul3A : i32
      %eq3A_63 = arith.constant 0 : i32
      %eq3A_64 = arith.cmpi eq, %arg0, %eq3A_63 : i32
      %convert_element_type3A_65 = arith.extui %eq3A_64 : i1 to i32
      %cond3A_66 = arith.constant 0 : i32
      %cond3A_67 = arith.cmpi ne, %convert_element_type3A_65, %cond3A_66 : i32
      scf.if %cond3A_67 {
        "tpu.region"() ({
          %run_scoped3A = tpu.sem_alloc : memref<!tpu.dma_semaphore, #tpu.memory_space<semaphore_mem>>
          %dma_start3A = arith.constant 0 : i32
          %dma_start3A_73 = tpu.memref_slice %arg9[%mul3A_62, %dma_start3A] : memref<10000x128xf32, #tpu.memory_space<hbm>> -> memref<200x128xf32, #tpu.memory_space<hbm>>
          %dma_start3A_74 = arith.constant 0 : i32
          %dma_start3A_75 = tpu.memref_slice %arg13[%mul3A_62, %dma_start3A_74] : memref<10000x128xf32, #tpu.memory_space<vmem_shared>> -> memref<200x128xf32, #tpu.memory_space<vmem_shared>>
          tpu.enqueue_dma source(%dma_start3A_75 : memref<200x128xf32, #tpu.memory_space<vmem_shared>>) target(%dma_start3A_73 : memref<200x128xf32, #tpu.memory_space<hbm>>) target_semaphore(%run_scoped3A : memref<!tpu.dma_semaphore, #tpu.memory_space<semaphore_mem>>)
          %dma_wait3A = arith.constant 0 : i32
          %dma_wait3A_76 = tpu.memref_slice %arg9[%mul3A_62, %dma_wait3A] : memref<10000x128xf32, #tpu.memory_space<hbm>> -> memref<200x128xf32, #tpu.memory_space<hbm>>
          %dma_wait3A_77 = arith.constant 0 : i32
          %dma_wait3A_78 = tpu.memref_slice %arg13[%mul3A_62, %dma_wait3A_77] : memref<10000x128xf32, #tpu.memory_space<vmem_shared>> -> memref<200x128xf32, #tpu.memory_space<vmem_shared>>
          tpu.wait_dma2 semaphore(%run_scoped3A : memref<!tpu.dma_semaphore, #tpu.memory_space<semaphore_mem>>) src(%dma_wait3A_78 : memref<200x128xf32, #tpu.memory_space<vmem_shared>>) dst(%dma_wait3A_76 : memref<200x128xf32, #tpu.memory_space<hbm>>)
          tpu.yield
        }) : () -> ()
      } else {
      }
      %eq3A_68 = arith.constant 1 : i32
      %eq3A_69 = arith.cmpi eq, %arg0, %eq3A_68 : i32
      %convert_element_type3A_70 = arith.extui %eq3A_69 : i1 to i32
      %cond3A_71 = arith.constant 0 : i32
      %cond3A_72 = arith.cmpi ne, %convert_element_type3A_70, %cond3A_71 : i32
      scf.if %cond3A_72 {
        "tpu.region"() ({
          %run_scoped3A = tpu.sem_alloc : memref<!tpu.dma_semaphore, #tpu.memory_space<semaphore_mem>>
          %dma_start3A = arith.constant 0 : i32
          %dma_start3A_73 = tpu.memref_slice %arg10[%mul3A_62, %dma_start3A] : memref<10000x128xf32, #tpu.memory_space<hbm>> -> memref<200x128xf32, #tpu.memory_space<hbm>>
          %dma_start3A_74 = arith.constant 0 : i32
          %dma_start3A_75 = tpu.memref_slice %arg13[%mul3A_62, %dma_start3A_74] : memref<10000x128xf32, #tpu.memory_space<vmem_shared>> -> memref<200x128xf32, #tpu.memory_space<vmem_shared>>
          tpu.enqueue_dma source(%dma_start3A_75 : memref<200x128xf32, #tpu.memory_space<vmem_shared>>) target(%dma_start3A_73 : memref<200x128xf32, #tpu.memory_space<hbm>>) target_semaphore(%run_scoped3A : memref<!tpu.dma_semaphore, #tpu.memory_space<semaphore_mem>>)
          %dma_wait3A = arith.constant 0 : i32
          %dma_wait3A_76 = tpu.memref_slice %arg10[%mul3A_62, %dma_wait3A] : memref<10000x128xf32, #tpu.memory_space<hbm>> -> memref<200x128xf32, #tpu.memory_space<hbm>>
          %dma_wait3A_77 = arith.constant 0 : i32
          %dma_wait3A_78 = tpu.memref_slice %arg13[%mul3A_62, %dma_wait3A_77] : memref<10000x128xf32, #tpu.memory_space<vmem_shared>> -> memref<200x128xf32, #tpu.memory_space<vmem_shared>>
          tpu.wait_dma2 semaphore(%run_scoped3A : memref<!tpu.dma_semaphore, #tpu.memory_space<semaphore_mem>>) src(%dma_wait3A_78 : memref<200x128xf32, #tpu.memory_space<vmem_shared>>) dst(%dma_wait3A_76 : memref<200x128xf32, #tpu.memory_space<hbm>>)
          tpu.yield
        }) : () -> ()
      } else {
      }
    } else {
    }
    %add3A_55 = arith.constant 48 : i32
    %add3A_56 = arith.addi %arg1, %add3A_55 : i32
    %lt3A_57 = arith.constant 50 : i32
    %lt3A_58 = arith.cmpi slt, %add3A_56, %lt3A_57 : i32
    %convert_element_type3A_59 = arith.extui %lt3A_58 : i1 to i32
    %cond3A_60 = arith.constant 0 : i32
    %cond3A_61 = arith.cmpi ne, %convert_element_type3A_59, %cond3A_60 : i32
    scf.if %cond3A_61 {
      %mul3A = arith.constant 200 : i32
      %mul3A_62 = arith.muli %add3A_56, %mul3A : i32
      %eq3A_63 = arith.constant 0 : i32
      %eq3A_64 = arith.cmpi eq, %arg0, %eq3A_63 : i32
      %convert_element_type3A_65 = arith.extui %eq3A_64 : i1 to i32
      %cond3A_66 = arith.constant 0 : i32
      %cond3A_67 = arith.cmpi ne, %convert_element_type3A_65, %cond3A_66 : i32
      scf.if %cond3A_67 {
        "tpu.region"() ({
          %run_scoped3A = tpu.sem_alloc : memref<!tpu.dma_semaphore, #tpu.memory_space<semaphore_mem>>
          %dma_start3A = arith.constant 0 : i32
          %dma_start3A_73 = tpu.memref_slice %arg9[%mul3A_62, %dma_start3A] : memref<10000x128xf32, #tpu.memory_space<hbm>> -> memref<200x128xf32, #tpu.memory_space<hbm>>
          %dma_start3A_74 = arith.constant 0 : i32
          %dma_start3A_75 = tpu.memref_slice %arg13[%mul3A_62, %dma_start3A_74] : memref<10000x128xf32, #tpu.memory_space<vmem_shared>> -> memref<200x128xf32, #tpu.memory_space<vmem_shared>>
          tpu.enqueue_dma source(%dma_start3A_75 : memref<200x128xf32, #tpu.memory_space<vmem_shared>>) target(%dma_start3A_73 : memref<200x128xf32, #tpu.memory_space<hbm>>) target_semaphore(%run_scoped3A : memref<!tpu.dma_semaphore, #tpu.memory_space<semaphore_mem>>)
          %dma_wait3A = arith.constant 0 : i32
          %dma_wait3A_76 = tpu.memref_slice %arg9[%mul3A_62, %dma_wait3A] : memref<10000x128xf32, #tpu.memory_space<hbm>> -> memref<200x128xf32, #tpu.memory_space<hbm>>
          %dma_wait3A_77 = arith.constant 0 : i32
          %dma_wait3A_78 = tpu.memref_slice %arg13[%mul3A_62, %dma_wait3A_77] : memref<10000x128xf32, #tpu.memory_space<vmem_shared>> -> memref<200x128xf32, #tpu.memory_space<vmem_shared>>
          tpu.wait_dma2 semaphore(%run_scoped3A : memref<!tpu.dma_semaphore, #tpu.memory_space<semaphore_mem>>) src(%dma_wait3A_78 : memref<200x128xf32, #tpu.memory_space<vmem_shared>>) dst(%dma_wait3A_76 : memref<200x128xf32, #tpu.memory_space<hbm>>)
          tpu.yield
        }) : () -> ()
      } else {
      }
      %eq3A_68 = arith.constant 1 : i32
      %eq3A_69 = arith.cmpi eq, %arg0, %eq3A_68 : i32
      %convert_element_type3A_70 = arith.extui %eq3A_69 : i1 to i32
      %cond3A_71 = arith.constant 0 : i32
      %cond3A_72 = arith.cmpi ne, %convert_element_type3A_70, %cond3A_71 : i32
      scf.if %cond3A_72 {
        "tpu.region"() ({
          %run_scoped3A = tpu.sem_alloc : memref<!tpu.dma_semaphore, #tpu.memory_space<semaphore_mem>>
          %dma_start3A = arith.constant 0 : i32
          %dma_start3A_73 = tpu.memref_slice %arg10[%mul3A_62, %dma_start3A] : memref<10000x128xf32, #tpu.memory_space<hbm>> -> memref<200x128xf32, #tpu.memory_space<hbm>>
          %dma_start3A_74 = arith.constant 0 : i32
          %dma_start3A_75 = tpu.memref_slice %arg13[%mul3A_62, %dma_start3A_74] : memref<10000x128xf32, #tpu.memory_space<vmem_shared>> -> memref<200x128xf32, #tpu.memory_space<vmem_shared>>
          tpu.enqueue_dma source(%dma_start3A_75 : memref<200x128xf32, #tpu.memory_space<vmem_shared>>) target(%dma_start3A_73 : memref<200x128xf32, #tpu.memory_space<hbm>>) target_semaphore(%run_scoped3A : memref<!tpu.dma_semaphore, #tpu.memory_space<semaphore_mem>>)
          %dma_wait3A = arith.constant 0 : i32
          %dma_wait3A_76 = tpu.memref_slice %arg10[%mul3A_62, %dma_wait3A] : memref<10000x128xf32, #tpu.memory_space<hbm>> -> memref<200x128xf32, #tpu.memory_space<hbm>>
          %dma_wait3A_77 = arith.constant 0 : i32
          %dma_wait3A_78 = tpu.memref_slice %arg13[%mul3A_62, %dma_wait3A_77] : memref<10000x128xf32, #tpu.memory_space<vmem_shared>> -> memref<200x128xf32, #tpu.memory_space<vmem_shared>>
          tpu.wait_dma2 semaphore(%run_scoped3A : memref<!tpu.dma_semaphore, #tpu.memory_space<semaphore_mem>>) src(%dma_wait3A_78 : memref<200x128xf32, #tpu.memory_space<vmem_shared>>) dst(%dma_wait3A_76 : memref<200x128xf32, #tpu.memory_space<hbm>>)
          tpu.yield
        }) : () -> ()
      } else {
      }
    } else {
    }
    return
  }
}

module attributes {stable_mosaic.version = 14 : i64} {
  func.func @_node_mix_body(%arg0: i32, %arg1: memref<200x128xf32, #tpu.memory_space<vmem>>, %arg2: memref<200x16xf32, #tpu.memory_space<vmem>>, %arg3: memref<2048x128xf32, #tpu.memory_space<vmem>>, %arg4: memref<128x128xf32, #tpu.memory_space<vmem>>, %arg5: memref<16x128xf32, #tpu.memory_space<vmem>>, %arg6: memref<128x128xf32, #tpu.memory_space<vmem>>, %arg7: memref<1x128xf32, #tpu.memory_space<vmem>>, %arg8: memref<200x128xf32, #tpu.memory_space<vmem>>) attributes {dimension_semantics = [#tpu.dimension_semantics<arbitrary>], iteration_bounds = array<i64: 50>, scalar_prefetch = 0 : i64, scratch_operands = 0 : i64, tpu.core_type = #tpu.core_type<tc>, window_params = [{transform_indices = @transform_0, window_bounds = array<i64: 200, 128>}, {transform_indices = @transform_1, window_bounds = array<i64: 200, 16>}, {pipeline_mode = #tpu.pipeline_mode<synchronous>, transform_indices = @transform_2, window_bounds = array<i64: 2048, 128>}, {pipeline_mode = #tpu.pipeline_mode<synchronous>, transform_indices = @transform_3, window_bounds = array<i64: 128, 128>}, {pipeline_mode = #tpu.pipeline_mode<synchronous>, transform_indices = @transform_4, window_bounds = array<i64: 16, 128>}, {pipeline_mode = #tpu.pipeline_mode<synchronous>, transform_indices = @transform_5, window_bounds = array<i64: 128, 128>}, {pipeline_mode = #tpu.pipeline_mode<synchronous>, transform_indices = @transform_6, window_bounds = array<i64: 1, 128>}, {transform_indices = @transform_7, window_bounds = array<i64: 200, 128>}]} {
    %get3A = arith.constant 0 : index
    %get3A_0 = arith.constant 0 : index
    %get3A_1 = vector.load %arg1[%get3A, %get3A_0] : memref<200x128xf32, #tpu.memory_space<vmem>>, vector<200x128xf32>
    %get3A_2 = arith.constant 0 : index
    %get3A_3 = arith.constant 0 : index
    %get3A_4 = vector.load %arg2[%get3A_2, %get3A_3] : memref<200x16xf32, #tpu.memory_space<vmem>>, vector<200x16xf32>
    %slice3A = vector.extract_strided_slice %get3A_4 {offsets = [0, 0], sizes = [200, 1], strides = [1, 1]} : vector<200x16xf32> to vector<200x1xf32>
    %mul3A = vector.broadcast %slice3A : vector<200x1xf32> to vector<200x128xf32>
    %mul3A_5 = arith.mulf %mul3A, %get3A_1 : vector<200x128xf32>
    %slice3A_6 = vector.extract_strided_slice %get3A_4 {offsets = [0, 1], sizes = [200, 1], strides = [1, 1]} : vector<200x16xf32> to vector<200x1xf32>
    %mul3A_7 = vector.broadcast %slice3A_6 : vector<200x1xf32> to vector<200x128xf32>
    %mul3A_8 = arith.mulf %mul3A_7, %get3A_1 : vector<200x128xf32>
    %slice3A_9 = vector.extract_strided_slice %get3A_4 {offsets = [0, 2], sizes = [200, 1], strides = [1, 1]} : vector<200x16xf32> to vector<200x1xf32>
    %mul3A_10 = vector.broadcast %slice3A_9 : vector<200x1xf32> to vector<200x128xf32>
    %mul3A_11 = arith.mulf %mul3A_10, %get3A_1 : vector<200x128xf32>
    %slice3A_12 = vector.extract_strided_slice %get3A_4 {offsets = [0, 3], sizes = [200, 1], strides = [1, 1]} : vector<200x16xf32> to vector<200x1xf32>
    %mul3A_13 = vector.broadcast %slice3A_12 : vector<200x1xf32> to vector<200x128xf32>
    %mul3A_14 = arith.mulf %mul3A_13, %get3A_1 : vector<200x128xf32>
    %slice3A_15 = vector.extract_strided_slice %get3A_4 {offsets = [0, 4], sizes = [200, 1], strides = [1, 1]} : vector<200x16xf32> to vector<200x1xf32>
    %mul3A_16 = vector.broadcast %slice3A_15 : vector<200x1xf32> to vector<200x128xf32>
    %mul3A_17 = arith.mulf %mul3A_16, %get3A_1 : vector<200x128xf32>
    %slice3A_18 = vector.extract_strided_slice %get3A_4 {offsets = [0, 5], sizes = [200, 1], strides = [1, 1]} : vector<200x16xf32> to vector<200x1xf32>
    %mul3A_19 = vector.broadcast %slice3A_18 : vector<200x1xf32> to vector<200x128xf32>
    %mul3A_20 = arith.mulf %mul3A_19, %get3A_1 : vector<200x128xf32>
    %slice3A_21 = vector.extract_strided_slice %get3A_4 {offsets = [0, 6], sizes = [200, 1], strides = [1, 1]} : vector<200x16xf32> to vector<200x1xf32>
    %mul3A_22 = vector.broadcast %slice3A_21 : vector<200x1xf32> to vector<200x128xf32>
    %mul3A_23 = arith.mulf %mul3A_22, %get3A_1 : vector<200x128xf32>
    %slice3A_24 = vector.extract_strided_slice %get3A_4 {offsets = [0, 7], sizes = [200, 1], strides = [1, 1]} : vector<200x16xf32> to vector<200x1xf32>
    %mul3A_25 = vector.broadcast %slice3A_24 : vector<200x1xf32> to vector<200x128xf32>
    %mul3A_26 = arith.mulf %mul3A_25, %get3A_1 : vector<200x128xf32>
    %slice3A_27 = vector.extract_strided_slice %get3A_4 {offsets = [0, 8], sizes = [200, 1], strides = [1, 1]} : vector<200x16xf32> to vector<200x1xf32>
    %mul3A_28 = vector.broadcast %slice3A_27 : vector<200x1xf32> to vector<200x128xf32>
    %mul3A_29 = arith.mulf %mul3A_28, %get3A_1 : vector<200x128xf32>
    %slice3A_30 = vector.extract_strided_slice %get3A_4 {offsets = [0, 9], sizes = [200, 1], strides = [1, 1]} : vector<200x16xf32> to vector<200x1xf32>
    %mul3A_31 = vector.broadcast %slice3A_30 : vector<200x1xf32> to vector<200x128xf32>
    %mul3A_32 = arith.mulf %mul3A_31, %get3A_1 : vector<200x128xf32>
    %slice3A_33 = vector.extract_strided_slice %get3A_4 {offsets = [0, 10], sizes = [200, 1], strides = [1, 1]} : vector<200x16xf32> to vector<200x1xf32>
    %mul3A_34 = vector.broadcast %slice3A_33 : vector<200x1xf32> to vector<200x128xf32>
    %mul3A_35 = arith.mulf %mul3A_34, %get3A_1 : vector<200x128xf32>
    %slice3A_36 = vector.extract_strided_slice %get3A_4 {offsets = [0, 11], sizes = [200, 1], strides = [1, 1]} : vector<200x16xf32> to vector<200x1xf32>
    %mul3A_37 = vector.broadcast %slice3A_36 : vector<200x1xf32> to vector<200x128xf32>
    %mul3A_38 = arith.mulf %mul3A_37, %get3A_1 : vector<200x128xf32>
    %slice3A_39 = vector.extract_strided_slice %get3A_4 {offsets = [0, 12], sizes = [200, 1], strides = [1, 1]} : vector<200x16xf32> to vector<200x1xf32>
    %mul3A_40 = vector.broadcast %slice3A_39 : vector<200x1xf32> to vector<200x128xf32>
    %mul3A_41 = arith.mulf %mul3A_40, %get3A_1 : vector<200x128xf32>
    %slice3A_42 = vector.extract_strided_slice %get3A_4 {offsets = [0, 13], sizes = [200, 1], strides = [1, 1]} : vector<200x16xf32> to vector<200x1xf32>
    %mul3A_43 = vector.broadcast %slice3A_42 : vector<200x1xf32> to vector<200x128xf32>
    %mul3A_44 = arith.mulf %mul3A_43, %get3A_1 : vector<200x128xf32>
    %slice3A_45 = vector.extract_strided_slice %get3A_4 {offsets = [0, 14], sizes = [200, 1], strides = [1, 1]} : vector<200x16xf32> to vector<200x1xf32>
    %mul3A_46 = vector.broadcast %slice3A_45 : vector<200x1xf32> to vector<200x128xf32>
    %mul3A_47 = arith.mulf %mul3A_46, %get3A_1 : vector<200x128xf32>
    %slice3A_48 = vector.extract_strided_slice %get3A_4 {offsets = [0, 15], sizes = [200, 1], strides = [1, 1]} : vector<200x16xf32> to vector<200x1xf32>
    %mul3A_49 = vector.broadcast %slice3A_48 : vector<200x1xf32> to vector<200x128xf32>
    %mul3A_50 = arith.mulf %mul3A_49, %get3A_1 : vector<200x128xf32>
    %concatenate3A = tpu.concatenate %mul3A_5, %mul3A_8, %mul3A_11, %mul3A_14, %mul3A_17, %mul3A_20, %mul3A_23, %mul3A_26, %mul3A_29, %mul3A_32, %mul3A_35, %mul3A_38, %mul3A_41, %mul3A_44, %mul3A_47, %mul3A_50 in 1 : vector<200x128xf32>, vector<200x128xf32>, vector<200x128xf32>, vector<200x128xf32>, vector<200x128xf32>, vector<200x128xf32>, vector<200x128xf32>, vector<200x128xf32>, vector<200x128xf32>, vector<200x128xf32>, vector<200x128xf32>, vector<200x128xf32>, vector<200x128xf32>, vector<200x128xf32>, vector<200x128xf32>, vector<200x128xf32> -> vector<200x2048xf32>
    %get3A_51 = arith.constant 0 : index
    %get3A_52 = arith.constant 0 : index
    %get3A_53 = vector.load %arg3[%get3A_51, %get3A_52] : memref<2048x128xf32, #tpu.memory_space<vmem>>, vector<2048x128xf32>
    %dot_general3A = arith.constant dense<0.000000e+00> : vector<200x128xf32>
    %dot_general3A_54 = tpu.matmul %concatenate3A, %get3A_53, %dot_general3A {dimension_numbers = #tpu.dot_dimension_numbers<[1], [0], [0], [1], [0, 0, 1, 1], [], []>, transpose_lhs_hint = false} : vector<200x2048xf32>, vector<2048x128xf32>, vector<200x128xf32> -> vector<200x128xf32>
    %get3A_55 = arith.constant 0 : index
    %get3A_56 = arith.constant 0 : index
    %get3A_57 = vector.load %arg4[%get3A_55, %get3A_56] : memref<128x128xf32, #tpu.memory_space<vmem>>, vector<128x128xf32>
    %dot_general3A_58 = arith.constant dense<0.000000e+00> : vector<200x128xf32>
    %dot_general3A_59 = tpu.matmul %get3A_1, %get3A_57, %dot_general3A_58 {dimension_numbers = #tpu.dot_dimension_numbers<[1], [0], [0], [1], [0, 0, 1, 1], [], []>, transpose_lhs_hint = false} : vector<200x128xf32>, vector<128x128xf32>, vector<200x128xf32> -> vector<200x128xf32>
    %get3A_60 = arith.constant 0 : index
    %get3A_61 = arith.constant 0 : index
    %get3A_62 = vector.load %arg5[%get3A_60, %get3A_61] : memref<16x128xf32, #tpu.memory_space<vmem>>, vector<16x128xf32>
    %dot_general3A_63 = arith.constant dense<0.000000e+00> : vector<200x128xf32>
    %dot_general3A_64 = tpu.matmul %get3A_4, %get3A_62, %dot_general3A_63 {dimension_numbers = #tpu.dot_dimension_numbers<[1], [0], [0], [1], [0, 0, 1, 1], [], []>, transpose_lhs_hint = false} : vector<200x16xf32>, vector<16x128xf32>, vector<200x128xf32> -> vector<200x128xf32>
    %add3A = arith.addf %dot_general3A_59, %dot_general3A_64 : vector<200x128xf32>
    %get3A_65 = arith.constant 0 : index
    %get3A_66 = arith.constant 0 : index
    %get3A_67 = vector.load %arg6[%get3A_65, %get3A_66] : memref<128x128xf32, #tpu.memory_space<vmem>>, vector<128x128xf32>
    %dot_general3A_68 = arith.constant dense<0.000000e+00> : vector<200x128xf32>
    %dot_general3A_69 = tpu.matmul %dot_general3A_54, %get3A_67, %dot_general3A_68 {dimension_numbers = #tpu.dot_dimension_numbers<[1], [0], [0], [1], [0, 0, 1, 1], [], []>, transpose_lhs_hint = false} : vector<200x128xf32>, vector<128x128xf32>, vector<200x128xf32> -> vector<200x128xf32>
    %add3A_70 = arith.addf %add3A, %dot_general3A_69 : vector<200x128xf32>
    %get3A_71 = arith.constant 0 : index
    %get3A_72 = arith.constant 0 : index
    %get3A_73 = vector.load %arg7[%get3A_71, %get3A_72] : memref<1x128xf32, #tpu.memory_space<vmem>>, vector<1x128xf32>
    %add3A_74 = vector.broadcast %get3A_73 : vector<1x128xf32> to vector<200x128xf32>
    %add3A_75 = arith.addf %add3A_70, %add3A_74 : vector<200x128xf32>
    %reduce_sum3A = arith.constant dense<0.000000e+00> : vector<200xf32>
    %reduce_sum3A_76 = vector.multi_reduction <add>, %add3A_75, %reduce_sum3A [1] : vector<200x128xf32> to vector<200xf32>
    %broadcast_in_dim3A = vector.shape_cast %reduce_sum3A_76 : vector<200xf32> to vector<200x1xf32>
    %div3A = arith.constant 1.280000e+02 : f32
    %div3A_77 = vector.broadcast %div3A : f32 to vector<200x1xf32>
    %div3A_78 = arith.divf %broadcast_in_dim3A, %div3A_77 : vector<200x1xf32>
    %sub3A = vector.broadcast %div3A_78 : vector<200x1xf32> to vector<200x128xf32>
    %sub3A_79 = arith.subf %add3A_75, %sub3A : vector<200x128xf32>
    %integer_pow3A = arith.mulf %sub3A_79, %sub3A_79 : vector<200x128xf32>
    %reduce_sum3A_80 = arith.constant dense<0.000000e+00> : vector<200xf32>
    %reduce_sum3A_81 = vector.multi_reduction <add>, %integer_pow3A, %reduce_sum3A_80 [1] : vector<200x128xf32> to vector<200xf32>
    %broadcast_in_dim3A_82 = vector.shape_cast %reduce_sum3A_81 : vector<200xf32> to vector<200x1xf32>
    %div3A_83 = arith.constant 1.270000e+02 : f32
    %div3A_84 = vector.broadcast %div3A_83 : f32 to vector<200x1xf32>
    %div3A_85 = arith.divf %broadcast_in_dim3A_82, %div3A_84 : vector<200x1xf32>
    %sqrt3A = math.sqrt %div3A_85 : vector<200x1xf32>
    %add3A_86 = arith.constant 9.99999971E-10 : f32
    %add3A_87 = vector.broadcast %add3A_86 : f32 to vector<200x1xf32>
    %add3A_88 = arith.addf %sqrt3A, %add3A_87 : vector<200x1xf32>
    %div3A_89 = vector.broadcast %add3A_88 : vector<200x1xf32> to vector<200x128xf32>
    %div3A_90 = arith.divf %add3A_75, %div3A_89 : vector<200x128xf32>
    %swap3A = arith.constant 0 : index
    %swap3A_91 = arith.constant 0 : index
    %swap3A_92 = vector.load %arg8[%swap3A, %swap3A_91] : memref<200x128xf32, #tpu.memory_space<vmem>>, vector<200x128xf32>
    tpu.vector_store %arg8[%swap3A, %swap3A_91], %div3A_90 {strides = array<i32>} : memref<200x128xf32, #tpu.memory_space<vmem>>, vector<200x128xf32>,
    return
  }
  func.func @transform_0(%arg0: i32) -> (i32, i32) {
    %c0_i32 = arith.constant 0 : i32
    %c0_i32_0 = arith.constant 0 : i32
    return %arg0, %c0_i32 : i32, i32
  }
  func.func @transform_1(%arg0: i32) -> (i32, i32) {
    %c0_i32 = arith.constant 0 : i32
    %c0_i32_0 = arith.constant 0 : i32
    return %arg0, %c0_i32 : i32, i32
  }
  func.func @transform_2(%arg0: i32) -> (i32, i32) {
    %c0_i32 = arith.constant 0 : i32
    %c0_i32_0 = arith.constant 0 : i32
    %c0_i32_1 = arith.constant 0 : i32
    return %c0_i32, %c0_i32_0 : i32, i32
  }
  func.func @transform_3(%arg0: i32) -> (i32, i32) {
    %c0_i32 = arith.constant 0 : i32
    %c0_i32_0 = arith.constant 0 : i32
    %c0_i32_1 = arith.constant 0 : i32
    return %c0_i32, %c0_i32_0 : i32, i32
  }
  func.func @transform_4(%arg0: i32) -> (i32, i32) {
    %c0_i32 = arith.constant 0 : i32
    %c0_i32_0 = arith.constant 0 : i32
    %c0_i32_1 = arith.constant 0 : i32
    return %c0_i32, %c0_i32_0 : i32, i32
  }
  func.func @transform_5(%arg0: i32) -> (i32, i32) {
    %c0_i32 = arith.constant 0 : i32
    %c0_i32_0 = arith.constant 0 : i32
    %c0_i32_1 = arith.constant 0 : i32
    return %c0_i32, %c0_i32_0 : i32, i32
  }
  func.func @transform_6(%arg0: i32) -> (i32, i32) {
    %c0_i32 = arith.constant 0 : i32
    %c0_i32_0 = arith.constant 0 : i32
    %c0_i32_1 = arith.constant 0 : i32
    return %c0_i32, %c0_i32_0 : i32, i32
  }
  func.func @transform_7(%arg0: i32) -> (i32, i32) {
    %c0_i32 = arith.constant 0 : i32
    %c0_i32_0 = arith.constant 0 : i32
    return %arg0, %c0_i32 : i32, i32
  }
}

module attributes {stable_mosaic.version = 14 : i64} {
  func.func @_edge_body(%arg0: i32, %arg1: memref<1280x128xf32, #tpu.memory_space<vmem>>, %arg2: memref<1280x128xf32, #tpu.memory_space<vmem>>, %arg3: memref<1x1280xf32, #tpu.memory_space<vmem>>, %arg4: memref<128x1xf32, #tpu.memory_space<vmem>>, %arg5: memref<128x1xf32, #tpu.memory_space<vmem>>, %arg6: memref<128x16384xbf16, #tpu.memory_space<vmem>>, %arg7: memref<128x128xf32, #tpu.memory_space<vmem>>, %arg8: memref<128x128xf32, #tpu.memory_space<vmem>>, %arg9: memref<128x128xf32, #tpu.memory_space<vmem>>, %arg10: memref<128x1xf32, #tpu.memory_space<vmem>>, %arg11: memref<128x128xf32, #tpu.memory_space<vmem>>, %arg12: memref<128x128xf32, #tpu.memory_space<vmem>>, %arg13: memref<128x1xf32, #tpu.memory_space<vmem>>, %arg14: memref<128x128xf32, #tpu.memory_space<vmem>>, %arg15: memref<128x1xf32, #tpu.memory_space<vmem>>, %arg16: memref<128x1xf32, #tpu.memory_space<vmem>>, %arg17: memref<128x1xf32, #tpu.memory_space<vmem>>, %arg18: memref<1280x128xf32, #tpu.memory_space<vmem>>) attributes {dimension_semantics = [#tpu.dimension_semantics<arbitrary>], iteration_bounds = array<i64: 30>, scalar_prefetch = 0 : i64, scratch_operands = 0 : i64, tpu.core_type = #tpu.core_type<tc>, window_params = [{transform_indices = @transform_0, window_bounds = array<i64: 1280, 128>}, {transform_indices = @transform_1, window_bounds = array<i64: 1280, 128>}, {transform_indices = @transform_2, window_bounds = array<i64: 1, 1280>}, {pipeline_mode = #tpu.pipeline_mode<synchronous>, transform_indices = @transform_3, window_bounds = array<i64: 128, 1>}, {pipeline_mode = #tpu.pipeline_mode<synchronous>, transform_indices = @transform_4, window_bounds = array<i64: 128, 1>}, {pipeline_mode = #tpu.pipeline_mode<synchronous>, transform_indices = @transform_5, window_bounds = array<i64: 128, 16384>}, {pipeline_mode = #tpu.pipeline_mode<synchronous>, transform_indices = @transform_6, window_bounds = array<i64: 128, 128>}, {pipeline_mode = #tpu.pipeline_mode<synchronous>, transform_indices = @transform_7, window_bounds = array<i64: 128, 128>}, {pipeline_mode = #tpu.pipeline_mode<synchronous>, transform_indices = @transform_8, window_bounds = array<i64: 128, 128>}, {pipeline_mode = #tpu.pipeline_mode<synchronous>, transform_indices = @transform_9, window_bounds = array<i64: 128, 1>}, {pipeline_mode = #tpu.pipeline_mode<synchronous>, transform_indices = @transform_10, window_bounds = array<i64: 128, 128>}, {pipeline_mode = #tpu.pipeline_mode<synchronous>, transform_indices = @transform_11, window_bounds = array<i64: 128, 128>}, {pipeline_mode = #tpu.pipeline_mode<synchronous>, transform_indices = @transform_12, window_bounds = array<i64: 128, 1>}, {pipeline_mode = #tpu.pipeline_mode<synchronous>, transform_indices = @transform_13, window_bounds = array<i64: 128, 128>}, {pipeline_mode = #tpu.pipeline_mode<synchronous>, transform_indices = @transform_14, window_bounds = array<i64: 128, 1>}, {pipeline_mode = #tpu.pipeline_mode<synchronous>, transform_indices = @transform_15, window_bounds = array<i64: 128, 1>}, {pipeline_mode = #tpu.pipeline_mode<synchronous>, transform_indices = @transform_16, window_bounds = array<i64: 128, 1>}, {transform_indices = @transform_17, window_bounds = array<i64: 1280, 128>}]} {
    %get3A = arith.constant 0 : index
    %get3A_0 = arith.constant 0 : index
    %get3A_1 = vector.load %arg1[%get3A, %get3A_0] : memref<1280x128xf32, #tpu.memory_space<vmem>>, vector<1280x128xf32>
    %transpose3A = tpu.transpose %get3A_1, [1, 0] : vector<1280x128xf32> -> vector<128x1280xf32>
    %get3A_2 = arith.constant 0 : index
    %get3A_3 = arith.constant 0 : index
    %get3A_4 = vector.load %arg2[%get3A_2, %get3A_3] : memref<1280x128xf32, #tpu.memory_space<vmem>>, vector<1280x128xf32>
    %transpose3A_5 = tpu.transpose %get3A_4, [1, 0] : vector<1280x128xf32> -> vector<128x1280xf32>
    %get3A_6 = arith.constant 0 : index
    %get3A_7 = arith.constant 0 : index
    %get3A_8 = vector.load %arg3[%get3A_6, %get3A_7] : memref<1x1280xf32, #tpu.memory_space<vmem>>, vector<1x1280xf32>
    %get3A_9 = arith.constant 0 : index
    %get3A_10 = arith.constant 0 : index
    %get3A_11 = vector.load %arg4[%get3A_9, %get3A_10] : memref<128x1xf32, #tpu.memory_space<vmem>>, vector<128x1xf32>
    %mul3A = vector.broadcast %get3A_8 : vector<1x1280xf32> to vector<128x1280xf32>
    %mul3A_12 = vector.broadcast %get3A_11 : vector<128x1xf32> to vector<128x1280xf32>
    %mul3A_13 = arith.mulf %mul3A, %mul3A_12 : vector<128x1280xf32>
    %get3A_14 = arith.constant 0 : index
    %get3A_15 = arith.constant 0 : index
    %get3A_16 = vector.load %arg5[%get3A_14, %get3A_15] : memref<128x1xf32, #tpu.memory_space<vmem>>, vector<128x1xf32>
    %add3A = vector.broadcast %get3A_16 : vector<128x1xf32> to vector<128x1280xf32>
    %add3A_17 = arith.addf %mul3A_13, %add3A : vector<128x1280xf32>
    %logistic3A = arith.negf %add3A_17 : vector<128x1280xf32>
    %logistic3A_18 = math.exp %logistic3A : vector<128x1280xf32>
    %logistic3A_19 = arith.constant 1.000000e+00 : f32
    %logistic3A_20 = vector.broadcast %logistic3A_19 : f32 to vector<128x1280xf32>
    %logistic3A_21 = arith.addf %logistic3A_20, %logistic3A_18 : vector<128x1280xf32>
    %logistic3A_22 = arith.divf %logistic3A_20, %logistic3A_21 : vector<128x1280xf32>
    %mul3A_23 = arith.mulf %add3A_17, %logistic3A_22 : vector<128x1280xf32>
    %sub3A = arith.subf %transpose3A, %transpose3A_5 : vector<128x1280xf32>
    %mul3A_24 = arith.mulf %mul3A_23, %sub3A : vector<128x1280xf32>
    %add3A_25 = arith.addf %transpose3A, %transpose3A_5 : vector<128x1280xf32>
    %mul3A_26 = arith.mulf %mul3A_23, %add3A_25 : vector<128x1280xf32>
    %mul3A_27 = arith.constant 5.000000e-01 : f32
    %mul3A_28 = vector.broadcast %mul3A_27 : f32 to vector<128x1280xf32>
    %mul3A_29 = arith.mulf %mul3A_26, %mul3A_28 : vector<128x1280xf32>
    %broadcast_in_dim3A = arith.constant 0.000000e+00 : f32
    %broadcast_in_dim3A_30 = vector.broadcast %broadcast_in_dim3A : f32 to vector<128x1280xf32>
    %slice3A = vector.extract_strided_slice %mul3A_24 {offsets = [0, 0], sizes = [1, 1280], strides = [1, 1]} : vector<128x1280xf32> to vector<1x1280xf32>
    %mul3A_31 = vector.broadcast %slice3A : vector<1x1280xf32> to vector<128x1280xf32>
    %mul3A_32 = arith.mulf %mul3A_31, %mul3A_29 : vector<128x1280xf32>
    %slice3A_33 = vector.extract_strided_slice %mul3A_24 {offsets = [1, 0], sizes = [1, 1280], strides = [1, 1]} : vector<128x1280xf32> to vector<1x1280xf32>
    %mul3A_34 = vector.broadcast %slice3A_33 : vector<1x1280xf32> to vector<128x1280xf32>
    %mul3A_35 = arith.mulf %mul3A_34, %mul3A_29 : vector<128x1280xf32>
    %slice3A_36 = vector.extract_strided_slice %mul3A_24 {offsets = [2, 0], sizes = [1, 1280], strides = [1, 1]} : vector<128x1280xf32> to vector<1x1280xf32>
    %mul3A_37 = vector.broadcast %slice3A_36 : vector<1x1280xf32> to vector<128x1280xf32>
    %mul3A_38 = arith.mulf %mul3A_37, %mul3A_29 : vector<128x1280xf32>
    %slice3A_39 = vector.extract_strided_slice %mul3A_24 {offsets = [3, 0], sizes = [1, 1280], strides = [1, 1]} : vector<128x1280xf32> to vector<1x1280xf32>
    %mul3A_40 = vector.broadcast %slice3A_39 : vector<1x1280xf32> to vector<128x1280xf32>
    %mul3A_41 = arith.mulf %mul3A_40, %mul3A_29 : vector<128x1280xf32>
    %slice3A_42 = vector.extract_strided_slice %mul3A_24 {offsets = [4, 0], sizes = [1, 1280], strides = [1, 1]} : vector<128x1280xf32> to vector<1x1280xf32>
    %mul3A_43 = vector.broadcast %slice3A_42 : vector<1x1280xf32> to vector<128x1280xf32>
    %mul3A_44 = arith.mulf %mul3A_43, %mul3A_29 : vector<128x1280xf32>
    %slice3A_45 = vector.extract_strided_slice %mul3A_24 {offsets = [5, 0], sizes = [1, 1280], strides = [1, 1]} : vector<128x1280xf32> to vector<1x1280xf32>
    %mul3A_46 = vector.broadcast %slice3A_45 : vector<1x1280xf32> to vector<128x1280xf32>
    %mul3A_47 = arith.mulf %mul3A_46, %mul3A_29 : vector<128x1280xf32>
    %slice3A_48 = vector.extract_strided_slice %mul3A_24 {offsets = [6, 0], sizes = [1, 1280], strides = [1, 1]} : vector<128x1280xf32> to vector<1x1280xf32>
    %mul3A_49 = vector.broadcast %slice3A_48 : vector<1x1280xf32> to vector<128x1280xf32>
    %mul3A_50 = arith.mulf %mul3A_49, %mul3A_29 : vector<128x1280xf32>
    %slice3A_51 = vector.extract_strided_slice %mul3A_24 {offsets = [7, 0], sizes = [1, 1280], strides = [1, 1]} : vector<128x1280xf32> to vector<1x1280xf32>
    %mul3A_52 = vector.broadcast %slice3A_51 : vector<1x1280xf32> to vector<128x1280xf32>
    %mul3A_53 = arith.mulf %mul3A_52, %mul3A_29 : vector<128x1280xf32>
    %concatenate3A = tpu.concatenate %mul3A_32, %mul3A_35, %mul3A_38, %mul3A_41, %mul3A_44, %mul3A_47, %mul3A_50, %mul3A_53 in 0 : vector<128x1280xf32>, vector<128x1280xf32>, vector<128x1280xf32>, vector<128x1280xf32>, vector<128x1280xf32>, vector<128x1280xf32>, vector<128x1280xf32>, vector<128x1280xf32> -> vector<1024x1280xf32>
    %convert_element_type3A = arith.truncf %concatenate3A : vector<1024x1280xf32> to vector<1024x1280xbf16>
    %get3A_54 = arith.constant 0 : index
    %get3A_55 = arith.constant 0 : index
    %get3A_56 = vector.load %arg6[%get3A_54, %get3A_55] : memref<128x16384xbf16, #tpu.memory_space<vmem>>, vector<128x1024xbf16>
    %dot_general3A = arith.constant dense<0.000000e+00> : vector<128x1280xf32>
    %dot_general3A_57 = tpu.matmul %get3A_56, %convert_element_type3A, %dot_general3A {dimension_numbers = #tpu.dot_dimension_numbers<[1], [0], [0], [1], [0, 0, 1, 1], [], []>, transpose_lhs_hint = false} : vector<128x1024xbf16>, vector<1024x1280xbf16>, vector<128x1280xf32> -> vector<128x1280xf32>
    %add3A_58 = arith.addf %broadcast_in_dim3A_30, %dot_general3A_57 : vector<128x1280xf32>
    %slice3A_59 = vector.extract_strided_slice %mul3A_24 {offsets = [8, 0], sizes = [1, 1280], strides = [1, 1]} : vector<128x1280xf32> to vector<1x1280xf32>
    %mul3A_60 = vector.broadcast %slice3A_59 : vector<1x1280xf32> to vector<128x1280xf32>
    %mul3A_61 = arith.mulf %mul3A_60, %mul3A_29 : vector<128x1280xf32>
    %slice3A_62 = vector.extract_strided_slice %mul3A_24 {offsets = [9, 0], sizes = [1, 1280], strides = [1, 1]} : vector<128x1280xf32> to vector<1x1280xf32>
    %mul3A_63 = vector.broadcast %slice3A_62 : vector<1x1280xf32> to vector<128x1280xf32>
    %mul3A_64 = arith.mulf %mul3A_63, %mul3A_29 : vector<128x1280xf32>
    %slice3A_65 = vector.extract_strided_slice %mul3A_24 {offsets = [10, 0], sizes = [1, 1280], strides = [1, 1]} : vector<128x1280xf32> to vector<1x1280xf32>
    %mul3A_66 = vector.broadcast %slice3A_65 : vector<1x1280xf32> to vector<128x1280xf32>
    %mul3A_67 = arith.mulf %mul3A_66, %mul3A_29 : vector<128x1280xf32>
    %slice3A_68 = vector.extract_strided_slice %mul3A_24 {offsets = [11, 0], sizes = [1, 1280], strides = [1, 1]} : vector<128x1280xf32> to vector<1x1280xf32>
    %mul3A_69 = vector.broadcast %slice3A_68 : vector<1x1280xf32> to vector<128x1280xf32>
    %mul3A_70 = arith.mulf %mul3A_69, %mul3A_29 : vector<128x1280xf32>
    %slice3A_71 = vector.extract_strided_slice %mul3A_24 {offsets = [12, 0], sizes = [1, 1280], strides = [1, 1]} : vector<128x1280xf32> to vector<1x1280xf32>
    %mul3A_72 = vector.broadcast %slice3A_71 : vector<1x1280xf32> to vector<128x1280xf32>
    %mul3A_73 = arith.mulf %mul3A_72, %mul3A_29 : vector<128x1280xf32>
    %slice3A_74 = vector.extract_strided_slice %mul3A_24 {offsets = [13, 0], sizes = [1, 1280], strides = [1, 1]} : vector<128x1280xf32> to vector<1x1280xf32>
    %mul3A_75 = vector.broadcast %slice3A_74 : vector<1x1280xf32> to vector<128x1280xf32>
    %mul3A_76 = arith.mulf %mul3A_75, %mul3A_29 : vector<128x1280xf32>
    %slice3A_77 = vector.extract_strided_slice %mul3A_24 {offsets = [14, 0], sizes = [1, 1280], strides = [1, 1]} : vector<128x1280xf32> to vector<1x1280xf32>
    %mul3A_78 = vector.broadcast %slice3A_77 : vector<1x1280xf32> to vector<128x1280xf32>
    %mul3A_79 = arith.mulf %mul3A_78, %mul3A_29 : vector<128x1280xf32>
    %slice3A_80 = vector.extract_strided_slice %mul3A_24 {offsets = [15, 0], sizes = [1, 1280], strides = [1, 1]} : vector<128x1280xf32> to vector<1x1280xf32>
    %mul3A_81 = vector.broadcast %slice3A_80 : vector<1x1280xf32> to vector<128x1280xf32>
    %mul3A_82 = arith.mulf %mul3A_81, %mul3A_29 : vector<128x1280xf32>
    %concatenate3A_83 = tpu.concatenate %mul3A_61, %mul3A_64, %mul3A_67, %mul3A_70, %mul3A_73, %mul3A_76, %mul3A_79, %mul3A_82 in 0 : vector<128x1280xf32>, vector<128x1280xf32>, vector<128x1280xf32>, vector<128x1280xf32>, vector<128x1280xf32>, vector<128x1280xf32>, vector<128x1280xf32>, vector<128x1280xf32> -> vector<1024x1280xf32>
    %convert_element_type3A_84 = arith.truncf %concatenate3A_83 : vector<1024x1280xf32> to vector<1024x1280xbf16>
    %get3A_85 = arith.constant 0 : index
    %get3A_86 = arith.constant 1024 : index
    %get3A_87 = vector.load %arg6[%get3A_85, %get3A_86] : memref<128x16384xbf16, #tpu.memory_space<vmem>>, vector<128x1024xbf16>
    %dot_general3A_88 = arith.constant dense<0.000000e+00> : vector<128x1280xf32>
    %dot_general3A_89 = tpu.matmul %get3A_87, %convert_element_type3A_84, %dot_general3A_88 {dimension_numbers = #tpu.dot_dimension_numbers<[1], [0], [0], [1], [0, 0, 1, 1], [], []>, transpose_lhs_hint = false} : vector<128x1024xbf16>, vector<1024x1280xbf16>, vector<128x1280xf32> -> vector<128x1280xf32>
    %add3A_90 = arith.addf %add3A_58, %dot_general3A_89 : vector<128x1280xf32>
    %slice3A_91 = vector.extract_strided_slice %mul3A_24 {offsets = [16, 0], sizes = [1, 1280], strides = [1, 1]} : vector<128x1280xf32> to vector<1x1280xf32>
    %mul3A_92 = vector.broadcast %slice3A_91 : vector<1x1280xf32> to vector<128x1280xf32>
    %mul3A_93 = arith.mulf %mul3A_92, %mul3A_29 : vector<128x1280xf32>
    %slice3A_94 = vector.extract_strided_slice %mul3A_24 {offsets = [17, 0], sizes = [1, 1280], strides = [1, 1]} : vector<128x1280xf32> to vector<1x1280xf32>
    %mul3A_95 = vector.broadcast %slice3A_94 : vector<1x1280xf32> to vector<128x1280xf32>
    %mul3A_96 = arith.mulf %mul3A_95, %mul3A_29 : vector<128x1280xf32>
    %slice3A_97 = vector.extract_strided_slice %mul3A_24 {offsets = [18, 0], sizes = [1, 1280], strides = [1, 1]} : vector<128x1280xf32> to vector<1x1280xf32>
    %mul3A_98 = vector.broadcast %slice3A_97 : vector<1x1280xf32> to vector<128x1280xf32>
    %mul3A_99 = arith.mulf %mul3A_98, %mul3A_29 : vector<128x1280xf32>
    %slice3A_100 = vector.extract_strided_slice %mul3A_24 {offsets = [19, 0], sizes = [1, 1280], strides = [1, 1]} : vector<128x1280xf32> to vector<1x1280xf32>
    %mul3A_101 = vector.broadcast %slice3A_100 : vector<1x1280xf32> to vector<128x1280xf32>
    %mul3A_102 = arith.mulf %mul3A_101, %mul3A_29 : vector<128x1280xf32>
    %slice3A_103 = vector.extract_strided_slice %mul3A_24 {offsets = [20, 0], sizes = [1, 1280], strides = [1, 1]} : vector<128x1280xf32> to vector<1x1280xf32>
    %mul3A_104 = vector.broadcast %slice3A_103 : vector<1x1280xf32> to vector<128x1280xf32>
    %mul3A_105 = arith.mulf %mul3A_104, %mul3A_29 : vector<128x1280xf32>
    %slice3A_106 = vector.extract_strided_slice %mul3A_24 {offsets = [21, 0], sizes = [1, 1280], strides = [1, 1]} : vector<128x1280xf32> to vector<1x1280xf32>
    %mul3A_107 = vector.broadcast %slice3A_106 : vector<1x1280xf32> to vector<128x1280xf32>
    %mul3A_108 = arith.mulf %mul3A_107, %mul3A_29 : vector<128x1280xf32>
    %slice3A_109 = vector.extract_strided_slice %mul3A_24 {offsets = [22, 0], sizes = [1, 1280], strides = [1, 1]} : vector<128x1280xf32> to vector<1x1280xf32>
    %mul3A_110 = vector.broadcast %slice3A_109 : vector<1x1280xf32> to vector<128x1280xf32>
    %mul3A_111 = arith.mulf %mul3A_110, %mul3A_29 : vector<128x1280xf32>
    %slice3A_112 = vector.extract_strided_slice %mul3A_24 {offsets = [23, 0], sizes = [1, 1280], strides = [1, 1]} : vector<128x1280xf32> to vector<1x1280xf32>
    %mul3A_113 = vector.broadcast %slice3A_112 : vector<1x1280xf32> to vector<128x1280xf32>
    %mul3A_114 = arith.mulf %mul3A_113, %mul3A_29 : vector<128x1280xf32>
    %concatenate3A_115 = tpu.concatenate %mul3A_93, %mul3A_96, %mul3A_99, %mul3A_102, %mul3A_105, %mul3A_108, %mul3A_111, %mul3A_114 in 0 : vector<128x1280xf32>, vector<128x1280xf32>, vector<128x1280xf32>, vector<128x1280xf32>, vector<128x1280xf32>, vector<128x1280xf32>, vector<128x1280xf32>, vector<128x1280xf32> -> vector<1024x1280xf32>
    %convert_element_type3A_116 = arith.truncf %concatenate3A_115 : vector<1024x1280xf32> to vector<1024x1280xbf16>
    %get3A_117 = arith.constant 0 : index
    %get3A_118 = arith.constant 2048 : index
    %get3A_119 = vector.load %arg6[%get3A_117, %get3A_118] : memref<128x16384xbf16, #tpu.memory_space<vmem>>, vector<128x1024xbf16>
    %dot_general3A_120 = arith.constant dense<0.000000e+00> : vector<128x1280xf32>
    %dot_general3A_121 = tpu.matmul %get3A_119, %convert_element_type3A_116, %dot_general3A_120 {dimension_numbers = #tpu.dot_dimension_numbers<[1], [0], [0], [1], [0, 0, 1, 1], [], []>, transpose_lhs_hint = false} : vector<128x1024xbf16>, vector<1024x1280xbf16>, vector<128x1280xf32> -> vector<128x1280xf32>
    %add3A_122 = arith.addf %add3A_90, %dot_general3A_121 : vector<128x1280xf32>
    %slice3A_123 = vector.extract_strided_slice %mul3A_24 {offsets = [24, 0], sizes = [1, 1280], strides = [1, 1]} : vector<128x1280xf32> to vector<1x1280xf32>
    %mul3A_124 = vector.broadcast %slice3A_123 : vector<1x1280xf32> to vector<128x1280xf32>
    %mul3A_125 = arith.mulf %mul3A_124, %mul3A_29 : vector<128x1280xf32>
    %slice3A_126 = vector.extract_strided_slice %mul3A_24 {offsets = [25, 0], sizes = [1, 1280], strides = [1, 1]} : vector<128x1280xf32> to vector<1x1280xf32>
    %mul3A_127 = vector.broadcast %slice3A_126 : vector<1x1280xf32> to vector<128x1280xf32>
    %mul3A_128 = arith.mulf %mul3A_127, %mul3A_29 : vector<128x1280xf32>
    %slice3A_129 = vector.extract_strided_slice %mul3A_24 {offsets = [26, 0], sizes = [1, 1280], strides = [1, 1]} : vector<128x1280xf32> to vector<1x1280xf32>
    %mul3A_130 = vector.broadcast %slice3A_129 : vector<1x1280xf32> to vector<128x1280xf32>
    %mul3A_131 = arith.mulf %mul3A_130, %mul3A_29 : vector<128x1280xf32>
    %slice3A_132 = vector.extract_strided_slice %mul3A_24 {offsets = [27, 0], sizes = [1, 1280], strides = [1, 1]} : vector<128x1280xf32> to vector<1x1280xf32>
    %mul3A_133 = vector.broadcast %slice3A_132 : vector<1x1280xf32> to vector<128x1280xf32>
    %mul3A_134 = arith.mulf %mul3A_133, %mul3A_29 : vector<128x1280xf32>
    %slice3A_135 = vector.extract_strided_slice %mul3A_24 {offsets = [28, 0], sizes = [1, 1280], strides = [1, 1]} : vector<128x1280xf32> to vector<1x1280xf32>
    %mul3A_136 = vector.broadcast %slice3A_135 : vector<1x1280xf32> to vector<128x1280xf32>
    %mul3A_137 = arith.mulf %mul3A_136, %mul3A_29 : vector<128x1280xf32>
    %slice3A_138 = vector.extract_strided_slice %mul3A_24 {offsets = [29, 0], sizes = [1, 1280], strides = [1, 1]} : vector<128x1280xf32> to vector<1x1280xf32>
    %mul3A_139 = vector.broadcast %slice3A_138 : vector<1x1280xf32> to vector<128x1280xf32>
    %mul3A_140 = arith.mulf %mul3A_139, %mul3A_29 : vector<128x1280xf32>
    %slice3A_141 = vector.extract_strided_slice %mul3A_24 {offsets = [30, 0], sizes = [1, 1280], strides = [1, 1]} : vector<128x1280xf32> to vector<1x1280xf32>
    %mul3A_142 = vector.broadcast %slice3A_141 : vector<1x1280xf32> to vector<128x1280xf32>
    %mul3A_143 = arith.mulf %mul3A_142, %mul3A_29 : vector<128x1280xf32>
    %slice3A_144 = vector.extract_strided_slice %mul3A_24 {offsets = [31, 0], sizes = [1, 1280], strides = [1, 1]} : vector<128x1280xf32> to vector<1x1280xf32>
    %mul3A_145 = vector.broadcast %slice3A_144 : vector<1x1280xf32> to vector<128x1280xf32>
    %mul3A_146 = arith.mulf %mul3A_145, %mul3A_29 : vector<128x1280xf32>
    %concatenate3A_147 = tpu.concatenate %mul3A_125, %mul3A_128, %mul3A_131, %mul3A_134, %mul3A_137, %mul3A_140, %mul3A_143, %mul3A_146 in 0 : vector<128x1280xf32>, vector<128x1280xf32>, vector<128x1280xf32>, vector<128x1280xf32>, vector<128x1280xf32>, vector<128x1280xf32>, vector<128x1280xf32>, vector<128x1280xf32> -> vector<1024x1280xf32>
    %convert_element_type3A_148 = arith.truncf %concatenate3A_147 : vector<1024x1280xf32> to vector<1024x1280xbf16>
    %get3A_149 = arith.constant 0 : index
    %get3A_150 = arith.constant 3072 : index
    %get3A_151 = vector.load %arg6[%get3A_149, %get3A_150] : memref<128x16384xbf16, #tpu.memory_space<vmem>>, vector<128x1024xbf16>
    %dot_general3A_152 = arith.constant dense<0.000000e+00> : vector<128x1280xf32>
    %dot_general3A_153 = tpu.matmul %get3A_151, %convert_element_type3A_148, %dot_general3A_152 {dimension_numbers = #tpu.dot_dimension_numbers<[1], [0], [0], [1], [0, 0, 1, 1], [], []>, transpose_lhs_hint = false} : vector<128x1024xbf16>, vector<1024x1280xbf16>, vector<128x1280xf32> -> vector<128x1280xf32>
    %add3A_154 = arith.addf %add3A_122, %dot_general3A_153 : vector<128x1280xf32>
    %slice3A_155 = vector.extract_strided_slice %mul3A_24 {offsets = [32, 0], sizes = [1, 1280], strides = [1, 1]} : vector<128x1280xf32> to vector<1x1280xf32>
    %mul3A_156 = vector.broadcast %slice3A_155 : vector<1x1280xf32> to vector<128x1280xf32>
    %mul3A_157 = arith.mulf %mul3A_156, %mul3A_29 : vector<128x1280xf32>
    %slice3A_158 = vector.extract_strided_slice %mul3A_24 {offsets = [33, 0], sizes = [1, 1280], strides = [1, 1]} : vector<128x1280xf32> to vector<1x1280xf32>
    %mul3A_159 = vector.broadcast %slice3A_158 : vector<1x1280xf32> to vector<128x1280xf32>
    %mul3A_160 = arith.mulf %mul3A_159, %mul3A_29 : vector<128x1280xf32>
    %slice3A_161 = vector.extract_strided_slice %mul3A_24 {offsets = [34, 0], sizes = [1, 1280], strides = [1, 1]} : vector<128x1280xf32> to vector<1x1280xf32>
    %mul3A_162 = vector.broadcast %slice3A_161 : vector<1x1280xf32> to vector<128x1280xf32>
    %mul3A_163 = arith.mulf %mul3A_162, %mul3A_29 : vector<128x1280xf32>
    %slice3A_164 = vector.extract_strided_slice %mul3A_24 {offsets = [35, 0], sizes = [1, 1280], strides = [1, 1]} : vector<128x1280xf32> to vector<1x1280xf32>
    %mul3A_165 = vector.broadcast %slice3A_164 : vector<1x1280xf32> to vector<128x1280xf32>
    %mul3A_166 = arith.mulf %mul3A_165, %mul3A_29 : vector<128x1280xf32>
    %slice3A_167 = vector.extract_strided_slice %mul3A_24 {offsets = [36, 0], sizes = [1, 1280], strides = [1, 1]} : vector<128x1280xf32> to vector<1x1280xf32>
    %mul3A_168 = vector.broadcast %slice3A_167 : vector<1x1280xf32> to vector<128x1280xf32>
    %mul3A_169 = arith.mulf %mul3A_168, %mul3A_29 : vector<128x1280xf32>
    %slice3A_170 = vector.extract_strided_slice %mul3A_24 {offsets = [37, 0], sizes = [1, 1280], strides = [1, 1]} : vector<128x1280xf32> to vector<1x1280xf32>
    %mul3A_171 = vector.broadcast %slice3A_170 : vector<1x1280xf32> to vector<128x1280xf32>
    %mul3A_172 = arith.mulf %mul3A_171, %mul3A_29 : vector<128x1280xf32>
    %slice3A_173 = vector.extract_strided_slice %mul3A_24 {offsets = [38, 0], sizes = [1, 1280], strides = [1, 1]} : vector<128x1280xf32> to vector<1x1280xf32>
    %mul3A_174 = vector.broadcast %slice3A_173 : vector<1x1280xf32> to vector<128x1280xf32>
    %mul3A_175 = arith.mulf %mul3A_174, %mul3A_29 : vector<128x1280xf32>
    %slice3A_176 = vector.extract_strided_slice %mul3A_24 {offsets = [39, 0], sizes = [1, 1280], strides = [1, 1]} : vector<128x1280xf32> to vector<1x1280xf32>
    %mul3A_177 = vector.broadcast %slice3A_176 : vector<1x1280xf32> to vector<128x1280xf32>
    %mul3A_178 = arith.mulf %mul3A_177, %mul3A_29 : vector<128x1280xf32>
    %concatenate3A_179 = tpu.concatenate %mul3A_157, %mul3A_160, %mul3A_163, %mul3A_166, %mul3A_169, %mul3A_172, %mul3A_175, %mul3A_178 in 0 : vector<128x1280xf32>, vector<128x1280xf32>, vector<128x1280xf32>, vector<128x1280xf32>, vector<128x1280xf32>, vector<128x1280xf32>, vector<128x1280xf32>, vector<128x1280xf32> -> vector<1024x1280xf32>
    %convert_element_type3A_180 = arith.truncf %concatenate3A_179 : vector<1024x1280xf32> to vector<1024x1280xbf16>
    %get3A_181 = arith.constant 0 : index
    %get3A_182 = arith.constant 4096 : index
    %get3A_183 = vector.load %arg6[%get3A_181, %get3A_182] : memref<128x16384xbf16, #tpu.memory_space<vmem>>, vector<128x1024xbf16>
    %dot_general3A_184 = arith.constant dense<0.000000e+00> : vector<128x1280xf32>
    %dot_general3A_185 = tpu.matmul %get3A_183, %convert_element_type3A_180, %dot_general3A_184 {dimension_numbers = #tpu.dot_dimension_numbers<[1], [0], [0], [1], [0, 0, 1, 1], [], []>, transpose_lhs_hint = false} : vector<128x1024xbf16>, vector<1024x1280xbf16>, vector<128x1280xf32> -> vector<128x1280xf32>
    %add3A_186 = arith.addf %add3A_154, %dot_general3A_185 : vector<128x1280xf32>
    %slice3A_187 = vector.extract_strided_slice %mul3A_24 {offsets = [40, 0], sizes = [1, 1280], strides = [1, 1]} : vector<128x1280xf32> to vector<1x1280xf32>
    %mul3A_188 = vector.broadcast %slice3A_187 : vector<1x1280xf32> to vector<128x1280xf32>
    %mul3A_189 = arith.mulf %mul3A_188, %mul3A_29 : vector<128x1280xf32>
    %slice3A_190 = vector.extract_strided_slice %mul3A_24 {offsets = [41, 0], sizes = [1, 1280], strides = [1, 1]} : vector<128x1280xf32> to vector<1x1280xf32>
    %mul3A_191 = vector.broadcast %slice3A_190 : vector<1x1280xf32> to vector<128x1280xf32>
    %mul3A_192 = arith.mulf %mul3A_191, %mul3A_29 : vector<128x1280xf32>
    %slice3A_193 = vector.extract_strided_slice %mul3A_24 {offsets = [42, 0], sizes = [1, 1280], strides = [1, 1]} : vector<128x1280xf32> to vector<1x1280xf32>
    %mul3A_194 = vector.broadcast %slice3A_193 : vector<1x1280xf32> to vector<128x1280xf32>
    %mul3A_195 = arith.mulf %mul3A_194, %mul3A_29 : vector<128x1280xf32>
    %slice3A_196 = vector.extract_strided_slice %mul3A_24 {offsets = [43, 0], sizes = [1, 1280], strides = [1, 1]} : vector<128x1280xf32> to vector<1x1280xf32>
    %mul3A_197 = vector.broadcast %slice3A_196 : vector<1x1280xf32> to vector<128x1280xf32>
    %mul3A_198 = arith.mulf %mul3A_197, %mul3A_29 : vector<128x1280xf32>
    %slice3A_199 = vector.extract_strided_slice %mul3A_24 {offsets = [44, 0], sizes = [1, 1280], strides = [1, 1]} : vector<128x1280xf32> to vector<1x1280xf32>
    %mul3A_200 = vector.broadcast %slice3A_199 : vector<1x1280xf32> to vector<128x1280xf32>
    %mul3A_201 = arith.mulf %mul3A_200, %mul3A_29 : vector<128x1280xf32>
    %slice3A_202 = vector.extract_strided_slice %mul3A_24 {offsets = [45, 0], sizes = [1, 1280], strides = [1, 1]} : vector<128x1280xf32> to vector<1x1280xf32>
    %mul3A_203 = vector.broadcast %slice3A_202 : vector<1x1280xf32> to vector<128x1280xf32>
    %mul3A_204 = arith.mulf %mul3A_203, %mul3A_29 : vector<128x1280xf32>
    %slice3A_205 = vector.extract_strided_slice %mul3A_24 {offsets = [46, 0], sizes = [1, 1280], strides = [1, 1]} : vector<128x1280xf32> to vector<1x1280xf32>
    %mul3A_206 = vector.broadcast %slice3A_205 : vector<1x1280xf32> to vector<128x1280xf32>
    %mul3A_207 = arith.mulf %mul3A_206, %mul3A_29 : vector<128x1280xf32>
    %slice3A_208 = vector.extract_strided_slice %mul3A_24 {offsets = [47, 0], sizes = [1, 1280], strides = [1, 1]} : vector<128x1280xf32> to vector<1x1280xf32>
    %mul3A_209 = vector.broadcast %slice3A_208 : vector<1x1280xf32> to vector<128x1280xf32>
    %mul3A_210 = arith.mulf %mul3A_209, %mul3A_29 : vector<128x1280xf32>
    %concatenate3A_211 = tpu.concatenate %mul3A_189, %mul3A_192, %mul3A_195, %mul3A_198, %mul3A_201, %mul3A_204, %mul3A_207, %mul3A_210 in 0 : vector<128x1280xf32>, vector<128x1280xf32>, vector<128x1280xf32>, vector<128x1280xf32>, vector<128x1280xf32>, vector<128x1280xf32>, vector<128x1280xf32>, vector<128x1280xf32> -> vector<1024x1280xf32>
    %convert_element_type3A_212 = arith.truncf %concatenate3A_211 : vector<1024x1280xf32> to vector<1024x1280xbf16>
    %get3A_213 = arith.constant 0 : index
    %get3A_214 = arith.constant 5120 : index
    %get3A_215 = vector.load %arg6[%get3A_213, %get3A_214] : memref<128x16384xbf16, #tpu.memory_space<vmem>>, vector<128x1024xbf16>
    %dot_general3A_216 = arith.constant dense<0.000000e+00> : vector<128x1280xf32>
    %dot_general3A_217 = tpu.matmul %get3A_215, %convert_element_type3A_212, %dot_general3A_216 {dimension_numbers = #tpu.dot_dimension_numbers<[1], [0], [0], [1], [0, 0, 1, 1], [], []>, transpose_lhs_hint = false} : vector<128x1024xbf16>, vector<1024x1280xbf16>, vector<128x1280xf32> -> vector<128x1280xf32>
    %add3A_218 = arith.addf %add3A_186, %dot_general3A_217 : vector<128x1280xf32>
    %slice3A_219 = vector.extract_strided_slice %mul3A_24 {offsets = [48, 0], sizes = [1, 1280], strides = [1, 1]} : vector<128x1280xf32> to vector<1x1280xf32>
    %mul3A_220 = vector.broadcast %slice3A_219 : vector<1x1280xf32> to vector<128x1280xf32>
    %mul3A_221 = arith.mulf %mul3A_220, %mul3A_29 : vector<128x1280xf32>
    %slice3A_222 = vector.extract_strided_slice %mul3A_24 {offsets = [49, 0], sizes = [1, 1280], strides = [1, 1]} : vector<128x1280xf32> to vector<1x1280xf32>
    %mul3A_223 = vector.broadcast %slice3A_222 : vector<1x1280xf32> to vector<128x1280xf32>
    %mul3A_224 = arith.mulf %mul3A_223, %mul3A_29 : vector<128x1280xf32>
    %slice3A_225 = vector.extract_strided_slice %mul3A_24 {offsets = [50, 0], sizes = [1, 1280], strides = [1, 1]} : vector<128x1280xf32> to vector<1x1280xf32>
    %mul3A_226 = vector.broadcast %slice3A_225 : vector<1x1280xf32> to vector<128x1280xf32>
    %mul3A_227 = arith.mulf %mul3A_226, %mul3A_29 : vector<128x1280xf32>
    %slice3A_228 = vector.extract_strided_slice %mul3A_24 {offsets = [51, 0], sizes = [1, 1280], strides = [1, 1]} : vector<128x1280xf32> to vector<1x1280xf32>
    %mul3A_229 = vector.broadcast %slice3A_228 : vector<1x1280xf32> to vector<128x1280xf32>
    %mul3A_230 = arith.mulf %mul3A_229, %mul3A_29 : vector<128x1280xf32>
    %slice3A_231 = vector.extract_strided_slice %mul3A_24 {offsets = [52, 0], sizes = [1, 1280], strides = [1, 1]} : vector<128x1280xf32> to vector<1x1280xf32>
    %mul3A_232 = vector.broadcast %slice3A_231 : vector<1x1280xf32> to vector<128x1280xf32>
    %mul3A_233 = arith.mulf %mul3A_232, %mul3A_29 : vector<128x1280xf32>
    %slice3A_234 = vector.extract_strided_slice %mul3A_24 {offsets = [53, 0], sizes = [1, 1280], strides = [1, 1]} : vector<128x1280xf32> to vector<1x1280xf32>
    %mul3A_235 = vector.broadcast %slice3A_234 : vector<1x1280xf32> to vector<128x1280xf32>
    %mul3A_236 = arith.mulf %mul3A_235, %mul3A_29 : vector<128x1280xf32>
    %slice3A_237 = vector.extract_strided_slice %mul3A_24 {offsets = [54, 0], sizes = [1, 1280], strides = [1, 1]} : vector<128x1280xf32> to vector<1x1280xf32>
    %mul3A_238 = vector.broadcast %slice3A_237 : vector<1x1280xf32> to vector<128x1280xf32>
    %mul3A_239 = arith.mulf %mul3A_238, %mul3A_29 : vector<128x1280xf32>
    %slice3A_240 = vector.extract_strided_slice %mul3A_24 {offsets = [55, 0], sizes = [1, 1280], strides = [1, 1]} : vector<128x1280xf32> to vector<1x1280xf32>
    %mul3A_241 = vector.broadcast %slice3A_240 : vector<1x1280xf32> to vector<128x1280xf32>
    %mul3A_242 = arith.mulf %mul3A_241, %mul3A_29 : vector<128x1280xf32>
    %concatenate3A_243 = tpu.concatenate %mul3A_221, %mul3A_224, %mul3A_227, %mul3A_230, %mul3A_233, %mul3A_236, %mul3A_239, %mul3A_242 in 0 : vector<128x1280xf32>, vector<128x1280xf32>, vector<128x1280xf32>, vector<128x1280xf32>, vector<128x1280xf32>, vector<128x1280xf32>, vector<128x1280xf32>, vector<128x1280xf32> -> vector<1024x1280xf32>
    %convert_element_type3A_244 = arith.truncf %concatenate3A_243 : vector<1024x1280xf32> to vector<1024x1280xbf16>
    %get3A_245 = arith.constant 0 : index
    %get3A_246 = arith.constant 6144 : index
    %get3A_247 = vector.load %arg6[%get3A_245, %get3A_246] : memref<128x16384xbf16, #tpu.memory_space<vmem>>, vector<128x1024xbf16>
    %dot_general3A_248 = arith.constant dense<0.000000e+00> : vector<128x1280xf32>
    %dot_general3A_249 = tpu.matmul %get3A_247, %convert_element_type3A_244, %dot_general3A_248 {dimension_numbers = #tpu.dot_dimension_numbers<[1], [0], [0], [1], [0, 0, 1, 1], [], []>, transpose_lhs_hint = false} : vector<128x1024xbf16>, vector<1024x1280xbf16>, vector<128x1280xf32> -> vector<128x1280xf32>
    %add3A_250 = arith.addf %add3A_218, %dot_general3A_249 : vector<128x1280xf32>
    %slice3A_251 = vector.extract_strided_slice %mul3A_24 {offsets = [56, 0], sizes = [1, 1280], strides = [1, 1]} : vector<128x1280xf32> to vector<1x1280xf32>
    %mul3A_252 = vector.broadcast %slice3A_251 : vector<1x1280xf32> to vector<128x1280xf32>
    %mul3A_253 = arith.mulf %mul3A_252, %mul3A_29 : vector<128x1280xf32>
    %slice3A_254 = vector.extract_strided_slice %mul3A_24 {offsets = [57, 0], sizes = [1, 1280], strides = [1, 1]} : vector<128x1280xf32> to vector<1x1280xf32>
    %mul3A_255 = vector.broadcast %slice3A_254 : vector<1x1280xf32> to vector<128x1280xf32>
    %mul3A_256 = arith.mulf %mul3A_255, %mul3A_29 : vector<128x1280xf32>
    %slice3A_257 = vector.extract_strided_slice %mul3A_24 {offsets = [58, 0], sizes = [1, 1280], strides = [1, 1]} : vector<128x1280xf32> to vector<1x1280xf32>
    %mul3A_258 = vector.broadcast %slice3A_257 : vector<1x1280xf32> to vector<128x1280xf32>
    %mul3A_259 = arith.mulf %mul3A_258, %mul3A_29 : vector<128x1280xf32>
    %slice3A_260 = vector.extract_strided_slice %mul3A_24 {offsets = [59, 0], sizes = [1, 1280], strides = [1, 1]} : vector<128x1280xf32> to vector<1x1280xf32>
    %mul3A_261 = vector.broadcast %slice3A_260 : vector<1x1280xf32> to vector<128x1280xf32>
    %mul3A_262 = arith.mulf %mul3A_261, %mul3A_29 : vector<128x1280xf32>
    %slice3A_263 = vector.extract_strided_slice %mul3A_24 {offsets = [60, 0], sizes = [1, 1280], strides = [1, 1]} : vector<128x1280xf32> to vector<1x1280xf32>
    %mul3A_264 = vector.broadcast %slice3A_263 : vector<1x1280xf32> to vector<128x1280xf32>
    %mul3A_265 = arith.mulf %mul3A_264, %mul3A_29 : vector<128x1280xf32>
    %slice3A_266 = vector.extract_strided_slice %mul3A_24 {offsets = [61, 0], sizes = [1, 1280], strides = [1, 1]} : vector<128x1280xf32> to vector<1x1280xf32>
    %mul3A_267 = vector.broadcast %slice3A_266 : vector<1x1280xf32> to vector<128x1280xf32>
    %mul3A_268 = arith.mulf %mul3A_267, %mul3A_29 : vector<128x1280xf32>
    %slice3A_269 = vector.extract_strided_slice %mul3A_24 {offsets = [62, 0], sizes = [1, 1280], strides = [1, 1]} : vector<128x1280xf32> to vector<1x1280xf32>
    %mul3A_270 = vector.broadcast %slice3A_269 : vector<1x1280xf32> to vector<128x1280xf32>
    %mul3A_271 = arith.mulf %mul3A_270, %mul3A_29 : vector<128x1280xf32>
    %slice3A_272 = vector.extract_strided_slice %mul3A_24 {offsets = [63, 0], sizes = [1, 1280], strides = [1, 1]} : vector<128x1280xf32> to vector<1x1280xf32>
    %mul3A_273 = vector.broadcast %slice3A_272 : vector<1x1280xf32> to vector<128x1280xf32>
    %mul3A_274 = arith.mulf %mul3A_273, %mul3A_29 : vector<128x1280xf32>
    %concatenate3A_275 = tpu.concatenate %mul3A_253, %mul3A_256, %mul3A_259, %mul3A_262, %mul3A_265, %mul3A_268, %mul3A_271, %mul3A_274 in 0 : vector<128x1280xf32>, vector<128x1280xf32>, vector<128x1280xf32>, vector<128x1280xf32>, vector<128x1280xf32>, vector<128x1280xf32>, vector<128x1280xf32>, vector<128x1280xf32> -> vector<1024x1280xf32>
    %convert_element_type3A_276 = arith.truncf %concatenate3A_275 : vector<1024x1280xf32> to vector<1024x1280xbf16>
    %get3A_277 = arith.constant 0 : index
    %get3A_278 = arith.constant 7168 : index
    %get3A_279 = vector.load %arg6[%get3A_277, %get3A_278] : memref<128x16384xbf16, #tpu.memory_space<vmem>>, vector<128x1024xbf16>
    %dot_general3A_280 = arith.constant dense<0.000000e+00> : vector<128x1280xf32>
    %dot_general3A_281 = tpu.matmul %get3A_279, %convert_element_type3A_276, %dot_general3A_280 {dimension_numbers = #tpu.dot_dimension_numbers<[1], [0], [0], [1], [0, 0, 1, 1], [], []>, transpose_lhs_hint = false} : vector<128x1024xbf16>, vector<1024x1280xbf16>, vector<128x1280xf32> -> vector<128x1280xf32>
    %add3A_282 = arith.addf %add3A_250, %dot_general3A_281 : vector<128x1280xf32>
    %slice3A_283 = vector.extract_strided_slice %mul3A_24 {offsets = [64, 0], sizes = [1, 1280], strides = [1, 1]} : vector<128x1280xf32> to vector<1x1280xf32>
    %mul3A_284 = vector.broadcast %slice3A_283 : vector<1x1280xf32> to vector<128x1280xf32>
    %mul3A_285 = arith.mulf %mul3A_284, %mul3A_29 : vector<128x1280xf32>
    %slice3A_286 = vector.extract_strided_slice %mul3A_24 {offsets = [65, 0], sizes = [1, 1280], strides = [1, 1]} : vector<128x1280xf32> to vector<1x1280xf32>
    %mul3A_287 = vector.broadcast %slice3A_286 : vector<1x1280xf32> to vector<128x1280xf32>
    %mul3A_288 = arith.mulf %mul3A_287, %mul3A_29 : vector<128x1280xf32>
    %slice3A_289 = vector.extract_strided_slice %mul3A_24 {offsets = [66, 0], sizes = [1, 1280], strides = [1, 1]} : vector<128x1280xf32> to vector<1x1280xf32>
    %mul3A_290 = vector.broadcast %slice3A_289 : vector<1x1280xf32> to vector<128x1280xf32>
    %mul3A_291 = arith.mulf %mul3A_290, %mul3A_29 : vector<128x1280xf32>
    %slice3A_292 = vector.extract_strided_slice %mul3A_24 {offsets = [67, 0], sizes = [1, 1280], strides = [1, 1]} : vector<128x1280xf32> to vector<1x1280xf32>
    %mul3A_293 = vector.broadcast %slice3A_292 : vector<1x1280xf32> to vector<128x1280xf32>
    %mul3A_294 = arith.mulf %mul3A_293, %mul3A_29 : vector<128x1280xf32>
    %slice3A_295 = vector.extract_strided_slice %mul3A_24 {offsets = [68, 0], sizes = [1, 1280], strides = [1, 1]} : vector<128x1280xf32> to vector<1x1280xf32>
    %mul3A_296 = vector.broadcast %slice3A_295 : vector<1x1280xf32> to vector<128x1280xf32>
    %mul3A_297 = arith.mulf %mul3A_296, %mul3A_29 : vector<128x1280xf32>
    %slice3A_298 = vector.extract_strided_slice %mul3A_24 {offsets = [69, 0], sizes = [1, 1280], strides = [1, 1]} : vector<128x1280xf32> to vector<1x1280xf32>
    %mul3A_299 = vector.broadcast %slice3A_298 : vector<1x1280xf32> to vector<128x1280xf32>
    %mul3A_300 = arith.mulf %mul3A_299, %mul3A_29 : vector<128x1280xf32>
    %slice3A_301 = vector.extract_strided_slice %mul3A_24 {offsets = [70, 0], sizes = [1, 1280], strides = [1, 1]} : vector<128x1280xf32> to vector<1x1280xf32>
    %mul3A_302 = vector.broadcast %slice3A_301 : vector<1x1280xf32> to vector<128x1280xf32>
    %mul3A_303 = arith.mulf %mul3A_302, %mul3A_29 : vector<128x1280xf32>
    %slice3A_304 = vector.extract_strided_slice %mul3A_24 {offsets = [71, 0], sizes = [1, 1280], strides = [1, 1]} : vector<128x1280xf32> to vector<1x1280xf32>
    %mul3A_305 = vector.broadcast %slice3A_304 : vector<1x1280xf32> to vector<128x1280xf32>
    %mul3A_306 = arith.mulf %mul3A_305, %mul3A_29 : vector<128x1280xf32>
    %concatenate3A_307 = tpu.concatenate %mul3A_285, %mul3A_288, %mul3A_291, %mul3A_294, %mul3A_297, %mul3A_300, %mul3A_303, %mul3A_306 in 0 : vector<128x1280xf32>, vector<128x1280xf32>, vector<128x1280xf32>, vector<128x1280xf32>, vector<128x1280xf32>, vector<128x1280xf32>, vector<128x1280xf32>, vector<128x1280xf32> -> vector<1024x1280xf32>
    %convert_element_type3A_308 = arith.truncf %concatenate3A_307 : vector<1024x1280xf32> to vector<1024x1280xbf16>
    %get3A_309 = arith.constant 0 : index
    %get3A_310 = arith.constant 8192 : index
    %get3A_311 = vector.load %arg6[%get3A_309, %get3A_310] : memref<128x16384xbf16, #tpu.memory_space<vmem>>, vector<128x1024xbf16>
    %dot_general3A_312 = arith.constant dense<0.000000e+00> : vector<128x1280xf32>
    %dot_general3A_313 = tpu.matmul %get3A_311, %convert_element_type3A_308, %dot_general3A_312 {dimension_numbers = #tpu.dot_dimension_numbers<[1], [0], [0], [1], [0, 0, 1, 1], [], []>, transpose_lhs_hint = false} : vector<128x1024xbf16>, vector<1024x1280xbf16>, vector<128x1280xf32> -> vector<128x1280xf32>
    %add3A_314 = arith.addf %add3A_282, %dot_general3A_313 : vector<128x1280xf32>
    %slice3A_315 = vector.extract_strided_slice %mul3A_24 {offsets = [72, 0], sizes = [1, 1280], strides = [1, 1]} : vector<128x1280xf32> to vector<1x1280xf32>
    %mul3A_316 = vector.broadcast %slice3A_315 : vector<1x1280xf32> to vector<128x1280xf32>
    %mul3A_317 = arith.mulf %mul3A_316, %mul3A_29 : vector<128x1280xf32>
    %slice3A_318 = vector.extract_strided_slice %mul3A_24 {offsets = [73, 0], sizes = [1, 1280], strides = [1, 1]} : vector<128x1280xf32> to vector<1x1280xf32>
    %mul3A_319 = vector.broadcast %slice3A_318 : vector<1x1280xf32> to vector<128x1280xf32>
    %mul3A_320 = arith.mulf %mul3A_319, %mul3A_29 : vector<128x1280xf32>
    %slice3A_321 = vector.extract_strided_slice %mul3A_24 {offsets = [74, 0], sizes = [1, 1280], strides = [1, 1]} : vector<128x1280xf32> to vector<1x1280xf32>
    %mul3A_322 = vector.broadcast %slice3A_321 : vector<1x1280xf32> to vector<128x1280xf32>
    %mul3A_323 = arith.mulf %mul3A_322, %mul3A_29 : vector<128x1280xf32>
    %slice3A_324 = vector.extract_strided_slice %mul3A_24 {offsets = [75, 0], sizes = [1, 1280], strides = [1, 1]} : vector<128x1280xf32> to vector<1x1280xf32>
    %mul3A_325 = vector.broadcast %slice3A_324 : vector<1x1280xf32> to vector<128x1280xf32>
    %mul3A_326 = arith.mulf %mul3A_325, %mul3A_29 : vector<128x1280xf32>
    %slice3A_327 = vector.extract_strided_slice %mul3A_24 {offsets = [76, 0], sizes = [1, 1280], strides = [1, 1]} : vector<128x1280xf32> to vector<1x1280xf32>
    %mul3A_328 = vector.broadcast %slice3A_327 : vector<1x1280xf32> to vector<128x1280xf32>
    %mul3A_329 = arith.mulf %mul3A_328, %mul3A_29 : vector<128x1280xf32>
    %slice3A_330 = vector.extract_strided_slice %mul3A_24 {offsets = [77, 0], sizes = [1, 1280], strides = [1, 1]} : vector<128x1280xf32> to vector<1x1280xf32>
    %mul3A_331 = vector.broadcast %slice3A_330 : vector<1x1280xf32> to vector<128x1280xf32>
    %mul3A_332 = arith.mulf %mul3A_331, %mul3A_29 : vector<128x1280xf32>
    %slice3A_333 = vector.extract_strided_slice %mul3A_24 {offsets = [78, 0], sizes = [1, 1280], strides = [1, 1]} : vector<128x1280xf32> to vector<1x1280xf32>
    %mul3A_334 = vector.broadcast %slice3A_333 : vector<1x1280xf32> to vector<128x1280xf32>
    %mul3A_335 = arith.mulf %mul3A_334, %mul3A_29 : vector<128x1280xf32>
    %slice3A_336 = vector.extract_strided_slice %mul3A_24 {offsets = [79, 0], sizes = [1, 1280], strides = [1, 1]} : vector<128x1280xf32> to vector<1x1280xf32>
    %mul3A_337 = vector.broadcast %slice3A_336 : vector<1x1280xf32> to vector<128x1280xf32>
    %mul3A_338 = arith.mulf %mul3A_337, %mul3A_29 : vector<128x1280xf32>
    %concatenate3A_339 = tpu.concatenate %mul3A_317, %mul3A_320, %mul3A_323, %mul3A_326, %mul3A_329, %mul3A_332, %mul3A_335, %mul3A_338 in 0 : vector<128x1280xf32>, vector<128x1280xf32>, vector<128x1280xf32>, vector<128x1280xf32>, vector<128x1280xf32>, vector<128x1280xf32>, vector<128x1280xf32>, vector<128x1280xf32> -> vector<1024x1280xf32>
    %convert_element_type3A_340 = arith.truncf %concatenate3A_339 : vector<1024x1280xf32> to vector<1024x1280xbf16>
    %get3A_341 = arith.constant 0 : index
    %get3A_342 = arith.constant 9216 : index
    %get3A_343 = vector.load %arg6[%get3A_341, %get3A_342] : memref<128x16384xbf16, #tpu.memory_space<vmem>>, vector<128x1024xbf16>
    %dot_general3A_344 = arith.constant dense<0.000000e+00> : vector<128x1280xf32>
    %dot_general3A_345 = tpu.matmul %get3A_343, %convert_element_type3A_340, %dot_general3A_344 {dimension_numbers = #tpu.dot_dimension_numbers<[1], [0], [0], [1], [0, 0, 1, 1], [], []>, transpose_lhs_hint = false} : vector<128x1024xbf16>, vector<1024x1280xbf16>, vector<128x1280xf32> -> vector<128x1280xf32>
    %add3A_346 = arith.addf %add3A_314, %dot_general3A_345 : vector<128x1280xf32>
    %slice3A_347 = vector.extract_strided_slice %mul3A_24 {offsets = [80, 0], sizes = [1, 1280], strides = [1, 1]} : vector<128x1280xf32> to vector<1x1280xf32>
    %mul3A_348 = vector.broadcast %slice3A_347 : vector<1x1280xf32> to vector<128x1280xf32>
    %mul3A_349 = arith.mulf %mul3A_348, %mul3A_29 : vector<128x1280xf32>
    %slice3A_350 = vector.extract_strided_slice %mul3A_24 {offsets = [81, 0], sizes = [1, 1280], strides = [1, 1]} : vector<128x1280xf32> to vector<1x1280xf32>
    %mul3A_351 = vector.broadcast %slice3A_350 : vector<1x1280xf32> to vector<128x1280xf32>
    %mul3A_352 = arith.mulf %mul3A_351, %mul3A_29 : vector<128x1280xf32>
    %slice3A_353 = vector.extract_strided_slice %mul3A_24 {offsets = [82, 0], sizes = [1, 1280], strides = [1, 1]} : vector<128x1280xf32> to vector<1x1280xf32>
    %mul3A_354 = vector.broadcast %slice3A_353 : vector<1x1280xf32> to vector<128x1280xf32>
    %mul3A_355 = arith.mulf %mul3A_354, %mul3A_29 : vector<128x1280xf32>
    %slice3A_356 = vector.extract_strided_slice %mul3A_24 {offsets = [83, 0], sizes = [1, 1280], strides = [1, 1]} : vector<128x1280xf32> to vector<1x1280xf32>
    %mul3A_357 = vector.broadcast %slice3A_356 : vector<1x1280xf32> to vector<128x1280xf32>
    %mul3A_358 = arith.mulf %mul3A_357, %mul3A_29 : vector<128x1280xf32>
    %slice3A_359 = vector.extract_strided_slice %mul3A_24 {offsets = [84, 0], sizes = [1, 1280], strides = [1, 1]} : vector<128x1280xf32> to vector<1x1280xf32>
    %mul3A_360 = vector.broadcast %slice3A_359 : vector<1x1280xf32> to vector<128x1280xf32>
    %mul3A_361 = arith.mulf %mul3A_360, %mul3A_29 : vector<128x1280xf32>
    %slice3A_362 = vector.extract_strided_slice %mul3A_24 {offsets = [85, 0], sizes = [1, 1280], strides = [1, 1]} : vector<128x1280xf32> to vector<1x1280xf32>
    %mul3A_363 = vector.broadcast %slice3A_362 : vector<1x1280xf32> to vector<128x1280xf32>
    %mul3A_364 = arith.mulf %mul3A_363, %mul3A_29 : vector<128x1280xf32>
    %slice3A_365 = vector.extract_strided_slice %mul3A_24 {offsets = [86, 0], sizes = [1, 1280], strides = [1, 1]} : vector<128x1280xf32> to vector<1x1280xf32>
    %mul3A_366 = vector.broadcast %slice3A_365 : vector<1x1280xf32> to vector<128x1280xf32>
    %mul3A_367 = arith.mulf %mul3A_366, %mul3A_29 : vector<128x1280xf32>
    %slice3A_368 = vector.extract_strided_slice %mul3A_24 {offsets = [87, 0], sizes = [1, 1280], strides = [1, 1]} : vector<128x1280xf32> to vector<1x1280xf32>
    %mul3A_369 = vector.broadcast %slice3A_368 : vector<1x1280xf32> to vector<128x1280xf32>
    %mul3A_370 = arith.mulf %mul3A_369, %mul3A_29 : vector<128x1280xf32>
    %concatenate3A_371 = tpu.concatenate %mul3A_349, %mul3A_352, %mul3A_355, %mul3A_358, %mul3A_361, %mul3A_364, %mul3A_367, %mul3A_370 in 0 : vector<128x1280xf32>, vector<128x1280xf32>, vector<128x1280xf32>, vector<128x1280xf32>, vector<128x1280xf32>, vector<128x1280xf32>, vector<128x1280xf32>, vector<128x1280xf32> -> vector<1024x1280xf32>
    %convert_element_type3A_372 = arith.truncf %concatenate3A_371 : vector<1024x1280xf32> to vector<1024x1280xbf16>
    %get3A_373 = arith.constant 0 : index
    %get3A_374 = arith.constant 10240 : index
    %get3A_375 = vector.load %arg6[%get3A_373, %get3A_374] : memref<128x16384xbf16, #tpu.memory_space<vmem>>, vector<128x1024xbf16>
    %dot_general3A_376 = arith.constant dense<0.000000e+00> : vector<128x1280xf32>
    %dot_general3A_377 = tpu.matmul %get3A_375, %convert_element_type3A_372, %dot_general3A_376 {dimension_numbers = #tpu.dot_dimension_numbers<[1], [0], [0], [1], [0, 0, 1, 1], [], []>, transpose_lhs_hint = false} : vector<128x1024xbf16>, vector<1024x1280xbf16>, vector<128x1280xf32> -> vector<128x1280xf32>
    %add3A_378 = arith.addf %add3A_346, %dot_general3A_377 : vector<128x1280xf32>
    %slice3A_379 = vector.extract_strided_slice %mul3A_24 {offsets = [88, 0], sizes = [1, 1280], strides = [1, 1]} : vector<128x1280xf32> to vector<1x1280xf32>
    %mul3A_380 = vector.broadcast %slice3A_379 : vector<1x1280xf32> to vector<128x1280xf32>
    %mul3A_381 = arith.mulf %mul3A_380, %mul3A_29 : vector<128x1280xf32>
    %slice3A_382 = vector.extract_strided_slice %mul3A_24 {offsets = [89, 0], sizes = [1, 1280], strides = [1, 1]} : vector<128x1280xf32> to vector<1x1280xf32>
    %mul3A_383 = vector.broadcast %slice3A_382 : vector<1x1280xf32> to vector<128x1280xf32>
    %mul3A_384 = arith.mulf %mul3A_383, %mul3A_29 : vector<128x1280xf32>
    %slice3A_385 = vector.extract_strided_slice %mul3A_24 {offsets = [90, 0], sizes = [1, 1280], strides = [1, 1]} : vector<128x1280xf32> to vector<1x1280xf32>
    %mul3A_386 = vector.broadcast %slice3A_385 : vector<1x1280xf32> to vector<128x1280xf32>
    %mul3A_387 = arith.mulf %mul3A_386, %mul3A_29 : vector<128x1280xf32>
    %slice3A_388 = vector.extract_strided_slice %mul3A_24 {offsets = [91, 0], sizes = [1, 1280], strides = [1, 1]} : vector<128x1280xf32> to vector<1x1280xf32>
    %mul3A_389 = vector.broadcast %slice3A_388 : vector<1x1280xf32> to vector<128x1280xf32>
    %mul3A_390 = arith.mulf %mul3A_389, %mul3A_29 : vector<128x1280xf32>
    %slice3A_391 = vector.extract_strided_slice %mul3A_24 {offsets = [92, 0], sizes = [1, 1280], strides = [1, 1]} : vector<128x1280xf32> to vector<1x1280xf32>
    %mul3A_392 = vector.broadcast %slice3A_391 : vector<1x1280xf32> to vector<128x1280xf32>
    %mul3A_393 = arith.mulf %mul3A_392, %mul3A_29 : vector<128x1280xf32>
    %slice3A_394 = vector.extract_strided_slice %mul3A_24 {offsets = [93, 0], sizes = [1, 1280], strides = [1, 1]} : vector<128x1280xf32> to vector<1x1280xf32>
    %mul3A_395 = vector.broadcast %slice3A_394 : vector<1x1280xf32> to vector<128x1280xf32>
    %mul3A_396 = arith.mulf %mul3A_395, %mul3A_29 : vector<128x1280xf32>
    %slice3A_397 = vector.extract_strided_slice %mul3A_24 {offsets = [94, 0], sizes = [1, 1280], strides = [1, 1]} : vector<128x1280xf32> to vector<1x1280xf32>
    %mul3A_398 = vector.broadcast %slice3A_397 : vector<1x1280xf32> to vector<128x1280xf32>
    %mul3A_399 = arith.mulf %mul3A_398, %mul3A_29 : vector<128x1280xf32>
    %slice3A_400 = vector.extract_strided_slice %mul3A_24 {offsets = [95, 0], sizes = [1, 1280], strides = [1, 1]} : vector<128x1280xf32> to vector<1x1280xf32>
    %mul3A_401 = vector.broadcast %slice3A_400 : vector<1x1280xf32> to vector<128x1280xf32>
    %mul3A_402 = arith.mulf %mul3A_401, %mul3A_29 : vector<128x1280xf32>
    %concatenate3A_403 = tpu.concatenate %mul3A_381, %mul3A_384, %mul3A_387, %mul3A_390, %mul3A_393, %mul3A_396, %mul3A_399, %mul3A_402 in 0 : vector<128x1280xf32>, vector<128x1280xf32>, vector<128x1280xf32>, vector<128x1280xf32>, vector<128x1280xf32>, vector<128x1280xf32>, vector<128x1280xf32>, vector<128x1280xf32> -> vector<1024x1280xf32>
    %convert_element_type3A_404 = arith.truncf %concatenate3A_403 : vector<1024x1280xf32> to vector<1024x1280xbf16>
    %get3A_405 = arith.constant 0 : index
    %get3A_406 = arith.constant 11264 : index
    %get3A_407 = vector.load %arg6[%get3A_405, %get3A_406] : memref<128x16384xbf16, #tpu.memory_space<vmem>>, vector<128x1024xbf16>
    %dot_general3A_408 = arith.constant dense<0.000000e+00> : vector<128x1280xf32>
    %dot_general3A_409 = tpu.matmul %get3A_407, %convert_element_type3A_404, %dot_general3A_408 {dimension_numbers = #tpu.dot_dimension_numbers<[1], [0], [0], [1], [0, 0, 1, 1], [], []>, transpose_lhs_hint = false} : vector<128x1024xbf16>, vector<1024x1280xbf16>, vector<128x1280xf32> -> vector<128x1280xf32>
    %add3A_410 = arith.addf %add3A_378, %dot_general3A_409 : vector<128x1280xf32>
    %slice3A_411 = vector.extract_strided_slice %mul3A_24 {offsets = [96, 0], sizes = [1, 1280], strides = [1, 1]} : vector<128x1280xf32> to vector<1x1280xf32>
    %mul3A_412 = vector.broadcast %slice3A_411 : vector<1x1280xf32> to vector<128x1280xf32>
    %mul3A_413 = arith.mulf %mul3A_412, %mul3A_29 : vector<128x1280xf32>
    %slice3A_414 = vector.extract_strided_slice %mul3A_24 {offsets = [97, 0], sizes = [1, 1280], strides = [1, 1]} : vector<128x1280xf32> to vector<1x1280xf32>
    %mul3A_415 = vector.broadcast %slice3A_414 : vector<1x1280xf32> to vector<128x1280xf32>
    %mul3A_416 = arith.mulf %mul3A_415, %mul3A_29 : vector<128x1280xf32>
    %slice3A_417 = vector.extract_strided_slice %mul3A_24 {offsets = [98, 0], sizes = [1, 1280], strides = [1, 1]} : vector<128x1280xf32> to vector<1x1280xf32>
    %mul3A_418 = vector.broadcast %slice3A_417 : vector<1x1280xf32> to vector<128x1280xf32>
    %mul3A_419 = arith.mulf %mul3A_418, %mul3A_29 : vector<128x1280xf32>
    %slice3A_420 = vector.extract_strided_slice %mul3A_24 {offsets = [99, 0], sizes = [1, 1280], strides = [1, 1]} : vector<128x1280xf32> to vector<1x1280xf32>
    %mul3A_421 = vector.broadcast %slice3A_420 : vector<1x1280xf32> to vector<128x1280xf32>
    %mul3A_422 = arith.mulf %mul3A_421, %mul3A_29 : vector<128x1280xf32>
    %slice3A_423 = vector.extract_strided_slice %mul3A_24 {offsets = [100, 0], sizes = [1, 1280], strides = [1, 1]} : vector<128x1280xf32> to vector<1x1280xf32>
    %mul3A_424 = vector.broadcast %slice3A_423 : vector<1x1280xf32> to vector<128x1280xf32>
    %mul3A_425 = arith.mulf %mul3A_424, %mul3A_29 : vector<128x1280xf32>
    %slice3A_426 = vector.extract_strided_slice %mul3A_24 {offsets = [101, 0], sizes = [1, 1280], strides = [1, 1]} : vector<128x1280xf32> to vector<1x1280xf32>
    %mul3A_427 = vector.broadcast %slice3A_426 : vector<1x1280xf32> to vector<128x1280xf32>
    %mul3A_428 = arith.mulf %mul3A_427, %mul3A_29 : vector<128x1280xf32>
    %slice3A_429 = vector.extract_strided_slice %mul3A_24 {offsets = [102, 0], sizes = [1, 1280], strides = [1, 1]} : vector<128x1280xf32> to vector<1x1280xf32>
    %mul3A_430 = vector.broadcast %slice3A_429 : vector<1x1280xf32> to vector<128x1280xf32>
    %mul3A_431 = arith.mulf %mul3A_430, %mul3A_29 : vector<128x1280xf32>
    %slice3A_432 = vector.extract_strided_slice %mul3A_24 {offsets = [103, 0], sizes = [1, 1280], strides = [1, 1]} : vector<128x1280xf32> to vector<1x1280xf32>
    %mul3A_433 = vector.broadcast %slice3A_432 : vector<1x1280xf32> to vector<128x1280xf32>
    %mul3A_434 = arith.mulf %mul3A_433, %mul3A_29 : vector<128x1280xf32>
    %concatenate3A_435 = tpu.concatenate %mul3A_413, %mul3A_416, %mul3A_419, %mul3A_422, %mul3A_425, %mul3A_428, %mul3A_431, %mul3A_434 in 0 : vector<128x1280xf32>, vector<128x1280xf32>, vector<128x1280xf32>, vector<128x1280xf32>, vector<128x1280xf32>, vector<128x1280xf32>, vector<128x1280xf32>, vector<128x1280xf32> -> vector<1024x1280xf32>
    %convert_element_type3A_436 = arith.truncf %concatenate3A_435 : vector<1024x1280xf32> to vector<1024x1280xbf16>
    %get3A_437 = arith.constant 0 : index
    %get3A_438 = arith.constant 12288 : index
    %get3A_439 = vector.load %arg6[%get3A_437, %get3A_438] : memref<128x16384xbf16, #tpu.memory_space<vmem>>, vector<128x1024xbf16>
    %dot_general3A_440 = arith.constant dense<0.000000e+00> : vector<128x1280xf32>
    %dot_general3A_441 = tpu.matmul %get3A_439, %convert_element_type3A_436, %dot_general3A_440 {dimension_numbers = #tpu.dot_dimension_numbers<[1], [0], [0], [1], [0, 0, 1, 1], [], []>, transpose_lhs_hint = false} : vector<128x1024xbf16>, vector<1024x1280xbf16>, vector<128x1280xf32> -> vector<128x1280xf32>
    %add3A_442 = arith.addf %add3A_410, %dot_general3A_441 : vector<128x1280xf32>
    %slice3A_443 = vector.extract_strided_slice %mul3A_24 {offsets = [104, 0], sizes = [1, 1280], strides = [1, 1]} : vector<128x1280xf32> to vector<1x1280xf32>
    %mul3A_444 = vector.broadcast %slice3A_443 : vector<1x1280xf32> to vector<128x1280xf32>
    %mul3A_445 = arith.mulf %mul3A_444, %mul3A_29 : vector<128x1280xf32>
    %slice3A_446 = vector.extract_strided_slice %mul3A_24 {offsets = [105, 0], sizes = [1, 1280], strides = [1, 1]} : vector<128x1280xf32> to vector<1x1280xf32>
    %mul3A_447 = vector.broadcast %slice3A_446 : vector<1x1280xf32> to vector<128x1280xf32>
    %mul3A_448 = arith.mulf %mul3A_447, %mul3A_29 : vector<128x1280xf32>
    %slice3A_449 = vector.extract_strided_slice %mul3A_24 {offsets = [106, 0], sizes = [1, 1280], strides = [1, 1]} : vector<128x1280xf32> to vector<1x1280xf32>
    %mul3A_450 = vector.broadcast %slice3A_449 : vector<1x1280xf32> to vector<128x1280xf32>
    %mul3A_451 = arith.mulf %mul3A_450, %mul3A_29 : vector<128x1280xf32>
    %slice3A_452 = vector.extract_strided_slice %mul3A_24 {offsets = [107, 0], sizes = [1, 1280], strides = [1, 1]} : vector<128x1280xf32> to vector<1x1280xf32>
    %mul3A_453 = vector.broadcast %slice3A_452 : vector<1x1280xf32> to vector<128x1280xf32>
    %mul3A_454 = arith.mulf %mul3A_453, %mul3A_29 : vector<128x1280xf32>
    %slice3A_455 = vector.extract_strided_slice %mul3A_24 {offsets = [108, 0], sizes = [1, 1280], strides = [1, 1]} : vector<128x1280xf32> to vector<1x1280xf32>
    %mul3A_456 = vector.broadcast %slice3A_455 : vector<1x1280xf32> to vector<128x1280xf32>
    %mul3A_457 = arith.mulf %mul3A_456, %mul3A_29 : vector<128x1280xf32>
    %slice3A_458 = vector.extract_strided_slice %mul3A_24 {offsets = [109, 0], sizes = [1, 1280], strides = [1, 1]} : vector<128x1280xf32> to vector<1x1280xf32>
    %mul3A_459 = vector.broadcast %slice3A_458 : vector<1x1280xf32> to vector<128x1280xf32>
    %mul3A_460 = arith.mulf %mul3A_459, %mul3A_29 : vector<128x1280xf32>
    %slice3A_461 = vector.extract_strided_slice %mul3A_24 {offsets = [110, 0], sizes = [1, 1280], strides = [1, 1]} : vector<128x1280xf32> to vector<1x1280xf32>
    %mul3A_462 = vector.broadcast %slice3A_461 : vector<1x1280xf32> to vector<128x1280xf32>
    %mul3A_463 = arith.mulf %mul3A_462, %mul3A_29 : vector<128x1280xf32>
    %slice3A_464 = vector.extract_strided_slice %mul3A_24 {offsets = [111, 0], sizes = [1, 1280], strides = [1, 1]} : vector<128x1280xf32> to vector<1x1280xf32>
    %mul3A_465 = vector.broadcast %slice3A_464 : vector<1x1280xf32> to vector<128x1280xf32>
    %mul3A_466 = arith.mulf %mul3A_465, %mul3A_29 : vector<128x1280xf32>
    %concatenate3A_467 = tpu.concatenate %mul3A_445, %mul3A_448, %mul3A_451, %mul3A_454, %mul3A_457, %mul3A_460, %mul3A_463, %mul3A_466 in 0 : vector<128x1280xf32>, vector<128x1280xf32>, vector<128x1280xf32>, vector<128x1280xf32>, vector<128x1280xf32>, vector<128x1280xf32>, vector<128x1280xf32>, vector<128x1280xf32> -> vector<1024x1280xf32>
    %convert_element_type3A_468 = arith.truncf %concatenate3A_467 : vector<1024x1280xf32> to vector<1024x1280xbf16>
    %get3A_469 = arith.constant 0 : index
    %get3A_470 = arith.constant 13312 : index
    %get3A_471 = vector.load %arg6[%get3A_469, %get3A_470] : memref<128x16384xbf16, #tpu.memory_space<vmem>>, vector<128x1024xbf16>
    %dot_general3A_472 = arith.constant dense<0.000000e+00> : vector<128x1280xf32>
    %dot_general3A_473 = tpu.matmul %get3A_471, %convert_element_type3A_468, %dot_general3A_472 {dimension_numbers = #tpu.dot_dimension_numbers<[1], [0], [0], [1], [0, 0, 1, 1], [], []>, transpose_lhs_hint = false} : vector<128x1024xbf16>, vector<1024x1280xbf16>, vector<128x1280xf32> -> vector<128x1280xf32>
    %add3A_474 = arith.addf %add3A_442, %dot_general3A_473 : vector<128x1280xf32>
    %slice3A_475 = vector.extract_strided_slice %mul3A_24 {offsets = [112, 0], sizes = [1, 1280], strides = [1, 1]} : vector<128x1280xf32> to vector<1x1280xf32>
    %mul3A_476 = vector.broadcast %slice3A_475 : vector<1x1280xf32> to vector<128x1280xf32>
    %mul3A_477 = arith.mulf %mul3A_476, %mul3A_29 : vector<128x1280xf32>
    %slice3A_478 = vector.extract_strided_slice %mul3A_24 {offsets = [113, 0], sizes = [1, 1280], strides = [1, 1]} : vector<128x1280xf32> to vector<1x1280xf32>
    %mul3A_479 = vector.broadcast %slice3A_478 : vector<1x1280xf32> to vector<128x1280xf32>
    %mul3A_480 = arith.mulf %mul3A_479, %mul3A_29 : vector<128x1280xf32>
    %slice3A_481 = vector.extract_strided_slice %mul3A_24 {offsets = [114, 0], sizes = [1, 1280], strides = [1, 1]} : vector<128x1280xf32> to vector<1x1280xf32>
    %mul3A_482 = vector.broadcast %slice3A_481 : vector<1x1280xf32> to vector<128x1280xf32>
    %mul3A_483 = arith.mulf %mul3A_482, %mul3A_29 : vector<128x1280xf32>
    %slice3A_484 = vector.extract_strided_slice %mul3A_24 {offsets = [115, 0], sizes = [1, 1280], strides = [1, 1]} : vector<128x1280xf32> to vector<1x1280xf32>
    %mul3A_485 = vector.broadcast %slice3A_484 : vector<1x1280xf32> to vector<128x1280xf32>
    %mul3A_486 = arith.mulf %mul3A_485, %mul3A_29 : vector<128x1280xf32>
    %slice3A_487 = vector.extract_strided_slice %mul3A_24 {offsets = [116, 0], sizes = [1, 1280], strides = [1, 1]} : vector<128x1280xf32> to vector<1x1280xf32>
    %mul3A_488 = vector.broadcast %slice3A_487 : vector<1x1280xf32> to vector<128x1280xf32>
    %mul3A_489 = arith.mulf %mul3A_488, %mul3A_29 : vector<128x1280xf32>
    %slice3A_490 = vector.extract_strided_slice %mul3A_24 {offsets = [117, 0], sizes = [1, 1280], strides = [1, 1]} : vector<128x1280xf32> to vector<1x1280xf32>
    %mul3A_491 = vector.broadcast %slice3A_490 : vector<1x1280xf32> to vector<128x1280xf32>
    %mul3A_492 = arith.mulf %mul3A_491, %mul3A_29 : vector<128x1280xf32>
    %slice3A_493 = vector.extract_strided_slice %mul3A_24 {offsets = [118, 0], sizes = [1, 1280], strides = [1, 1]} : vector<128x1280xf32> to vector<1x1280xf32>
    %mul3A_494 = vector.broadcast %slice3A_493 : vector<1x1280xf32> to vector<128x1280xf32>
    %mul3A_495 = arith.mulf %mul3A_494, %mul3A_29 : vector<128x1280xf32>
    %slice3A_496 = vector.extract_strided_slice %mul3A_24 {offsets = [119, 0], sizes = [1, 1280], strides = [1, 1]} : vector<128x1280xf32> to vector<1x1280xf32>
    %mul3A_497 = vector.broadcast %slice3A_496 : vector<1x1280xf32> to vector<128x1280xf32>
    %mul3A_498 = arith.mulf %mul3A_497, %mul3A_29 : vector<128x1280xf32>
    %concatenate3A_499 = tpu.concatenate %mul3A_477, %mul3A_480, %mul3A_483, %mul3A_486, %mul3A_489, %mul3A_492, %mul3A_495, %mul3A_498 in 0 : vector<128x1280xf32>, vector<128x1280xf32>, vector<128x1280xf32>, vector<128x1280xf32>, vector<128x1280xf32>, vector<128x1280xf32>, vector<128x1280xf32>, vector<128x1280xf32> -> vector<1024x1280xf32>
    %convert_element_type3A_500 = arith.truncf %concatenate3A_499 : vector<1024x1280xf32> to vector<1024x1280xbf16>
    %get3A_501 = arith.constant 0 : index
    %get3A_502 = arith.constant 14336 : index
    %get3A_503 = vector.load %arg6[%get3A_501, %get3A_502] : memref<128x16384xbf16, #tpu.memory_space<vmem>>, vector<128x1024xbf16>
    %dot_general3A_504 = arith.constant dense<0.000000e+00> : vector<128x1280xf32>
    %dot_general3A_505 = tpu.matmul %get3A_503, %convert_element_type3A_500, %dot_general3A_504 {dimension_numbers = #tpu.dot_dimension_numbers<[1], [0], [0], [1], [0, 0, 1, 1], [], []>, transpose_lhs_hint = false} : vector<128x1024xbf16>, vector<1024x1280xbf16>, vector<128x1280xf32> -> vector<128x1280xf32>
    %add3A_506 = arith.addf %add3A_474, %dot_general3A_505 : vector<128x1280xf32>
    %slice3A_507 = vector.extract_strided_slice %mul3A_24 {offsets = [120, 0], sizes = [1, 1280], strides = [1, 1]} : vector<128x1280xf32> to vector<1x1280xf32>
    %mul3A_508 = vector.broadcast %slice3A_507 : vector<1x1280xf32> to vector<128x1280xf32>
    %mul3A_509 = arith.mulf %mul3A_508, %mul3A_29 : vector<128x1280xf32>
    %slice3A_510 = vector.extract_strided_slice %mul3A_24 {offsets = [121, 0], sizes = [1, 1280], strides = [1, 1]} : vector<128x1280xf32> to vector<1x1280xf32>
    %mul3A_511 = vector.broadcast %slice3A_510 : vector<1x1280xf32> to vector<128x1280xf32>
    %mul3A_512 = arith.mulf %mul3A_511, %mul3A_29 : vector<128x1280xf32>
    %slice3A_513 = vector.extract_strided_slice %mul3A_24 {offsets = [122, 0], sizes = [1, 1280], strides = [1, 1]} : vector<128x1280xf32> to vector<1x1280xf32>
    %mul3A_514 = vector.broadcast %slice3A_513 : vector<1x1280xf32> to vector<128x1280xf32>
    %mul3A_515 = arith.mulf %mul3A_514, %mul3A_29 : vector<128x1280xf32>
    %slice3A_516 = vector.extract_strided_slice %mul3A_24 {offsets = [123, 0], sizes = [1, 1280], strides = [1, 1]} : vector<128x1280xf32> to vector<1x1280xf32>
    %mul3A_517 = vector.broadcast %slice3A_516 : vector<1x1280xf32> to vector<128x1280xf32>
    %mul3A_518 = arith.mulf %mul3A_517, %mul3A_29 : vector<128x1280xf32>
    %slice3A_519 = vector.extract_strided_slice %mul3A_24 {offsets = [124, 0], sizes = [1, 1280], strides = [1, 1]} : vector<128x1280xf32> to vector<1x1280xf32>
    %mul3A_520 = vector.broadcast %slice3A_519 : vector<1x1280xf32> to vector<128x1280xf32>
    %mul3A_521 = arith.mulf %mul3A_520, %mul3A_29 : vector<128x1280xf32>
    %slice3A_522 = vector.extract_strided_slice %mul3A_24 {offsets = [125, 0], sizes = [1, 1280], strides = [1, 1]} : vector<128x1280xf32> to vector<1x1280xf32>
    %mul3A_523 = vector.broadcast %slice3A_522 : vector<1x1280xf32> to vector<128x1280xf32>
    %mul3A_524 = arith.mulf %mul3A_523, %mul3A_29 : vector<128x1280xf32>
    %slice3A_525 = vector.extract_strided_slice %mul3A_24 {offsets = [126, 0], sizes = [1, 1280], strides = [1, 1]} : vector<128x1280xf32> to vector<1x1280xf32>
    %mul3A_526 = vector.broadcast %slice3A_525 : vector<1x1280xf32> to vector<128x1280xf32>
    %mul3A_527 = arith.mulf %mul3A_526, %mul3A_29 : vector<128x1280xf32>
    %slice3A_528 = vector.extract_strided_slice %mul3A_24 {offsets = [127, 0], sizes = [1, 1280], strides = [1, 1]} : vector<128x1280xf32> to vector<1x1280xf32>
    %mul3A_529 = vector.broadcast %slice3A_528 : vector<1x1280xf32> to vector<128x1280xf32>
    %mul3A_530 = arith.mulf %mul3A_529, %mul3A_29 : vector<128x1280xf32>
    %concatenate3A_531 = tpu.concatenate %mul3A_509, %mul3A_512, %mul3A_515, %mul3A_518, %mul3A_521, %mul3A_524, %mul3A_527, %mul3A_530 in 0 : vector<128x1280xf32>, vector<128x1280xf32>, vector<128x1280xf32>, vector<128x1280xf32>, vector<128x1280xf32>, vector<128x1280xf32>, vector<128x1280xf32>, vector<128x1280xf32> -> vector<1024x1280xf32>
    %convert_element_type3A_532 = arith.truncf %concatenate3A_531 : vector<1024x1280xf32> to vector<1024x1280xbf16>
    %get3A_533 = arith.constant 0 : index
    %get3A_534 = arith.constant 15360 : index
    %get3A_535 = vector.load %arg6[%get3A_533, %get3A_534] : memref<128x16384xbf16, #tpu.memory_space<vmem>>, vector<128x1024xbf16>
    %dot_general3A_536 = arith.constant dense<0.000000e+00> : vector<128x1280xf32>
    %dot_general3A_537 = tpu.matmul %get3A_535, %convert_element_type3A_532, %dot_general3A_536 {dimension_numbers = #tpu.dot_dimension_numbers<[1], [0], [0], [1], [0, 0, 1, 1], [], []>, transpose_lhs_hint = false} : vector<128x1024xbf16>, vector<1024x1280xbf16>, vector<128x1280xf32> -> vector<128x1280xf32>
    %add3A_538 = arith.addf %add3A_506, %dot_general3A_537 : vector<128x1280xf32>
    %get3A_539 = arith.constant 0 : index
    %get3A_540 = arith.constant 0 : index
    %get3A_541 = vector.load %arg7[%get3A_539, %get3A_540] : memref<128x128xf32, #tpu.memory_space<vmem>>, vector<128x128xf32>
    %dot_general3A_542 = arith.constant dense<0.000000e+00> : vector<128x1280xf32>
    %dot_general3A_543 = tpu.matmul %get3A_541, %mul3A_24, %dot_general3A_542 {dimension_numbers = #tpu.dot_dimension_numbers<[1], [0], [0], [1], [0, 0, 1, 1], [], []>, transpose_lhs_hint = false} : vector<128x128xf32>, vector<128x1280xf32>, vector<128x1280xf32> -> vector<128x1280xf32>
    %get3A_544 = arith.constant 0 : index
    %get3A_545 = arith.constant 0 : index
    %get3A_546 = vector.load %arg8[%get3A_544, %get3A_545] : memref<128x128xf32, #tpu.memory_space<vmem>>, vector<128x128xf32>
    %dot_general3A_547 = arith.constant dense<0.000000e+00> : vector<128x1280xf32>
    %dot_general3A_548 = tpu.matmul %get3A_546, %mul3A_29, %dot_general3A_547 {dimension_numbers = #tpu.dot_dimension_numbers<[1], [0], [0], [1], [0, 0, 1, 1], [], []>, transpose_lhs_hint = false} : vector<128x128xf32>, vector<128x1280xf32>, vector<128x1280xf32> -> vector<128x1280xf32>
    %add3A_549 = arith.addf %dot_general3A_543, %dot_general3A_548 : vector<128x1280xf32>
    %get3A_550 = arith.constant 0 : index
    %get3A_551 = arith.constant 0 : index
    %get3A_552 = vector.load %arg9[%get3A_550, %get3A_551] : memref<128x128xf32, #tpu.memory_space<vmem>>, vector<128x128xf32>
    %dot_general3A_553 = arith.constant dense<0.000000e+00> : vector<128x1280xf32>
    %dot_general3A_554 = tpu.matmul %get3A_552, %add3A_538, %dot_general3A_553 {dimension_numbers = #tpu.dot_dimension_numbers<[1], [0], [0], [1], [0, 0, 1, 1], [], []>, transpose_lhs_hint = false} : vector<128x128xf32>, vector<128x1280xf32>, vector<128x1280xf32> -> vector<128x1280xf32>
    %add3A_555 = arith.addf %add3A_549, %dot_general3A_554 : vector<128x1280xf32>
    %get3A_556 = arith.constant 0 : index
    %get3A_557 = arith.constant 0 : index
    %get3A_558 = vector.load %arg10[%get3A_556, %get3A_557] : memref<128x1xf32, #tpu.memory_space<vmem>>, vector<128x1xf32>
    %add3A_559 = vector.broadcast %get3A_558 : vector<128x1xf32> to vector<128x1280xf32>
    %add3A_560 = arith.addf %add3A_555, %add3A_559 : vector<128x1280xf32>
    %get3A_561 = arith.constant 0 : index
    %get3A_562 = arith.constant 0 : index
    %get3A_563 = vector.load %arg11[%get3A_561, %get3A_562] : memref<128x128xf32, #tpu.memory_space<vmem>>, vector<128x128xf32>
    %dot_general3A_564 = arith.constant dense<0.000000e+00> : vector<128x1280xf32>
    %dot_general3A_565 = tpu.matmul %get3A_563, %add3A_560, %dot_general3A_564 {dimension_numbers = #tpu.dot_dimension_numbers<[1], [0], [0], [1], [0, 0, 1, 1], [], []>, transpose_lhs_hint = false} : vector<128x128xf32>, vector<128x1280xf32>, vector<128x1280xf32> -> vector<128x1280xf32>
    %mul3A_566 = vector.broadcast %get3A_8 : vector<1x1280xf32> to vector<128x1280xf32>
    %mul3A_567 = arith.mulf %dot_general3A_565, %mul3A_566 : vector<128x1280xf32>
    %get3A_568 = arith.constant 0 : index
    %get3A_569 = arith.constant 0 : index
    %get3A_570 = vector.load %arg12[%get3A_568, %get3A_569] : memref<128x128xf32, #tpu.memory_space<vmem>>, vector<128x128xf32>
    %dot_general3A_571 = arith.constant dense<0.000000e+00> : vector<128x1280xf32>
    %dot_general3A_572 = tpu.matmul %get3A_570, %add3A_560, %dot_general3A_571 {dimension_numbers = #tpu.dot_dimension_numbers<[1], [0], [0], [1], [0, 0, 1, 1], [], []>, transpose_lhs_hint = false} : vector<128x128xf32>, vector<128x1280xf32>, vector<128x1280xf32> -> vector<128x1280xf32>
    %get3A_573 = arith.constant 0 : index
    %get3A_574 = arith.constant 0 : index
    %get3A_575 = vector.load %arg13[%get3A_573, %get3A_574] : memref<128x1xf32, #tpu.memory_space<vmem>>, vector<128x1xf32>
    %mul3A_576 = vector.broadcast %get3A_575 : vector<128x1xf32> to vector<128x1280xf32>
    %mul3A_577 = vector.broadcast %get3A_8 : vector<1x1280xf32> to vector<128x1280xf32>
    %mul3A_578 = arith.mulf %mul3A_576, %mul3A_577 : vector<128x1280xf32>
    %add3A_579 = arith.addf %dot_general3A_572, %mul3A_578 : vector<128x1280xf32>
    %get3A_580 = arith.constant 0 : index
    %get3A_581 = arith.constant 0 : index
    %get3A_582 = vector.load %arg14[%get3A_580, %get3A_581] : memref<128x128xf32, #tpu.memory_space<vmem>>, vector<128x128xf32>
    %dot_general3A_583 = arith.constant dense<0.000000e+00> : vector<128x1280xf32>
    %dot_general3A_584 = tpu.matmul %get3A_582, %mul3A_567, %dot_general3A_583 {dimension_numbers = #tpu.dot_dimension_numbers<[1], [0], [0], [1], [0, 0, 1, 1], [], []>, transpose_lhs_hint = false} : vector<128x128xf32>, vector<128x1280xf32>, vector<128x1280xf32> -> vector<128x1280xf32>
    %add3A_585 = arith.addf %add3A_579, %dot_general3A_584 : vector<128x1280xf32>
    %get3A_586 = arith.constant 0 : index
    %get3A_587 = arith.constant 0 : index
    %get3A_588 = vector.load %arg15[%get3A_586, %get3A_587] : memref<128x1xf32, #tpu.memory_space<vmem>>, vector<128x1xf32>
    %add3A_589 = vector.broadcast %get3A_588 : vector<128x1xf32> to vector<128x1280xf32>
    %add3A_590 = arith.addf %add3A_585, %add3A_589 : vector<128x1280xf32>
    %reduce_sum3A = arith.constant dense<0.000000e+00> : vector<1280xf32>
    %reduce_sum3A_591 = vector.multi_reduction <add>, %add3A_590, %reduce_sum3A [0] : vector<128x1280xf32> to vector<1280xf32>
    %broadcast_in_dim3A_592 = vector.shape_cast %reduce_sum3A_591 : vector<1280xf32> to vector<1x1280xf32>
    %div3A = arith.constant 1.280000e+02 : f32
    %div3A_593 = vector.broadcast %div3A : f32 to vector<1x1280xf32>
    %div3A_594 = arith.divf %broadcast_in_dim3A_592, %div3A_593 : vector<1x1280xf32>
    %sub3A_595 = vector.broadcast %div3A_594 : vector<1x1280xf32> to vector<128x1280xf32>
    %sub3A_596 = arith.subf %add3A_590, %sub3A_595 : vector<128x1280xf32>
    %integer_pow3A = arith.mulf %sub3A_596, %sub3A_596 : vector<128x1280xf32>
    %reduce_sum3A_597 = arith.constant dense<0.000000e+00> : vector<1280xf32>
    %reduce_sum3A_598 = vector.multi_reduction <add>, %integer_pow3A, %reduce_sum3A_597 [0] : vector<128x1280xf32> to vector<1280xf32>
    %broadcast_in_dim3A_599 = vector.shape_cast %reduce_sum3A_598 : vector<1280xf32> to vector<1x1280xf32>
    %div3A_600 = arith.constant 1.270000e+02 : f32
    %div3A_601 = vector.broadcast %div3A_600 : f32 to vector<1x1280xf32>
    %div3A_602 = arith.divf %broadcast_in_dim3A_599, %div3A_601 : vector<1x1280xf32>
    %sqrt3A = math.sqrt %div3A_602 : vector<1x1280xf32>
    %add3A_603 = arith.constant 9.99999971E-10 : f32
    %add3A_604 = vector.broadcast %add3A_603 : f32 to vector<1x1280xf32>
    %add3A_605 = arith.addf %sqrt3A, %add3A_604 : vector<1x1280xf32>
    %div3A_606 = vector.broadcast %add3A_605 : vector<1x1280xf32> to vector<128x1280xf32>
    %div3A_607 = arith.divf %add3A_590, %div3A_606 : vector<128x1280xf32>
    %get3A_608 = arith.constant 0 : index
    %get3A_609 = arith.constant 0 : index
    %get3A_610 = vector.load %arg16[%get3A_608, %get3A_609] : memref<128x1xf32, #tpu.memory_space<vmem>>, vector<128x1xf32>
    %mul3A_611 = vector.broadcast %get3A_8 : vector<1x1280xf32> to vector<128x1280xf32>
    %mul3A_612 = vector.broadcast %get3A_610 : vector<128x1xf32> to vector<128x1280xf32>
    %mul3A_613 = arith.mulf %mul3A_611, %mul3A_612 : vector<128x1280xf32>
    %get3A_614 = arith.constant 0 : index
    %get3A_615 = arith.constant 0 : index
    %get3A_616 = vector.load %arg17[%get3A_614, %get3A_615] : memref<128x1xf32, #tpu.memory_space<vmem>>, vector<128x1xf32>
    %add3A_617 = vector.broadcast %get3A_616 : vector<128x1xf32> to vector<128x1280xf32>
    %add3A_618 = arith.addf %mul3A_613, %add3A_617 : vector<128x1280xf32>
    %logistic3A_619 = arith.negf %add3A_618 : vector<128x1280xf32>
    %logistic3A_620 = math.exp %logistic3A_619 : vector<128x1280xf32>
    %logistic3A_621 = arith.constant 1.000000e+00 : f32
    %logistic3A_622 = vector.broadcast %logistic3A_621 : f32 to vector<128x1280xf32>
    %logistic3A_623 = arith.addf %logistic3A_622, %logistic3A_620 : vector<128x1280xf32>
    %logistic3A_624 = arith.divf %logistic3A_622, %logistic3A_623 : vector<128x1280xf32>
    %mul3A_625 = arith.mulf %add3A_618, %logistic3A_624 : vector<128x1280xf32>
    %mul3A_626 = arith.mulf %mul3A_625, %div3A_607 : vector<128x1280xf32>
    %transpose3A_627 = tpu.transpose %mul3A_626, [1, 0] : vector<128x1280xf32> -> vector<1280x128xf32>
    %swap3A = arith.constant 0 : index
    %swap3A_628 = arith.constant 0 : index
    %swap3A_629 = vector.load %arg18[%swap3A, %swap3A_628] : memref<1280x128xf32, #tpu.memory_space<vmem>>, vector<1280x128xf32>
    tpu.vector_store %arg18[%swap3A, %swap3A_628], %transpose3A_627 {strides = array<i32>} : memref<1280x128xf32, #tpu.memory_space<vmem>>, vector<1280x128xf32>,
    return
  }
  func.func @transform_0(%arg0: i32) -> (i32, i32) {
    %c0_i32 = arith.constant 0 : i32
    %c0_i32_0 = arith.constant 0 : i32
    return %arg0, %c0_i32 : i32, i32
  }
  func.func @transform_1(%arg0: i32) -> (i32, i32) {
    %c0_i32 = arith.constant 0 : i32
    %c0_i32_0 = arith.constant 0 : i32
    return %arg0, %c0_i32 : i32, i32
  }
  func.func @transform_2(%arg0: i32) -> (i32, i32) {
    %c0_i32 = arith.constant 0 : i32
    %c0_i32_0 = arith.constant 0 : i32
    return %c0_i32, %arg0 : i32, i32
  }
  func.func @transform_3(%arg0: i32) -> (i32, i32) {
    %c0_i32 = arith.constant 0 : i32
    %c0_i32_0 = arith.constant 0 : i32
    %c0_i32_1 = arith.constant 0 : i32
    return %c0_i32, %c0_i32_0 : i32, i32
  }
  func.func @transform_4(%arg0: i32) -> (i32, i32) {
    %c0_i32 = arith.constant 0 : i32
    %c0_i32_0 = arith.constant 0 : i32
    %c0_i32_1 = arith.constant 0 : i32
    return %c0_i32, %c0_i32_0 : i32, i32
  }
  func.func @transform_5(%arg0: i32) -> (i32, i32) {
    %c0_i32 = arith.constant 0 : i32
    %c0_i32_0 = arith.constant 0 : i32
    %c0_i32_1 = arith.constant 0 : i32
    return %c0_i32, %c0_i32_0 : i32, i32
  }
  func.func @transform_6(%arg0: i32) -> (i32, i32) {
    %c0_i32 = arith.constant 0 : i32
    %c0_i32_0 = arith.constant 0 : i32
    %c0_i32_1 = arith.constant 0 : i32
    return %c0_i32, %c0_i32_0 : i32, i32
  }
  func.func @transform_7(%arg0: i32) -> (i32, i32) {
    %c0_i32 = arith.constant 0 : i32
    %c0_i32_0 = arith.constant 0 : i32
    %c0_i32_1 = arith.constant 0 : i32
    return %c0_i32, %c0_i32_0 : i32, i32
  }
  func.func @transform_8(%arg0: i32) -> (i32, i32) {
    %c0_i32 = arith.constant 0 : i32
    %c0_i32_0 = arith.constant 0 : i32
    %c0_i32_1 = arith.constant 0 : i32
    return %c0_i32, %c0_i32_0 : i32, i32
  }
  func.func @transform_9(%arg0: i32) -> (i32, i32) {
    %c0_i32 = arith.constant 0 : i32
    %c0_i32_0 = arith.constant 0 : i32
    %c0_i32_1 = arith.constant 0 : i32
    return %c0_i32, %c0_i32_0 : i32, i32
  }
  func.func @transform_10(%arg0: i32) -> (i32, i32) {
    %c0_i32 = arith.constant 0 : i32
    %c0_i32_0 = arith.constant 0 : i32
    %c0_i32_1 = arith.constant 0 : i32
    return %c0_i32, %c0_i32_0 : i32, i32
  }
  func.func @transform_11(%arg0: i32) -> (i32, i32) {
    %c0_i32 = arith.constant 0 : i32
    %c0_i32_0 = arith.constant 0 : i32
    %c0_i32_1 = arith.constant 0 : i32
    return %c0_i32, %c0_i32_0 : i32, i32
  }
  func.func @transform_12(%arg0: i32) -> (i32, i32) {
    %c0_i32 = arith.constant 0 : i32
    %c0_i32_0 = arith.constant 0 : i32
    %c0_i32_1 = arith.constant 0 : i32
    return %c0_i32, %c0_i32_0 : i32, i32
  }
  func.func @transform_13(%arg0: i32) -> (i32, i32) {
    %c0_i32 = arith.constant 0 : i32
    %c0_i32_0 = arith.constant 0 : i32
    %c0_i32_1 = arith.constant 0 : i32
    return %c0_i32, %c0_i32_0 : i32, i32
  }
  func.func @transform_14(%arg0: i32) -> (i32, i32) {
    %c0_i32 = arith.constant 0 : i32
    %c0_i32_0 = arith.constant 0 : i32
    %c0_i32_1 = arith.constant 0 : i32
    return %c0_i32, %c0_i32_0 : i32, i32
  }
  func.func @transform_15(%arg0: i32) -> (i32, i32) {
    %c0_i32 = arith.constant 0 : i32
    %c0_i32_0 = arith.constant 0 : i32
    %c0_i32_1 = arith.constant 0 : i32
    return %c0_i32, %c0_i32_0 : i32, i32
  }
  func.func @transform_16(%arg0: i32) -> (i32, i32) {
    %c0_i32 = arith.constant 0 : i32
    %c0_i32_0 = arith.constant 0 : i32
    %c0_i32_1 = arith.constant 0 : i32
    return %c0_i32, %c0_i32_0 : i32, i32
  }
  func.func @transform_17(%arg0: i32) -> (i32, i32) {
    %c0_i32 = arith.constant 0 : i32
    %c0_i32_0 = arith.constant 0 : i32
    return %arg0, %c0_i32 : i32, i32
  }
}

module attributes {stable_mosaic.version = 14 : i64} {
  func.func @_edge_body(%arg0: i32, %arg1: memref<1280x128xf32, #tpu.memory_space<vmem>>, %arg2: memref<1280x128xf32, #tpu.memory_space<vmem>>, %arg3: memref<1x1280xf32, #tpu.memory_space<vmem>>, %arg4: memref<128x1xf32, #tpu.memory_space<vmem>>, %arg5: memref<128x1xf32, #tpu.memory_space<vmem>>, %arg6: memref<128x16384xbf16, #tpu.memory_space<vmem>>, %arg7: memref<128x128xf32, #tpu.memory_space<vmem>>, %arg8: memref<128x128xf32, #tpu.memory_space<vmem>>, %arg9: memref<128x128xf32, #tpu.memory_space<vmem>>, %arg10: memref<128x1xf32, #tpu.memory_space<vmem>>, %arg11: memref<128x128xf32, #tpu.memory_space<vmem>>, %arg12: memref<128x128xf32, #tpu.memory_space<vmem>>, %arg13: memref<128x1xf32, #tpu.memory_space<vmem>>, %arg14: memref<128x128xf32, #tpu.memory_space<vmem>>, %arg15: memref<128x1xf32, #tpu.memory_space<vmem>>, %arg16: memref<128x1xf32, #tpu.memory_space<vmem>>, %arg17: memref<128x1xf32, #tpu.memory_space<vmem>>, %arg18: memref<1280x128xf32, #tpu.memory_space<vmem>>) attributes {dimension_semantics = [#tpu.dimension_semantics<arbitrary>], iteration_bounds = array<i64: 35>, scalar_prefetch = 0 : i64, scratch_operands = 0 : i64, tpu.core_type = #tpu.core_type<tc>, window_params = [{transform_indices = @transform_0, window_bounds = array<i64: 1280, 128>}, {transform_indices = @transform_1, window_bounds = array<i64: 1280, 128>}, {transform_indices = @transform_2, window_bounds = array<i64: 1, 1280>}, {pipeline_mode = #tpu.pipeline_mode<synchronous>, transform_indices = @transform_3, window_bounds = array<i64: 128, 1>}, {pipeline_mode = #tpu.pipeline_mode<synchronous>, transform_indices = @transform_4, window_bounds = array<i64: 128, 1>}, {pipeline_mode = #tpu.pipeline_mode<synchronous>, transform_indices = @transform_5, window_bounds = array<i64: 128, 16384>}, {pipeline_mode = #tpu.pipeline_mode<synchronous>, transform_indices = @transform_6, window_bounds = array<i64: 128, 128>}, {pipeline_mode = #tpu.pipeline_mode<synchronous>, transform_indices = @transform_7, window_bounds = array<i64: 128, 128>}, {pipeline_mode = #tpu.pipeline_mode<synchronous>, transform_indices = @transform_8, window_bounds = array<i64: 128, 128>}, {pipeline_mode = #tpu.pipeline_mode<synchronous>, transform_indices = @transform_9, window_bounds = array<i64: 128, 1>}, {pipeline_mode = #tpu.pipeline_mode<synchronous>, transform_indices = @transform_10, window_bounds = array<i64: 128, 128>}, {pipeline_mode = #tpu.pipeline_mode<synchronous>, transform_indices = @transform_11, window_bounds = array<i64: 128, 128>}, {pipeline_mode = #tpu.pipeline_mode<synchronous>, transform_indices = @transform_12, window_bounds = array<i64: 128, 1>}, {pipeline_mode = #tpu.pipeline_mode<synchronous>, transform_indices = @transform_13, window_bounds = array<i64: 128, 128>}, {pipeline_mode = #tpu.pipeline_mode<synchronous>, transform_indices = @transform_14, window_bounds = array<i64: 128, 1>}, {pipeline_mode = #tpu.pipeline_mode<synchronous>, transform_indices = @transform_15, window_bounds = array<i64: 128, 1>}, {pipeline_mode = #tpu.pipeline_mode<synchronous>, transform_indices = @transform_16, window_bounds = array<i64: 128, 1>}, {transform_indices = @transform_17, window_bounds = array<i64: 1280, 128>}]} {
    %get3A = arith.constant 0 : index
    %get3A_0 = arith.constant 0 : index
    %get3A_1 = vector.load %arg1[%get3A, %get3A_0] : memref<1280x128xf32, #tpu.memory_space<vmem>>, vector<1280x128xf32>
    %transpose3A = tpu.transpose %get3A_1, [1, 0] : vector<1280x128xf32> -> vector<128x1280xf32>
    %get3A_2 = arith.constant 0 : index
    %get3A_3 = arith.constant 0 : index
    %get3A_4 = vector.load %arg2[%get3A_2, %get3A_3] : memref<1280x128xf32, #tpu.memory_space<vmem>>, vector<1280x128xf32>
    %transpose3A_5 = tpu.transpose %get3A_4, [1, 0] : vector<1280x128xf32> -> vector<128x1280xf32>
    %get3A_6 = arith.constant 0 : index
    %get3A_7 = arith.constant 0 : index
    %get3A_8 = vector.load %arg3[%get3A_6, %get3A_7] : memref<1x1280xf32, #tpu.memory_space<vmem>>, vector<1x1280xf32>
    %get3A_9 = arith.constant 0 : index
    %get3A_10 = arith.constant 0 : index
    %get3A_11 = vector.load %arg4[%get3A_9, %get3A_10] : memref<128x1xf32, #tpu.memory_space<vmem>>, vector<128x1xf32>
    %mul3A = vector.broadcast %get3A_8 : vector<1x1280xf32> to vector<128x1280xf32>
    %mul3A_12 = vector.broadcast %get3A_11 : vector<128x1xf32> to vector<128x1280xf32>
    %mul3A_13 = arith.mulf %mul3A, %mul3A_12 : vector<128x1280xf32>
    %get3A_14 = arith.constant 0 : index
    %get3A_15 = arith.constant 0 : index
    %get3A_16 = vector.load %arg5[%get3A_14, %get3A_15] : memref<128x1xf32, #tpu.memory_space<vmem>>, vector<128x1xf32>
    %add3A = vector.broadcast %get3A_16 : vector<128x1xf32> to vector<128x1280xf32>
    %add3A_17 = arith.addf %mul3A_13, %add3A : vector<128x1280xf32>
    %logistic3A = arith.negf %add3A_17 : vector<128x1280xf32>
    %logistic3A_18 = math.exp %logistic3A : vector<128x1280xf32>
    %logistic3A_19 = arith.constant 1.000000e+00 : f32
    %logistic3A_20 = vector.broadcast %logistic3A_19 : f32 to vector<128x1280xf32>
    %logistic3A_21 = arith.addf %logistic3A_20, %logistic3A_18 : vector<128x1280xf32>
    %logistic3A_22 = arith.divf %logistic3A_20, %logistic3A_21 : vector<128x1280xf32>
    %mul3A_23 = arith.mulf %add3A_17, %logistic3A_22 : vector<128x1280xf32>
    %sub3A = arith.subf %transpose3A, %transpose3A_5 : vector<128x1280xf32>
    %mul3A_24 = arith.mulf %mul3A_23, %sub3A : vector<128x1280xf32>
    %add3A_25 = arith.addf %transpose3A, %transpose3A_5 : vector<128x1280xf32>
    %mul3A_26 = arith.mulf %mul3A_23, %add3A_25 : vector<128x1280xf32>
    %mul3A_27 = arith.constant 5.000000e-01 : f32
    %mul3A_28 = vector.broadcast %mul3A_27 : f32 to vector<128x1280xf32>
    %mul3A_29 = arith.mulf %mul3A_26, %mul3A_28 : vector<128x1280xf32>
    %broadcast_in_dim3A = arith.constant 0.000000e+00 : f32
    %broadcast_in_dim3A_30 = vector.broadcast %broadcast_in_dim3A : f32 to vector<128x1280xf32>
    %slice3A = vector.extract_strided_slice %mul3A_24 {offsets = [0, 0], sizes = [1, 1280], strides = [1, 1]} : vector<128x1280xf32> to vector<1x1280xf32>
    %mul3A_31 = vector.broadcast %slice3A : vector<1x1280xf32> to vector<128x1280xf32>
    %mul3A_32 = arith.mulf %mul3A_31, %mul3A_29 : vector<128x1280xf32>
    %slice3A_33 = vector.extract_strided_slice %mul3A_24 {offsets = [1, 0], sizes = [1, 1280], strides = [1, 1]} : vector<128x1280xf32> to vector<1x1280xf32>
    %mul3A_34 = vector.broadcast %slice3A_33 : vector<1x1280xf32> to vector<128x1280xf32>
    %mul3A_35 = arith.mulf %mul3A_34, %mul3A_29 : vector<128x1280xf32>
    %slice3A_36 = vector.extract_strided_slice %mul3A_24 {offsets = [2, 0], sizes = [1, 1280], strides = [1, 1]} : vector<128x1280xf32> to vector<1x1280xf32>
    %mul3A_37 = vector.broadcast %slice3A_36 : vector<1x1280xf32> to vector<128x1280xf32>
    %mul3A_38 = arith.mulf %mul3A_37, %mul3A_29 : vector<128x1280xf32>
    %slice3A_39 = vector.extract_strided_slice %mul3A_24 {offsets = [3, 0], sizes = [1, 1280], strides = [1, 1]} : vector<128x1280xf32> to vector<1x1280xf32>
    %mul3A_40 = vector.broadcast %slice3A_39 : vector<1x1280xf32> to vector<128x1280xf32>
    %mul3A_41 = arith.mulf %mul3A_40, %mul3A_29 : vector<128x1280xf32>
    %slice3A_42 = vector.extract_strided_slice %mul3A_24 {offsets = [4, 0], sizes = [1, 1280], strides = [1, 1]} : vector<128x1280xf32> to vector<1x1280xf32>
    %mul3A_43 = vector.broadcast %slice3A_42 : vector<1x1280xf32> to vector<128x1280xf32>
    %mul3A_44 = arith.mulf %mul3A_43, %mul3A_29 : vector<128x1280xf32>
    %slice3A_45 = vector.extract_strided_slice %mul3A_24 {offsets = [5, 0], sizes = [1, 1280], strides = [1, 1]} : vector<128x1280xf32> to vector<1x1280xf32>
    %mul3A_46 = vector.broadcast %slice3A_45 : vector<1x1280xf32> to vector<128x1280xf32>
    %mul3A_47 = arith.mulf %mul3A_46, %mul3A_29 : vector<128x1280xf32>
    %slice3A_48 = vector.extract_strided_slice %mul3A_24 {offsets = [6, 0], sizes = [1, 1280], strides = [1, 1]} : vector<128x1280xf32> to vector<1x1280xf32>
    %mul3A_49 = vector.broadcast %slice3A_48 : vector<1x1280xf32> to vector<128x1280xf32>
    %mul3A_50 = arith.mulf %mul3A_49, %mul3A_29 : vector<128x1280xf32>
    %slice3A_51 = vector.extract_strided_slice %mul3A_24 {offsets = [7, 0], sizes = [1, 1280], strides = [1, 1]} : vector<128x1280xf32> to vector<1x1280xf32>
    %mul3A_52 = vector.broadcast %slice3A_51 : vector<1x1280xf32> to vector<128x1280xf32>
    %mul3A_53 = arith.mulf %mul3A_52, %mul3A_29 : vector<128x1280xf32>
    %concatenate3A = tpu.concatenate %mul3A_32, %mul3A_35, %mul3A_38, %mul3A_41, %mul3A_44, %mul3A_47, %mul3A_50, %mul3A_53 in 0 : vector<128x1280xf32>, vector<128x1280xf32>, vector<128x1280xf32>, vector<128x1280xf32>, vector<128x1280xf32>, vector<128x1280xf32>, vector<128x1280xf32>, vector<128x1280xf32> -> vector<1024x1280xf32>
    %convert_element_type3A = arith.truncf %concatenate3A : vector<1024x1280xf32> to vector<1024x1280xbf16>
    %get3A_54 = arith.constant 0 : index
    %get3A_55 = arith.constant 0 : index
    %get3A_56 = vector.load %arg6[%get3A_54, %get3A_55] : memref<128x16384xbf16, #tpu.memory_space<vmem>>, vector<128x1024xbf16>
    %dot_general3A = arith.constant dense<0.000000e+00> : vector<128x1280xf32>
    %dot_general3A_57 = tpu.matmul %get3A_56, %convert_element_type3A, %dot_general3A {dimension_numbers = #tpu.dot_dimension_numbers<[1], [0], [0], [1], [0, 0, 1, 1], [], []>, transpose_lhs_hint = false} : vector<128x1024xbf16>, vector<1024x1280xbf16>, vector<128x1280xf32> -> vector<128x1280xf32>
    %add3A_58 = arith.addf %broadcast_in_dim3A_30, %dot_general3A_57 : vector<128x1280xf32>
    %slice3A_59 = vector.extract_strided_slice %mul3A_24 {offsets = [8, 0], sizes = [1, 1280], strides = [1, 1]} : vector<128x1280xf32> to vector<1x1280xf32>
    %mul3A_60 = vector.broadcast %slice3A_59 : vector<1x1280xf32> to vector<128x1280xf32>
    %mul3A_61 = arith.mulf %mul3A_60, %mul3A_29 : vector<128x1280xf32>
    %slice3A_62 = vector.extract_strided_slice %mul3A_24 {offsets = [9, 0], sizes = [1, 1280], strides = [1, 1]} : vector<128x1280xf32> to vector<1x1280xf32>
    %mul3A_63 = vector.broadcast %slice3A_62 : vector<1x1280xf32> to vector<128x1280xf32>
    %mul3A_64 = arith.mulf %mul3A_63, %mul3A_29 : vector<128x1280xf32>
    %slice3A_65 = vector.extract_strided_slice %mul3A_24 {offsets = [10, 0], sizes = [1, 1280], strides = [1, 1]} : vector<128x1280xf32> to vector<1x1280xf32>
    %mul3A_66 = vector.broadcast %slice3A_65 : vector<1x1280xf32> to vector<128x1280xf32>
    %mul3A_67 = arith.mulf %mul3A_66, %mul3A_29 : vector<128x1280xf32>
    %slice3A_68 = vector.extract_strided_slice %mul3A_24 {offsets = [11, 0], sizes = [1, 1280], strides = [1, 1]} : vector<128x1280xf32> to vector<1x1280xf32>
    %mul3A_69 = vector.broadcast %slice3A_68 : vector<1x1280xf32> to vector<128x1280xf32>
    %mul3A_70 = arith.mulf %mul3A_69, %mul3A_29 : vector<128x1280xf32>
    %slice3A_71 = vector.extract_strided_slice %mul3A_24 {offsets = [12, 0], sizes = [1, 1280], strides = [1, 1]} : vector<128x1280xf32> to vector<1x1280xf32>
    %mul3A_72 = vector.broadcast %slice3A_71 : vector<1x1280xf32> to vector<128x1280xf32>
    %mul3A_73 = arith.mulf %mul3A_72, %mul3A_29 : vector<128x1280xf32>
    %slice3A_74 = vector.extract_strided_slice %mul3A_24 {offsets = [13, 0], sizes = [1, 1280], strides = [1, 1]} : vector<128x1280xf32> to vector<1x1280xf32>
    %mul3A_75 = vector.broadcast %slice3A_74 : vector<1x1280xf32> to vector<128x1280xf32>
    %mul3A_76 = arith.mulf %mul3A_75, %mul3A_29 : vector<128x1280xf32>
    %slice3A_77 = vector.extract_strided_slice %mul3A_24 {offsets = [14, 0], sizes = [1, 1280], strides = [1, 1]} : vector<128x1280xf32> to vector<1x1280xf32>
    %mul3A_78 = vector.broadcast %slice3A_77 : vector<1x1280xf32> to vector<128x1280xf32>
    %mul3A_79 = arith.mulf %mul3A_78, %mul3A_29 : vector<128x1280xf32>
    %slice3A_80 = vector.extract_strided_slice %mul3A_24 {offsets = [15, 0], sizes = [1, 1280], strides = [1, 1]} : vector<128x1280xf32> to vector<1x1280xf32>
    %mul3A_81 = vector.broadcast %slice3A_80 : vector<1x1280xf32> to vector<128x1280xf32>
    %mul3A_82 = arith.mulf %mul3A_81, %mul3A_29 : vector<128x1280xf32>
    %concatenate3A_83 = tpu.concatenate %mul3A_61, %mul3A_64, %mul3A_67, %mul3A_70, %mul3A_73, %mul3A_76, %mul3A_79, %mul3A_82 in 0 : vector<128x1280xf32>, vector<128x1280xf32>, vector<128x1280xf32>, vector<128x1280xf32>, vector<128x1280xf32>, vector<128x1280xf32>, vector<128x1280xf32>, vector<128x1280xf32> -> vector<1024x1280xf32>
    %convert_element_type3A_84 = arith.truncf %concatenate3A_83 : vector<1024x1280xf32> to vector<1024x1280xbf16>
    %get3A_85 = arith.constant 0 : index
    %get3A_86 = arith.constant 1024 : index
    %get3A_87 = vector.load %arg6[%get3A_85, %get3A_86] : memref<128x16384xbf16, #tpu.memory_space<vmem>>, vector<128x1024xbf16>
    %dot_general3A_88 = arith.constant dense<0.000000e+00> : vector<128x1280xf32>
    %dot_general3A_89 = tpu.matmul %get3A_87, %convert_element_type3A_84, %dot_general3A_88 {dimension_numbers = #tpu.dot_dimension_numbers<[1], [0], [0], [1], [0, 0, 1, 1], [], []>, transpose_lhs_hint = false} : vector<128x1024xbf16>, vector<1024x1280xbf16>, vector<128x1280xf32> -> vector<128x1280xf32>
    %add3A_90 = arith.addf %add3A_58, %dot_general3A_89 : vector<128x1280xf32>
    %slice3A_91 = vector.extract_strided_slice %mul3A_24 {offsets = [16, 0], sizes = [1, 1280], strides = [1, 1]} : vector<128x1280xf32> to vector<1x1280xf32>
    %mul3A_92 = vector.broadcast %slice3A_91 : vector<1x1280xf32> to vector<128x1280xf32>
    %mul3A_93 = arith.mulf %mul3A_92, %mul3A_29 : vector<128x1280xf32>
    %slice3A_94 = vector.extract_strided_slice %mul3A_24 {offsets = [17, 0], sizes = [1, 1280], strides = [1, 1]} : vector<128x1280xf32> to vector<1x1280xf32>
    %mul3A_95 = vector.broadcast %slice3A_94 : vector<1x1280xf32> to vector<128x1280xf32>
    %mul3A_96 = arith.mulf %mul3A_95, %mul3A_29 : vector<128x1280xf32>
    %slice3A_97 = vector.extract_strided_slice %mul3A_24 {offsets = [18, 0], sizes = [1, 1280], strides = [1, 1]} : vector<128x1280xf32> to vector<1x1280xf32>
    %mul3A_98 = vector.broadcast %slice3A_97 : vector<1x1280xf32> to vector<128x1280xf32>
    %mul3A_99 = arith.mulf %mul3A_98, %mul3A_29 : vector<128x1280xf32>
    %slice3A_100 = vector.extract_strided_slice %mul3A_24 {offsets = [19, 0], sizes = [1, 1280], strides = [1, 1]} : vector<128x1280xf32> to vector<1x1280xf32>
    %mul3A_101 = vector.broadcast %slice3A_100 : vector<1x1280xf32> to vector<128x1280xf32>
    %mul3A_102 = arith.mulf %mul3A_101, %mul3A_29 : vector<128x1280xf32>
    %slice3A_103 = vector.extract_strided_slice %mul3A_24 {offsets = [20, 0], sizes = [1, 1280], strides = [1, 1]} : vector<128x1280xf32> to vector<1x1280xf32>
    %mul3A_104 = vector.broadcast %slice3A_103 : vector<1x1280xf32> to vector<128x1280xf32>
    %mul3A_105 = arith.mulf %mul3A_104, %mul3A_29 : vector<128x1280xf32>
    %slice3A_106 = vector.extract_strided_slice %mul3A_24 {offsets = [21, 0], sizes = [1, 1280], strides = [1, 1]} : vector<128x1280xf32> to vector<1x1280xf32>
    %mul3A_107 = vector.broadcast %slice3A_106 : vector<1x1280xf32> to vector<128x1280xf32>
    %mul3A_108 = arith.mulf %mul3A_107, %mul3A_29 : vector<128x1280xf32>
    %slice3A_109 = vector.extract_strided_slice %mul3A_24 {offsets = [22, 0], sizes = [1, 1280], strides = [1, 1]} : vector<128x1280xf32> to vector<1x1280xf32>
    %mul3A_110 = vector.broadcast %slice3A_109 : vector<1x1280xf32> to vector<128x1280xf32>
    %mul3A_111 = arith.mulf %mul3A_110, %mul3A_29 : vector<128x1280xf32>
    %slice3A_112 = vector.extract_strided_slice %mul3A_24 {offsets = [23, 0], sizes = [1, 1280], strides = [1, 1]} : vector<128x1280xf32> to vector<1x1280xf32>
    %mul3A_113 = vector.broadcast %slice3A_112 : vector<1x1280xf32> to vector<128x1280xf32>
    %mul3A_114 = arith.mulf %mul3A_113, %mul3A_29 : vector<128x1280xf32>
    %concatenate3A_115 = tpu.concatenate %mul3A_93, %mul3A_96, %mul3A_99, %mul3A_102, %mul3A_105, %mul3A_108, %mul3A_111, %mul3A_114 in 0 : vector<128x1280xf32>, vector<128x1280xf32>, vector<128x1280xf32>, vector<128x1280xf32>, vector<128x1280xf32>, vector<128x1280xf32>, vector<128x1280xf32>, vector<128x1280xf32> -> vector<1024x1280xf32>
    %convert_element_type3A_116 = arith.truncf %concatenate3A_115 : vector<1024x1280xf32> to vector<1024x1280xbf16>
    %get3A_117 = arith.constant 0 : index
    %get3A_118 = arith.constant 2048 : index
    %get3A_119 = vector.load %arg6[%get3A_117, %get3A_118] : memref<128x16384xbf16, #tpu.memory_space<vmem>>, vector<128x1024xbf16>
    %dot_general3A_120 = arith.constant dense<0.000000e+00> : vector<128x1280xf32>
    %dot_general3A_121 = tpu.matmul %get3A_119, %convert_element_type3A_116, %dot_general3A_120 {dimension_numbers = #tpu.dot_dimension_numbers<[1], [0], [0], [1], [0, 0, 1, 1], [], []>, transpose_lhs_hint = false} : vector<128x1024xbf16>, vector<1024x1280xbf16>, vector<128x1280xf32> -> vector<128x1280xf32>
    %add3A_122 = arith.addf %add3A_90, %dot_general3A_121 : vector<128x1280xf32>
    %slice3A_123 = vector.extract_strided_slice %mul3A_24 {offsets = [24, 0], sizes = [1, 1280], strides = [1, 1]} : vector<128x1280xf32> to vector<1x1280xf32>
    %mul3A_124 = vector.broadcast %slice3A_123 : vector<1x1280xf32> to vector<128x1280xf32>
    %mul3A_125 = arith.mulf %mul3A_124, %mul3A_29 : vector<128x1280xf32>
    %slice3A_126 = vector.extract_strided_slice %mul3A_24 {offsets = [25, 0], sizes = [1, 1280], strides = [1, 1]} : vector<128x1280xf32> to vector<1x1280xf32>
    %mul3A_127 = vector.broadcast %slice3A_126 : vector<1x1280xf32> to vector<128x1280xf32>
    %mul3A_128 = arith.mulf %mul3A_127, %mul3A_29 : vector<128x1280xf32>
    %slice3A_129 = vector.extract_strided_slice %mul3A_24 {offsets = [26, 0], sizes = [1, 1280], strides = [1, 1]} : vector<128x1280xf32> to vector<1x1280xf32>
    %mul3A_130 = vector.broadcast %slice3A_129 : vector<1x1280xf32> to vector<128x1280xf32>
    %mul3A_131 = arith.mulf %mul3A_130, %mul3A_29 : vector<128x1280xf32>
    %slice3A_132 = vector.extract_strided_slice %mul3A_24 {offsets = [27, 0], sizes = [1, 1280], strides = [1, 1]} : vector<128x1280xf32> to vector<1x1280xf32>
    %mul3A_133 = vector.broadcast %slice3A_132 : vector<1x1280xf32> to vector<128x1280xf32>
    %mul3A_134 = arith.mulf %mul3A_133, %mul3A_29 : vector<128x1280xf32>
    %slice3A_135 = vector.extract_strided_slice %mul3A_24 {offsets = [28, 0], sizes = [1, 1280], strides = [1, 1]} : vector<128x1280xf32> to vector<1x1280xf32>
    %mul3A_136 = vector.broadcast %slice3A_135 : vector<1x1280xf32> to vector<128x1280xf32>
    %mul3A_137 = arith.mulf %mul3A_136, %mul3A_29 : vector<128x1280xf32>
    %slice3A_138 = vector.extract_strided_slice %mul3A_24 {offsets = [29, 0], sizes = [1, 1280], strides = [1, 1]} : vector<128x1280xf32> to vector<1x1280xf32>
    %mul3A_139 = vector.broadcast %slice3A_138 : vector<1x1280xf32> to vector<128x1280xf32>
    %mul3A_140 = arith.mulf %mul3A_139, %mul3A_29 : vector<128x1280xf32>
    %slice3A_141 = vector.extract_strided_slice %mul3A_24 {offsets = [30, 0], sizes = [1, 1280], strides = [1, 1]} : vector<128x1280xf32> to vector<1x1280xf32>
    %mul3A_142 = vector.broadcast %slice3A_141 : vector<1x1280xf32> to vector<128x1280xf32>
    %mul3A_143 = arith.mulf %mul3A_142, %mul3A_29 : vector<128x1280xf32>
    %slice3A_144 = vector.extract_strided_slice %mul3A_24 {offsets = [31, 0], sizes = [1, 1280], strides = [1, 1]} : vector<128x1280xf32> to vector<1x1280xf32>
    %mul3A_145 = vector.broadcast %slice3A_144 : vector<1x1280xf32> to vector<128x1280xf32>
    %mul3A_146 = arith.mulf %mul3A_145, %mul3A_29 : vector<128x1280xf32>
    %concatenate3A_147 = tpu.concatenate %mul3A_125, %mul3A_128, %mul3A_131, %mul3A_134, %mul3A_137, %mul3A_140, %mul3A_143, %mul3A_146 in 0 : vector<128x1280xf32>, vector<128x1280xf32>, vector<128x1280xf32>, vector<128x1280xf32>, vector<128x1280xf32>, vector<128x1280xf32>, vector<128x1280xf32>, vector<128x1280xf32> -> vector<1024x1280xf32>
    %convert_element_type3A_148 = arith.truncf %concatenate3A_147 : vector<1024x1280xf32> to vector<1024x1280xbf16>
    %get3A_149 = arith.constant 0 : index
    %get3A_150 = arith.constant 3072 : index
    %get3A_151 = vector.load %arg6[%get3A_149, %get3A_150] : memref<128x16384xbf16, #tpu.memory_space<vmem>>, vector<128x1024xbf16>
    %dot_general3A_152 = arith.constant dense<0.000000e+00> : vector<128x1280xf32>
    %dot_general3A_153 = tpu.matmul %get3A_151, %convert_element_type3A_148, %dot_general3A_152 {dimension_numbers = #tpu.dot_dimension_numbers<[1], [0], [0], [1], [0, 0, 1, 1], [], []>, transpose_lhs_hint = false} : vector<128x1024xbf16>, vector<1024x1280xbf16>, vector<128x1280xf32> -> vector<128x1280xf32>
    %add3A_154 = arith.addf %add3A_122, %dot_general3A_153 : vector<128x1280xf32>
    %slice3A_155 = vector.extract_strided_slice %mul3A_24 {offsets = [32, 0], sizes = [1, 1280], strides = [1, 1]} : vector<128x1280xf32> to vector<1x1280xf32>
    %mul3A_156 = vector.broadcast %slice3A_155 : vector<1x1280xf32> to vector<128x1280xf32>
    %mul3A_157 = arith.mulf %mul3A_156, %mul3A_29 : vector<128x1280xf32>
    %slice3A_158 = vector.extract_strided_slice %mul3A_24 {offsets = [33, 0], sizes = [1, 1280], strides = [1, 1]} : vector<128x1280xf32> to vector<1x1280xf32>
    %mul3A_159 = vector.broadcast %slice3A_158 : vector<1x1280xf32> to vector<128x1280xf32>
    %mul3A_160 = arith.mulf %mul3A_159, %mul3A_29 : vector<128x1280xf32>
    %slice3A_161 = vector.extract_strided_slice %mul3A_24 {offsets = [34, 0], sizes = [1, 1280], strides = [1, 1]} : vector<128x1280xf32> to vector<1x1280xf32>
    %mul3A_162 = vector.broadcast %slice3A_161 : vector<1x1280xf32> to vector<128x1280xf32>
    %mul3A_163 = arith.mulf %mul3A_162, %mul3A_29 : vector<128x1280xf32>
    %slice3A_164 = vector.extract_strided_slice %mul3A_24 {offsets = [35, 0], sizes = [1, 1280], strides = [1, 1]} : vector<128x1280xf32> to vector<1x1280xf32>
    %mul3A_165 = vector.broadcast %slice3A_164 : vector<1x1280xf32> to vector<128x1280xf32>
    %mul3A_166 = arith.mulf %mul3A_165, %mul3A_29 : vector<128x1280xf32>
    %slice3A_167 = vector.extract_strided_slice %mul3A_24 {offsets = [36, 0], sizes = [1, 1280], strides = [1, 1]} : vector<128x1280xf32> to vector<1x1280xf32>
    %mul3A_168 = vector.broadcast %slice3A_167 : vector<1x1280xf32> to vector<128x1280xf32>
    %mul3A_169 = arith.mulf %mul3A_168, %mul3A_29 : vector<128x1280xf32>
    %slice3A_170 = vector.extract_strided_slice %mul3A_24 {offsets = [37, 0], sizes = [1, 1280], strides = [1, 1]} : vector<128x1280xf32> to vector<1x1280xf32>
    %mul3A_171 = vector.broadcast %slice3A_170 : vector<1x1280xf32> to vector<128x1280xf32>
    %mul3A_172 = arith.mulf %mul3A_171, %mul3A_29 : vector<128x1280xf32>
    %slice3A_173 = vector.extract_strided_slice %mul3A_24 {offsets = [38, 0], sizes = [1, 1280], strides = [1, 1]} : vector<128x1280xf32> to vector<1x1280xf32>
    %mul3A_174 = vector.broadcast %slice3A_173 : vector<1x1280xf32> to vector<128x1280xf32>
    %mul3A_175 = arith.mulf %mul3A_174, %mul3A_29 : vector<128x1280xf32>
    %slice3A_176 = vector.extract_strided_slice %mul3A_24 {offsets = [39, 0], sizes = [1, 1280], strides = [1, 1]} : vector<128x1280xf32> to vector<1x1280xf32>
    %mul3A_177 = vector.broadcast %slice3A_176 : vector<1x1280xf32> to vector<128x1280xf32>
    %mul3A_178 = arith.mulf %mul3A_177, %mul3A_29 : vector<128x1280xf32>
    %concatenate3A_179 = tpu.concatenate %mul3A_157, %mul3A_160, %mul3A_163, %mul3A_166, %mul3A_169, %mul3A_172, %mul3A_175, %mul3A_178 in 0 : vector<128x1280xf32>, vector<128x1280xf32>, vector<128x1280xf32>, vector<128x1280xf32>, vector<128x1280xf32>, vector<128x1280xf32>, vector<128x1280xf32>, vector<128x1280xf32> -> vector<1024x1280xf32>
    %convert_element_type3A_180 = arith.truncf %concatenate3A_179 : vector<1024x1280xf32> to vector<1024x1280xbf16>
    %get3A_181 = arith.constant 0 : index
    %get3A_182 = arith.constant 4096 : index
    %get3A_183 = vector.load %arg6[%get3A_181, %get3A_182] : memref<128x16384xbf16, #tpu.memory_space<vmem>>, vector<128x1024xbf16>
    %dot_general3A_184 = arith.constant dense<0.000000e+00> : vector<128x1280xf32>
    %dot_general3A_185 = tpu.matmul %get3A_183, %convert_element_type3A_180, %dot_general3A_184 {dimension_numbers = #tpu.dot_dimension_numbers<[1], [0], [0], [1], [0, 0, 1, 1], [], []>, transpose_lhs_hint = false} : vector<128x1024xbf16>, vector<1024x1280xbf16>, vector<128x1280xf32> -> vector<128x1280xf32>
    %add3A_186 = arith.addf %add3A_154, %dot_general3A_185 : vector<128x1280xf32>
    %slice3A_187 = vector.extract_strided_slice %mul3A_24 {offsets = [40, 0], sizes = [1, 1280], strides = [1, 1]} : vector<128x1280xf32> to vector<1x1280xf32>
    %mul3A_188 = vector.broadcast %slice3A_187 : vector<1x1280xf32> to vector<128x1280xf32>
    %mul3A_189 = arith.mulf %mul3A_188, %mul3A_29 : vector<128x1280xf32>
    %slice3A_190 = vector.extract_strided_slice %mul3A_24 {offsets = [41, 0], sizes = [1, 1280], strides = [1, 1]} : vector<128x1280xf32> to vector<1x1280xf32>
    %mul3A_191 = vector.broadcast %slice3A_190 : vector<1x1280xf32> to vector<128x1280xf32>
    %mul3A_192 = arith.mulf %mul3A_191, %mul3A_29 : vector<128x1280xf32>
    %slice3A_193 = vector.extract_strided_slice %mul3A_24 {offsets = [42, 0], sizes = [1, 1280], strides = [1, 1]} : vector<128x1280xf32> to vector<1x1280xf32>
    %mul3A_194 = vector.broadcast %slice3A_193 : vector<1x1280xf32> to vector<128x1280xf32>
    %mul3A_195 = arith.mulf %mul3A_194, %mul3A_29 : vector<128x1280xf32>
    %slice3A_196 = vector.extract_strided_slice %mul3A_24 {offsets = [43, 0], sizes = [1, 1280], strides = [1, 1]} : vector<128x1280xf32> to vector<1x1280xf32>
    %mul3A_197 = vector.broadcast %slice3A_196 : vector<1x1280xf32> to vector<128x1280xf32>
    %mul3A_198 = arith.mulf %mul3A_197, %mul3A_29 : vector<128x1280xf32>
    %slice3A_199 = vector.extract_strided_slice %mul3A_24 {offsets = [44, 0], sizes = [1, 1280], strides = [1, 1]} : vector<128x1280xf32> to vector<1x1280xf32>
    %mul3A_200 = vector.broadcast %slice3A_199 : vector<1x1280xf32> to vector<128x1280xf32>
    %mul3A_201 = arith.mulf %mul3A_200, %mul3A_29 : vector<128x1280xf32>
    %slice3A_202 = vector.extract_strided_slice %mul3A_24 {offsets = [45, 0], sizes = [1, 1280], strides = [1, 1]} : vector<128x1280xf32> to vector<1x1280xf32>
    %mul3A_203 = vector.broadcast %slice3A_202 : vector<1x1280xf32> to vector<128x1280xf32>
    %mul3A_204 = arith.mulf %mul3A_203, %mul3A_29 : vector<128x1280xf32>
    %slice3A_205 = vector.extract_strided_slice %mul3A_24 {offsets = [46, 0], sizes = [1, 1280], strides = [1, 1]} : vector<128x1280xf32> to vector<1x1280xf32>
    %mul3A_206 = vector.broadcast %slice3A_205 : vector<1x1280xf32> to vector<128x1280xf32>
    %mul3A_207 = arith.mulf %mul3A_206, %mul3A_29 : vector<128x1280xf32>
    %slice3A_208 = vector.extract_strided_slice %mul3A_24 {offsets = [47, 0], sizes = [1, 1280], strides = [1, 1]} : vector<128x1280xf32> to vector<1x1280xf32>
    %mul3A_209 = vector.broadcast %slice3A_208 : vector<1x1280xf32> to vector<128x1280xf32>
    %mul3A_210 = arith.mulf %mul3A_209, %mul3A_29 : vector<128x1280xf32>
    %concatenate3A_211 = tpu.concatenate %mul3A_189, %mul3A_192, %mul3A_195, %mul3A_198, %mul3A_201, %mul3A_204, %mul3A_207, %mul3A_210 in 0 : vector<128x1280xf32>, vector<128x1280xf32>, vector<128x1280xf32>, vector<128x1280xf32>, vector<128x1280xf32>, vector<128x1280xf32>, vector<128x1280xf32>, vector<128x1280xf32> -> vector<1024x1280xf32>
    %convert_element_type3A_212 = arith.truncf %concatenate3A_211 : vector<1024x1280xf32> to vector<1024x1280xbf16>
    %get3A_213 = arith.constant 0 : index
    %get3A_214 = arith.constant 5120 : index
    %get3A_215 = vector.load %arg6[%get3A_213, %get3A_214] : memref<128x16384xbf16, #tpu.memory_space<vmem>>, vector<128x1024xbf16>
    %dot_general3A_216 = arith.constant dense<0.000000e+00> : vector<128x1280xf32>
    %dot_general3A_217 = tpu.matmul %get3A_215, %convert_element_type3A_212, %dot_general3A_216 {dimension_numbers = #tpu.dot_dimension_numbers<[1], [0], [0], [1], [0, 0, 1, 1], [], []>, transpose_lhs_hint = false} : vector<128x1024xbf16>, vector<1024x1280xbf16>, vector<128x1280xf32> -> vector<128x1280xf32>
    %add3A_218 = arith.addf %add3A_186, %dot_general3A_217 : vector<128x1280xf32>
    %slice3A_219 = vector.extract_strided_slice %mul3A_24 {offsets = [48, 0], sizes = [1, 1280], strides = [1, 1]} : vector<128x1280xf32> to vector<1x1280xf32>
    %mul3A_220 = vector.broadcast %slice3A_219 : vector<1x1280xf32> to vector<128x1280xf32>
    %mul3A_221 = arith.mulf %mul3A_220, %mul3A_29 : vector<128x1280xf32>
    %slice3A_222 = vector.extract_strided_slice %mul3A_24 {offsets = [49, 0], sizes = [1, 1280], strides = [1, 1]} : vector<128x1280xf32> to vector<1x1280xf32>
    %mul3A_223 = vector.broadcast %slice3A_222 : vector<1x1280xf32> to vector<128x1280xf32>
    %mul3A_224 = arith.mulf %mul3A_223, %mul3A_29 : vector<128x1280xf32>
    %slice3A_225 = vector.extract_strided_slice %mul3A_24 {offsets = [50, 0], sizes = [1, 1280], strides = [1, 1]} : vector<128x1280xf32> to vector<1x1280xf32>
    %mul3A_226 = vector.broadcast %slice3A_225 : vector<1x1280xf32> to vector<128x1280xf32>
    %mul3A_227 = arith.mulf %mul3A_226, %mul3A_29 : vector<128x1280xf32>
    %slice3A_228 = vector.extract_strided_slice %mul3A_24 {offsets = [51, 0], sizes = [1, 1280], strides = [1, 1]} : vector<128x1280xf32> to vector<1x1280xf32>
    %mul3A_229 = vector.broadcast %slice3A_228 : vector<1x1280xf32> to vector<128x1280xf32>
    %mul3A_230 = arith.mulf %mul3A_229, %mul3A_29 : vector<128x1280xf32>
    %slice3A_231 = vector.extract_strided_slice %mul3A_24 {offsets = [52, 0], sizes = [1, 1280], strides = [1, 1]} : vector<128x1280xf32> to vector<1x1280xf32>
    %mul3A_232 = vector.broadcast %slice3A_231 : vector<1x1280xf32> to vector<128x1280xf32>
    %mul3A_233 = arith.mulf %mul3A_232, %mul3A_29 : vector<128x1280xf32>
    %slice3A_234 = vector.extract_strided_slice %mul3A_24 {offsets = [53, 0], sizes = [1, 1280], strides = [1, 1]} : vector<128x1280xf32> to vector<1x1280xf32>
    %mul3A_235 = vector.broadcast %slice3A_234 : vector<1x1280xf32> to vector<128x1280xf32>
    %mul3A_236 = arith.mulf %mul3A_235, %mul3A_29 : vector<128x1280xf32>
    %slice3A_237 = vector.extract_strided_slice %mul3A_24 {offsets = [54, 0], sizes = [1, 1280], strides = [1, 1]} : vector<128x1280xf32> to vector<1x1280xf32>
    %mul3A_238 = vector.broadcast %slice3A_237 : vector<1x1280xf32> to vector<128x1280xf32>
    %mul3A_239 = arith.mulf %mul3A_238, %mul3A_29 : vector<128x1280xf32>
    %slice3A_240 = vector.extract_strided_slice %mul3A_24 {offsets = [55, 0], sizes = [1, 1280], strides = [1, 1]} : vector<128x1280xf32> to vector<1x1280xf32>
    %mul3A_241 = vector.broadcast %slice3A_240 : vector<1x1280xf32> to vector<128x1280xf32>
    %mul3A_242 = arith.mulf %mul3A_241, %mul3A_29 : vector<128x1280xf32>
    %concatenate3A_243 = tpu.concatenate %mul3A_221, %mul3A_224, %mul3A_227, %mul3A_230, %mul3A_233, %mul3A_236, %mul3A_239, %mul3A_242 in 0 : vector<128x1280xf32>, vector<128x1280xf32>, vector<128x1280xf32>, vector<128x1280xf32>, vector<128x1280xf32>, vector<128x1280xf32>, vector<128x1280xf32>, vector<128x1280xf32> -> vector<1024x1280xf32>
    %convert_element_type3A_244 = arith.truncf %concatenate3A_243 : vector<1024x1280xf32> to vector<1024x1280xbf16>
    %get3A_245 = arith.constant 0 : index
    %get3A_246 = arith.constant 6144 : index
    %get3A_247 = vector.load %arg6[%get3A_245, %get3A_246] : memref<128x16384xbf16, #tpu.memory_space<vmem>>, vector<128x1024xbf16>
    %dot_general3A_248 = arith.constant dense<0.000000e+00> : vector<128x1280xf32>
    %dot_general3A_249 = tpu.matmul %get3A_247, %convert_element_type3A_244, %dot_general3A_248 {dimension_numbers = #tpu.dot_dimension_numbers<[1], [0], [0], [1], [0, 0, 1, 1], [], []>, transpose_lhs_hint = false} : vector<128x1024xbf16>, vector<1024x1280xbf16>, vector<128x1280xf32> -> vector<128x1280xf32>
    %add3A_250 = arith.addf %add3A_218, %dot_general3A_249 : vector<128x1280xf32>
    %slice3A_251 = vector.extract_strided_slice %mul3A_24 {offsets = [56, 0], sizes = [1, 1280], strides = [1, 1]} : vector<128x1280xf32> to vector<1x1280xf32>
    %mul3A_252 = vector.broadcast %slice3A_251 : vector<1x1280xf32> to vector<128x1280xf32>
    %mul3A_253 = arith.mulf %mul3A_252, %mul3A_29 : vector<128x1280xf32>
    %slice3A_254 = vector.extract_strided_slice %mul3A_24 {offsets = [57, 0], sizes = [1, 1280], strides = [1, 1]} : vector<128x1280xf32> to vector<1x1280xf32>
    %mul3A_255 = vector.broadcast %slice3A_254 : vector<1x1280xf32> to vector<128x1280xf32>
    %mul3A_256 = arith.mulf %mul3A_255, %mul3A_29 : vector<128x1280xf32>
    %slice3A_257 = vector.extract_strided_slice %mul3A_24 {offsets = [58, 0], sizes = [1, 1280], strides = [1, 1]} : vector<128x1280xf32> to vector<1x1280xf32>
    %mul3A_258 = vector.broadcast %slice3A_257 : vector<1x1280xf32> to vector<128x1280xf32>
    %mul3A_259 = arith.mulf %mul3A_258, %mul3A_29 : vector<128x1280xf32>
    %slice3A_260 = vector.extract_strided_slice %mul3A_24 {offsets = [59, 0], sizes = [1, 1280], strides = [1, 1]} : vector<128x1280xf32> to vector<1x1280xf32>
    %mul3A_261 = vector.broadcast %slice3A_260 : vector<1x1280xf32> to vector<128x1280xf32>
    %mul3A_262 = arith.mulf %mul3A_261, %mul3A_29 : vector<128x1280xf32>
    %slice3A_263 = vector.extract_strided_slice %mul3A_24 {offsets = [60, 0], sizes = [1, 1280], strides = [1, 1]} : vector<128x1280xf32> to vector<1x1280xf32>
    %mul3A_264 = vector.broadcast %slice3A_263 : vector<1x1280xf32> to vector<128x1280xf32>
    %mul3A_265 = arith.mulf %mul3A_264, %mul3A_29 : vector<128x1280xf32>
    %slice3A_266 = vector.extract_strided_slice %mul3A_24 {offsets = [61, 0], sizes = [1, 1280], strides = [1, 1]} : vector<128x1280xf32> to vector<1x1280xf32>
    %mul3A_267 = vector.broadcast %slice3A_266 : vector<1x1280xf32> to vector<128x1280xf32>
    %mul3A_268 = arith.mulf %mul3A_267, %mul3A_29 : vector<128x1280xf32>
    %slice3A_269 = vector.extract_strided_slice %mul3A_24 {offsets = [62, 0], sizes = [1, 1280], strides = [1, 1]} : vector<128x1280xf32> to vector<1x1280xf32>
    %mul3A_270 = vector.broadcast %slice3A_269 : vector<1x1280xf32> to vector<128x1280xf32>
    %mul3A_271 = arith.mulf %mul3A_270, %mul3A_29 : vector<128x1280xf32>
    %slice3A_272 = vector.extract_strided_slice %mul3A_24 {offsets = [63, 0], sizes = [1, 1280], strides = [1, 1]} : vector<128x1280xf32> to vector<1x1280xf32>
    %mul3A_273 = vector.broadcast %slice3A_272 : vector<1x1280xf32> to vector<128x1280xf32>
    %mul3A_274 = arith.mulf %mul3A_273, %mul3A_29 : vector<128x1280xf32>
    %concatenate3A_275 = tpu.concatenate %mul3A_253, %mul3A_256, %mul3A_259, %mul3A_262, %mul3A_265, %mul3A_268, %mul3A_271, %mul3A_274 in 0 : vector<128x1280xf32>, vector<128x1280xf32>, vector<128x1280xf32>, vector<128x1280xf32>, vector<128x1280xf32>, vector<128x1280xf32>, vector<128x1280xf32>, vector<128x1280xf32> -> vector<1024x1280xf32>
    %convert_element_type3A_276 = arith.truncf %concatenate3A_275 : vector<1024x1280xf32> to vector<1024x1280xbf16>
    %get3A_277 = arith.constant 0 : index
    %get3A_278 = arith.constant 7168 : index
    %get3A_279 = vector.load %arg6[%get3A_277, %get3A_278] : memref<128x16384xbf16, #tpu.memory_space<vmem>>, vector<128x1024xbf16>
    %dot_general3A_280 = arith.constant dense<0.000000e+00> : vector<128x1280xf32>
    %dot_general3A_281 = tpu.matmul %get3A_279, %convert_element_type3A_276, %dot_general3A_280 {dimension_numbers = #tpu.dot_dimension_numbers<[1], [0], [0], [1], [0, 0, 1, 1], [], []>, transpose_lhs_hint = false} : vector<128x1024xbf16>, vector<1024x1280xbf16>, vector<128x1280xf32> -> vector<128x1280xf32>
    %add3A_282 = arith.addf %add3A_250, %dot_general3A_281 : vector<128x1280xf32>
    %slice3A_283 = vector.extract_strided_slice %mul3A_24 {offsets = [64, 0], sizes = [1, 1280], strides = [1, 1]} : vector<128x1280xf32> to vector<1x1280xf32>
    %mul3A_284 = vector.broadcast %slice3A_283 : vector<1x1280xf32> to vector<128x1280xf32>
    %mul3A_285 = arith.mulf %mul3A_284, %mul3A_29 : vector<128x1280xf32>
    %slice3A_286 = vector.extract_strided_slice %mul3A_24 {offsets = [65, 0], sizes = [1, 1280], strides = [1, 1]} : vector<128x1280xf32> to vector<1x1280xf32>
    %mul3A_287 = vector.broadcast %slice3A_286 : vector<1x1280xf32> to vector<128x1280xf32>
    %mul3A_288 = arith.mulf %mul3A_287, %mul3A_29 : vector<128x1280xf32>
    %slice3A_289 = vector.extract_strided_slice %mul3A_24 {offsets = [66, 0], sizes = [1, 1280], strides = [1, 1]} : vector<128x1280xf32> to vector<1x1280xf32>
    %mul3A_290 = vector.broadcast %slice3A_289 : vector<1x1280xf32> to vector<128x1280xf32>
    %mul3A_291 = arith.mulf %mul3A_290, %mul3A_29 : vector<128x1280xf32>
    %slice3A_292 = vector.extract_strided_slice %mul3A_24 {offsets = [67, 0], sizes = [1, 1280], strides = [1, 1]} : vector<128x1280xf32> to vector<1x1280xf32>
    %mul3A_293 = vector.broadcast %slice3A_292 : vector<1x1280xf32> to vector<128x1280xf32>
    %mul3A_294 = arith.mulf %mul3A_293, %mul3A_29 : vector<128x1280xf32>
    %slice3A_295 = vector.extract_strided_slice %mul3A_24 {offsets = [68, 0], sizes = [1, 1280], strides = [1, 1]} : vector<128x1280xf32> to vector<1x1280xf32>
    %mul3A_296 = vector.broadcast %slice3A_295 : vector<1x1280xf32> to vector<128x1280xf32>
    %mul3A_297 = arith.mulf %mul3A_296, %mul3A_29 : vector<128x1280xf32>
    %slice3A_298 = vector.extract_strided_slice %mul3A_24 {offsets = [69, 0], sizes = [1, 1280], strides = [1, 1]} : vector<128x1280xf32> to vector<1x1280xf32>
    %mul3A_299 = vector.broadcast %slice3A_298 : vector<1x1280xf32> to vector<128x1280xf32>
    %mul3A_300 = arith.mulf %mul3A_299, %mul3A_29 : vector<128x1280xf32>
    %slice3A_301 = vector.extract_strided_slice %mul3A_24 {offsets = [70, 0], sizes = [1, 1280], strides = [1, 1]} : vector<128x1280xf32> to vector<1x1280xf32>
    %mul3A_302 = vector.broadcast %slice3A_301 : vector<1x1280xf32> to vector<128x1280xf32>
    %mul3A_303 = arith.mulf %mul3A_302, %mul3A_29 : vector<128x1280xf32>
    %slice3A_304 = vector.extract_strided_slice %mul3A_24 {offsets = [71, 0], sizes = [1, 1280], strides = [1, 1]} : vector<128x1280xf32> to vector<1x1280xf32>
    %mul3A_305 = vector.broadcast %slice3A_304 : vector<1x1280xf32> to vector<128x1280xf32>
    %mul3A_306 = arith.mulf %mul3A_305, %mul3A_29 : vector<128x1280xf32>
    %concatenate3A_307 = tpu.concatenate %mul3A_285, %mul3A_288, %mul3A_291, %mul3A_294, %mul3A_297, %mul3A_300, %mul3A_303, %mul3A_306 in 0 : vector<128x1280xf32>, vector<128x1280xf32>, vector<128x1280xf32>, vector<128x1280xf32>, vector<128x1280xf32>, vector<128x1280xf32>, vector<128x1280xf32>, vector<128x1280xf32> -> vector<1024x1280xf32>
    %convert_element_type3A_308 = arith.truncf %concatenate3A_307 : vector<1024x1280xf32> to vector<1024x1280xbf16>
    %get3A_309 = arith.constant 0 : index
    %get3A_310 = arith.constant 8192 : index
    %get3A_311 = vector.load %arg6[%get3A_309, %get3A_310] : memref<128x16384xbf16, #tpu.memory_space<vmem>>, vector<128x1024xbf16>
    %dot_general3A_312 = arith.constant dense<0.000000e+00> : vector<128x1280xf32>
    %dot_general3A_313 = tpu.matmul %get3A_311, %convert_element_type3A_308, %dot_general3A_312 {dimension_numbers = #tpu.dot_dimension_numbers<[1], [0], [0], [1], [0, 0, 1, 1], [], []>, transpose_lhs_hint = false} : vector<128x1024xbf16>, vector<1024x1280xbf16>, vector<128x1280xf32> -> vector<128x1280xf32>
    %add3A_314 = arith.addf %add3A_282, %dot_general3A_313 : vector<128x1280xf32>
    %slice3A_315 = vector.extract_strided_slice %mul3A_24 {offsets = [72, 0], sizes = [1, 1280], strides = [1, 1]} : vector<128x1280xf32> to vector<1x1280xf32>
    %mul3A_316 = vector.broadcast %slice3A_315 : vector<1x1280xf32> to vector<128x1280xf32>
    %mul3A_317 = arith.mulf %mul3A_316, %mul3A_29 : vector<128x1280xf32>
    %slice3A_318 = vector.extract_strided_slice %mul3A_24 {offsets = [73, 0], sizes = [1, 1280], strides = [1, 1]} : vector<128x1280xf32> to vector<1x1280xf32>
    %mul3A_319 = vector.broadcast %slice3A_318 : vector<1x1280xf32> to vector<128x1280xf32>
    %mul3A_320 = arith.mulf %mul3A_319, %mul3A_29 : vector<128x1280xf32>
    %slice3A_321 = vector.extract_strided_slice %mul3A_24 {offsets = [74, 0], sizes = [1, 1280], strides = [1, 1]} : vector<128x1280xf32> to vector<1x1280xf32>
    %mul3A_322 = vector.broadcast %slice3A_321 : vector<1x1280xf32> to vector<128x1280xf32>
    %mul3A_323 = arith.mulf %mul3A_322, %mul3A_29 : vector<128x1280xf32>
    %slice3A_324 = vector.extract_strided_slice %mul3A_24 {offsets = [75, 0], sizes = [1, 1280], strides = [1, 1]} : vector<128x1280xf32> to vector<1x1280xf32>
    %mul3A_325 = vector.broadcast %slice3A_324 : vector<1x1280xf32> to vector<128x1280xf32>
    %mul3A_326 = arith.mulf %mul3A_325, %mul3A_29 : vector<128x1280xf32>
    %slice3A_327 = vector.extract_strided_slice %mul3A_24 {offsets = [76, 0], sizes = [1, 1280], strides = [1, 1]} : vector<128x1280xf32> to vector<1x1280xf32>
    %mul3A_328 = vector.broadcast %slice3A_327 : vector<1x1280xf32> to vector<128x1280xf32>
    %mul3A_329 = arith.mulf %mul3A_328, %mul3A_29 : vector<128x1280xf32>
    %slice3A_330 = vector.extract_strided_slice %mul3A_24 {offsets = [77, 0], sizes = [1, 1280], strides = [1, 1]} : vector<128x1280xf32> to vector<1x1280xf32>
    %mul3A_331 = vector.broadcast %slice3A_330 : vector<1x1280xf32> to vector<128x1280xf32>
    %mul3A_332 = arith.mulf %mul3A_331, %mul3A_29 : vector<128x1280xf32>
    %slice3A_333 = vector.extract_strided_slice %mul3A_24 {offsets = [78, 0], sizes = [1, 1280], strides = [1, 1]} : vector<128x1280xf32> to vector<1x1280xf32>
    %mul3A_334 = vector.broadcast %slice3A_333 : vector<1x1280xf32> to vector<128x1280xf32>
    %mul3A_335 = arith.mulf %mul3A_334, %mul3A_29 : vector<128x1280xf32>
    %slice3A_336 = vector.extract_strided_slice %mul3A_24 {offsets = [79, 0], sizes = [1, 1280], strides = [1, 1]} : vector<128x1280xf32> to vector<1x1280xf32>
    %mul3A_337 = vector.broadcast %slice3A_336 : vector<1x1280xf32> to vector<128x1280xf32>
    %mul3A_338 = arith.mulf %mul3A_337, %mul3A_29 : vector<128x1280xf32>
    %concatenate3A_339 = tpu.concatenate %mul3A_317, %mul3A_320, %mul3A_323, %mul3A_326, %mul3A_329, %mul3A_332, %mul3A_335, %mul3A_338 in 0 : vector<128x1280xf32>, vector<128x1280xf32>, vector<128x1280xf32>, vector<128x1280xf32>, vector<128x1280xf32>, vector<128x1280xf32>, vector<128x1280xf32>, vector<128x1280xf32> -> vector<1024x1280xf32>
    %convert_element_type3A_340 = arith.truncf %concatenate3A_339 : vector<1024x1280xf32> to vector<1024x1280xbf16>
    %get3A_341 = arith.constant 0 : index
    %get3A_342 = arith.constant 9216 : index
    %get3A_343 = vector.load %arg6[%get3A_341, %get3A_342] : memref<128x16384xbf16, #tpu.memory_space<vmem>>, vector<128x1024xbf16>
    %dot_general3A_344 = arith.constant dense<0.000000e+00> : vector<128x1280xf32>
    %dot_general3A_345 = tpu.matmul %get3A_343, %convert_element_type3A_340, %dot_general3A_344 {dimension_numbers = #tpu.dot_dimension_numbers<[1], [0], [0], [1], [0, 0, 1, 1], [], []>, transpose_lhs_hint = false} : vector<128x1024xbf16>, vector<1024x1280xbf16>, vector<128x1280xf32> -> vector<128x1280xf32>
    %add3A_346 = arith.addf %add3A_314, %dot_general3A_345 : vector<128x1280xf32>
    %slice3A_347 = vector.extract_strided_slice %mul3A_24 {offsets = [80, 0], sizes = [1, 1280], strides = [1, 1]} : vector<128x1280xf32> to vector<1x1280xf32>
    %mul3A_348 = vector.broadcast %slice3A_347 : vector<1x1280xf32> to vector<128x1280xf32>
    %mul3A_349 = arith.mulf %mul3A_348, %mul3A_29 : vector<128x1280xf32>
    %slice3A_350 = vector.extract_strided_slice %mul3A_24 {offsets = [81, 0], sizes = [1, 1280], strides = [1, 1]} : vector<128x1280xf32> to vector<1x1280xf32>
    %mul3A_351 = vector.broadcast %slice3A_350 : vector<1x1280xf32> to vector<128x1280xf32>
    %mul3A_352 = arith.mulf %mul3A_351, %mul3A_29 : vector<128x1280xf32>
    %slice3A_353 = vector.extract_strided_slice %mul3A_24 {offsets = [82, 0], sizes = [1, 1280], strides = [1, 1]} : vector<128x1280xf32> to vector<1x1280xf32>
    %mul3A_354 = vector.broadcast %slice3A_353 : vector<1x1280xf32> to vector<128x1280xf32>
    %mul3A_355 = arith.mulf %mul3A_354, %mul3A_29 : vector<128x1280xf32>
    %slice3A_356 = vector.extract_strided_slice %mul3A_24 {offsets = [83, 0], sizes = [1, 1280], strides = [1, 1]} : vector<128x1280xf32> to vector<1x1280xf32>
    %mul3A_357 = vector.broadcast %slice3A_356 : vector<1x1280xf32> to vector<128x1280xf32>
    %mul3A_358 = arith.mulf %mul3A_357, %mul3A_29 : vector<128x1280xf32>
    %slice3A_359 = vector.extract_strided_slice %mul3A_24 {offsets = [84, 0], sizes = [1, 1280], strides = [1, 1]} : vector<128x1280xf32> to vector<1x1280xf32>
    %mul3A_360 = vector.broadcast %slice3A_359 : vector<1x1280xf32> to vector<128x1280xf32>
    %mul3A_361 = arith.mulf %mul3A_360, %mul3A_29 : vector<128x1280xf32>
    %slice3A_362 = vector.extract_strided_slice %mul3A_24 {offsets = [85, 0], sizes = [1, 1280], strides = [1, 1]} : vector<128x1280xf32> to vector<1x1280xf32>
    %mul3A_363 = vector.broadcast %slice3A_362 : vector<1x1280xf32> to vector<128x1280xf32>
    %mul3A_364 = arith.mulf %mul3A_363, %mul3A_29 : vector<128x1280xf32>
    %slice3A_365 = vector.extract_strided_slice %mul3A_24 {offsets = [86, 0], sizes = [1, 1280], strides = [1, 1]} : vector<128x1280xf32> to vector<1x1280xf32>
    %mul3A_366 = vector.broadcast %slice3A_365 : vector<1x1280xf32> to vector<128x1280xf32>
    %mul3A_367 = arith.mulf %mul3A_366, %mul3A_29 : vector<128x1280xf32>
    %slice3A_368 = vector.extract_strided_slice %mul3A_24 {offsets = [87, 0], sizes = [1, 1280], strides = [1, 1]} : vector<128x1280xf32> to vector<1x1280xf32>
    %mul3A_369 = vector.broadcast %slice3A_368 : vector<1x1280xf32> to vector<128x1280xf32>
    %mul3A_370 = arith.mulf %mul3A_369, %mul3A_29 : vector<128x1280xf32>
    %concatenate3A_371 = tpu.concatenate %mul3A_349, %mul3A_352, %mul3A_355, %mul3A_358, %mul3A_361, %mul3A_364, %mul3A_367, %mul3A_370 in 0 : vector<128x1280xf32>, vector<128x1280xf32>, vector<128x1280xf32>, vector<128x1280xf32>, vector<128x1280xf32>, vector<128x1280xf32>, vector<128x1280xf32>, vector<128x1280xf32> -> vector<1024x1280xf32>
    %convert_element_type3A_372 = arith.truncf %concatenate3A_371 : vector<1024x1280xf32> to vector<1024x1280xbf16>
    %get3A_373 = arith.constant 0 : index
    %get3A_374 = arith.constant 10240 : index
    %get3A_375 = vector.load %arg6[%get3A_373, %get3A_374] : memref<128x16384xbf16, #tpu.memory_space<vmem>>, vector<128x1024xbf16>
    %dot_general3A_376 = arith.constant dense<0.000000e+00> : vector<128x1280xf32>
    %dot_general3A_377 = tpu.matmul %get3A_375, %convert_element_type3A_372, %dot_general3A_376 {dimension_numbers = #tpu.dot_dimension_numbers<[1], [0], [0], [1], [0, 0, 1, 1], [], []>, transpose_lhs_hint = false} : vector<128x1024xbf16>, vector<1024x1280xbf16>, vector<128x1280xf32> -> vector<128x1280xf32>
    %add3A_378 = arith.addf %add3A_346, %dot_general3A_377 : vector<128x1280xf32>
    %slice3A_379 = vector.extract_strided_slice %mul3A_24 {offsets = [88, 0], sizes = [1, 1280], strides = [1, 1]} : vector<128x1280xf32> to vector<1x1280xf32>
    %mul3A_380 = vector.broadcast %slice3A_379 : vector<1x1280xf32> to vector<128x1280xf32>
    %mul3A_381 = arith.mulf %mul3A_380, %mul3A_29 : vector<128x1280xf32>
    %slice3A_382 = vector.extract_strided_slice %mul3A_24 {offsets = [89, 0], sizes = [1, 1280], strides = [1, 1]} : vector<128x1280xf32> to vector<1x1280xf32>
    %mul3A_383 = vector.broadcast %slice3A_382 : vector<1x1280xf32> to vector<128x1280xf32>
    %mul3A_384 = arith.mulf %mul3A_383, %mul3A_29 : vector<128x1280xf32>
    %slice3A_385 = vector.extract_strided_slice %mul3A_24 {offsets = [90, 0], sizes = [1, 1280], strides = [1, 1]} : vector<128x1280xf32> to vector<1x1280xf32>
    %mul3A_386 = vector.broadcast %slice3A_385 : vector<1x1280xf32> to vector<128x1280xf32>
    %mul3A_387 = arith.mulf %mul3A_386, %mul3A_29 : vector<128x1280xf32>
    %slice3A_388 = vector.extract_strided_slice %mul3A_24 {offsets = [91, 0], sizes = [1, 1280], strides = [1, 1]} : vector<128x1280xf32> to vector<1x1280xf32>
    %mul3A_389 = vector.broadcast %slice3A_388 : vector<1x1280xf32> to vector<128x1280xf32>
    %mul3A_390 = arith.mulf %mul3A_389, %mul3A_29 : vector<128x1280xf32>
    %slice3A_391 = vector.extract_strided_slice %mul3A_24 {offsets = [92, 0], sizes = [1, 1280], strides = [1, 1]} : vector<128x1280xf32> to vector<1x1280xf32>
    %mul3A_392 = vector.broadcast %slice3A_391 : vector<1x1280xf32> to vector<128x1280xf32>
    %mul3A_393 = arith.mulf %mul3A_392, %mul3A_29 : vector<128x1280xf32>
    %slice3A_394 = vector.extract_strided_slice %mul3A_24 {offsets = [93, 0], sizes = [1, 1280], strides = [1, 1]} : vector<128x1280xf32> to vector<1x1280xf32>
    %mul3A_395 = vector.broadcast %slice3A_394 : vector<1x1280xf32> to vector<128x1280xf32>
    %mul3A_396 = arith.mulf %mul3A_395, %mul3A_29 : vector<128x1280xf32>
    %slice3A_397 = vector.extract_strided_slice %mul3A_24 {offsets = [94, 0], sizes = [1, 1280], strides = [1, 1]} : vector<128x1280xf32> to vector<1x1280xf32>
    %mul3A_398 = vector.broadcast %slice3A_397 : vector<1x1280xf32> to vector<128x1280xf32>
    %mul3A_399 = arith.mulf %mul3A_398, %mul3A_29 : vector<128x1280xf32>
    %slice3A_400 = vector.extract_strided_slice %mul3A_24 {offsets = [95, 0], sizes = [1, 1280], strides = [1, 1]} : vector<128x1280xf32> to vector<1x1280xf32>
    %mul3A_401 = vector.broadcast %slice3A_400 : vector<1x1280xf32> to vector<128x1280xf32>
    %mul3A_402 = arith.mulf %mul3A_401, %mul3A_29 : vector<128x1280xf32>
    %concatenate3A_403 = tpu.concatenate %mul3A_381, %mul3A_384, %mul3A_387, %mul3A_390, %mul3A_393, %mul3A_396, %mul3A_399, %mul3A_402 in 0 : vector<128x1280xf32>, vector<128x1280xf32>, vector<128x1280xf32>, vector<128x1280xf32>, vector<128x1280xf32>, vector<128x1280xf32>, vector<128x1280xf32>, vector<128x1280xf32> -> vector<1024x1280xf32>
    %convert_element_type3A_404 = arith.truncf %concatenate3A_403 : vector<1024x1280xf32> to vector<1024x1280xbf16>
    %get3A_405 = arith.constant 0 : index
    %get3A_406 = arith.constant 11264 : index
    %get3A_407 = vector.load %arg6[%get3A_405, %get3A_406] : memref<128x16384xbf16, #tpu.memory_space<vmem>>, vector<128x1024xbf16>
    %dot_general3A_408 = arith.constant dense<0.000000e+00> : vector<128x1280xf32>
    %dot_general3A_409 = tpu.matmul %get3A_407, %convert_element_type3A_404, %dot_general3A_408 {dimension_numbers = #tpu.dot_dimension_numbers<[1], [0], [0], [1], [0, 0, 1, 1], [], []>, transpose_lhs_hint = false} : vector<128x1024xbf16>, vector<1024x1280xbf16>, vector<128x1280xf32> -> vector<128x1280xf32>
    %add3A_410 = arith.addf %add3A_378, %dot_general3A_409 : vector<128x1280xf32>
    %slice3A_411 = vector.extract_strided_slice %mul3A_24 {offsets = [96, 0], sizes = [1, 1280], strides = [1, 1]} : vector<128x1280xf32> to vector<1x1280xf32>
    %mul3A_412 = vector.broadcast %slice3A_411 : vector<1x1280xf32> to vector<128x1280xf32>
    %mul3A_413 = arith.mulf %mul3A_412, %mul3A_29 : vector<128x1280xf32>
    %slice3A_414 = vector.extract_strided_slice %mul3A_24 {offsets = [97, 0], sizes = [1, 1280], strides = [1, 1]} : vector<128x1280xf32> to vector<1x1280xf32>
    %mul3A_415 = vector.broadcast %slice3A_414 : vector<1x1280xf32> to vector<128x1280xf32>
    %mul3A_416 = arith.mulf %mul3A_415, %mul3A_29 : vector<128x1280xf32>
    %slice3A_417 = vector.extract_strided_slice %mul3A_24 {offsets = [98, 0], sizes = [1, 1280], strides = [1, 1]} : vector<128x1280xf32> to vector<1x1280xf32>
    %mul3A_418 = vector.broadcast %slice3A_417 : vector<1x1280xf32> to vector<128x1280xf32>
    %mul3A_419 = arith.mulf %mul3A_418, %mul3A_29 : vector<128x1280xf32>
    %slice3A_420 = vector.extract_strided_slice %mul3A_24 {offsets = [99, 0], sizes = [1, 1280], strides = [1, 1]} : vector<128x1280xf32> to vector<1x1280xf32>
    %mul3A_421 = vector.broadcast %slice3A_420 : vector<1x1280xf32> to vector<128x1280xf32>
    %mul3A_422 = arith.mulf %mul3A_421, %mul3A_29 : vector<128x1280xf32>
    %slice3A_423 = vector.extract_strided_slice %mul3A_24 {offsets = [100, 0], sizes = [1, 1280], strides = [1, 1]} : vector<128x1280xf32> to vector<1x1280xf32>
    %mul3A_424 = vector.broadcast %slice3A_423 : vector<1x1280xf32> to vector<128x1280xf32>
    %mul3A_425 = arith.mulf %mul3A_424, %mul3A_29 : vector<128x1280xf32>
    %slice3A_426 = vector.extract_strided_slice %mul3A_24 {offsets = [101, 0], sizes = [1, 1280], strides = [1, 1]} : vector<128x1280xf32> to vector<1x1280xf32>
    %mul3A_427 = vector.broadcast %slice3A_426 : vector<1x1280xf32> to vector<128x1280xf32>
    %mul3A_428 = arith.mulf %mul3A_427, %mul3A_29 : vector<128x1280xf32>
    %slice3A_429 = vector.extract_strided_slice %mul3A_24 {offsets = [102, 0], sizes = [1, 1280], strides = [1, 1]} : vector<128x1280xf32> to vector<1x1280xf32>
    %mul3A_430 = vector.broadcast %slice3A_429 : vector<1x1280xf32> to vector<128x1280xf32>
    %mul3A_431 = arith.mulf %mul3A_430, %mul3A_29 : vector<128x1280xf32>
    %slice3A_432 = vector.extract_strided_slice %mul3A_24 {offsets = [103, 0], sizes = [1, 1280], strides = [1, 1]} : vector<128x1280xf32> to vector<1x1280xf32>
    %mul3A_433 = vector.broadcast %slice3A_432 : vector<1x1280xf32> to vector<128x1280xf32>
    %mul3A_434 = arith.mulf %mul3A_433, %mul3A_29 : vector<128x1280xf32>
    %concatenate3A_435 = tpu.concatenate %mul3A_413, %mul3A_416, %mul3A_419, %mul3A_422, %mul3A_425, %mul3A_428, %mul3A_431, %mul3A_434 in 0 : vector<128x1280xf32>, vector<128x1280xf32>, vector<128x1280xf32>, vector<128x1280xf32>, vector<128x1280xf32>, vector<128x1280xf32>, vector<128x1280xf32>, vector<128x1280xf32> -> vector<1024x1280xf32>
    %convert_element_type3A_436 = arith.truncf %concatenate3A_435 : vector<1024x1280xf32> to vector<1024x1280xbf16>
    %get3A_437 = arith.constant 0 : index
    %get3A_438 = arith.constant 12288 : index
    %get3A_439 = vector.load %arg6[%get3A_437, %get3A_438] : memref<128x16384xbf16, #tpu.memory_space<vmem>>, vector<128x1024xbf16>
    %dot_general3A_440 = arith.constant dense<0.000000e+00> : vector<128x1280xf32>
    %dot_general3A_441 = tpu.matmul %get3A_439, %convert_element_type3A_436, %dot_general3A_440 {dimension_numbers = #tpu.dot_dimension_numbers<[1], [0], [0], [1], [0, 0, 1, 1], [], []>, transpose_lhs_hint = false} : vector<128x1024xbf16>, vector<1024x1280xbf16>, vector<128x1280xf32> -> vector<128x1280xf32>
    %add3A_442 = arith.addf %add3A_410, %dot_general3A_441 : vector<128x1280xf32>
    %slice3A_443 = vector.extract_strided_slice %mul3A_24 {offsets = [104, 0], sizes = [1, 1280], strides = [1, 1]} : vector<128x1280xf32> to vector<1x1280xf32>
    %mul3A_444 = vector.broadcast %slice3A_443 : vector<1x1280xf32> to vector<128x1280xf32>
    %mul3A_445 = arith.mulf %mul3A_444, %mul3A_29 : vector<128x1280xf32>
    %slice3A_446 = vector.extract_strided_slice %mul3A_24 {offsets = [105, 0], sizes = [1, 1280], strides = [1, 1]} : vector<128x1280xf32> to vector<1x1280xf32>
    %mul3A_447 = vector.broadcast %slice3A_446 : vector<1x1280xf32> to vector<128x1280xf32>
    %mul3A_448 = arith.mulf %mul3A_447, %mul3A_29 : vector<128x1280xf32>
    %slice3A_449 = vector.extract_strided_slice %mul3A_24 {offsets = [106, 0], sizes = [1, 1280], strides = [1, 1]} : vector<128x1280xf32> to vector<1x1280xf32>
    %mul3A_450 = vector.broadcast %slice3A_449 : vector<1x1280xf32> to vector<128x1280xf32>
    %mul3A_451 = arith.mulf %mul3A_450, %mul3A_29 : vector<128x1280xf32>
    %slice3A_452 = vector.extract_strided_slice %mul3A_24 {offsets = [107, 0], sizes = [1, 1280], strides = [1, 1]} : vector<128x1280xf32> to vector<1x1280xf32>
    %mul3A_453 = vector.broadcast %slice3A_452 : vector<1x1280xf32> to vector<128x1280xf32>
    %mul3A_454 = arith.mulf %mul3A_453, %mul3A_29 : vector<128x1280xf32>
    %slice3A_455 = vector.extract_strided_slice %mul3A_24 {offsets = [108, 0], sizes = [1, 1280], strides = [1, 1]} : vector<128x1280xf32> to vector<1x1280xf32>
    %mul3A_456 = vector.broadcast %slice3A_455 : vector<1x1280xf32> to vector<128x1280xf32>
    %mul3A_457 = arith.mulf %mul3A_456, %mul3A_29 : vector<128x1280xf32>
    %slice3A_458 = vector.extract_strided_slice %mul3A_24 {offsets = [109, 0], sizes = [1, 1280], strides = [1, 1]} : vector<128x1280xf32> to vector<1x1280xf32>
    %mul3A_459 = vector.broadcast %slice3A_458 : vector<1x1280xf32> to vector<128x1280xf32>
    %mul3A_460 = arith.mulf %mul3A_459, %mul3A_29 : vector<128x1280xf32>
    %slice3A_461 = vector.extract_strided_slice %mul3A_24 {offsets = [110, 0], sizes = [1, 1280], strides = [1, 1]} : vector<128x1280xf32> to vector<1x1280xf32>
    %mul3A_462 = vector.broadcast %slice3A_461 : vector<1x1280xf32> to vector<128x1280xf32>
    %mul3A_463 = arith.mulf %mul3A_462, %mul3A_29 : vector<128x1280xf32>
    %slice3A_464 = vector.extract_strided_slice %mul3A_24 {offsets = [111, 0], sizes = [1, 1280], strides = [1, 1]} : vector<128x1280xf32> to vector<1x1280xf32>
    %mul3A_465 = vector.broadcast %slice3A_464 : vector<1x1280xf32> to vector<128x1280xf32>
    %mul3A_466 = arith.mulf %mul3A_465, %mul3A_29 : vector<128x1280xf32>
    %concatenate3A_467 = tpu.concatenate %mul3A_445, %mul3A_448, %mul3A_451, %mul3A_454, %mul3A_457, %mul3A_460, %mul3A_463, %mul3A_466 in 0 : vector<128x1280xf32>, vector<128x1280xf32>, vector<128x1280xf32>, vector<128x1280xf32>, vector<128x1280xf32>, vector<128x1280xf32>, vector<128x1280xf32>, vector<128x1280xf32> -> vector<1024x1280xf32>
    %convert_element_type3A_468 = arith.truncf %concatenate3A_467 : vector<1024x1280xf32> to vector<1024x1280xbf16>
    %get3A_469 = arith.constant 0 : index
    %get3A_470 = arith.constant 13312 : index
    %get3A_471 = vector.load %arg6[%get3A_469, %get3A_470] : memref<128x16384xbf16, #tpu.memory_space<vmem>>, vector<128x1024xbf16>
    %dot_general3A_472 = arith.constant dense<0.000000e+00> : vector<128x1280xf32>
    %dot_general3A_473 = tpu.matmul %get3A_471, %convert_element_type3A_468, %dot_general3A_472 {dimension_numbers = #tpu.dot_dimension_numbers<[1], [0], [0], [1], [0, 0, 1, 1], [], []>, transpose_lhs_hint = false} : vector<128x1024xbf16>, vector<1024x1280xbf16>, vector<128x1280xf32> -> vector<128x1280xf32>
    %add3A_474 = arith.addf %add3A_442, %dot_general3A_473 : vector<128x1280xf32>
    %slice3A_475 = vector.extract_strided_slice %mul3A_24 {offsets = [112, 0], sizes = [1, 1280], strides = [1, 1]} : vector<128x1280xf32> to vector<1x1280xf32>
    %mul3A_476 = vector.broadcast %slice3A_475 : vector<1x1280xf32> to vector<128x1280xf32>
    %mul3A_477 = arith.mulf %mul3A_476, %mul3A_29 : vector<128x1280xf32>
    %slice3A_478 = vector.extract_strided_slice %mul3A_24 {offsets = [113, 0], sizes = [1, 1280], strides = [1, 1]} : vector<128x1280xf32> to vector<1x1280xf32>
    %mul3A_479 = vector.broadcast %slice3A_478 : vector<1x1280xf32> to vector<128x1280xf32>
    %mul3A_480 = arith.mulf %mul3A_479, %mul3A_29 : vector<128x1280xf32>
    %slice3A_481 = vector.extract_strided_slice %mul3A_24 {offsets = [114, 0], sizes = [1, 1280], strides = [1, 1]} : vector<128x1280xf32> to vector<1x1280xf32>
    %mul3A_482 = vector.broadcast %slice3A_481 : vector<1x1280xf32> to vector<128x1280xf32>
    %mul3A_483 = arith.mulf %mul3A_482, %mul3A_29 : vector<128x1280xf32>
    %slice3A_484 = vector.extract_strided_slice %mul3A_24 {offsets = [115, 0], sizes = [1, 1280], strides = [1, 1]} : vector<128x1280xf32> to vector<1x1280xf32>
    %mul3A_485 = vector.broadcast %slice3A_484 : vector<1x1280xf32> to vector<128x1280xf32>
    %mul3A_486 = arith.mulf %mul3A_485, %mul3A_29 : vector<128x1280xf32>
    %slice3A_487 = vector.extract_strided_slice %mul3A_24 {offsets = [116, 0], sizes = [1, 1280], strides = [1, 1]} : vector<128x1280xf32> to vector<1x1280xf32>
    %mul3A_488 = vector.broadcast %slice3A_487 : vector<1x1280xf32> to vector<128x1280xf32>
    %mul3A_489 = arith.mulf %mul3A_488, %mul3A_29 : vector<128x1280xf32>
    %slice3A_490 = vector.extract_strided_slice %mul3A_24 {offsets = [117, 0], sizes = [1, 1280], strides = [1, 1]} : vector<128x1280xf32> to vector<1x1280xf32>
    %mul3A_491 = vector.broadcast %slice3A_490 : vector<1x1280xf32> to vector<128x1280xf32>
    %mul3A_492 = arith.mulf %mul3A_491, %mul3A_29 : vector<128x1280xf32>
    %slice3A_493 = vector.extract_strided_slice %mul3A_24 {offsets = [118, 0], sizes = [1, 1280], strides = [1, 1]} : vector<128x1280xf32> to vector<1x1280xf32>
    %mul3A_494 = vector.broadcast %slice3A_493 : vector<1x1280xf32> to vector<128x1280xf32>
    %mul3A_495 = arith.mulf %mul3A_494, %mul3A_29 : vector<128x1280xf32>
    %slice3A_496 = vector.extract_strided_slice %mul3A_24 {offsets = [119, 0], sizes = [1, 1280], strides = [1, 1]} : vector<128x1280xf32> to vector<1x1280xf32>
    %mul3A_497 = vector.broadcast %slice3A_496 : vector<1x1280xf32> to vector<128x1280xf32>
    %mul3A_498 = arith.mulf %mul3A_497, %mul3A_29 : vector<128x1280xf32>
    %concatenate3A_499 = tpu.concatenate %mul3A_477, %mul3A_480, %mul3A_483, %mul3A_486, %mul3A_489, %mul3A_492, %mul3A_495, %mul3A_498 in 0 : vector<128x1280xf32>, vector<128x1280xf32>, vector<128x1280xf32>, vector<128x1280xf32>, vector<128x1280xf32>, vector<128x1280xf32>, vector<128x1280xf32>, vector<128x1280xf32> -> vector<1024x1280xf32>
    %convert_element_type3A_500 = arith.truncf %concatenate3A_499 : vector<1024x1280xf32> to vector<1024x1280xbf16>
    %get3A_501 = arith.constant 0 : index
    %get3A_502 = arith.constant 14336 : index
    %get3A_503 = vector.load %arg6[%get3A_501, %get3A_502] : memref<128x16384xbf16, #tpu.memory_space<vmem>>, vector<128x1024xbf16>
    %dot_general3A_504 = arith.constant dense<0.000000e+00> : vector<128x1280xf32>
    %dot_general3A_505 = tpu.matmul %get3A_503, %convert_element_type3A_500, %dot_general3A_504 {dimension_numbers = #tpu.dot_dimension_numbers<[1], [0], [0], [1], [0, 0, 1, 1], [], []>, transpose_lhs_hint = false} : vector<128x1024xbf16>, vector<1024x1280xbf16>, vector<128x1280xf32> -> vector<128x1280xf32>
    %add3A_506 = arith.addf %add3A_474, %dot_general3A_505 : vector<128x1280xf32>
    %slice3A_507 = vector.extract_strided_slice %mul3A_24 {offsets = [120, 0], sizes = [1, 1280], strides = [1, 1]} : vector<128x1280xf32> to vector<1x1280xf32>
    %mul3A_508 = vector.broadcast %slice3A_507 : vector<1x1280xf32> to vector<128x1280xf32>
    %mul3A_509 = arith.mulf %mul3A_508, %mul3A_29 : vector<128x1280xf32>
    %slice3A_510 = vector.extract_strided_slice %mul3A_24 {offsets = [121, 0], sizes = [1, 1280], strides = [1, 1]} : vector<128x1280xf32> to vector<1x1280xf32>
    %mul3A_511 = vector.broadcast %slice3A_510 : vector<1x1280xf32> to vector<128x1280xf32>
    %mul3A_512 = arith.mulf %mul3A_511, %mul3A_29 : vector<128x1280xf32>
    %slice3A_513 = vector.extract_strided_slice %mul3A_24 {offsets = [122, 0], sizes = [1, 1280], strides = [1, 1]} : vector<128x1280xf32> to vector<1x1280xf32>
    %mul3A_514 = vector.broadcast %slice3A_513 : vector<1x1280xf32> to vector<128x1280xf32>
    %mul3A_515 = arith.mulf %mul3A_514, %mul3A_29 : vector<128x1280xf32>
    %slice3A_516 = vector.extract_strided_slice %mul3A_24 {offsets = [123, 0], sizes = [1, 1280], strides = [1, 1]} : vector<128x1280xf32> to vector<1x1280xf32>
    %mul3A_517 = vector.broadcast %slice3A_516 : vector<1x1280xf32> to vector<128x1280xf32>
    %mul3A_518 = arith.mulf %mul3A_517, %mul3A_29 : vector<128x1280xf32>
    %slice3A_519 = vector.extract_strided_slice %mul3A_24 {offsets = [124, 0], sizes = [1, 1280], strides = [1, 1]} : vector<128x1280xf32> to vector<1x1280xf32>
    %mul3A_520 = vector.broadcast %slice3A_519 : vector<1x1280xf32> to vector<128x1280xf32>
    %mul3A_521 = arith.mulf %mul3A_520, %mul3A_29 : vector<128x1280xf32>
    %slice3A_522 = vector.extract_strided_slice %mul3A_24 {offsets = [125, 0], sizes = [1, 1280], strides = [1, 1]} : vector<128x1280xf32> to vector<1x1280xf32>
    %mul3A_523 = vector.broadcast %slice3A_522 : vector<1x1280xf32> to vector<128x1280xf32>
    %mul3A_524 = arith.mulf %mul3A_523, %mul3A_29 : vector<128x1280xf32>
    %slice3A_525 = vector.extract_strided_slice %mul3A_24 {offsets = [126, 0], sizes = [1, 1280], strides = [1, 1]} : vector<128x1280xf32> to vector<1x1280xf32>
    %mul3A_526 = vector.broadcast %slice3A_525 : vector<1x1280xf32> to vector<128x1280xf32>
    %mul3A_527 = arith.mulf %mul3A_526, %mul3A_29 : vector<128x1280xf32>
    %slice3A_528 = vector.extract_strided_slice %mul3A_24 {offsets = [127, 0], sizes = [1, 1280], strides = [1, 1]} : vector<128x1280xf32> to vector<1x1280xf32>
    %mul3A_529 = vector.broadcast %slice3A_528 : vector<1x1280xf32> to vector<128x1280xf32>
    %mul3A_530 = arith.mulf %mul3A_529, %mul3A_29 : vector<128x1280xf32>
    %concatenate3A_531 = tpu.concatenate %mul3A_509, %mul3A_512, %mul3A_515, %mul3A_518, %mul3A_521, %mul3A_524, %mul3A_527, %mul3A_530 in 0 : vector<128x1280xf32>, vector<128x1280xf32>, vector<128x1280xf32>, vector<128x1280xf32>, vector<128x1280xf32>, vector<128x1280xf32>, vector<128x1280xf32>, vector<128x1280xf32> -> vector<1024x1280xf32>
    %convert_element_type3A_532 = arith.truncf %concatenate3A_531 : vector<1024x1280xf32> to vector<1024x1280xbf16>
    %get3A_533 = arith.constant 0 : index
    %get3A_534 = arith.constant 15360 : index
    %get3A_535 = vector.load %arg6[%get3A_533, %get3A_534] : memref<128x16384xbf16, #tpu.memory_space<vmem>>, vector<128x1024xbf16>
    %dot_general3A_536 = arith.constant dense<0.000000e+00> : vector<128x1280xf32>
    %dot_general3A_537 = tpu.matmul %get3A_535, %convert_element_type3A_532, %dot_general3A_536 {dimension_numbers = #tpu.dot_dimension_numbers<[1], [0], [0], [1], [0, 0, 1, 1], [], []>, transpose_lhs_hint = false} : vector<128x1024xbf16>, vector<1024x1280xbf16>, vector<128x1280xf32> -> vector<128x1280xf32>
    %add3A_538 = arith.addf %add3A_506, %dot_general3A_537 : vector<128x1280xf32>
    %get3A_539 = arith.constant 0 : index
    %get3A_540 = arith.constant 0 : index
    %get3A_541 = vector.load %arg7[%get3A_539, %get3A_540] : memref<128x128xf32, #tpu.memory_space<vmem>>, vector<128x128xf32>
    %dot_general3A_542 = arith.constant dense<0.000000e+00> : vector<128x1280xf32>
    %dot_general3A_543 = tpu.matmul %get3A_541, %mul3A_24, %dot_general3A_542 {dimension_numbers = #tpu.dot_dimension_numbers<[1], [0], [0], [1], [0, 0, 1, 1], [], []>, transpose_lhs_hint = false} : vector<128x128xf32>, vector<128x1280xf32>, vector<128x1280xf32> -> vector<128x1280xf32>
    %get3A_544 = arith.constant 0 : index
    %get3A_545 = arith.constant 0 : index
    %get3A_546 = vector.load %arg8[%get3A_544, %get3A_545] : memref<128x128xf32, #tpu.memory_space<vmem>>, vector<128x128xf32>
    %dot_general3A_547 = arith.constant dense<0.000000e+00> : vector<128x1280xf32>
    %dot_general3A_548 = tpu.matmul %get3A_546, %mul3A_29, %dot_general3A_547 {dimension_numbers = #tpu.dot_dimension_numbers<[1], [0], [0], [1], [0, 0, 1, 1], [], []>, transpose_lhs_hint = false} : vector<128x128xf32>, vector<128x1280xf32>, vector<128x1280xf32> -> vector<128x1280xf32>
    %add3A_549 = arith.addf %dot_general3A_543, %dot_general3A_548 : vector<128x1280xf32>
    %get3A_550 = arith.constant 0 : index
    %get3A_551 = arith.constant 0 : index
    %get3A_552 = vector.load %arg9[%get3A_550, %get3A_551] : memref<128x128xf32, #tpu.memory_space<vmem>>, vector<128x128xf32>
    %dot_general3A_553 = arith.constant dense<0.000000e+00> : vector<128x1280xf32>
    %dot_general3A_554 = tpu.matmul %get3A_552, %add3A_538, %dot_general3A_553 {dimension_numbers = #tpu.dot_dimension_numbers<[1], [0], [0], [1], [0, 0, 1, 1], [], []>, transpose_lhs_hint = false} : vector<128x128xf32>, vector<128x1280xf32>, vector<128x1280xf32> -> vector<128x1280xf32>
    %add3A_555 = arith.addf %add3A_549, %dot_general3A_554 : vector<128x1280xf32>
    %get3A_556 = arith.constant 0 : index
    %get3A_557 = arith.constant 0 : index
    %get3A_558 = vector.load %arg10[%get3A_556, %get3A_557] : memref<128x1xf32, #tpu.memory_space<vmem>>, vector<128x1xf32>
    %add3A_559 = vector.broadcast %get3A_558 : vector<128x1xf32> to vector<128x1280xf32>
    %add3A_560 = arith.addf %add3A_555, %add3A_559 : vector<128x1280xf32>
    %get3A_561 = arith.constant 0 : index
    %get3A_562 = arith.constant 0 : index
    %get3A_563 = vector.load %arg11[%get3A_561, %get3A_562] : memref<128x128xf32, #tpu.memory_space<vmem>>, vector<128x128xf32>
    %dot_general3A_564 = arith.constant dense<0.000000e+00> : vector<128x1280xf32>
    %dot_general3A_565 = tpu.matmul %get3A_563, %add3A_560, %dot_general3A_564 {dimension_numbers = #tpu.dot_dimension_numbers<[1], [0], [0], [1], [0, 0, 1, 1], [], []>, transpose_lhs_hint = false} : vector<128x128xf32>, vector<128x1280xf32>, vector<128x1280xf32> -> vector<128x1280xf32>
    %mul3A_566 = vector.broadcast %get3A_8 : vector<1x1280xf32> to vector<128x1280xf32>
    %mul3A_567 = arith.mulf %dot_general3A_565, %mul3A_566 : vector<128x1280xf32>
    %get3A_568 = arith.constant 0 : index
    %get3A_569 = arith.constant 0 : index
    %get3A_570 = vector.load %arg12[%get3A_568, %get3A_569] : memref<128x128xf32, #tpu.memory_space<vmem>>, vector<128x128xf32>
    %dot_general3A_571 = arith.constant dense<0.000000e+00> : vector<128x1280xf32>
    %dot_general3A_572 = tpu.matmul %get3A_570, %add3A_560, %dot_general3A_571 {dimension_numbers = #tpu.dot_dimension_numbers<[1], [0], [0], [1], [0, 0, 1, 1], [], []>, transpose_lhs_hint = false} : vector<128x128xf32>, vector<128x1280xf32>, vector<128x1280xf32> -> vector<128x1280xf32>
    %get3A_573 = arith.constant 0 : index
    %get3A_574 = arith.constant 0 : index
    %get3A_575 = vector.load %arg13[%get3A_573, %get3A_574] : memref<128x1xf32, #tpu.memory_space<vmem>>, vector<128x1xf32>
    %mul3A_576 = vector.broadcast %get3A_575 : vector<128x1xf32> to vector<128x1280xf32>
    %mul3A_577 = vector.broadcast %get3A_8 : vector<1x1280xf32> to vector<128x1280xf32>
    %mul3A_578 = arith.mulf %mul3A_576, %mul3A_577 : vector<128x1280xf32>
    %add3A_579 = arith.addf %dot_general3A_572, %mul3A_578 : vector<128x1280xf32>
    %get3A_580 = arith.constant 0 : index
    %get3A_581 = arith.constant 0 : index
    %get3A_582 = vector.load %arg14[%get3A_580, %get3A_581] : memref<128x128xf32, #tpu.memory_space<vmem>>, vector<128x128xf32>
    %dot_general3A_583 = arith.constant dense<0.000000e+00> : vector<128x1280xf32>
    %dot_general3A_584 = tpu.matmul %get3A_582, %mul3A_567, %dot_general3A_583 {dimension_numbers = #tpu.dot_dimension_numbers<[1], [0], [0], [1], [0, 0, 1, 1], [], []>, transpose_lhs_hint = false} : vector<128x128xf32>, vector<128x1280xf32>, vector<128x1280xf32> -> vector<128x1280xf32>
    %add3A_585 = arith.addf %add3A_579, %dot_general3A_584 : vector<128x1280xf32>
    %get3A_586 = arith.constant 0 : index
    %get3A_587 = arith.constant 0 : index
    %get3A_588 = vector.load %arg15[%get3A_586, %get3A_587] : memref<128x1xf32, #tpu.memory_space<vmem>>, vector<128x1xf32>
    %add3A_589 = vector.broadcast %get3A_588 : vector<128x1xf32> to vector<128x1280xf32>
    %add3A_590 = arith.addf %add3A_585, %add3A_589 : vector<128x1280xf32>
    %reduce_sum3A = arith.constant dense<0.000000e+00> : vector<1280xf32>
    %reduce_sum3A_591 = vector.multi_reduction <add>, %add3A_590, %reduce_sum3A [0] : vector<128x1280xf32> to vector<1280xf32>
    %broadcast_in_dim3A_592 = vector.shape_cast %reduce_sum3A_591 : vector<1280xf32> to vector<1x1280xf32>
    %div3A = arith.constant 1.280000e+02 : f32
    %div3A_593 = vector.broadcast %div3A : f32 to vector<1x1280xf32>
    %div3A_594 = arith.divf %broadcast_in_dim3A_592, %div3A_593 : vector<1x1280xf32>
    %sub3A_595 = vector.broadcast %div3A_594 : vector<1x1280xf32> to vector<128x1280xf32>
    %sub3A_596 = arith.subf %add3A_590, %sub3A_595 : vector<128x1280xf32>
    %integer_pow3A = arith.mulf %sub3A_596, %sub3A_596 : vector<128x1280xf32>
    %reduce_sum3A_597 = arith.constant dense<0.000000e+00> : vector<1280xf32>
    %reduce_sum3A_598 = vector.multi_reduction <add>, %integer_pow3A, %reduce_sum3A_597 [0] : vector<128x1280xf32> to vector<1280xf32>
    %broadcast_in_dim3A_599 = vector.shape_cast %reduce_sum3A_598 : vector<1280xf32> to vector<1x1280xf32>
    %div3A_600 = arith.constant 1.270000e+02 : f32
    %div3A_601 = vector.broadcast %div3A_600 : f32 to vector<1x1280xf32>
    %div3A_602 = arith.divf %broadcast_in_dim3A_599, %div3A_601 : vector<1x1280xf32>
    %sqrt3A = math.sqrt %div3A_602 : vector<1x1280xf32>
    %add3A_603 = arith.constant 9.99999971E-10 : f32
    %add3A_604 = vector.broadcast %add3A_603 : f32 to vector<1x1280xf32>
    %add3A_605 = arith.addf %sqrt3A, %add3A_604 : vector<1x1280xf32>
    %div3A_606 = vector.broadcast %add3A_605 : vector<1x1280xf32> to vector<128x1280xf32>
    %div3A_607 = arith.divf %add3A_590, %div3A_606 : vector<128x1280xf32>
    %get3A_608 = arith.constant 0 : index
    %get3A_609 = arith.constant 0 : index
    %get3A_610 = vector.load %arg16[%get3A_608, %get3A_609] : memref<128x1xf32, #tpu.memory_space<vmem>>, vector<128x1xf32>
    %mul3A_611 = vector.broadcast %get3A_8 : vector<1x1280xf32> to vector<128x1280xf32>
    %mul3A_612 = vector.broadcast %get3A_610 : vector<128x1xf32> to vector<128x1280xf32>
    %mul3A_613 = arith.mulf %mul3A_611, %mul3A_612 : vector<128x1280xf32>
    %get3A_614 = arith.constant 0 : index
    %get3A_615 = arith.constant 0 : index
    %get3A_616 = vector.load %arg17[%get3A_614, %get3A_615] : memref<128x1xf32, #tpu.memory_space<vmem>>, vector<128x1xf32>
    %add3A_617 = vector.broadcast %get3A_616 : vector<128x1xf32> to vector<128x1280xf32>
    %add3A_618 = arith.addf %mul3A_613, %add3A_617 : vector<128x1280xf32>
    %logistic3A_619 = arith.negf %add3A_618 : vector<128x1280xf32>
    %logistic3A_620 = math.exp %logistic3A_619 : vector<128x1280xf32>
    %logistic3A_621 = arith.constant 1.000000e+00 : f32
    %logistic3A_622 = vector.broadcast %logistic3A_621 : f32 to vector<128x1280xf32>
    %logistic3A_623 = arith.addf %logistic3A_622, %logistic3A_620 : vector<128x1280xf32>
    %logistic3A_624 = arith.divf %logistic3A_622, %logistic3A_623 : vector<128x1280xf32>
    %mul3A_625 = arith.mulf %add3A_618, %logistic3A_624 : vector<128x1280xf32>
    %mul3A_626 = arith.mulf %mul3A_625, %div3A_607 : vector<128x1280xf32>
    %transpose3A_627 = tpu.transpose %mul3A_626, [1, 0] : vector<128x1280xf32> -> vector<1280x128xf32>
    %swap3A = arith.constant 0 : index
    %swap3A_628 = arith.constant 0 : index
    %swap3A_629 = vector.load %arg18[%swap3A, %swap3A_628] : memref<1280x128xf32, #tpu.memory_space<vmem>>, vector<1280x128xf32>
    tpu.vector_store %arg18[%swap3A, %swap3A_628], %transpose3A_627 {strides = array<i32>} : memref<1280x128xf32, #tpu.memory_space<vmem>>, vector<1280x128xf32>,
    return
  }
  func.func @transform_0(%arg0: i32) -> (i32, i32) {
    %c0_i32 = arith.constant 0 : i32
    %c0_i32_0 = arith.constant 0 : i32
    return %arg0, %c0_i32 : i32, i32
  }
  func.func @transform_1(%arg0: i32) -> (i32, i32) {
    %c0_i32 = arith.constant 0 : i32
    %c0_i32_0 = arith.constant 0 : i32
    return %arg0, %c0_i32 : i32, i32
  }
  func.func @transform_2(%arg0: i32) -> (i32, i32) {
    %c0_i32 = arith.constant 0 : i32
    %c0_i32_0 = arith.constant 0 : i32
    return %c0_i32, %arg0 : i32, i32
  }
  func.func @transform_3(%arg0: i32) -> (i32, i32) {
    %c0_i32 = arith.constant 0 : i32
    %c0_i32_0 = arith.constant 0 : i32
    %c0_i32_1 = arith.constant 0 : i32
    return %c0_i32, %c0_i32_0 : i32, i32
  }
  func.func @transform_4(%arg0: i32) -> (i32, i32) {
    %c0_i32 = arith.constant 0 : i32
    %c0_i32_0 = arith.constant 0 : i32
    %c0_i32_1 = arith.constant 0 : i32
    return %c0_i32, %c0_i32_0 : i32, i32
  }
  func.func @transform_5(%arg0: i32) -> (i32, i32) {
    %c0_i32 = arith.constant 0 : i32
    %c0_i32_0 = arith.constant 0 : i32
    %c0_i32_1 = arith.constant 0 : i32
    return %c0_i32, %c0_i32_0 : i32, i32
  }
  func.func @transform_6(%arg0: i32) -> (i32, i32) {
    %c0_i32 = arith.constant 0 : i32
    %c0_i32_0 = arith.constant 0 : i32
    %c0_i32_1 = arith.constant 0 : i32
    return %c0_i32, %c0_i32_0 : i32, i32
  }
  func.func @transform_7(%arg0: i32) -> (i32, i32) {
    %c0_i32 = arith.constant 0 : i32
    %c0_i32_0 = arith.constant 0 : i32
    %c0_i32_1 = arith.constant 0 : i32
    return %c0_i32, %c0_i32_0 : i32, i32
  }
  func.func @transform_8(%arg0: i32) -> (i32, i32) {
    %c0_i32 = arith.constant 0 : i32
    %c0_i32_0 = arith.constant 0 : i32
    %c0_i32_1 = arith.constant 0 : i32
    return %c0_i32, %c0_i32_0 : i32, i32
  }
  func.func @transform_9(%arg0: i32) -> (i32, i32) {
    %c0_i32 = arith.constant 0 : i32
    %c0_i32_0 = arith.constant 0 : i32
    %c0_i32_1 = arith.constant 0 : i32
    return %c0_i32, %c0_i32_0 : i32, i32
  }
  func.func @transform_10(%arg0: i32) -> (i32, i32) {
    %c0_i32 = arith.constant 0 : i32
    %c0_i32_0 = arith.constant 0 : i32
    %c0_i32_1 = arith.constant 0 : i32
    return %c0_i32, %c0_i32_0 : i32, i32
  }
  func.func @transform_11(%arg0: i32) -> (i32, i32) {
    %c0_i32 = arith.constant 0 : i32
    %c0_i32_0 = arith.constant 0 : i32
    %c0_i32_1 = arith.constant 0 : i32
    return %c0_i32, %c0_i32_0 : i32, i32
  }
  func.func @transform_12(%arg0: i32) -> (i32, i32) {
    %c0_i32 = arith.constant 0 : i32
    %c0_i32_0 = arith.constant 0 : i32
    %c0_i32_1 = arith.constant 0 : i32
    return %c0_i32, %c0_i32_0 : i32, i32
  }
  func.func @transform_13(%arg0: i32) -> (i32, i32) {
    %c0_i32 = arith.constant 0 : i32
    %c0_i32_0 = arith.constant 0 : i32
    %c0_i32_1 = arith.constant 0 : i32
    return %c0_i32, %c0_i32_0 : i32, i32
  }
  func.func @transform_14(%arg0: i32) -> (i32, i32) {
    %c0_i32 = arith.constant 0 : i32
    %c0_i32_0 = arith.constant 0 : i32
    %c0_i32_1 = arith.constant 0 : i32
    return %c0_i32, %c0_i32_0 : i32, i32
  }
  func.func @transform_15(%arg0: i32) -> (i32, i32) {
    %c0_i32 = arith.constant 0 : i32
    %c0_i32_0 = arith.constant 0 : i32
    %c0_i32_1 = arith.constant 0 : i32
    return %c0_i32, %c0_i32_0 : i32, i32
  }
  func.func @transform_16(%arg0: i32) -> (i32, i32) {
    %c0_i32 = arith.constant 0 : i32
    %c0_i32_0 = arith.constant 0 : i32
    %c0_i32_1 = arith.constant 0 : i32
    return %c0_i32, %c0_i32_0 : i32, i32
  }
  func.func @transform_17(%arg0: i32) -> (i32, i32) {
    %c0_i32 = arith.constant 0 : i32
    %c0_i32_0 = arith.constant 0 : i32
    return %arg0, %c0_i32 : i32, i32
  }
}

module attributes {stable_mosaic.version = 14 : i64} {
  func.func @_final_body(%arg0: i32, %arg1: memref<200x128xf32, #tpu.memory_space<vmem>>, %arg2: memref<200x128xf32, #tpu.memory_space<vmem>>, %arg3: memref<200x128xf32, #tpu.memory_space<vmem>>, %arg4: memref<200x128xf32, #tpu.memory_space<vmem>>, %arg5: memref<128x16384xbf16, #tpu.memory_space<vmem>>, %arg6: memref<128x128xf32, #tpu.memory_space<vmem>>, %arg7: memref<128x128xf32, #tpu.memory_space<vmem>>, %arg8: memref<128x128xf32, #tpu.memory_space<vmem>>, %arg9: memref<128x1xf32, #tpu.memory_space<vmem>>, %arg10: memref<200x128xf32, #tpu.memory_space<vmem>>) attributes {dimension_semantics = [#tpu.dimension_semantics<arbitrary>], iteration_bounds = array<i64: 50>, scalar_prefetch = 0 : i64, scratch_operands = 0 : i64, tpu.core_type = #tpu.core_type<tc>, window_params = [{transform_indices = @transform_0, window_bounds = array<i64: 200, 128>}, {transform_indices = @transform_1, window_bounds = array<i64: 200, 128>}, {transform_indices = @transform_2, window_bounds = array<i64: 200, 128>}, {transform_indices = @transform_3, window_bounds = array<i64: 200, 128>}, {pipeline_mode = #tpu.pipeline_mode<synchronous>, transform_indices = @transform_4, window_bounds = array<i64: 128, 16384>}, {pipeline_mode = #tpu.pipeline_mode<synchronous>, transform_indices = @transform_5, window_bounds = array<i64: 128, 128>}, {pipeline_mode = #tpu.pipeline_mode<synchronous>, transform_indices = @transform_6, window_bounds = array<i64: 128, 128>}, {pipeline_mode = #tpu.pipeline_mode<synchronous>, transform_indices = @transform_7, window_bounds = array<i64: 128, 128>}, {pipeline_mode = #tpu.pipeline_mode<synchronous>, transform_indices = @transform_8, window_bounds = array<i64: 128, 1>}, {transform_indices = @transform_9, window_bounds = array<i64: 200, 128>}]} {
    %get3A = arith.constant 0 : index
    %get3A_0 = arith.constant 0 : index
    %get3A_1 = vector.load %arg1[%get3A, %get3A_0] : memref<200x128xf32, #tpu.memory_space<vmem>>, vector<200x128xf32>
    %get3A_2 = arith.constant 0 : index
    %get3A_3 = arith.constant 0 : index
    %get3A_4 = vector.load %arg2[%get3A_2, %get3A_3] : memref<200x128xf32, #tpu.memory_space<vmem>>, vector<200x128xf32>
    %add3A = arith.addf %get3A_1, %get3A_4 : vector<200x128xf32>
    %transpose3A = tpu.transpose %add3A, [1, 0] : vector<200x128xf32> -> vector<128x200xf32>
    %get3A_5 = arith.constant 0 : index
    %get3A_6 = arith.constant 0 : index
    %get3A_7 = vector.load %arg3[%get3A_5, %get3A_6] : memref<200x128xf32, #tpu.memory_space<vmem>>, vector<200x128xf32>
    %get3A_8 = arith.constant 0 : index
    %get3A_9 = arith.constant 0 : index
    %get3A_10 = vector.load %arg4[%get3A_8, %get3A_9] : memref<200x128xf32, #tpu.memory_space<vmem>>, vector<200x128xf32>
    %add3A_11 = arith.addf %get3A_7, %get3A_10 : vector<200x128xf32>
    %transpose3A_12 = tpu.transpose %add3A_11, [1, 0] : vector<200x128xf32> -> vector<128x200xf32>
    %sub3A = arith.subf %transpose3A, %transpose3A_12 : vector<128x200xf32>
    %mul3A = arith.constant 0.223606795 : f32
    %mul3A_13 = vector.broadcast %mul3A : f32 to vector<128x200xf32>
    %mul3A_14 = arith.mulf %sub3A, %mul3A_13 : vector<128x200xf32>
    %add3A_15 = arith.addf %transpose3A, %transpose3A_12 : vector<128x200xf32>
    %mul3A_16 = arith.constant 0.223606795 : f32
    %mul3A_17 = vector.broadcast %mul3A_16 : f32 to vector<128x200xf32>
    %mul3A_18 = arith.mulf %add3A_15, %mul3A_17 : vector<128x200xf32>
    %broadcast_in_dim3A = arith.constant 0.000000e+00 : f32
    %broadcast_in_dim3A_19 = vector.broadcast %broadcast_in_dim3A : f32 to vector<128x200xf32>
    %slice3A = vector.extract_strided_slice %mul3A_14 {offsets = [0, 0], sizes = [1, 200], strides = [1, 1]} : vector<128x200xf32> to vector<1x200xf32>
    %mul3A_20 = vector.broadcast %slice3A : vector<1x200xf32> to vector<128x200xf32>
    %mul3A_21 = arith.mulf %mul3A_20, %mul3A_18 : vector<128x200xf32>
    %slice3A_22 = vector.extract_strided_slice %mul3A_14 {offsets = [1, 0], sizes = [1, 200], strides = [1, 1]} : vector<128x200xf32> to vector<1x200xf32>
    %mul3A_23 = vector.broadcast %slice3A_22 : vector<1x200xf32> to vector<128x200xf32>
    %mul3A_24 = arith.mulf %mul3A_23, %mul3A_18 : vector<128x200xf32>
    %slice3A_25 = vector.extract_strided_slice %mul3A_14 {offsets = [2, 0], sizes = [1, 200], strides = [1, 1]} : vector<128x200xf32> to vector<1x200xf32>
    %mul3A_26 = vector.broadcast %slice3A_25 : vector<1x200xf32> to vector<128x200xf32>
    %mul3A_27 = arith.mulf %mul3A_26, %mul3A_18 : vector<128x200xf32>
    %slice3A_28 = vector.extract_strided_slice %mul3A_14 {offsets = [3, 0], sizes = [1, 200], strides = [1, 1]} : vector<128x200xf32> to vector<1x200xf32>
    %mul3A_29 = vector.broadcast %slice3A_28 : vector<1x200xf32> to vector<128x200xf32>
    %mul3A_30 = arith.mulf %mul3A_29, %mul3A_18 : vector<128x200xf32>
    %slice3A_31 = vector.extract_strided_slice %mul3A_14 {offsets = [4, 0], sizes = [1, 200], strides = [1, 1]} : vector<128x200xf32> to vector<1x200xf32>
    %mul3A_32 = vector.broadcast %slice3A_31 : vector<1x200xf32> to vector<128x200xf32>
    %mul3A_33 = arith.mulf %mul3A_32, %mul3A_18 : vector<128x200xf32>
    %slice3A_34 = vector.extract_strided_slice %mul3A_14 {offsets = [5, 0], sizes = [1, 200], strides = [1, 1]} : vector<128x200xf32> to vector<1x200xf32>
    %mul3A_35 = vector.broadcast %slice3A_34 : vector<1x200xf32> to vector<128x200xf32>
    %mul3A_36 = arith.mulf %mul3A_35, %mul3A_18 : vector<128x200xf32>
    %slice3A_37 = vector.extract_strided_slice %mul3A_14 {offsets = [6, 0], sizes = [1, 200], strides = [1, 1]} : vector<128x200xf32> to vector<1x200xf32>
    %mul3A_38 = vector.broadcast %slice3A_37 : vector<1x200xf32> to vector<128x200xf32>
    %mul3A_39 = arith.mulf %mul3A_38, %mul3A_18 : vector<128x200xf32>
    %slice3A_40 = vector.extract_strided_slice %mul3A_14 {offsets = [7, 0], sizes = [1, 200], strides = [1, 1]} : vector<128x200xf32> to vector<1x200xf32>
    %mul3A_41 = vector.broadcast %slice3A_40 : vector<1x200xf32> to vector<128x200xf32>
    %mul3A_42 = arith.mulf %mul3A_41, %mul3A_18 : vector<128x200xf32>
    %concatenate3A = tpu.concatenate %mul3A_21, %mul3A_24, %mul3A_27, %mul3A_30, %mul3A_33, %mul3A_36, %mul3A_39, %mul3A_42 in 0 : vector<128x200xf32>, vector<128x200xf32>, vector<128x200xf32>, vector<128x200xf32>, vector<128x200xf32>, vector<128x200xf32>, vector<128x200xf32>, vector<128x200xf32> -> vector<1024x200xf32>
    %convert_element_type3A = arith.truncf %concatenate3A : vector<1024x200xf32> to vector<1024x200xbf16>
    %get3A_43 = arith.constant 0 : index
    %get3A_44 = arith.constant 0 : index
    %get3A_45 = vector.load %arg5[%get3A_43, %get3A_44] : memref<128x16384xbf16, #tpu.memory_space<vmem>>, vector<128x1024xbf16>
    %dot_general3A = arith.constant dense<0.000000e+00> : vector<128x200xf32>
    %dot_general3A_46 = tpu.matmul %get3A_45, %convert_element_type3A, %dot_general3A {dimension_numbers = #tpu.dot_dimension_numbers<[1], [0], [0], [1], [0, 0, 1, 1], [], []>, transpose_lhs_hint = false} : vector<128x1024xbf16>, vector<1024x200xbf16>, vector<128x200xf32> -> vector<128x200xf32>
    %add3A_47 = arith.addf %broadcast_in_dim3A_19, %dot_general3A_46 : vector<128x200xf32>
    %slice3A_48 = vector.extract_strided_slice %mul3A_14 {offsets = [8, 0], sizes = [1, 200], strides = [1, 1]} : vector<128x200xf32> to vector<1x200xf32>
    %mul3A_49 = vector.broadcast %slice3A_48 : vector<1x200xf32> to vector<128x200xf32>
    %mul3A_50 = arith.mulf %mul3A_49, %mul3A_18 : vector<128x200xf32>
    %slice3A_51 = vector.extract_strided_slice %mul3A_14 {offsets = [9, 0], sizes = [1, 200], strides = [1, 1]} : vector<128x200xf32> to vector<1x200xf32>
    %mul3A_52 = vector.broadcast %slice3A_51 : vector<1x200xf32> to vector<128x200xf32>
    %mul3A_53 = arith.mulf %mul3A_52, %mul3A_18 : vector<128x200xf32>
    %slice3A_54 = vector.extract_strided_slice %mul3A_14 {offsets = [10, 0], sizes = [1, 200], strides = [1, 1]} : vector<128x200xf32> to vector<1x200xf32>
    %mul3A_55 = vector.broadcast %slice3A_54 : vector<1x200xf32> to vector<128x200xf32>
    %mul3A_56 = arith.mulf %mul3A_55, %mul3A_18 : vector<128x200xf32>
    %slice3A_57 = vector.extract_strided_slice %mul3A_14 {offsets = [11, 0], sizes = [1, 200], strides = [1, 1]} : vector<128x200xf32> to vector<1x200xf32>
    %mul3A_58 = vector.broadcast %slice3A_57 : vector<1x200xf32> to vector<128x200xf32>
    %mul3A_59 = arith.mulf %mul3A_58, %mul3A_18 : vector<128x200xf32>
    %slice3A_60 = vector.extract_strided_slice %mul3A_14 {offsets = [12, 0], sizes = [1, 200], strides = [1, 1]} : vector<128x200xf32> to vector<1x200xf32>
    %mul3A_61 = vector.broadcast %slice3A_60 : vector<1x200xf32> to vector<128x200xf32>
    %mul3A_62 = arith.mulf %mul3A_61, %mul3A_18 : vector<128x200xf32>
    %slice3A_63 = vector.extract_strided_slice %mul3A_14 {offsets = [13, 0], sizes = [1, 200], strides = [1, 1]} : vector<128x200xf32> to vector<1x200xf32>
    %mul3A_64 = vector.broadcast %slice3A_63 : vector<1x200xf32> to vector<128x200xf32>
    %mul3A_65 = arith.mulf %mul3A_64, %mul3A_18 : vector<128x200xf32>
    %slice3A_66 = vector.extract_strided_slice %mul3A_14 {offsets = [14, 0], sizes = [1, 200], strides = [1, 1]} : vector<128x200xf32> to vector<1x200xf32>
    %mul3A_67 = vector.broadcast %slice3A_66 : vector<1x200xf32> to vector<128x200xf32>
    %mul3A_68 = arith.mulf %mul3A_67, %mul3A_18 : vector<128x200xf32>
    %slice3A_69 = vector.extract_strided_slice %mul3A_14 {offsets = [15, 0], sizes = [1, 200], strides = [1, 1]} : vector<128x200xf32> to vector<1x200xf32>
    %mul3A_70 = vector.broadcast %slice3A_69 : vector<1x200xf32> to vector<128x200xf32>
    %mul3A_71 = arith.mulf %mul3A_70, %mul3A_18 : vector<128x200xf32>
    %concatenate3A_72 = tpu.concatenate %mul3A_50, %mul3A_53, %mul3A_56, %mul3A_59, %mul3A_62, %mul3A_65, %mul3A_68, %mul3A_71 in 0 : vector<128x200xf32>, vector<128x200xf32>, vector<128x200xf32>, vector<128x200xf32>, vector<128x200xf32>, vector<128x200xf32>, vector<128x200xf32>, vector<128x200xf32> -> vector<1024x200xf32>
    %convert_element_type3A_73 = arith.truncf %concatenate3A_72 : vector<1024x200xf32> to vector<1024x200xbf16>
    %get3A_74 = arith.constant 0 : index
    %get3A_75 = arith.constant 1024 : index
    %get3A_76 = vector.load %arg5[%get3A_74, %get3A_75] : memref<128x16384xbf16, #tpu.memory_space<vmem>>, vector<128x1024xbf16>
    %dot_general3A_77 = arith.constant dense<0.000000e+00> : vector<128x200xf32>
    %dot_general3A_78 = tpu.matmul %get3A_76, %convert_element_type3A_73, %dot_general3A_77 {dimension_numbers = #tpu.dot_dimension_numbers<[1], [0], [0], [1], [0, 0, 1, 1], [], []>, transpose_lhs_hint = false} : vector<128x1024xbf16>, vector<1024x200xbf16>, vector<128x200xf32> -> vector<128x200xf32>
    %add3A_79 = arith.addf %add3A_47, %dot_general3A_78 : vector<128x200xf32>
    %slice3A_80 = vector.extract_strided_slice %mul3A_14 {offsets = [16, 0], sizes = [1, 200], strides = [1, 1]} : vector<128x200xf32> to vector<1x200xf32>
    %mul3A_81 = vector.broadcast %slice3A_80 : vector<1x200xf32> to vector<128x200xf32>
    %mul3A_82 = arith.mulf %mul3A_81, %mul3A_18 : vector<128x200xf32>
    %slice3A_83 = vector.extract_strided_slice %mul3A_14 {offsets = [17, 0], sizes = [1, 200], strides = [1, 1]} : vector<128x200xf32> to vector<1x200xf32>
    %mul3A_84 = vector.broadcast %slice3A_83 : vector<1x200xf32> to vector<128x200xf32>
    %mul3A_85 = arith.mulf %mul3A_84, %mul3A_18 : vector<128x200xf32>
    %slice3A_86 = vector.extract_strided_slice %mul3A_14 {offsets = [18, 0], sizes = [1, 200], strides = [1, 1]} : vector<128x200xf32> to vector<1x200xf32>
    %mul3A_87 = vector.broadcast %slice3A_86 : vector<1x200xf32> to vector<128x200xf32>
    %mul3A_88 = arith.mulf %mul3A_87, %mul3A_18 : vector<128x200xf32>
    %slice3A_89 = vector.extract_strided_slice %mul3A_14 {offsets = [19, 0], sizes = [1, 200], strides = [1, 1]} : vector<128x200xf32> to vector<1x200xf32>
    %mul3A_90 = vector.broadcast %slice3A_89 : vector<1x200xf32> to vector<128x200xf32>
    %mul3A_91 = arith.mulf %mul3A_90, %mul3A_18 : vector<128x200xf32>
    %slice3A_92 = vector.extract_strided_slice %mul3A_14 {offsets = [20, 0], sizes = [1, 200], strides = [1, 1]} : vector<128x200xf32> to vector<1x200xf32>
    %mul3A_93 = vector.broadcast %slice3A_92 : vector<1x200xf32> to vector<128x200xf32>
    %mul3A_94 = arith.mulf %mul3A_93, %mul3A_18 : vector<128x200xf32>
    %slice3A_95 = vector.extract_strided_slice %mul3A_14 {offsets = [21, 0], sizes = [1, 200], strides = [1, 1]} : vector<128x200xf32> to vector<1x200xf32>
    %mul3A_96 = vector.broadcast %slice3A_95 : vector<1x200xf32> to vector<128x200xf32>
    %mul3A_97 = arith.mulf %mul3A_96, %mul3A_18 : vector<128x200xf32>
    %slice3A_98 = vector.extract_strided_slice %mul3A_14 {offsets = [22, 0], sizes = [1, 200], strides = [1, 1]} : vector<128x200xf32> to vector<1x200xf32>
    %mul3A_99 = vector.broadcast %slice3A_98 : vector<1x200xf32> to vector<128x200xf32>
    %mul3A_100 = arith.mulf %mul3A_99, %mul3A_18 : vector<128x200xf32>
    %slice3A_101 = vector.extract_strided_slice %mul3A_14 {offsets = [23, 0], sizes = [1, 200], strides = [1, 1]} : vector<128x200xf32> to vector<1x200xf32>
    %mul3A_102 = vector.broadcast %slice3A_101 : vector<1x200xf32> to vector<128x200xf32>
    %mul3A_103 = arith.mulf %mul3A_102, %mul3A_18 : vector<128x200xf32>
    %concatenate3A_104 = tpu.concatenate %mul3A_82, %mul3A_85, %mul3A_88, %mul3A_91, %mul3A_94, %mul3A_97, %mul3A_100, %mul3A_103 in 0 : vector<128x200xf32>, vector<128x200xf32>, vector<128x200xf32>, vector<128x200xf32>, vector<128x200xf32>, vector<128x200xf32>, vector<128x200xf32>, vector<128x200xf32> -> vector<1024x200xf32>
    %convert_element_type3A_105 = arith.truncf %concatenate3A_104 : vector<1024x200xf32> to vector<1024x200xbf16>
    %get3A_106 = arith.constant 0 : index
    %get3A_107 = arith.constant 2048 : index
    %get3A_108 = vector.load %arg5[%get3A_106, %get3A_107] : memref<128x16384xbf16, #tpu.memory_space<vmem>>, vector<128x1024xbf16>
    %dot_general3A_109 = arith.constant dense<0.000000e+00> : vector<128x200xf32>
    %dot_general3A_110 = tpu.matmul %get3A_108, %convert_element_type3A_105, %dot_general3A_109 {dimension_numbers = #tpu.dot_dimension_numbers<[1], [0], [0], [1], [0, 0, 1, 1], [], []>, transpose_lhs_hint = false} : vector<128x1024xbf16>, vector<1024x200xbf16>, vector<128x200xf32> -> vector<128x200xf32>
    %add3A_111 = arith.addf %add3A_79, %dot_general3A_110 : vector<128x200xf32>
    %slice3A_112 = vector.extract_strided_slice %mul3A_14 {offsets = [24, 0], sizes = [1, 200], strides = [1, 1]} : vector<128x200xf32> to vector<1x200xf32>
    %mul3A_113 = vector.broadcast %slice3A_112 : vector<1x200xf32> to vector<128x200xf32>
    %mul3A_114 = arith.mulf %mul3A_113, %mul3A_18 : vector<128x200xf32>
    %slice3A_115 = vector.extract_strided_slice %mul3A_14 {offsets = [25, 0], sizes = [1, 200], strides = [1, 1]} : vector<128x200xf32> to vector<1x200xf32>
    %mul3A_116 = vector.broadcast %slice3A_115 : vector<1x200xf32> to vector<128x200xf32>
    %mul3A_117 = arith.mulf %mul3A_116, %mul3A_18 : vector<128x200xf32>
    %slice3A_118 = vector.extract_strided_slice %mul3A_14 {offsets = [26, 0], sizes = [1, 200], strides = [1, 1]} : vector<128x200xf32> to vector<1x200xf32>
    %mul3A_119 = vector.broadcast %slice3A_118 : vector<1x200xf32> to vector<128x200xf32>
    %mul3A_120 = arith.mulf %mul3A_119, %mul3A_18 : vector<128x200xf32>
    %slice3A_121 = vector.extract_strided_slice %mul3A_14 {offsets = [27, 0], sizes = [1, 200], strides = [1, 1]} : vector<128x200xf32> to vector<1x200xf32>
    %mul3A_122 = vector.broadcast %slice3A_121 : vector<1x200xf32> to vector<128x200xf32>
    %mul3A_123 = arith.mulf %mul3A_122, %mul3A_18 : vector<128x200xf32>
    %slice3A_124 = vector.extract_strided_slice %mul3A_14 {offsets = [28, 0], sizes = [1, 200], strides = [1, 1]} : vector<128x200xf32> to vector<1x200xf32>
    %mul3A_125 = vector.broadcast %slice3A_124 : vector<1x200xf32> to vector<128x200xf32>
    %mul3A_126 = arith.mulf %mul3A_125, %mul3A_18 : vector<128x200xf32>
    %slice3A_127 = vector.extract_strided_slice %mul3A_14 {offsets = [29, 0], sizes = [1, 200], strides = [1, 1]} : vector<128x200xf32> to vector<1x200xf32>
    %mul3A_128 = vector.broadcast %slice3A_127 : vector<1x200xf32> to vector<128x200xf32>
    %mul3A_129 = arith.mulf %mul3A_128, %mul3A_18 : vector<128x200xf32>
    %slice3A_130 = vector.extract_strided_slice %mul3A_14 {offsets = [30, 0], sizes = [1, 200], strides = [1, 1]} : vector<128x200xf32> to vector<1x200xf32>
    %mul3A_131 = vector.broadcast %slice3A_130 : vector<1x200xf32> to vector<128x200xf32>
    %mul3A_132 = arith.mulf %mul3A_131, %mul3A_18 : vector<128x200xf32>
    %slice3A_133 = vector.extract_strided_slice %mul3A_14 {offsets = [31, 0], sizes = [1, 200], strides = [1, 1]} : vector<128x200xf32> to vector<1x200xf32>
    %mul3A_134 = vector.broadcast %slice3A_133 : vector<1x200xf32> to vector<128x200xf32>
    %mul3A_135 = arith.mulf %mul3A_134, %mul3A_18 : vector<128x200xf32>
    %concatenate3A_136 = tpu.concatenate %mul3A_114, %mul3A_117, %mul3A_120, %mul3A_123, %mul3A_126, %mul3A_129, %mul3A_132, %mul3A_135 in 0 : vector<128x200xf32>, vector<128x200xf32>, vector<128x200xf32>, vector<128x200xf32>, vector<128x200xf32>, vector<128x200xf32>, vector<128x200xf32>, vector<128x200xf32> -> vector<1024x200xf32>
    %convert_element_type3A_137 = arith.truncf %concatenate3A_136 : vector<1024x200xf32> to vector<1024x200xbf16>
    %get3A_138 = arith.constant 0 : index
    %get3A_139 = arith.constant 3072 : index
    %get3A_140 = vector.load %arg5[%get3A_138, %get3A_139] : memref<128x16384xbf16, #tpu.memory_space<vmem>>, vector<128x1024xbf16>
    %dot_general3A_141 = arith.constant dense<0.000000e+00> : vector<128x200xf32>
    %dot_general3A_142 = tpu.matmul %get3A_140, %convert_element_type3A_137, %dot_general3A_141 {dimension_numbers = #tpu.dot_dimension_numbers<[1], [0], [0], [1], [0, 0, 1, 1], [], []>, transpose_lhs_hint = false} : vector<128x1024xbf16>, vector<1024x200xbf16>, vector<128x200xf32> -> vector<128x200xf32>
    %add3A_143 = arith.addf %add3A_111, %dot_general3A_142 : vector<128x200xf32>
    %slice3A_144 = vector.extract_strided_slice %mul3A_14 {offsets = [32, 0], sizes = [1, 200], strides = [1, 1]} : vector<128x200xf32> to vector<1x200xf32>
    %mul3A_145 = vector.broadcast %slice3A_144 : vector<1x200xf32> to vector<128x200xf32>
    %mul3A_146 = arith.mulf %mul3A_145, %mul3A_18 : vector<128x200xf32>
    %slice3A_147 = vector.extract_strided_slice %mul3A_14 {offsets = [33, 0], sizes = [1, 200], strides = [1, 1]} : vector<128x200xf32> to vector<1x200xf32>
    %mul3A_148 = vector.broadcast %slice3A_147 : vector<1x200xf32> to vector<128x200xf32>
    %mul3A_149 = arith.mulf %mul3A_148, %mul3A_18 : vector<128x200xf32>
    %slice3A_150 = vector.extract_strided_slice %mul3A_14 {offsets = [34, 0], sizes = [1, 200], strides = [1, 1]} : vector<128x200xf32> to vector<1x200xf32>
    %mul3A_151 = vector.broadcast %slice3A_150 : vector<1x200xf32> to vector<128x200xf32>
    %mul3A_152 = arith.mulf %mul3A_151, %mul3A_18 : vector<128x200xf32>
    %slice3A_153 = vector.extract_strided_slice %mul3A_14 {offsets = [35, 0], sizes = [1, 200], strides = [1, 1]} : vector<128x200xf32> to vector<1x200xf32>
    %mul3A_154 = vector.broadcast %slice3A_153 : vector<1x200xf32> to vector<128x200xf32>
    %mul3A_155 = arith.mulf %mul3A_154, %mul3A_18 : vector<128x200xf32>
    %slice3A_156 = vector.extract_strided_slice %mul3A_14 {offsets = [36, 0], sizes = [1, 200], strides = [1, 1]} : vector<128x200xf32> to vector<1x200xf32>
    %mul3A_157 = vector.broadcast %slice3A_156 : vector<1x200xf32> to vector<128x200xf32>
    %mul3A_158 = arith.mulf %mul3A_157, %mul3A_18 : vector<128x200xf32>
    %slice3A_159 = vector.extract_strided_slice %mul3A_14 {offsets = [37, 0], sizes = [1, 200], strides = [1, 1]} : vector<128x200xf32> to vector<1x200xf32>
    %mul3A_160 = vector.broadcast %slice3A_159 : vector<1x200xf32> to vector<128x200xf32>
    %mul3A_161 = arith.mulf %mul3A_160, %mul3A_18 : vector<128x200xf32>
    %slice3A_162 = vector.extract_strided_slice %mul3A_14 {offsets = [38, 0], sizes = [1, 200], strides = [1, 1]} : vector<128x200xf32> to vector<1x200xf32>
    %mul3A_163 = vector.broadcast %slice3A_162 : vector<1x200xf32> to vector<128x200xf32>
    %mul3A_164 = arith.mulf %mul3A_163, %mul3A_18 : vector<128x200xf32>
    %slice3A_165 = vector.extract_strided_slice %mul3A_14 {offsets = [39, 0], sizes = [1, 200], strides = [1, 1]} : vector<128x200xf32> to vector<1x200xf32>
    %mul3A_166 = vector.broadcast %slice3A_165 : vector<1x200xf32> to vector<128x200xf32>
    %mul3A_167 = arith.mulf %mul3A_166, %mul3A_18 : vector<128x200xf32>
    %concatenate3A_168 = tpu.concatenate %mul3A_146, %mul3A_149, %mul3A_152, %mul3A_155, %mul3A_158, %mul3A_161, %mul3A_164, %mul3A_167 in 0 : vector<128x200xf32>, vector<128x200xf32>, vector<128x200xf32>, vector<128x200xf32>, vector<128x200xf32>, vector<128x200xf32>, vector<128x200xf32>, vector<128x200xf32> -> vector<1024x200xf32>
    %convert_element_type3A_169 = arith.truncf %concatenate3A_168 : vector<1024x200xf32> to vector<1024x200xbf16>
    %get3A_170 = arith.constant 0 : index
    %get3A_171 = arith.constant 4096 : index
    %get3A_172 = vector.load %arg5[%get3A_170, %get3A_171] : memref<128x16384xbf16, #tpu.memory_space<vmem>>, vector<128x1024xbf16>
    %dot_general3A_173 = arith.constant dense<0.000000e+00> : vector<128x200xf32>
    %dot_general3A_174 = tpu.matmul %get3A_172, %convert_element_type3A_169, %dot_general3A_173 {dimension_numbers = #tpu.dot_dimension_numbers<[1], [0], [0], [1], [0, 0, 1, 1], [], []>, transpose_lhs_hint = false} : vector<128x1024xbf16>, vector<1024x200xbf16>, vector<128x200xf32> -> vector<128x200xf32>
    %add3A_175 = arith.addf %add3A_143, %dot_general3A_174 : vector<128x200xf32>
    %slice3A_176 = vector.extract_strided_slice %mul3A_14 {offsets = [40, 0], sizes = [1, 200], strides = [1, 1]} : vector<128x200xf32> to vector<1x200xf32>
    %mul3A_177 = vector.broadcast %slice3A_176 : vector<1x200xf32> to vector<128x200xf32>
    %mul3A_178 = arith.mulf %mul3A_177, %mul3A_18 : vector<128x200xf32>
    %slice3A_179 = vector.extract_strided_slice %mul3A_14 {offsets = [41, 0], sizes = [1, 200], strides = [1, 1]} : vector<128x200xf32> to vector<1x200xf32>
    %mul3A_180 = vector.broadcast %slice3A_179 : vector<1x200xf32> to vector<128x200xf32>
    %mul3A_181 = arith.mulf %mul3A_180, %mul3A_18 : vector<128x200xf32>
    %slice3A_182 = vector.extract_strided_slice %mul3A_14 {offsets = [42, 0], sizes = [1, 200], strides = [1, 1]} : vector<128x200xf32> to vector<1x200xf32>
    %mul3A_183 = vector.broadcast %slice3A_182 : vector<1x200xf32> to vector<128x200xf32>
    %mul3A_184 = arith.mulf %mul3A_183, %mul3A_18 : vector<128x200xf32>
    %slice3A_185 = vector.extract_strided_slice %mul3A_14 {offsets = [43, 0], sizes = [1, 200], strides = [1, 1]} : vector<128x200xf32> to vector<1x200xf32>
    %mul3A_186 = vector.broadcast %slice3A_185 : vector<1x200xf32> to vector<128x200xf32>
    %mul3A_187 = arith.mulf %mul3A_186, %mul3A_18 : vector<128x200xf32>
    %slice3A_188 = vector.extract_strided_slice %mul3A_14 {offsets = [44, 0], sizes = [1, 200], strides = [1, 1]} : vector<128x200xf32> to vector<1x200xf32>
    %mul3A_189 = vector.broadcast %slice3A_188 : vector<1x200xf32> to vector<128x200xf32>
    %mul3A_190 = arith.mulf %mul3A_189, %mul3A_18 : vector<128x200xf32>
    %slice3A_191 = vector.extract_strided_slice %mul3A_14 {offsets = [45, 0], sizes = [1, 200], strides = [1, 1]} : vector<128x200xf32> to vector<1x200xf32>
    %mul3A_192 = vector.broadcast %slice3A_191 : vector<1x200xf32> to vector<128x200xf32>
    %mul3A_193 = arith.mulf %mul3A_192, %mul3A_18 : vector<128x200xf32>
    %slice3A_194 = vector.extract_strided_slice %mul3A_14 {offsets = [46, 0], sizes = [1, 200], strides = [1, 1]} : vector<128x200xf32> to vector<1x200xf32>
    %mul3A_195 = vector.broadcast %slice3A_194 : vector<1x200xf32> to vector<128x200xf32>
    %mul3A_196 = arith.mulf %mul3A_195, %mul3A_18 : vector<128x200xf32>
    %slice3A_197 = vector.extract_strided_slice %mul3A_14 {offsets = [47, 0], sizes = [1, 200], strides = [1, 1]} : vector<128x200xf32> to vector<1x200xf32>
    %mul3A_198 = vector.broadcast %slice3A_197 : vector<1x200xf32> to vector<128x200xf32>
    %mul3A_199 = arith.mulf %mul3A_198, %mul3A_18 : vector<128x200xf32>
    %concatenate3A_200 = tpu.concatenate %mul3A_178, %mul3A_181, %mul3A_184, %mul3A_187, %mul3A_190, %mul3A_193, %mul3A_196, %mul3A_199 in 0 : vector<128x200xf32>, vector<128x200xf32>, vector<128x200xf32>, vector<128x200xf32>, vector<128x200xf32>, vector<128x200xf32>, vector<128x200xf32>, vector<128x200xf32> -> vector<1024x200xf32>
    %convert_element_type3A_201 = arith.truncf %concatenate3A_200 : vector<1024x200xf32> to vector<1024x200xbf16>
    %get3A_202 = arith.constant 0 : index
    %get3A_203 = arith.constant 5120 : index
    %get3A_204 = vector.load %arg5[%get3A_202, %get3A_203] : memref<128x16384xbf16, #tpu.memory_space<vmem>>, vector<128x1024xbf16>
    %dot_general3A_205 = arith.constant dense<0.000000e+00> : vector<128x200xf32>
    %dot_general3A_206 = tpu.matmul %get3A_204, %convert_element_type3A_201, %dot_general3A_205 {dimension_numbers = #tpu.dot_dimension_numbers<[1], [0], [0], [1], [0, 0, 1, 1], [], []>, transpose_lhs_hint = false} : vector<128x1024xbf16>, vector<1024x200xbf16>, vector<128x200xf32> -> vector<128x200xf32>
    %add3A_207 = arith.addf %add3A_175, %dot_general3A_206 : vector<128x200xf32>
    %slice3A_208 = vector.extract_strided_slice %mul3A_14 {offsets = [48, 0], sizes = [1, 200], strides = [1, 1]} : vector<128x200xf32> to vector<1x200xf32>
    %mul3A_209 = vector.broadcast %slice3A_208 : vector<1x200xf32> to vector<128x200xf32>
    %mul3A_210 = arith.mulf %mul3A_209, %mul3A_18 : vector<128x200xf32>
    %slice3A_211 = vector.extract_strided_slice %mul3A_14 {offsets = [49, 0], sizes = [1, 200], strides = [1, 1]} : vector<128x200xf32> to vector<1x200xf32>
    %mul3A_212 = vector.broadcast %slice3A_211 : vector<1x200xf32> to vector<128x200xf32>
    %mul3A_213 = arith.mulf %mul3A_212, %mul3A_18 : vector<128x200xf32>
    %slice3A_214 = vector.extract_strided_slice %mul3A_14 {offsets = [50, 0], sizes = [1, 200], strides = [1, 1]} : vector<128x200xf32> to vector<1x200xf32>
    %mul3A_215 = vector.broadcast %slice3A_214 : vector<1x200xf32> to vector<128x200xf32>
    %mul3A_216 = arith.mulf %mul3A_215, %mul3A_18 : vector<128x200xf32>
    %slice3A_217 = vector.extract_strided_slice %mul3A_14 {offsets = [51, 0], sizes = [1, 200], strides = [1, 1]} : vector<128x200xf32> to vector<1x200xf32>
    %mul3A_218 = vector.broadcast %slice3A_217 : vector<1x200xf32> to vector<128x200xf32>
    %mul3A_219 = arith.mulf %mul3A_218, %mul3A_18 : vector<128x200xf32>
    %slice3A_220 = vector.extract_strided_slice %mul3A_14 {offsets = [52, 0], sizes = [1, 200], strides = [1, 1]} : vector<128x200xf32> to vector<1x200xf32>
    %mul3A_221 = vector.broadcast %slice3A_220 : vector<1x200xf32> to vector<128x200xf32>
    %mul3A_222 = arith.mulf %mul3A_221, %mul3A_18 : vector<128x200xf32>
    %slice3A_223 = vector.extract_strided_slice %mul3A_14 {offsets = [53, 0], sizes = [1, 200], strides = [1, 1]} : vector<128x200xf32> to vector<1x200xf32>
    %mul3A_224 = vector.broadcast %slice3A_223 : vector<1x200xf32> to vector<128x200xf32>
    %mul3A_225 = arith.mulf %mul3A_224, %mul3A_18 : vector<128x200xf32>
    %slice3A_226 = vector.extract_strided_slice %mul3A_14 {offsets = [54, 0], sizes = [1, 200], strides = [1, 1]} : vector<128x200xf32> to vector<1x200xf32>
    %mul3A_227 = vector.broadcast %slice3A_226 : vector<1x200xf32> to vector<128x200xf32>
    %mul3A_228 = arith.mulf %mul3A_227, %mul3A_18 : vector<128x200xf32>
    %slice3A_229 = vector.extract_strided_slice %mul3A_14 {offsets = [55, 0], sizes = [1, 200], strides = [1, 1]} : vector<128x200xf32> to vector<1x200xf32>
    %mul3A_230 = vector.broadcast %slice3A_229 : vector<1x200xf32> to vector<128x200xf32>
    %mul3A_231 = arith.mulf %mul3A_230, %mul3A_18 : vector<128x200xf32>
    %concatenate3A_232 = tpu.concatenate %mul3A_210, %mul3A_213, %mul3A_216, %mul3A_219, %mul3A_222, %mul3A_225, %mul3A_228, %mul3A_231 in 0 : vector<128x200xf32>, vector<128x200xf32>, vector<128x200xf32>, vector<128x200xf32>, vector<128x200xf32>, vector<128x200xf32>, vector<128x200xf32>, vector<128x200xf32> -> vector<1024x200xf32>
    %convert_element_type3A_233 = arith.truncf %concatenate3A_232 : vector<1024x200xf32> to vector<1024x200xbf16>
    %get3A_234 = arith.constant 0 : index
    %get3A_235 = arith.constant 6144 : index
    %get3A_236 = vector.load %arg5[%get3A_234, %get3A_235] : memref<128x16384xbf16, #tpu.memory_space<vmem>>, vector<128x1024xbf16>
    %dot_general3A_237 = arith.constant dense<0.000000e+00> : vector<128x200xf32>
    %dot_general3A_238 = tpu.matmul %get3A_236, %convert_element_type3A_233, %dot_general3A_237 {dimension_numbers = #tpu.dot_dimension_numbers<[1], [0], [0], [1], [0, 0, 1, 1], [], []>, transpose_lhs_hint = false} : vector<128x1024xbf16>, vector<1024x200xbf16>, vector<128x200xf32> -> vector<128x200xf32>
    %add3A_239 = arith.addf %add3A_207, %dot_general3A_238 : vector<128x200xf32>
    %slice3A_240 = vector.extract_strided_slice %mul3A_14 {offsets = [56, 0], sizes = [1, 200], strides = [1, 1]} : vector<128x200xf32> to vector<1x200xf32>
    %mul3A_241 = vector.broadcast %slice3A_240 : vector<1x200xf32> to vector<128x200xf32>
    %mul3A_242 = arith.mulf %mul3A_241, %mul3A_18 : vector<128x200xf32>
    %slice3A_243 = vector.extract_strided_slice %mul3A_14 {offsets = [57, 0], sizes = [1, 200], strides = [1, 1]} : vector<128x200xf32> to vector<1x200xf32>
    %mul3A_244 = vector.broadcast %slice3A_243 : vector<1x200xf32> to vector<128x200xf32>
    %mul3A_245 = arith.mulf %mul3A_244, %mul3A_18 : vector<128x200xf32>
    %slice3A_246 = vector.extract_strided_slice %mul3A_14 {offsets = [58, 0], sizes = [1, 200], strides = [1, 1]} : vector<128x200xf32> to vector<1x200xf32>
    %mul3A_247 = vector.broadcast %slice3A_246 : vector<1x200xf32> to vector<128x200xf32>
    %mul3A_248 = arith.mulf %mul3A_247, %mul3A_18 : vector<128x200xf32>
    %slice3A_249 = vector.extract_strided_slice %mul3A_14 {offsets = [59, 0], sizes = [1, 200], strides = [1, 1]} : vector<128x200xf32> to vector<1x200xf32>
    %mul3A_250 = vector.broadcast %slice3A_249 : vector<1x200xf32> to vector<128x200xf32>
    %mul3A_251 = arith.mulf %mul3A_250, %mul3A_18 : vector<128x200xf32>
    %slice3A_252 = vector.extract_strided_slice %mul3A_14 {offsets = [60, 0], sizes = [1, 200], strides = [1, 1]} : vector<128x200xf32> to vector<1x200xf32>
    %mul3A_253 = vector.broadcast %slice3A_252 : vector<1x200xf32> to vector<128x200xf32>
    %mul3A_254 = arith.mulf %mul3A_253, %mul3A_18 : vector<128x200xf32>
    %slice3A_255 = vector.extract_strided_slice %mul3A_14 {offsets = [61, 0], sizes = [1, 200], strides = [1, 1]} : vector<128x200xf32> to vector<1x200xf32>
    %mul3A_256 = vector.broadcast %slice3A_255 : vector<1x200xf32> to vector<128x200xf32>
    %mul3A_257 = arith.mulf %mul3A_256, %mul3A_18 : vector<128x200xf32>
    %slice3A_258 = vector.extract_strided_slice %mul3A_14 {offsets = [62, 0], sizes = [1, 200], strides = [1, 1]} : vector<128x200xf32> to vector<1x200xf32>
    %mul3A_259 = vector.broadcast %slice3A_258 : vector<1x200xf32> to vector<128x200xf32>
    %mul3A_260 = arith.mulf %mul3A_259, %mul3A_18 : vector<128x200xf32>
    %slice3A_261 = vector.extract_strided_slice %mul3A_14 {offsets = [63, 0], sizes = [1, 200], strides = [1, 1]} : vector<128x200xf32> to vector<1x200xf32>
    %mul3A_262 = vector.broadcast %slice3A_261 : vector<1x200xf32> to vector<128x200xf32>
    %mul3A_263 = arith.mulf %mul3A_262, %mul3A_18 : vector<128x200xf32>
    %concatenate3A_264 = tpu.concatenate %mul3A_242, %mul3A_245, %mul3A_248, %mul3A_251, %mul3A_254, %mul3A_257, %mul3A_260, %mul3A_263 in 0 : vector<128x200xf32>, vector<128x200xf32>, vector<128x200xf32>, vector<128x200xf32>, vector<128x200xf32>, vector<128x200xf32>, vector<128x200xf32>, vector<128x200xf32> -> vector<1024x200xf32>
    %convert_element_type3A_265 = arith.truncf %concatenate3A_264 : vector<1024x200xf32> to vector<1024x200xbf16>
    %get3A_266 = arith.constant 0 : index
    %get3A_267 = arith.constant 7168 : index
    %get3A_268 = vector.load %arg5[%get3A_266, %get3A_267] : memref<128x16384xbf16, #tpu.memory_space<vmem>>, vector<128x1024xbf16>
    %dot_general3A_269 = arith.constant dense<0.000000e+00> : vector<128x200xf32>
    %dot_general3A_270 = tpu.matmul %get3A_268, %convert_element_type3A_265, %dot_general3A_269 {dimension_numbers = #tpu.dot_dimension_numbers<[1], [0], [0], [1], [0, 0, 1, 1], [], []>, transpose_lhs_hint = false} : vector<128x1024xbf16>, vector<1024x200xbf16>, vector<128x200xf32> -> vector<128x200xf32>
    %add3A_271 = arith.addf %add3A_239, %dot_general3A_270 : vector<128x200xf32>
    %slice3A_272 = vector.extract_strided_slice %mul3A_14 {offsets = [64, 0], sizes = [1, 200], strides = [1, 1]} : vector<128x200xf32> to vector<1x200xf32>
    %mul3A_273 = vector.broadcast %slice3A_272 : vector<1x200xf32> to vector<128x200xf32>
    %mul3A_274 = arith.mulf %mul3A_273, %mul3A_18 : vector<128x200xf32>
    %slice3A_275 = vector.extract_strided_slice %mul3A_14 {offsets = [65, 0], sizes = [1, 200], strides = [1, 1]} : vector<128x200xf32> to vector<1x200xf32>
    %mul3A_276 = vector.broadcast %slice3A_275 : vector<1x200xf32> to vector<128x200xf32>
    %mul3A_277 = arith.mulf %mul3A_276, %mul3A_18 : vector<128x200xf32>
    %slice3A_278 = vector.extract_strided_slice %mul3A_14 {offsets = [66, 0], sizes = [1, 200], strides = [1, 1]} : vector<128x200xf32> to vector<1x200xf32>
    %mul3A_279 = vector.broadcast %slice3A_278 : vector<1x200xf32> to vector<128x200xf32>
    %mul3A_280 = arith.mulf %mul3A_279, %mul3A_18 : vector<128x200xf32>
    %slice3A_281 = vector.extract_strided_slice %mul3A_14 {offsets = [67, 0], sizes = [1, 200], strides = [1, 1]} : vector<128x200xf32> to vector<1x200xf32>
    %mul3A_282 = vector.broadcast %slice3A_281 : vector<1x200xf32> to vector<128x200xf32>
    %mul3A_283 = arith.mulf %mul3A_282, %mul3A_18 : vector<128x200xf32>
    %slice3A_284 = vector.extract_strided_slice %mul3A_14 {offsets = [68, 0], sizes = [1, 200], strides = [1, 1]} : vector<128x200xf32> to vector<1x200xf32>
    %mul3A_285 = vector.broadcast %slice3A_284 : vector<1x200xf32> to vector<128x200xf32>
    %mul3A_286 = arith.mulf %mul3A_285, %mul3A_18 : vector<128x200xf32>
    %slice3A_287 = vector.extract_strided_slice %mul3A_14 {offsets = [69, 0], sizes = [1, 200], strides = [1, 1]} : vector<128x200xf32> to vector<1x200xf32>
    %mul3A_288 = vector.broadcast %slice3A_287 : vector<1x200xf32> to vector<128x200xf32>
    %mul3A_289 = arith.mulf %mul3A_288, %mul3A_18 : vector<128x200xf32>
    %slice3A_290 = vector.extract_strided_slice %mul3A_14 {offsets = [70, 0], sizes = [1, 200], strides = [1, 1]} : vector<128x200xf32> to vector<1x200xf32>
    %mul3A_291 = vector.broadcast %slice3A_290 : vector<1x200xf32> to vector<128x200xf32>
    %mul3A_292 = arith.mulf %mul3A_291, %mul3A_18 : vector<128x200xf32>
    %slice3A_293 = vector.extract_strided_slice %mul3A_14 {offsets = [71, 0], sizes = [1, 200], strides = [1, 1]} : vector<128x200xf32> to vector<1x200xf32>
    %mul3A_294 = vector.broadcast %slice3A_293 : vector<1x200xf32> to vector<128x200xf32>
    %mul3A_295 = arith.mulf %mul3A_294, %mul3A_18 : vector<128x200xf32>
    %concatenate3A_296 = tpu.concatenate %mul3A_274, %mul3A_277, %mul3A_280, %mul3A_283, %mul3A_286, %mul3A_289, %mul3A_292, %mul3A_295 in 0 : vector<128x200xf32>, vector<128x200xf32>, vector<128x200xf32>, vector<128x200xf32>, vector<128x200xf32>, vector<128x200xf32>, vector<128x200xf32>, vector<128x200xf32> -> vector<1024x200xf32>
    %convert_element_type3A_297 = arith.truncf %concatenate3A_296 : vector<1024x200xf32> to vector<1024x200xbf16>
    %get3A_298 = arith.constant 0 : index
    %get3A_299 = arith.constant 8192 : index
    %get3A_300 = vector.load %arg5[%get3A_298, %get3A_299] : memref<128x16384xbf16, #tpu.memory_space<vmem>>, vector<128x1024xbf16>
    %dot_general3A_301 = arith.constant dense<0.000000e+00> : vector<128x200xf32>
    %dot_general3A_302 = tpu.matmul %get3A_300, %convert_element_type3A_297, %dot_general3A_301 {dimension_numbers = #tpu.dot_dimension_numbers<[1], [0], [0], [1], [0, 0, 1, 1], [], []>, transpose_lhs_hint = false} : vector<128x1024xbf16>, vector<1024x200xbf16>, vector<128x200xf32> -> vector<128x200xf32>
    %add3A_303 = arith.addf %add3A_271, %dot_general3A_302 : vector<128x200xf32>
    %slice3A_304 = vector.extract_strided_slice %mul3A_14 {offsets = [72, 0], sizes = [1, 200], strides = [1, 1]} : vector<128x200xf32> to vector<1x200xf32>
    %mul3A_305 = vector.broadcast %slice3A_304 : vector<1x200xf32> to vector<128x200xf32>
    %mul3A_306 = arith.mulf %mul3A_305, %mul3A_18 : vector<128x200xf32>
    %slice3A_307 = vector.extract_strided_slice %mul3A_14 {offsets = [73, 0], sizes = [1, 200], strides = [1, 1]} : vector<128x200xf32> to vector<1x200xf32>
    %mul3A_308 = vector.broadcast %slice3A_307 : vector<1x200xf32> to vector<128x200xf32>
    %mul3A_309 = arith.mulf %mul3A_308, %mul3A_18 : vector<128x200xf32>
    %slice3A_310 = vector.extract_strided_slice %mul3A_14 {offsets = [74, 0], sizes = [1, 200], strides = [1, 1]} : vector<128x200xf32> to vector<1x200xf32>
    %mul3A_311 = vector.broadcast %slice3A_310 : vector<1x200xf32> to vector<128x200xf32>
    %mul3A_312 = arith.mulf %mul3A_311, %mul3A_18 : vector<128x200xf32>
    %slice3A_313 = vector.extract_strided_slice %mul3A_14 {offsets = [75, 0], sizes = [1, 200], strides = [1, 1]} : vector<128x200xf32> to vector<1x200xf32>
    %mul3A_314 = vector.broadcast %slice3A_313 : vector<1x200xf32> to vector<128x200xf32>
    %mul3A_315 = arith.mulf %mul3A_314, %mul3A_18 : vector<128x200xf32>
    %slice3A_316 = vector.extract_strided_slice %mul3A_14 {offsets = [76, 0], sizes = [1, 200], strides = [1, 1]} : vector<128x200xf32> to vector<1x200xf32>
    %mul3A_317 = vector.broadcast %slice3A_316 : vector<1x200xf32> to vector<128x200xf32>
    %mul3A_318 = arith.mulf %mul3A_317, %mul3A_18 : vector<128x200xf32>
    %slice3A_319 = vector.extract_strided_slice %mul3A_14 {offsets = [77, 0], sizes = [1, 200], strides = [1, 1]} : vector<128x200xf32> to vector<1x200xf32>
    %mul3A_320 = vector.broadcast %slice3A_319 : vector<1x200xf32> to vector<128x200xf32>
    %mul3A_321 = arith.mulf %mul3A_320, %mul3A_18 : vector<128x200xf32>
    %slice3A_322 = vector.extract_strided_slice %mul3A_14 {offsets = [78, 0], sizes = [1, 200], strides = [1, 1]} : vector<128x200xf32> to vector<1x200xf32>
    %mul3A_323 = vector.broadcast %slice3A_322 : vector<1x200xf32> to vector<128x200xf32>
    %mul3A_324 = arith.mulf %mul3A_323, %mul3A_18 : vector<128x200xf32>
    %slice3A_325 = vector.extract_strided_slice %mul3A_14 {offsets = [79, 0], sizes = [1, 200], strides = [1, 1]} : vector<128x200xf32> to vector<1x200xf32>
    %mul3A_326 = vector.broadcast %slice3A_325 : vector<1x200xf32> to vector<128x200xf32>
    %mul3A_327 = arith.mulf %mul3A_326, %mul3A_18 : vector<128x200xf32>
    %concatenate3A_328 = tpu.concatenate %mul3A_306, %mul3A_309, %mul3A_312, %mul3A_315, %mul3A_318, %mul3A_321, %mul3A_324, %mul3A_327 in 0 : vector<128x200xf32>, vector<128x200xf32>, vector<128x200xf32>, vector<128x200xf32>, vector<128x200xf32>, vector<128x200xf32>, vector<128x200xf32>, vector<128x200xf32> -> vector<1024x200xf32>
    %convert_element_type3A_329 = arith.truncf %concatenate3A_328 : vector<1024x200xf32> to vector<1024x200xbf16>
    %get3A_330 = arith.constant 0 : index
    %get3A_331 = arith.constant 9216 : index
    %get3A_332 = vector.load %arg5[%get3A_330, %get3A_331] : memref<128x16384xbf16, #tpu.memory_space<vmem>>, vector<128x1024xbf16>
    %dot_general3A_333 = arith.constant dense<0.000000e+00> : vector<128x200xf32>
    %dot_general3A_334 = tpu.matmul %get3A_332, %convert_element_type3A_329, %dot_general3A_333 {dimension_numbers = #tpu.dot_dimension_numbers<[1], [0], [0], [1], [0, 0, 1, 1], [], []>, transpose_lhs_hint = false} : vector<128x1024xbf16>, vector<1024x200xbf16>, vector<128x200xf32> -> vector<128x200xf32>
    %add3A_335 = arith.addf %add3A_303, %dot_general3A_334 : vector<128x200xf32>
    %slice3A_336 = vector.extract_strided_slice %mul3A_14 {offsets = [80, 0], sizes = [1, 200], strides = [1, 1]} : vector<128x200xf32> to vector<1x200xf32>
    %mul3A_337 = vector.broadcast %slice3A_336 : vector<1x200xf32> to vector<128x200xf32>
    %mul3A_338 = arith.mulf %mul3A_337, %mul3A_18 : vector<128x200xf32>
    %slice3A_339 = vector.extract_strided_slice %mul3A_14 {offsets = [81, 0], sizes = [1, 200], strides = [1, 1]} : vector<128x200xf32> to vector<1x200xf32>
    %mul3A_340 = vector.broadcast %slice3A_339 : vector<1x200xf32> to vector<128x200xf32>
    %mul3A_341 = arith.mulf %mul3A_340, %mul3A_18 : vector<128x200xf32>
    %slice3A_342 = vector.extract_strided_slice %mul3A_14 {offsets = [82, 0], sizes = [1, 200], strides = [1, 1]} : vector<128x200xf32> to vector<1x200xf32>
    %mul3A_343 = vector.broadcast %slice3A_342 : vector<1x200xf32> to vector<128x200xf32>
    %mul3A_344 = arith.mulf %mul3A_343, %mul3A_18 : vector<128x200xf32>
    %slice3A_345 = vector.extract_strided_slice %mul3A_14 {offsets = [83, 0], sizes = [1, 200], strides = [1, 1]} : vector<128x200xf32> to vector<1x200xf32>
    %mul3A_346 = vector.broadcast %slice3A_345 : vector<1x200xf32> to vector<128x200xf32>
    %mul3A_347 = arith.mulf %mul3A_346, %mul3A_18 : vector<128x200xf32>
    %slice3A_348 = vector.extract_strided_slice %mul3A_14 {offsets = [84, 0], sizes = [1, 200], strides = [1, 1]} : vector<128x200xf32> to vector<1x200xf32>
    %mul3A_349 = vector.broadcast %slice3A_348 : vector<1x200xf32> to vector<128x200xf32>
    %mul3A_350 = arith.mulf %mul3A_349, %mul3A_18 : vector<128x200xf32>
    %slice3A_351 = vector.extract_strided_slice %mul3A_14 {offsets = [85, 0], sizes = [1, 200], strides = [1, 1]} : vector<128x200xf32> to vector<1x200xf32>
    %mul3A_352 = vector.broadcast %slice3A_351 : vector<1x200xf32> to vector<128x200xf32>
    %mul3A_353 = arith.mulf %mul3A_352, %mul3A_18 : vector<128x200xf32>
    %slice3A_354 = vector.extract_strided_slice %mul3A_14 {offsets = [86, 0], sizes = [1, 200], strides = [1, 1]} : vector<128x200xf32> to vector<1x200xf32>
    %mul3A_355 = vector.broadcast %slice3A_354 : vector<1x200xf32> to vector<128x200xf32>
    %mul3A_356 = arith.mulf %mul3A_355, %mul3A_18 : vector<128x200xf32>
    %slice3A_357 = vector.extract_strided_slice %mul3A_14 {offsets = [87, 0], sizes = [1, 200], strides = [1, 1]} : vector<128x200xf32> to vector<1x200xf32>
    %mul3A_358 = vector.broadcast %slice3A_357 : vector<1x200xf32> to vector<128x200xf32>
    %mul3A_359 = arith.mulf %mul3A_358, %mul3A_18 : vector<128x200xf32>
    %concatenate3A_360 = tpu.concatenate %mul3A_338, %mul3A_341, %mul3A_344, %mul3A_347, %mul3A_350, %mul3A_353, %mul3A_356, %mul3A_359 in 0 : vector<128x200xf32>, vector<128x200xf32>, vector<128x200xf32>, vector<128x200xf32>, vector<128x200xf32>, vector<128x200xf32>, vector<128x200xf32>, vector<128x200xf32> -> vector<1024x200xf32>
    %convert_element_type3A_361 = arith.truncf %concatenate3A_360 : vector<1024x200xf32> to vector<1024x200xbf16>
    %get3A_362 = arith.constant 0 : index
    %get3A_363 = arith.constant 10240 : index
    %get3A_364 = vector.load %arg5[%get3A_362, %get3A_363] : memref<128x16384xbf16, #tpu.memory_space<vmem>>, vector<128x1024xbf16>
    %dot_general3A_365 = arith.constant dense<0.000000e+00> : vector<128x200xf32>
    %dot_general3A_366 = tpu.matmul %get3A_364, %convert_element_type3A_361, %dot_general3A_365 {dimension_numbers = #tpu.dot_dimension_numbers<[1], [0], [0], [1], [0, 0, 1, 1], [], []>, transpose_lhs_hint = false} : vector<128x1024xbf16>, vector<1024x200xbf16>, vector<128x200xf32> -> vector<128x200xf32>
    %add3A_367 = arith.addf %add3A_335, %dot_general3A_366 : vector<128x200xf32>
    %slice3A_368 = vector.extract_strided_slice %mul3A_14 {offsets = [88, 0], sizes = [1, 200], strides = [1, 1]} : vector<128x200xf32> to vector<1x200xf32>
    %mul3A_369 = vector.broadcast %slice3A_368 : vector<1x200xf32> to vector<128x200xf32>
    %mul3A_370 = arith.mulf %mul3A_369, %mul3A_18 : vector<128x200xf32>
    %slice3A_371 = vector.extract_strided_slice %mul3A_14 {offsets = [89, 0], sizes = [1, 200], strides = [1, 1]} : vector<128x200xf32> to vector<1x200xf32>
    %mul3A_372 = vector.broadcast %slice3A_371 : vector<1x200xf32> to vector<128x200xf32>
    %mul3A_373 = arith.mulf %mul3A_372, %mul3A_18 : vector<128x200xf32>
    %slice3A_374 = vector.extract_strided_slice %mul3A_14 {offsets = [90, 0], sizes = [1, 200], strides = [1, 1]} : vector<128x200xf32> to vector<1x200xf32>
    %mul3A_375 = vector.broadcast %slice3A_374 : vector<1x200xf32> to vector<128x200xf32>
    %mul3A_376 = arith.mulf %mul3A_375, %mul3A_18 : vector<128x200xf32>
    %slice3A_377 = vector.extract_strided_slice %mul3A_14 {offsets = [91, 0], sizes = [1, 200], strides = [1, 1]} : vector<128x200xf32> to vector<1x200xf32>
    %mul3A_378 = vector.broadcast %slice3A_377 : vector<1x200xf32> to vector<128x200xf32>
    %mul3A_379 = arith.mulf %mul3A_378, %mul3A_18 : vector<128x200xf32>
    %slice3A_380 = vector.extract_strided_slice %mul3A_14 {offsets = [92, 0], sizes = [1, 200], strides = [1, 1]} : vector<128x200xf32> to vector<1x200xf32>
    %mul3A_381 = vector.broadcast %slice3A_380 : vector<1x200xf32> to vector<128x200xf32>
    %mul3A_382 = arith.mulf %mul3A_381, %mul3A_18 : vector<128x200xf32>
    %slice3A_383 = vector.extract_strided_slice %mul3A_14 {offsets = [93, 0], sizes = [1, 200], strides = [1, 1]} : vector<128x200xf32> to vector<1x200xf32>
    %mul3A_384 = vector.broadcast %slice3A_383 : vector<1x200xf32> to vector<128x200xf32>
    %mul3A_385 = arith.mulf %mul3A_384, %mul3A_18 : vector<128x200xf32>
    %slice3A_386 = vector.extract_strided_slice %mul3A_14 {offsets = [94, 0], sizes = [1, 200], strides = [1, 1]} : vector<128x200xf32> to vector<1x200xf32>
    %mul3A_387 = vector.broadcast %slice3A_386 : vector<1x200xf32> to vector<128x200xf32>
    %mul3A_388 = arith.mulf %mul3A_387, %mul3A_18 : vector<128x200xf32>
    %slice3A_389 = vector.extract_strided_slice %mul3A_14 {offsets = [95, 0], sizes = [1, 200], strides = [1, 1]} : vector<128x200xf32> to vector<1x200xf32>
    %mul3A_390 = vector.broadcast %slice3A_389 : vector<1x200xf32> to vector<128x200xf32>
    %mul3A_391 = arith.mulf %mul3A_390, %mul3A_18 : vector<128x200xf32>
    %concatenate3A_392 = tpu.concatenate %mul3A_370, %mul3A_373, %mul3A_376, %mul3A_379, %mul3A_382, %mul3A_385, %mul3A_388, %mul3A_391 in 0 : vector<128x200xf32>, vector<128x200xf32>, vector<128x200xf32>, vector<128x200xf32>, vector<128x200xf32>, vector<128x200xf32>, vector<128x200xf32>, vector<128x200xf32> -> vector<1024x200xf32>
    %convert_element_type3A_393 = arith.truncf %concatenate3A_392 : vector<1024x200xf32> to vector<1024x200xbf16>
    %get3A_394 = arith.constant 0 : index
    %get3A_395 = arith.constant 11264 : index
    %get3A_396 = vector.load %arg5[%get3A_394, %get3A_395] : memref<128x16384xbf16, #tpu.memory_space<vmem>>, vector<128x1024xbf16>
    %dot_general3A_397 = arith.constant dense<0.000000e+00> : vector<128x200xf32>
    %dot_general3A_398 = tpu.matmul %get3A_396, %convert_element_type3A_393, %dot_general3A_397 {dimension_numbers = #tpu.dot_dimension_numbers<[1], [0], [0], [1], [0, 0, 1, 1], [], []>, transpose_lhs_hint = false} : vector<128x1024xbf16>, vector<1024x200xbf16>, vector<128x200xf32> -> vector<128x200xf32>
    %add3A_399 = arith.addf %add3A_367, %dot_general3A_398 : vector<128x200xf32>
    %slice3A_400 = vector.extract_strided_slice %mul3A_14 {offsets = [96, 0], sizes = [1, 200], strides = [1, 1]} : vector<128x200xf32> to vector<1x200xf32>
    %mul3A_401 = vector.broadcast %slice3A_400 : vector<1x200xf32> to vector<128x200xf32>
    %mul3A_402 = arith.mulf %mul3A_401, %mul3A_18 : vector<128x200xf32>
    %slice3A_403 = vector.extract_strided_slice %mul3A_14 {offsets = [97, 0], sizes = [1, 200], strides = [1, 1]} : vector<128x200xf32> to vector<1x200xf32>
    %mul3A_404 = vector.broadcast %slice3A_403 : vector<1x200xf32> to vector<128x200xf32>
    %mul3A_405 = arith.mulf %mul3A_404, %mul3A_18 : vector<128x200xf32>
    %slice3A_406 = vector.extract_strided_slice %mul3A_14 {offsets = [98, 0], sizes = [1, 200], strides = [1, 1]} : vector<128x200xf32> to vector<1x200xf32>
    %mul3A_407 = vector.broadcast %slice3A_406 : vector<1x200xf32> to vector<128x200xf32>
    %mul3A_408 = arith.mulf %mul3A_407, %mul3A_18 : vector<128x200xf32>
    %slice3A_409 = vector.extract_strided_slice %mul3A_14 {offsets = [99, 0], sizes = [1, 200], strides = [1, 1]} : vector<128x200xf32> to vector<1x200xf32>
    %mul3A_410 = vector.broadcast %slice3A_409 : vector<1x200xf32> to vector<128x200xf32>
    %mul3A_411 = arith.mulf %mul3A_410, %mul3A_18 : vector<128x200xf32>
    %slice3A_412 = vector.extract_strided_slice %mul3A_14 {offsets = [100, 0], sizes = [1, 200], strides = [1, 1]} : vector<128x200xf32> to vector<1x200xf32>
    %mul3A_413 = vector.broadcast %slice3A_412 : vector<1x200xf32> to vector<128x200xf32>
    %mul3A_414 = arith.mulf %mul3A_413, %mul3A_18 : vector<128x200xf32>
    %slice3A_415 = vector.extract_strided_slice %mul3A_14 {offsets = [101, 0], sizes = [1, 200], strides = [1, 1]} : vector<128x200xf32> to vector<1x200xf32>
    %mul3A_416 = vector.broadcast %slice3A_415 : vector<1x200xf32> to vector<128x200xf32>
    %mul3A_417 = arith.mulf %mul3A_416, %mul3A_18 : vector<128x200xf32>
    %slice3A_418 = vector.extract_strided_slice %mul3A_14 {offsets = [102, 0], sizes = [1, 200], strides = [1, 1]} : vector<128x200xf32> to vector<1x200xf32>
    %mul3A_419 = vector.broadcast %slice3A_418 : vector<1x200xf32> to vector<128x200xf32>
    %mul3A_420 = arith.mulf %mul3A_419, %mul3A_18 : vector<128x200xf32>
    %slice3A_421 = vector.extract_strided_slice %mul3A_14 {offsets = [103, 0], sizes = [1, 200], strides = [1, 1]} : vector<128x200xf32> to vector<1x200xf32>
    %mul3A_422 = vector.broadcast %slice3A_421 : vector<1x200xf32> to vector<128x200xf32>
    %mul3A_423 = arith.mulf %mul3A_422, %mul3A_18 : vector<128x200xf32>
    %concatenate3A_424 = tpu.concatenate %mul3A_402, %mul3A_405, %mul3A_408, %mul3A_411, %mul3A_414, %mul3A_417, %mul3A_420, %mul3A_423 in 0 : vector<128x200xf32>, vector<128x200xf32>, vector<128x200xf32>, vector<128x200xf32>, vector<128x200xf32>, vector<128x200xf32>, vector<128x200xf32>, vector<128x200xf32> -> vector<1024x200xf32>
    %convert_element_type3A_425 = arith.truncf %concatenate3A_424 : vector<1024x200xf32> to vector<1024x200xbf16>
    %get3A_426 = arith.constant 0 : index
    %get3A_427 = arith.constant 12288 : index
    %get3A_428 = vector.load %arg5[%get3A_426, %get3A_427] : memref<128x16384xbf16, #tpu.memory_space<vmem>>, vector<128x1024xbf16>
    %dot_general3A_429 = arith.constant dense<0.000000e+00> : vector<128x200xf32>
    %dot_general3A_430 = tpu.matmul %get3A_428, %convert_element_type3A_425, %dot_general3A_429 {dimension_numbers = #tpu.dot_dimension_numbers<[1], [0], [0], [1], [0, 0, 1, 1], [], []>, transpose_lhs_hint = false} : vector<128x1024xbf16>, vector<1024x200xbf16>, vector<128x200xf32> -> vector<128x200xf32>
    %add3A_431 = arith.addf %add3A_399, %dot_general3A_430 : vector<128x200xf32>
    %slice3A_432 = vector.extract_strided_slice %mul3A_14 {offsets = [104, 0], sizes = [1, 200], strides = [1, 1]} : vector<128x200xf32> to vector<1x200xf32>
    %mul3A_433 = vector.broadcast %slice3A_432 : vector<1x200xf32> to vector<128x200xf32>
    %mul3A_434 = arith.mulf %mul3A_433, %mul3A_18 : vector<128x200xf32>
    %slice3A_435 = vector.extract_strided_slice %mul3A_14 {offsets = [105, 0], sizes = [1, 200], strides = [1, 1]} : vector<128x200xf32> to vector<1x200xf32>
    %mul3A_436 = vector.broadcast %slice3A_435 : vector<1x200xf32> to vector<128x200xf32>
    %mul3A_437 = arith.mulf %mul3A_436, %mul3A_18 : vector<128x200xf32>
    %slice3A_438 = vector.extract_strided_slice %mul3A_14 {offsets = [106, 0], sizes = [1, 200], strides = [1, 1]} : vector<128x200xf32> to vector<1x200xf32>
    %mul3A_439 = vector.broadcast %slice3A_438 : vector<1x200xf32> to vector<128x200xf32>
    %mul3A_440 = arith.mulf %mul3A_439, %mul3A_18 : vector<128x200xf32>
    %slice3A_441 = vector.extract_strided_slice %mul3A_14 {offsets = [107, 0], sizes = [1, 200], strides = [1, 1]} : vector<128x200xf32> to vector<1x200xf32>
    %mul3A_442 = vector.broadcast %slice3A_441 : vector<1x200xf32> to vector<128x200xf32>
    %mul3A_443 = arith.mulf %mul3A_442, %mul3A_18 : vector<128x200xf32>
    %slice3A_444 = vector.extract_strided_slice %mul3A_14 {offsets = [108, 0], sizes = [1, 200], strides = [1, 1]} : vector<128x200xf32> to vector<1x200xf32>
    %mul3A_445 = vector.broadcast %slice3A_444 : vector<1x200xf32> to vector<128x200xf32>
    %mul3A_446 = arith.mulf %mul3A_445, %mul3A_18 : vector<128x200xf32>
    %slice3A_447 = vector.extract_strided_slice %mul3A_14 {offsets = [109, 0], sizes = [1, 200], strides = [1, 1]} : vector<128x200xf32> to vector<1x200xf32>
    %mul3A_448 = vector.broadcast %slice3A_447 : vector<1x200xf32> to vector<128x200xf32>
    %mul3A_449 = arith.mulf %mul3A_448, %mul3A_18 : vector<128x200xf32>
    %slice3A_450 = vector.extract_strided_slice %mul3A_14 {offsets = [110, 0], sizes = [1, 200], strides = [1, 1]} : vector<128x200xf32> to vector<1x200xf32>
    %mul3A_451 = vector.broadcast %slice3A_450 : vector<1x200xf32> to vector<128x200xf32>
    %mul3A_452 = arith.mulf %mul3A_451, %mul3A_18 : vector<128x200xf32>
    %slice3A_453 = vector.extract_strided_slice %mul3A_14 {offsets = [111, 0], sizes = [1, 200], strides = [1, 1]} : vector<128x200xf32> to vector<1x200xf32>
    %mul3A_454 = vector.broadcast %slice3A_453 : vector<1x200xf32> to vector<128x200xf32>
    %mul3A_455 = arith.mulf %mul3A_454, %mul3A_18 : vector<128x200xf32>
    %concatenate3A_456 = tpu.concatenate %mul3A_434, %mul3A_437, %mul3A_440, %mul3A_443, %mul3A_446, %mul3A_449, %mul3A_452, %mul3A_455 in 0 : vector<128x200xf32>, vector<128x200xf32>, vector<128x200xf32>, vector<128x200xf32>, vector<128x200xf32>, vector<128x200xf32>, vector<128x200xf32>, vector<128x200xf32> -> vector<1024x200xf32>
    %convert_element_type3A_457 = arith.truncf %concatenate3A_456 : vector<1024x200xf32> to vector<1024x200xbf16>
    %get3A_458 = arith.constant 0 : index
    %get3A_459 = arith.constant 13312 : index
    %get3A_460 = vector.load %arg5[%get3A_458, %get3A_459] : memref<128x16384xbf16, #tpu.memory_space<vmem>>, vector<128x1024xbf16>
    %dot_general3A_461 = arith.constant dense<0.000000e+00> : vector<128x200xf32>
    %dot_general3A_462 = tpu.matmul %get3A_460, %convert_element_type3A_457, %dot_general3A_461 {dimension_numbers = #tpu.dot_dimension_numbers<[1], [0], [0], [1], [0, 0, 1, 1], [], []>, transpose_lhs_hint = false} : vector<128x1024xbf16>, vector<1024x200xbf16>, vector<128x200xf32> -> vector<128x200xf32>
    %add3A_463 = arith.addf %add3A_431, %dot_general3A_462 : vector<128x200xf32>
    %slice3A_464 = vector.extract_strided_slice %mul3A_14 {offsets = [112, 0], sizes = [1, 200], strides = [1, 1]} : vector<128x200xf32> to vector<1x200xf32>
    %mul3A_465 = vector.broadcast %slice3A_464 : vector<1x200xf32> to vector<128x200xf32>
    %mul3A_466 = arith.mulf %mul3A_465, %mul3A_18 : vector<128x200xf32>
    %slice3A_467 = vector.extract_strided_slice %mul3A_14 {offsets = [113, 0], sizes = [1, 200], strides = [1, 1]} : vector<128x200xf32> to vector<1x200xf32>
    %mul3A_468 = vector.broadcast %slice3A_467 : vector<1x200xf32> to vector<128x200xf32>
    %mul3A_469 = arith.mulf %mul3A_468, %mul3A_18 : vector<128x200xf32>
    %slice3A_470 = vector.extract_strided_slice %mul3A_14 {offsets = [114, 0], sizes = [1, 200], strides = [1, 1]} : vector<128x200xf32> to vector<1x200xf32>
    %mul3A_471 = vector.broadcast %slice3A_470 : vector<1x200xf32> to vector<128x200xf32>
    %mul3A_472 = arith.mulf %mul3A_471, %mul3A_18 : vector<128x200xf32>
    %slice3A_473 = vector.extract_strided_slice %mul3A_14 {offsets = [115, 0], sizes = [1, 200], strides = [1, 1]} : vector<128x200xf32> to vector<1x200xf32>
    %mul3A_474 = vector.broadcast %slice3A_473 : vector<1x200xf32> to vector<128x200xf32>
    %mul3A_475 = arith.mulf %mul3A_474, %mul3A_18 : vector<128x200xf32>
    %slice3A_476 = vector.extract_strided_slice %mul3A_14 {offsets = [116, 0], sizes = [1, 200], strides = [1, 1]} : vector<128x200xf32> to vector<1x200xf32>
    %mul3A_477 = vector.broadcast %slice3A_476 : vector<1x200xf32> to vector<128x200xf32>
    %mul3A_478 = arith.mulf %mul3A_477, %mul3A_18 : vector<128x200xf32>
    %slice3A_479 = vector.extract_strided_slice %mul3A_14 {offsets = [117, 0], sizes = [1, 200], strides = [1, 1]} : vector<128x200xf32> to vector<1x200xf32>
    %mul3A_480 = vector.broadcast %slice3A_479 : vector<1x200xf32> to vector<128x200xf32>
    %mul3A_481 = arith.mulf %mul3A_480, %mul3A_18 : vector<128x200xf32>
    %slice3A_482 = vector.extract_strided_slice %mul3A_14 {offsets = [118, 0], sizes = [1, 200], strides = [1, 1]} : vector<128x200xf32> to vector<1x200xf32>
    %mul3A_483 = vector.broadcast %slice3A_482 : vector<1x200xf32> to vector<128x200xf32>
    %mul3A_484 = arith.mulf %mul3A_483, %mul3A_18 : vector<128x200xf32>
    %slice3A_485 = vector.extract_strided_slice %mul3A_14 {offsets = [119, 0], sizes = [1, 200], strides = [1, 1]} : vector<128x200xf32> to vector<1x200xf32>
    %mul3A_486 = vector.broadcast %slice3A_485 : vector<1x200xf32> to vector<128x200xf32>
    %mul3A_487 = arith.mulf %mul3A_486, %mul3A_18 : vector<128x200xf32>
    %concatenate3A_488 = tpu.concatenate %mul3A_466, %mul3A_469, %mul3A_472, %mul3A_475, %mul3A_478, %mul3A_481, %mul3A_484, %mul3A_487 in 0 : vector<128x200xf32>, vector<128x200xf32>, vector<128x200xf32>, vector<128x200xf32>, vector<128x200xf32>, vector<128x200xf32>, vector<128x200xf32>, vector<128x200xf32> -> vector<1024x200xf32>
    %convert_element_type3A_489 = arith.truncf %concatenate3A_488 : vector<1024x200xf32> to vector<1024x200xbf16>
    %get3A_490 = arith.constant 0 : index
    %get3A_491 = arith.constant 14336 : index
    %get3A_492 = vector.load %arg5[%get3A_490, %get3A_491] : memref<128x16384xbf16, #tpu.memory_space<vmem>>, vector<128x1024xbf16>
    %dot_general3A_493 = arith.constant dense<0.000000e+00> : vector<128x200xf32>
    %dot_general3A_494 = tpu.matmul %get3A_492, %convert_element_type3A_489, %dot_general3A_493 {dimension_numbers = #tpu.dot_dimension_numbers<[1], [0], [0], [1], [0, 0, 1, 1], [], []>, transpose_lhs_hint = false} : vector<128x1024xbf16>, vector<1024x200xbf16>, vector<128x200xf32> -> vector<128x200xf32>
    %add3A_495 = arith.addf %add3A_463, %dot_general3A_494 : vector<128x200xf32>
    %slice3A_496 = vector.extract_strided_slice %mul3A_14 {offsets = [120, 0], sizes = [1, 200], strides = [1, 1]} : vector<128x200xf32> to vector<1x200xf32>
    %mul3A_497 = vector.broadcast %slice3A_496 : vector<1x200xf32> to vector<128x200xf32>
    %mul3A_498 = arith.mulf %mul3A_497, %mul3A_18 : vector<128x200xf32>
    %slice3A_499 = vector.extract_strided_slice %mul3A_14 {offsets = [121, 0], sizes = [1, 200], strides = [1, 1]} : vector<128x200xf32> to vector<1x200xf32>
    %mul3A_500 = vector.broadcast %slice3A_499 : vector<1x200xf32> to vector<128x200xf32>
    %mul3A_501 = arith.mulf %mul3A_500, %mul3A_18 : vector<128x200xf32>
    %slice3A_502 = vector.extract_strided_slice %mul3A_14 {offsets = [122, 0], sizes = [1, 200], strides = [1, 1]} : vector<128x200xf32> to vector<1x200xf32>
    %mul3A_503 = vector.broadcast %slice3A_502 : vector<1x200xf32> to vector<128x200xf32>
    %mul3A_504 = arith.mulf %mul3A_503, %mul3A_18 : vector<128x200xf32>
    %slice3A_505 = vector.extract_strided_slice %mul3A_14 {offsets = [123, 0], sizes = [1, 200], strides = [1, 1]} : vector<128x200xf32> to vector<1x200xf32>
    %mul3A_506 = vector.broadcast %slice3A_505 : vector<1x200xf32> to vector<128x200xf32>
    %mul3A_507 = arith.mulf %mul3A_506, %mul3A_18 : vector<128x200xf32>
    %slice3A_508 = vector.extract_strided_slice %mul3A_14 {offsets = [124, 0], sizes = [1, 200], strides = [1, 1]} : vector<128x200xf32> to vector<1x200xf32>
    %mul3A_509 = vector.broadcast %slice3A_508 : vector<1x200xf32> to vector<128x200xf32>
    %mul3A_510 = arith.mulf %mul3A_509, %mul3A_18 : vector<128x200xf32>
    %slice3A_511 = vector.extract_strided_slice %mul3A_14 {offsets = [125, 0], sizes = [1, 200], strides = [1, 1]} : vector<128x200xf32> to vector<1x200xf32>
    %mul3A_512 = vector.broadcast %slice3A_511 : vector<1x200xf32> to vector<128x200xf32>
    %mul3A_513 = arith.mulf %mul3A_512, %mul3A_18 : vector<128x200xf32>
    %slice3A_514 = vector.extract_strided_slice %mul3A_14 {offsets = [126, 0], sizes = [1, 200], strides = [1, 1]} : vector<128x200xf32> to vector<1x200xf32>
    %mul3A_515 = vector.broadcast %slice3A_514 : vector<1x200xf32> to vector<128x200xf32>
    %mul3A_516 = arith.mulf %mul3A_515, %mul3A_18 : vector<128x200xf32>
    %slice3A_517 = vector.extract_strided_slice %mul3A_14 {offsets = [127, 0], sizes = [1, 200], strides = [1, 1]} : vector<128x200xf32> to vector<1x200xf32>
    %mul3A_518 = vector.broadcast %slice3A_517 : vector<1x200xf32> to vector<128x200xf32>
    %mul3A_519 = arith.mulf %mul3A_518, %mul3A_18 : vector<128x200xf32>
    %concatenate3A_520 = tpu.concatenate %mul3A_498, %mul3A_501, %mul3A_504, %mul3A_507, %mul3A_510, %mul3A_513, %mul3A_516, %mul3A_519 in 0 : vector<128x200xf32>, vector<128x200xf32>, vector<128x200xf32>, vector<128x200xf32>, vector<128x200xf32>, vector<128x200xf32>, vector<128x200xf32>, vector<128x200xf32> -> vector<1024x200xf32>
    %convert_element_type3A_521 = arith.truncf %concatenate3A_520 : vector<1024x200xf32> to vector<1024x200xbf16>
    %get3A_522 = arith.constant 0 : index
    %get3A_523 = arith.constant 15360 : index
    %get3A_524 = vector.load %arg5[%get3A_522, %get3A_523] : memref<128x16384xbf16, #tpu.memory_space<vmem>>, vector<128x1024xbf16>
    %dot_general3A_525 = arith.constant dense<0.000000e+00> : vector<128x200xf32>
    %dot_general3A_526 = tpu.matmul %get3A_524, %convert_element_type3A_521, %dot_general3A_525 {dimension_numbers = #tpu.dot_dimension_numbers<[1], [0], [0], [1], [0, 0, 1, 1], [], []>, transpose_lhs_hint = false} : vector<128x1024xbf16>, vector<1024x200xbf16>, vector<128x200xf32> -> vector<128x200xf32>
    %add3A_527 = arith.addf %add3A_495, %dot_general3A_526 : vector<128x200xf32>
    %get3A_528 = arith.constant 0 : index
    %get3A_529 = arith.constant 0 : index
    %get3A_530 = vector.load %arg6[%get3A_528, %get3A_529] : memref<128x128xf32, #tpu.memory_space<vmem>>, vector<128x128xf32>
    %dot_general3A_531 = arith.constant dense<0.000000e+00> : vector<128x200xf32>
    %dot_general3A_532 = tpu.matmul %get3A_530, %mul3A_14, %dot_general3A_531 {dimension_numbers = #tpu.dot_dimension_numbers<[1], [0], [0], [1], [0, 0, 1, 1], [], []>, transpose_lhs_hint = false} : vector<128x128xf32>, vector<128x200xf32>, vector<128x200xf32> -> vector<128x200xf32>
    %get3A_533 = arith.constant 0 : index
    %get3A_534 = arith.constant 0 : index
    %get3A_535 = vector.load %arg7[%get3A_533, %get3A_534] : memref<128x128xf32, #tpu.memory_space<vmem>>, vector<128x128xf32>
    %dot_general3A_536 = arith.constant dense<0.000000e+00> : vector<128x200xf32>
    %dot_general3A_537 = tpu.matmul %get3A_535, %mul3A_18, %dot_general3A_536 {dimension_numbers = #tpu.dot_dimension_numbers<[1], [0], [0], [1], [0, 0, 1, 1], [], []>, transpose_lhs_hint = false} : vector<128x128xf32>, vector<128x200xf32>, vector<128x200xf32> -> vector<128x200xf32>
    %add3A_538 = arith.addf %dot_general3A_532, %dot_general3A_537 : vector<128x200xf32>
    %get3A_539 = arith.constant 0 : index
    %get3A_540 = arith.constant 0 : index
    %get3A_541 = vector.load %arg8[%get3A_539, %get3A_540] : memref<128x128xf32, #tpu.memory_space<vmem>>, vector<128x128xf32>
    %dot_general3A_542 = arith.constant dense<0.000000e+00> : vector<128x200xf32>
    %dot_general3A_543 = tpu.matmul %get3A_541, %add3A_527, %dot_general3A_542 {dimension_numbers = #tpu.dot_dimension_numbers<[1], [0], [0], [1], [0, 0, 1, 1], [], []>, transpose_lhs_hint = false} : vector<128x128xf32>, vector<128x200xf32>, vector<128x200xf32> -> vector<128x200xf32>
    %add3A_544 = arith.addf %add3A_538, %dot_general3A_543 : vector<128x200xf32>
    %get3A_545 = arith.constant 0 : index
    %get3A_546 = arith.constant 0 : index
    %get3A_547 = vector.load %arg9[%get3A_545, %get3A_546] : memref<128x1xf32, #tpu.memory_space<vmem>>, vector<128x1xf32>
    %add3A_548 = vector.broadcast %get3A_547 : vector<128x1xf32> to vector<128x200xf32>
    %add3A_549 = arith.addf %add3A_544, %add3A_548 : vector<128x200xf32>
    %logistic3A = arith.negf %add3A_549 : vector<128x200xf32>
    %logistic3A_550 = math.exp %logistic3A : vector<128x200xf32>
    %logistic3A_551 = arith.constant 1.000000e+00 : f32
    %logistic3A_552 = vector.broadcast %logistic3A_551 : f32 to vector<128x200xf32>
    %logistic3A_553 = arith.addf %logistic3A_552, %logistic3A_550 : vector<128x200xf32>
    %logistic3A_554 = arith.divf %logistic3A_552, %logistic3A_553 : vector<128x200xf32>
    %mul3A_555 = arith.mulf %add3A_549, %logistic3A_554 : vector<128x200xf32>
    %reduce_sum3A = arith.constant dense<0.000000e+00> : vector<200xf32>
    %reduce_sum3A_556 = vector.multi_reduction <add>, %mul3A_555, %reduce_sum3A [0] : vector<128x200xf32> to vector<200xf32>
    %broadcast_in_dim3A_557 = vector.shape_cast %reduce_sum3A_556 : vector<200xf32> to vector<1x200xf32>
    %div3A = arith.constant 1.280000e+02 : f32
    %div3A_558 = vector.broadcast %div3A : f32 to vector<1x200xf32>
    %div3A_559 = arith.divf %broadcast_in_dim3A_557, %div3A_558 : vector<1x200xf32>
    %sub3A_560 = vector.broadcast %div3A_559 : vector<1x200xf32> to vector<128x200xf32>
    %sub3A_561 = arith.subf %mul3A_555, %sub3A_560 : vector<128x200xf32>
    %integer_pow3A = arith.mulf %sub3A_561, %sub3A_561 : vector<128x200xf32>
    %reduce_sum3A_562 = arith.constant dense<0.000000e+00> : vector<200xf32>
    %reduce_sum3A_563 = vector.multi_reduction <add>, %integer_pow3A, %reduce_sum3A_562 [0] : vector<128x200xf32> to vector<200xf32>
    %broadcast_in_dim3A_564 = vector.shape_cast %reduce_sum3A_563 : vector<200xf32> to vector<1x200xf32>
    %div3A_565 = arith.constant 1.270000e+02 : f32
    %div3A_566 = vector.broadcast %div3A_565 : f32 to vector<1x200xf32>
    %div3A_567 = arith.divf %broadcast_in_dim3A_564, %div3A_566 : vector<1x200xf32>
    %sqrt3A = math.sqrt %div3A_567 : vector<1x200xf32>
    %add3A_568 = arith.constant 9.99999971E-10 : f32
    %add3A_569 = vector.broadcast %add3A_568 : f32 to vector<1x200xf32>
    %add3A_570 = arith.addf %sqrt3A, %add3A_569 : vector<1x200xf32>
    %div3A_571 = vector.broadcast %add3A_570 : vector<1x200xf32> to vector<128x200xf32>
    %div3A_572 = arith.divf %mul3A_555, %div3A_571 : vector<128x200xf32>
    %transpose3A_573 = tpu.transpose %div3A_572, [1, 0] : vector<128x200xf32> -> vector<200x128xf32>
    %swap3A = arith.constant 0 : index
    %swap3A_574 = arith.constant 0 : index
    %swap3A_575 = vector.load %arg10[%swap3A, %swap3A_574] : memref<200x128xf32, #tpu.memory_space<vmem>>, vector<200x128xf32>
    tpu.vector_store %arg10[%swap3A, %swap3A_574], %transpose3A_573 {strides = array<i32>} : memref<200x128xf32, #tpu.memory_space<vmem>>, vector<200x128xf32>,
    return
  }
  func.func @transform_0(%arg0: i32) -> (i32, i32) {
    %c0_i32 = arith.constant 0 : i32
    %c0_i32_0 = arith.constant 0 : i32
    return %arg0, %c0_i32 : i32, i32
  }
  func.func @transform_1(%arg0: i32) -> (i32, i32) {
    %c0_i32 = arith.constant 0 : i32
    %c0_i32_0 = arith.constant 0 : i32
    return %arg0, %c0_i32 : i32, i32
  }
  func.func @transform_2(%arg0: i32) -> (i32, i32) {
    %c0_i32 = arith.constant 0 : i32
    %c0_i32_0 = arith.constant 0 : i32
    return %arg0, %c0_i32 : i32, i32
  }
  func.func @transform_3(%arg0: i32) -> (i32, i32) {
    %c0_i32 = arith.constant 0 : i32
    %c0_i32_0 = arith.constant 0 : i32
    return %arg0, %c0_i32 : i32, i32
  }
  func.func @transform_4(%arg0: i32) -> (i32, i32) {
    %c0_i32 = arith.constant 0 : i32
    %c0_i32_0 = arith.constant 0 : i32
    %c0_i32_1 = arith.constant 0 : i32
    return %c0_i32, %c0_i32_0 : i32, i32
  }
  func.func @transform_5(%arg0: i32) -> (i32, i32) {
    %c0_i32 = arith.constant 0 : i32
    %c0_i32_0 = arith.constant 0 : i32
    %c0_i32_1 = arith.constant 0 : i32
    return %c0_i32, %c0_i32_0 : i32, i32
  }
  func.func @transform_6(%arg0: i32) -> (i32, i32) {
    %c0_i32 = arith.constant 0 : i32
    %c0_i32_0 = arith.constant 0 : i32
    %c0_i32_1 = arith.constant 0 : i32
    return %c0_i32, %c0_i32_0 : i32, i32
  }
  func.func @transform_7(%arg0: i32) -> (i32, i32) {
    %c0_i32 = arith.constant 0 : i32
    %c0_i32_0 = arith.constant 0 : i32
    %c0_i32_1 = arith.constant 0 : i32
    return %c0_i32, %c0_i32_0 : i32, i32
  }
  func.func @transform_8(%arg0: i32) -> (i32, i32) {
    %c0_i32 = arith.constant 0 : i32
    %c0_i32_0 = arith.constant 0 : i32
    %c0_i32_1 = arith.constant 0 : i32
    return %c0_i32, %c0_i32_0 : i32, i32
  }
  func.func @transform_9(%arg0: i32) -> (i32, i32) {
    %c0_i32 = arith.constant 0 : i32
    %c0_i32_0 = arith.constant 0 : i32
    return %arg0, %c0_i32 : i32, i32
  }
}

</mosaic_0001>

<sc_bundles>
// kernel: kernel.14.cloned.1.call-start
scs
__scs_entry_jumppad:
0x0: {  	(pc) =	sbr.rel $0x88, $3  }
0x1: {  	(tag) =	ssettag $0x0;
	lr =	simm.s32 $0x1  }
0x2: {  	[smem:$0x3F8C] =	sst lr;
	_ =	strace $0xD0000000  }
0x3: {  	_ = 	snop  }
0x4: {  	_ = 	snop  }
0x5: {  	_ = 	snop  }
0x6: {  	_ = 	snop  }
0x7: {  	_ = 	snop  }
__scs_overlays_trampoline_lowered:
0x8: {  	[smem:$0x3F9B] =	sst s0  }
0x9: {  	[smem:$0x3F9C] =	sst s1  }
0xa: {  	[smem:$0x3F9D] =	sst s2  }
0xb: {  	[smem:$0x3F9E] =	sst s3  }
0xc: {  	[smem:$0x3F9F] =	sst s4  }
0xd: {  	[smem:$0x3FA0] =	sst s5  }
0xe: {  	[smem:$0x3FA1] =	sst s6  }
0xf: {  	[smem:$0x3FA2] =	sst s7  }
0x10: {  	[smem:$0x3FA3] =	sst s8  }
0x11: {  	[smem:$0x3FA4] =	sst s9;
	s0 =	simm.s32 @!p0 $0x0  }
0x12: {  	s1 =	sld [smem:$0x3F8A];
	s0 =	simm.s32 @p0 $0x1  }
0x13: {  	[smem:$0x3FA5] =	sst s0;
	s0 =	simm.s32 @!p1 $0x0  }
0x14: {  	s2 =	sld [smem:$0x3F89];
	s0 =	simm.s32 @p1 $0x1  }
0x15: {  	[smem:$0x3FA6] =	sst s0;
	s0 =	simm.s32 @!p2 $0x0  }
0x16: {  	s3 =	sld [smem:$0x3FDB];
	s0 =	simm.s32 @p2 $0x1  }
0x17: {  	s4 =	simm.s32 $0x1BF5;
	[smem:$0x3FA8] =	sst s0  }
0x18: {  	s0 =	sld [smem:$0x3F8B];
	_ =	swait.ge [sflag:s4], $0x0  }
0x19: {  	s7 =	sld [smem:$0x3F8C]  }
0x1a: {  	s8 =	sadd.s32 $0xFFFFE003, lr  }
0x1b: {  	s9 =	sadd.s32 $0xFFFFFEF7, lr;
	s5 =	simm.s32 $0xFFFFFFFF;
	p2 =	slt.u32 s8, $0xFFFFF086  }
0x1c: {  	p1 =	slt.u32 s9, $0xF7A;
	s5 =	simm.s32 @!p2 $0x0  }
0x1d: {  	s5 =	simm.s32 @p1 $0x1;
	p0 =	seq.s32 s7, s2  }
0x1e: {  	s7 =	smul.u32 @!p0 $0xF7A, s2;
	p2 =	seq.s32 @!p0 s5, $0x0  }
0x1f: {  	s9 =	smul.u32 $0xF7A, s1;
	s8 =	simm.s32 @!p0 $0x1BF5;
	p2 =	por !p2, p0  }
0x20: {  	[sflag:s8] =	ssyncset.s32 @!p0 $0xFFFFF086;
	s6 =	sadd.s32 @!p0 s3, s7;
	s7 =	simm.s32 @!p0 $0x108  }
0x21: {  	s3 =	sadd.s32 s3, s9;
	s6 =	sadd.s32 @!p0 $0x88, s6;
	s7 =	simm.s32 @p2 $0x1082  }
0x22: {  	[simem:s7], [sflag:s8] =	dma.local @!p0 [hbm:s6], $0xF7A  }
0x23: {  	s9 =	sor.u32 $0xD0000000, s2;
	s6 =	simm.s32 $0x108;
	_ =	swait.ge @!p0 [sflag:s8], $0x0  }
0x24: {  	s3 =	sadd.s32 $0x88, s3;
	s6 =	simm.s32 @!p1 $0x1082;
	[sflag:s4] =	ssyncset.s32 $0xFFFFF086  }
0x25: {  	[simem:s6], [sflag:s4] =	dma.local [hbm:s3], $0xF7A  }
0x26: {  	[smem:$0x3F8C] =	sst s1;
	(tag) =	ssettag s2;
	_ =	strace s9  }
0x27: {  	s1 =	sld [smem:$0x3F9C]  }
0x28: {  	s2 =	sld [smem:$0x3F9D]  }
0x29: {  	s4 =	sld [smem:$0x3F9F]  }
0x2a: {  	p0 =	seq.s32 s5, $0x0;
	s5 =	sld [smem:$0x3FA0]  }
0x2b: {  	s6 =	sld [smem:$0x3FA1]  }
0x2c: {  	s7 =	sld [smem:$0x3FA2]  }
0x2d: {  	s3 =	simm.s32 $0x108;
	s8 =	sld [smem:$0x3FA3]  }
0x2e: {  	s3 =	simm.s32 @!p0 $0x1082;
	s9 =	sld [smem:$0x3FA4]  }
0x2f: {  	lr =	sadd.s32 s0, s3;
	s0 =	sld [smem:$0x3F9B]  }
0x30: {  	s3 =	sld [smem:$0x3F9E]  }
0x31: {  	[smem:$0x3FA7] =	sst s10  }
0x32: {  	s10 =	sld [smem:$0x3FA5];
	_ =	sdelay $0x3  }
0x33: {  	p0 =	seq.s32 s10, $0x1;
	s10 =	sld [smem:$0x3FA7];
	_ =	sdelay $0x3  }
0x34: {  	[smem:$0x3FA7] =	sst s10  }
0x35: {  	s10 =	sld [smem:$0x3FA6];
	_ =	sdelay $0x3  }
0x36: {  	p1 =	seq.s32 s10, $0x1;
	s10 =	sld [smem:$0x3FA7];
	_ =	sdelay $0x3  }
0x37: {  	[smem:$0x3FA7] =	sst s10  }
0x38: {  	s10 =	sld [smem:$0x3FA8]  }
0x39: {  	_ = 	snop;
	(pc) =	sbr.ind lr, $3  }
0x3a: {  	_ = 	snop  }
0x3b: {  	_ = 	snop  }
0x3c: {  	p2 =	seq.s32 s10, $0x1;
	s10 =	sld [smem:$0x3FA7]  }
0x3d: {  	_ =	shalt  }
0x3e: {  	_ =	shalt  }
0x3f: {  	_ =	shalt  }
0x40: {  	_ =	shalt  }
0x41: {  	_ =	shalt  }
0x42: {  	_ =	shalt  }
0x43: {  	_ =	shalt  }
0x44: {  	_ =	shalt  }
0x45: {  	_ =	shalt  }
0x46: {  	_ =	shalt  }
0x47: {  	_ =	shalt  }
0x48: {  	_ =	shalt  }
0x49: {  	_ =	shalt  }
0x4a: {  	_ =	shalt  }
0x4b: {  	_ =	shalt  }
0x4c: {  	_ =	shalt  }
0x4d: {  	_ =	shalt  }
0x4e: {  	_ =	shalt  }
0x4f: {  	_ =	shalt  }
0x50: {  	_ =	shalt  }
0x51: {  	_ =	shalt  }
0x52: {  	_ =	shalt  }
0x53: {  	_ =	shalt  }
0x54: {  	_ =	shalt  }
0x55: {  	_ =	shalt  }
0x56: {  	_ =	shalt  }
0x57: {  	_ =	shalt  }
0x58: {  	_ =	shalt  }
0x59: {  	_ =	shalt  }
0x5a: {  	_ =	shalt  }
0x5b: {  	_ =	shalt  }
0x5c: {  	_ =	shalt  }
0x5d: {  	_ =	shalt  }
0x5e: {  	_ =	shalt  }
0x5f: {  	_ =	shalt  }
0x60: {  	_ =	shalt  }
0x61: {  	_ =	shalt  }
0x62: {  	_ =	shalt  }
0x63: {  	_ =	shalt  }
0x64: {  	_ =	shalt  }
0x65: {  	_ =	shalt  }
0x66: {  	_ =	shalt  }
0x67: {  	_ =	shalt  }
0x68: {  	_ =	shalt  }
0x69: {  	_ =	shalt  }
0x6a: {  	_ =	shalt  }
0x6b: {  	_ =	shalt  }
0x6c: {  	_ =	shalt  }
0x6d: {  	_ =	shalt  }
0x6e: {  	_ =	shalt  }
0x6f: {  	_ =	shalt  }
0x70: {  	_ =	shalt  }
0x71: {  	_ =	shalt  }
0x72: {  	_ =	shalt  }
0x73: {  	_ =	shalt  }
0x74: {  	_ =	shalt  }
0x75: {  	_ =	shalt  }
0x76: {  	_ =	shalt  }
0x77: {  	_ =	shalt  }
0x78: {  	_ =	shalt  }
0x79: {  	_ =	shalt  }
0x7a: {  	_ =	shalt  }
0x7b: {  	_ =	shalt  }
0x7c: {  	_ =	shalt  }
0x7d: {  	_ =	shalt  }
0x7e: {  	_ =	shalt  }
0x7f: {  	_ =	shalt  }
0x80: {  	_ =	shalt  }
0x81: {  	_ =	shalt  }
0x82: {  	_ =	shalt  }
0x83: {  	_ =	shalt  }
0x84: {  	_ =	shalt  }
0x85: {  	_ =	shalt  }
0x86: {  	_ =	shalt  }
0x87: {  	_ =	shalt  }
.Lfunc_end0:
.L_simem_size_0:
called_computation_lowered:
.L_overlay_start_0:
0x88: {  	s2 =	sld [smem:$0x3FD9]  }
0x89: {  	s3 =	sld [smem:$0x3FFE];
	_ =	sdelay $0x1  }
0x8a: {  	s1 =	srdreg.scid  }
0x8b: {  	s0 =	sand.u32 $0x1, s1  }
0x8c: {  	s17 =	sshll.u32 s0, $0xA;
	s2 =	sadd.s32 s3, s2  }
0x8d: {  	s2 =	sadd.s32 s2, s17  }
0x8e: {  	[smem:$0x3FB3] =	sst s2  }
0x8f: {  	_ = 	snop  }
0x90: {  	s18 =	sld [smem:$0x3FD0];
	(tm) =	ssettm $0x1  }
0x91: {  	s19 =	sld [smem:$0x3FFB];
	_ =	sdelay $0x3  }
0x92: {  	_ =	strace s19  }
0x93: {  	s2 =	sld [smem:$0x3FFC];
	_ =	sdelay $0x3  }
0x94: {  	_ =	strace s2  }
0x95: {  	s2 =	sld [smem:$0x3FFD];
	_ =	sdelay $0x3  }
0x96: {  	_ =	strace s2  }
0x97: {  	_ =	strace $0x8FFFFFFF  }
0x98: {  	s20 =	sld [smem:$0x3FDB];
	_ =	sdelay $0x1  }
0x99: {  	s4 =	simm.s32 $_scs_section_size  }
0x9a: {  	s5 =	simm.s32 $_size__tile_overlayer_lowered;
	s6 =	simm.s32 $_tile_overlayer_lowered  }
0x9b: {  	s7 =	simm.s32 $0x1BFF;
	s21 =	sshll.u32 s6, $0x1;
	s4 =	sadd.s32 s4, s20  }
0x9c: {  	s22 =	simm.s32 $0x0;
	s5 =	sshll.u32 s5, $0x1;
	s6 =	sadd.s32 s21, s4  }
0x9d: {  	[timem:s22], [sflag:s7] =	dma.local [hbm:s6], s5  }
0x9e: {  	_ =	swait.ge [sflag:s7], s5  }
0x9f: {  	s5 =	ssub.s32 $0x0, s5;
	[sflag:s7] =	ssyncset.done $0x0  }
0xa0: {  	[sflag:s7] =	ssyncadd.s32 s5;
	_ =	sdelay $0x1  }
0xa1: {  	s23 =	simm.s32 $0x1B8B  }
0xa2: {  	_ =	swait.ge [sflag:s23], $0x1  }
0xa3: {  	[sflag:s23] =	ssyncset.done $0x0  }
0xa4: {  	[sflag:s23] =	ssyncadd.s32 $0xFFFFFFFF  }
0xa5: {  	s5 =	sld [smem:$0x0]  }
0xa6: {  	s6 =	sand.u32 $0xFFFFFFFE, s1  }
0xa7: {  	p0 =	sne.s32 s1, s6  }
0xa8: {  	s6 =	sshll.u32 @p0 s6, $0xE  }
0xa9: {  	s6 =	sadd.s32 @p0 $0x11B8D, s6;
	s7 =	sshll.u32 @p0 s5, $0x11  }
0xaa: {  	s6 =	sor.u32 @p0 s7, s6  }
0xab: {  	[sflag:s6] =	ssyncadd.remote.s32 @p0 $0x1;
	_ =	sdelay $0x1  }
0xac: {  	s6 =	simm.s32 @p0 $0x1B8D  }
0xad: {  	_ =	swait.eq @p0 [sflag:s6], $0x1  }
0xae: {  	[sflag:s6] =	ssyncadd.s32 @p0 $0xFFFFFFFF  }
0xaf: {  	s7 =	sshll.u32 @!p0 s1, $0xE  }
0xb0: {  	s7 =	sor.u32 @!p0 $0x4000, s7;
	s6 =	simm.s32 @!p0 $0x1B8D  }
0xb1: {  	s5 =	sshll.u32 @!p0 s5, $0x11;
	s7 =	sadd.s32 @!p0 $0x11B8D, s7;
	_ =	swait.eq @!p0 [sflag:s6], $0x1  }
0xb2: {  	s5 =	sor.u32 @!p0 s5, s7;
	[sflag:s6] =	ssyncadd.s32 @!p0 $0xFFFFFFFF  }
0xb3: {  	s25 =	simm.s32 $0x1B8E;
	s24 =	sld [smem:$0x3FFE];
	[sflag:s5] =	ssyncadd.remote.s32 @!p0 $0x1  }
0xb4: {  	s26 =	simm.s32 $execute0_lowered;
	[smem:$0x3FD2] =	sst s25  }
0xb5: {  	s6 =	sshll.u32 s26, $0x1;
	_ =	strace $0x8000004F;
	[dreg:$0x1] =	wrdreg $0xFFFFFFFF  }
0xb6: {  	s28 =	simm.s32 $_size_execute0_lowered;
	s4 =	sadd.s32 s4, s6;
	[dreg:$0x0] =	wrdreg $0x0  }
0xb7: {  	s6 =	sshll.u32 s28, $0x1;
	[dreg:$0x2] =	wrdreg s4  }
0xb8: {  	[dreg:$0x3] =	wrdreg s6  }
0xb9: {  	[dreg:$0x4] =	wrdreg $0xC0  }
0xba: {  	_ =	task [dreg:s22], $0x5FFFF  }
0xbb: {  	[dreg:$0x1] =	wrdreg $0xFFFFFFFF  }
0xbc: {  	[dreg:$0x0] =	wrdreg $0x60  }
0xbd: {  	[dreg:$0x2] =	wrdreg s18  }
0xbe: {  	[dreg:$0x3] =	wrdreg s24  }
0xbf: {  	[dreg:$0x4] =	wrdreg $0x9  }
0xc0: {  	_ =	task.clear_ibuf [dreg:s22], $0x5FFFF;
	_ =	strace $0x9000004F  }
0xc1: {  	s29 =	simm.s32 $0x9;
	_ =	strace $0x80000051  }
0xc2: {  	_ =	swait.ge [sflag:s29], $0x1  }
0xc3: {  	[sflag:s29] =	ssyncadd.s32 $0xFFFFFFFF  }
0xc4: {  	_ =	strace $0x90000051  }
0xc5: {  	_ =	sfence  }
0xc6: {  	s30 =	sld [smem:$0x0];
	_ =	sdelay $0x2  }
0xc7: {  	s31 =	sshll.u32 s1, $0xD;
	s1 =	sshrl.u32 s1, $0x2  }
0xc8: {  	s4 =	sand.u32 $0x4000, s31;
	s1 =	sadd.s32 s1, s30  }
0xc9: {  	s0 =	sor.u32 s4, s0;
	s1 =	sshll.u32 s1, $0x11  }
0xca: {  	s0 =	sor.u32 s1, s0  }
0xcb: {  	s0 =	sadd.s32 $0x8F2B, s0  }
0xcc: {  	[sflag:s0] =	ssyncadd.remote.s32 $0x1  }
0xcd: {  	_ =	sfence.sel $0xFFFF  }
0xce: {  	[dreg:$0x0] =	wrdreg $0xFFFFFFFF;
	(pc) =	sbr.abs _section_cstart, $3  }
0xcf: {  	[dreg:$0x1] =	wrdreg $0xFFFFFFFF  }
0xd0: {  	_ =	task.clear_ibuf [dreg:s22], $0x2FFFF;
	_ =	strace $0x9FFFFFFF  }
0xd1: {  	(tm) =	ssettm $0x7FFFFFFF  }
tec
execute0_lowered:
.L_overlay_start_1:
0x0: {  	(tag) =	ssettag $0x1  }
0x1: {  	s2 =	rddreg [dreg:$0x0];
	s1 =	srdreg.scid  }
0x2: {  	s0 =	stileid.u32;
	s4 =	rddreg [dreg:$0x1]  }
0x3: {  	s3 =	simm.s32 $0x0;
	s10 =	simm.s32 $0xC8;
	s11 =	simm.s32 $0x100  }
0x4: {  	s12 =	simm.s32 $0x6500;
	s13 =	simm.s32 $0x6600;
	s6 =	smul.u32 $0x960, s0  }
0x5: {  	s14 =	simm.s32 $0x1;
	s5 =	sand.u32 $0x1, s1;
	s8 =	smul.u32 $0x9600, s0  }
0x6: {  	s15 =	simm.s32 $0x2;
	s1 =	rddreg [dreg:$0x2];
	s7 =	smul.u32 $0x4B0, s5  }
0x7: {  	s16 =	simm.s32 $0x0;
	[smem:$0x7FF] =	sst s3;
	s9 =	smul.u32 $0x4B00, s5  }
0x8: {  	_ =	strace $0x80000050;
	s5 =	ssub.s32 $0x2, s5;
	s29 =	sadd.s32 s8, s4  }
0x9: {  	s30 =	sshrl.u32 s5, $0x1;
	s6 =	sadd.s32 s7, s6;
	s7 =	sadd.s32 s9, s29  }
0xa: {  	s5 =	ssub.s32 s5, s30;
	s9 =	simm.s32 $0x3;
	s6 =	sshrl.u32 s6, $0x3  }
0xb: {  	s5 =	smax.u32 s5, $0x1;
	s31 =	sadd.s32 s6, s4;
	s4 =	sadd.s32 $0x3C8200, s7  }
0xc: {  	s6 =	sadd.s32 $0x45E200, s7;
	s7 =	sadd.s32 $0xBA00, s31;
	s8 =	sadd.s32 $0xCE00, s31  }
.LBB2_1:
0xd: {  	s17 =	sadd.s32 $0x0, s8  }
0xe: {  	[tilespmem:s3], [sflag:$0x3] =	stream.linear.gather [hbm4b:s17+s3], $0xC8, $0x38;
	[tilespmem:$0xCA00] =	vst v63  }
0xf: {  	_ =	swait.ge [sflag:s9], $0xC8  }
0x10: {  	[sflag:s9] =	ssyncset.done $0x0  }
0x11: {  	[sflag:s9] =	ssyncadd.s32 $0xFFFFFF38  }
0x12: {  	[tilespmem:s11], [sflag:$0x1] =	stream.indirect.gather [hbm4b:s2+s10], $0x80, s3, s10, $0xb8;
	[tilespmem:$0xCA00] =	vst v63  }
0x13: {  	s31 =	sadd.s32 $0x0, s7  }
0x14: {  	[tilespmem:s12], [sflag:$0x3] =	stream.linear.gather [hbm4b:s31+s3], $0xC8, $0x38;
	[tilespmem:$0xCA00] =	vst v63  }
0x15: {  	_ =	swait.ge [sflag:s9], $0xC8  }
0x16: {  	[sflag:s9] =	ssyncset.done $0x0  }
0x17: {  	[sflag:s9] =	ssyncadd.s32 $0xFFFFFF38  }
0x18: {  	[tilespmem:s13], [sflag:$0x2] =	stream.indirect.gather [hbm4b:s2+s10], $0x80, s12, s10, $0xb8;
	[tilespmem:$0xCA00] =	vst v63  }
0x19: {  	_ =	swait.ge [sflag:s14], $0x6400  }
0x1a: {  	[sflag:s14] =	ssyncset.done $0x0  }
0x1b: {  	[sflag:s14] =	ssyncadd.s32 $0xFFFF9C00  }
0x1c: {  	[hbm4b:s4+s3] =	stream.linear.scatter [tilespmem:s11], [sflag:$0x3], $0x6400, $0x38;
	[tilespmem:$0xCA00] =	vst v63  }
0x1d: {  	_ =	swait.ge [sflag:s9], $0x6400  }
0x1e: {  	[sflag:s9] =	ssyncset.done $0x0  }
0x1f: {  	[sflag:s9] =	ssyncadd.s32 $0xFFFF9C00  }
0x20: {  	_ =	swait.ge [sflag:s15], $0x6400  }
0x21: {  	[sflag:s15] =	ssyncset.done $0x0  }
0x22: {  	[sflag:s15] =	ssyncadd.s32 $0xFFFF9C00  }
0x23: {  	[hbm4b:s6+s3] =	stream.linear.scatter [tilespmem:s13], [sflag:$0x3], $0x6400, $0x38;
	[tilespmem:$0xCA00] =	vst v63  }
0x24: {  	s19 =	simm.s32 $0x19;
	s20 =	simm.s32 $0x32;
	_ =	swait.ge [sflag:s9], $0x6400  }
0x25: {  	s18 =	sadd.s32 $0xC80, s4;
	s17 =	sadd.s32 $0xC80, s6;
	[sflag:s9] =	ssyncset.done $0x0  }
.LBB2_2:
0x26: {  	s21 =	sadd.s32 s19, s8  }
0x27: {  	[sflag:s9] =	ssyncadd.s32 $0xFFFF9C00;
	s22 =	smov.u32 s20;
	s23 =	sadd.s32 $0x19, s20  }
0x28: {  	[tilespmem:s3], [sflag:$0x3] =	stream.linear.gather [hbm4b:s21+s3], $0xC8, $0x38;
	[tilespmem:$0xCA00] =	vst v63  }
0x29: {  	p0 =	sne.s32 s20, $0x7D;
	_ =	swait.ge [sflag:s9], $0xC8  }
0x2a: {  	[sflag:s9] =	ssyncset.done $0x0  }
0x2b: {  	[sflag:s9] =	ssyncadd.s32 $0xFFFFFF38  }
0x2c: {  	[tilespmem:s11], [sflag:$0x1] =	stream.indirect.gather [hbm4b:s2+s10], $0x80, s3, s10, $0xb8;
	[tilespmem:$0xCA00] =	vst v63  }
0x2d: {  	s20 =	sadd.s32 s19, s7;
	s19 =	smov.u32 s22  }
0x2e: {  	[tilespmem:s12], [sflag:$0x3] =	stream.linear.gather [hbm4b:s20+s3], $0xC8, $0x38;
	[tilespmem:$0xCA00] =	vst v63  }
0x2f: {  	_ =	swait.ge [sflag:s9], $0xC8  }
0x30: {  	[sflag:s9] =	ssyncset.done $0x0  }
0x31: {  	[sflag:s9] =	ssyncadd.s32 $0xFFFFFF38  }
0x32: {  	[tilespmem:s13], [sflag:$0x2] =	stream.indirect.gather [hbm4b:s2+s10], $0x80, s12, s10, $0xb8;
	[tilespmem:$0xCA00] =	vst v63  }
0x33: {  	_ =	swait.ge [sflag:s14], $0x6400  }
0x34: {  	[sflag:s14] =	ssyncset.done $0x0  }
0x35: {  	[sflag:s14] =	ssyncadd.s32 $0xFFFF9C00  }
0x36: {  	[hbm4b:s18+s3] =	stream.linear.scatter [tilespmem:s11], [sflag:$0x3], $0x6400, $0x38;
	[tilespmem:$0xCA00] =	vst v63  }
0x37: {  	_ =	swait.ge [sflag:s9], $0x6400  }
0x38: {  	[sflag:s9] =	ssyncset.done $0x0  }
0x39: {  	[sflag:s9] =	ssyncadd.s32 $0xFFFF9C00  }
0x3a: {  	_ =	swait.ge [sflag:s15], $0x6400  }
.Ltmp0:
0x3b: {  	[sflag:s15] =	ssyncset.done $0x0;
	(pc) =	sbr.rel @p0 .LBB2_2-.Ltmp0, $4  }
0x3c: {  	[sflag:s15] =	ssyncadd.s32 $0xFFFF9C00  }
0x3d: {  	[hbm4b:s17+s3] =	stream.linear.scatter [tilespmem:s13], [sflag:$0x3], $0x6400, $0x38;
	[tilespmem:$0xCA00] =	vst v63  }
0x3e: {  	s20 =	smov.u32 s23;
	_ =	swait.ge [sflag:s9], $0x6400  }
0x3f: {  	s18 =	sadd.s32 $0xC80, s18;
	s17 =	sadd.s32 $0xC80, s17;
	[sflag:s9] =	ssyncset.done $0x0  }
0x40: {  	s20 =	sadd.s32 s19, s8;
	[sflag:s9] =	ssyncadd.s32 $0xFFFF9C00  }
0x41: {  	[tilespmem:s3], [sflag:$0x3] =	stream.linear.gather [hbm4b:s20+s3], $0xC8, $0x38;
	[tilespmem:$0xCA00] =	vst v63  }
0x42: {  	_ =	swait.ge [sflag:s9], $0xC8  }
0x43: {  	[sflag:s9] =	ssyncset.done $0x0  }
0x44: {  	[sflag:s9] =	ssyncadd.s32 $0xFFFFFF38  }
0x45: {  	[tilespmem:s11], [sflag:$0x1] =	stream.indirect.gather [hbm4b:s2+s10], $0x80, s3, s10, $0xb8;
	[tilespmem:$0xCA00] =	vst v63  }
0x46: {  	s31 =	sadd.s32 s19, s7  }
0x47: {  	[tilespmem:s12], [sflag:$0x3] =	stream.linear.gather [hbm4b:s31+s3], $0xC8, $0x38;
	[tilespmem:$0xCA00] =	vst v63  }
0x48: {  	_ =	swait.ge [sflag:s9], $0xC8  }
0x49: {  	[sflag:s9] =	ssyncset.done $0x0  }
0x4a: {  	[sflag:s9] =	ssyncadd.s32 $0xFFFFFF38  }
0x4b: {  	[tilespmem:s13], [sflag:$0x2] =	stream.indirect.gather [hbm4b:s2+s10], $0x80, s12, s10, $0xb8;
	[tilespmem:$0xCA00] =	vst v63  }
0x4c: {  	_ =	swait.ge [sflag:s14], $0x6400  }
0x4d: {  	[sflag:s14] =	ssyncset.done $0x0  }
0x4e: {  	[sflag:s14] =	ssyncadd.s32 $0xFFFF9C00  }
0x4f: {  	[hbm4b:s18+s3] =	stream.linear.scatter [tilespmem:s11], [sflag:$0x3], $0x6400, $0x38;
	[tilespmem:$0xCA00] =	vst v63  }
0x50: {  	_ =	swait.ge [sflag:s9], $0x6400  }
0x51: {  	[sflag:s9] =	ssyncset.done $0x0  }
0x52: {  	[sflag:s9] =	ssyncadd.s32 $0xFFFF9C00  }
0x53: {  	s16 =	sadd.s32 $0x1, s16;
	_ =	swait.ge [sflag:s15], $0x6400  }
0x54: {  	p0 =	sne.s32 s16, s5;
	[sflag:s15] =	ssyncset.done $0x0  }
.Ltmp1:
0x55: {  	[sflag:s15] =	ssyncadd.s32 $0xFFFF9C00;
	(pc) =	sbr.rel @p0 .LBB2_1-.Ltmp1, $4  }
0x56: {  	[hbm4b:s17+s3] =	stream.linear.scatter [tilespmem:s13], [sflag:$0x3], $0x6400, $0x38;
	[tilespmem:$0xCA00] =	vst v63  }
0x57: {  	_ =	swait.ge [sflag:s9], $0x6400  }
0x58: {  	[sflag:s9] =	ssyncset.done $0x0  }
0x59: {  	[sflag:s9] =	ssyncadd.s32 $0xFFFF9C00  }
0x5a: {  	_ =	sfence.sel $0x180000  }
0x5b: {  	[bflag:$0x0] =	sbarrier.arrive $0xFFFF  }
0x5c: {  	p0 =	sne.s32 s0, $0x0;
	_ =	strace $0x90000050  }
0x5d: {  	s0 =	sadd.s32 @!p0 $0x100000, s1;
	[bflag:$0x2] =	sbarrier.arrive $0xFFFF  }
0x5e: {  	[sflag:s0] =	ssyncadd.tile.s32 @!p0 $0x1;
	_ =	shalt  }
.Lfunc_end2:
_tile_overlayer_lowered:
.L_overlay_start_2:
0x5f: {  	(tag) =	ssettag $0x2  }
0x60: {  	s0 =	rddreg [dreg:$0x0];
	s2 =	stileid.u32  }
0x61: {  	s1 =	rddreg [dreg:$0x1];
	p0 =	sne.s32 s2, $0x0  }
0x62: {  	s3 =	rddreg [dreg:$0x2];
	[bflag:$0x3] =	sbarrier.arrive $0xFFFF;
	s2 =	simm.s32 @!p0 $0x1C03  }
0x63: {  	[timem:s3], [sflag:s2] =	dma.local @!p0 [hbm:s0], s1  }
0x64: {  	s0 =	simm.s32 @!p0 $0x3  }
0x65: {  	_ =	swait.ge @!p0 [sflag:s0], s1  }
0x66: {  	s1 =	ssub.s32 @!p0 $0x0, s1;
	[sflag:s0] =	ssyncset.done @!p0 $0x0  }
0x67: {  	[sflag:s0] =	ssyncadd.s32 @!p0 s1  }
0x68: {  	[bflag:$0x3] =	sbarrier.arrive $0xFFFF  }
0x69: {  	_ =	shalt  }

// kernel: kernel.17.cloned.1.call-start
scs
__scs_entry_jumppad:
0x0: {  	(pc) =	sbr.rel $0x88, $3  }
0x1: {  	(tag) =	ssettag $0x0;
	lr =	simm.s32 $0x1  }
0x2: {  	[smem:$0x3F8C] =	sst lr;
	_ =	strace $0xD0000000  }
0x3: {  	_ = 	snop  }
0x4: {  	_ = 	snop  }
0x5: {  	_ = 	snop  }
0x6: {  	_ = 	snop  }
0x7: {  	_ = 	snop  }
__scs_overlays_trampoline_lowered:
0x8: {  	[smem:$0x3F9B] =	sst s0  }
0x9: {  	[smem:$0x3F9C] =	sst s1  }
0xa: {  	[smem:$0x3F9D] =	sst s2  }
0xb: {  	[smem:$0x3F9E] =	sst s3  }
0xc: {  	[smem:$0x3F9F] =	sst s4  }
0xd: {  	[smem:$0x3FA0] =	sst s5  }
0xe: {  	[smem:$0x3FA1] =	sst s6  }
0xf: {  	[smem:$0x3FA2] =	sst s7  }
0x10: {  	[smem:$0x3FA3] =	sst s8  }
0x11: {  	[smem:$0x3FA4] =	sst s9;
	s0 =	simm.s32 @!p0 $0x0  }
0x12: {  	s1 =	sld [smem:$0x3F8A];
	s0 =	simm.s32 @p0 $0x1  }
0x13: {  	[smem:$0x3FA5] =	sst s0;
	s0 =	simm.s32 @!p1 $0x0  }
0x14: {  	s2 =	sld [smem:$0x3F89];
	s0 =	simm.s32 @p1 $0x1  }
0x15: {  	[smem:$0x3FA6] =	sst s0;
	s0 =	simm.s32 @!p2 $0x0  }
0x16: {  	s3 =	sld [smem:$0x3FDB];
	s0 =	simm.s32 @p2 $0x1  }
0x17: {  	s4 =	simm.s32 $0x1BF5;
	[smem:$0x3FA8] =	sst s0  }
0x18: {  	s0 =	sld [smem:$0x3F8B];
	_ =	swait.ge [sflag:s4], $0x0  }
0x19: {  	s7 =	sld [smem:$0x3F8C]  }
0x1a: {  	s8 =	sadd.s32 $0xFFFFE003, lr  }
0x1b: {  	s9 =	sadd.s32 $0xFFFFFEF7, lr;
	s5 =	simm.s32 $0xFFFFFFFF;
	p2 =	slt.u32 s8, $0xFFFFF086  }
0x1c: {  	p1 =	slt.u32 s9, $0xF7A;
	s5 =	simm.s32 @!p2 $0x0  }
0x1d: {  	s5 =	simm.s32 @p1 $0x1;
	p0 =	seq.s32 s7, s2  }
0x1e: {  	s7 =	smul.u32 @!p0 $0xF7A, s2;
	p2 =	seq.s32 @!p0 s5, $0x0  }
0x1f: {  	s9 =	smul.u32 $0xF7A, s1;
	s8 =	simm.s32 @!p0 $0x1BF5;
	p2 =	por !p2, p0  }
0x20: {  	[sflag:s8] =	ssyncset.s32 @!p0 $0xFFFFF086;
	s6 =	sadd.s32 @!p0 s3, s7;
	s7 =	simm.s32 @!p0 $0x108  }
0x21: {  	s3 =	sadd.s32 s3, s9;
	s6 =	sadd.s32 @!p0 $0x88, s6;
	s7 =	simm.s32 @p2 $0x1082  }
0x22: {  	[simem:s7], [sflag:s8] =	dma.local @!p0 [hbm:s6], $0xF7A  }
0x23: {  	s9 =	sor.u32 $0xD0000000, s2;
	s6 =	simm.s32 $0x108;
	_ =	swait.ge @!p0 [sflag:s8], $0x0  }
0x24: {  	s3 =	sadd.s32 $0x88, s3;
	s6 =	simm.s32 @!p1 $0x1082;
	[sflag:s4] =	ssyncset.s32 $0xFFFFF086  }
0x25: {  	[simem:s6], [sflag:s4] =	dma.local [hbm:s3], $0xF7A  }
0x26: {  	[smem:$0x3F8C] =	sst s1;
	(tag) =	ssettag s2;
	_ =	strace s9  }
0x27: {  	s1 =	sld [smem:$0x3F9C]  }
0x28: {  	s2 =	sld [smem:$0x3F9D]  }
0x29: {  	s4 =	sld [smem:$0x3F9F]  }
0x2a: {  	p0 =	seq.s32 s5, $0x0;
	s5 =	sld [smem:$0x3FA0]  }
0x2b: {  	s6 =	sld [smem:$0x3FA1]  }
0x2c: {  	s7 =	sld [smem:$0x3FA2]  }
0x2d: {  	s3 =	simm.s32 $0x108;
	s8 =	sld [smem:$0x3FA3]  }
0x2e: {  	s3 =	simm.s32 @!p0 $0x1082;
	s9 =	sld [smem:$0x3FA4]  }
0x2f: {  	lr =	sadd.s32 s0, s3;
	s0 =	sld [smem:$0x3F9B]  }
0x30: {  	s3 =	sld [smem:$0x3F9E]  }
0x31: {  	[smem:$0x3FA7] =	sst s10  }
0x32: {  	s10 =	sld [smem:$0x3FA5];
	_ =	sdelay $0x3  }
0x33: {  	p0 =	seq.s32 s10, $0x1;
	s10 =	sld [smem:$0x3FA7];
	_ =	sdelay $0x3  }
0x34: {  	[smem:$0x3FA7] =	sst s10  }
0x35: {  	s10 =	sld [smem:$0x3FA6];
	_ =	sdelay $0x3  }
0x36: {  	p1 =	seq.s32 s10, $0x1;
	s10 =	sld [smem:$0x3FA7];
	_ =	sdelay $0x3  }
0x37: {  	[smem:$0x3FA7] =	sst s10  }
0x38: {  	s10 =	sld [smem:$0x3FA8]  }
0x39: {  	_ = 	snop;
	(pc) =	sbr.ind lr, $3  }
0x3a: {  	_ = 	snop  }
0x3b: {  	_ = 	snop  }
0x3c: {  	p2 =	seq.s32 s10, $0x1;
	s10 =	sld [smem:$0x3FA7]  }
0x3d: {  	_ =	shalt  }
0x3e: {  	_ =	shalt  }
0x3f: {  	_ =	shalt  }
0x40: {  	_ =	shalt  }
0x41: {  	_ =	shalt  }
0x42: {  	_ =	shalt  }
0x43: {  	_ =	shalt  }
0x44: {  	_ =	shalt  }
0x45: {  	_ =	shalt  }
0x46: {  	_ =	shalt  }
0x47: {  	_ =	shalt  }
0x48: {  	_ =	shalt  }
0x49: {  	_ =	shalt  }
0x4a: {  	_ =	shalt  }
0x4b: {  	_ =	shalt  }
0x4c: {  	_ =	shalt  }
0x4d: {  	_ =	shalt  }
0x4e: {  	_ =	shalt  }
0x4f: {  	_ =	shalt  }
0x50: {  	_ =	shalt  }
0x51: {  	_ =	shalt  }
0x52: {  	_ =	shalt  }
0x53: {  	_ =	shalt  }
0x54: {  	_ =	shalt  }
0x55: {  	_ =	shalt  }
0x56: {  	_ =	shalt  }
0x57: {  	_ =	shalt  }
0x58: {  	_ =	shalt  }
0x59: {  	_ =	shalt  }
0x5a: {  	_ =	shalt  }
0x5b: {  	_ =	shalt  }
0x5c: {  	_ =	shalt  }
0x5d: {  	_ =	shalt  }
0x5e: {  	_ =	shalt  }
0x5f: {  	_ =	shalt  }
0x60: {  	_ =	shalt  }
0x61: {  	_ =	shalt  }
0x62: {  	_ =	shalt  }
0x63: {  	_ =	shalt  }
0x64: {  	_ =	shalt  }
0x65: {  	_ =	shalt  }
0x66: {  	_ =	shalt  }
0x67: {  	_ =	shalt  }
0x68: {  	_ =	shalt  }
0x69: {  	_ =	shalt  }
0x6a: {  	_ =	shalt  }
0x6b: {  	_ =	shalt  }
0x6c: {  	_ =	shalt  }
0x6d: {  	_ =	shalt  }
0x6e: {  	_ =	shalt  }
0x6f: {  	_ =	shalt  }
0x70: {  	_ =	shalt  }
0x71: {  	_ =	shalt  }
0x72: {  	_ =	shalt  }
0x73: {  	_ =	shalt  }
0x74: {  	_ =	shalt  }
0x75: {  	_ =	shalt  }
0x76: {  	_ =	shalt  }
0x77: {  	_ =	shalt  }
0x78: {  	_ =	shalt  }
0x79: {  	_ =	shalt  }
0x7a: {  	_ =	shalt  }
0x7b: {  	_ =	shalt  }
0x7c: {  	_ =	shalt  }
0x7d: {  	_ =	shalt  }
0x7e: {  	_ =	shalt  }
0x7f: {  	_ =	shalt  }
0x80: {  	_ =	shalt  }
0x81: {  	_ =	shalt  }
0x82: {  	_ =	shalt  }
0x83: {  	_ =	shalt  }
0x84: {  	_ =	shalt  }
0x85: {  	_ =	shalt  }
0x86: {  	_ =	shalt  }
0x87: {  	_ =	shalt  }
.Lfunc_end0:
.L_simem_size_0:
called_computation.1_lowered:
.L_overlay_start_0:
0x88: {  	s2 =	sld [smem:$0x3FD9]  }
0x89: {  	s3 =	sld [smem:$0x3FFE];
	_ =	sdelay $0x1  }
0x8a: {  	s1 =	srdreg.scid  }
0x8b: {  	s0 =	sand.u32 $0x1, s1  }
0x8c: {  	s17 =	sshll.u32 s0, $0xA;
	s2 =	sadd.s32 s3, s2  }
0x8d: {  	s2 =	sadd.s32 s2, s17  }
0x8e: {  	[smem:$0x3FB3] =	sst s2  }
0x8f: {  	_ = 	snop  }
0x90: {  	s18 =	sld [smem:$0x3FD0];
	(tm) =	ssettm $0x1  }
0x91: {  	s19 =	sld [smem:$0x3FFB];
	_ =	sdelay $0x3  }
0x92: {  	_ =	strace s19  }
0x93: {  	s2 =	sld [smem:$0x3FFC];
	_ =	sdelay $0x3  }
0x94: {  	_ =	strace s2  }
0x95: {  	s2 =	sld [smem:$0x3FFD];
	_ =	sdelay $0x3  }
0x96: {  	_ =	strace s2  }
0x97: {  	_ =	strace $0x8FFFFFFF  }
0x98: {  	s20 =	sld [smem:$0x3FDB];
	_ =	sdelay $0x1  }
0x99: {  	s4 =	simm.s32 $_scs_section_size  }
0x9a: {  	s5 =	simm.s32 $_size__tile_overlayer_lowered;
	s6 =	simm.s32 $_tile_overlayer_lowered  }
0x9b: {  	s7 =	simm.s32 $0x1BFF;
	s21 =	sshll.u32 s6, $0x1;
	s4 =	sadd.s32 s4, s20  }
0x9c: {  	s22 =	simm.s32 $0x0;
	s5 =	sshll.u32 s5, $0x1;
	s6 =	sadd.s32 s21, s4  }
0x9d: {  	[timem:s22], [sflag:s7] =	dma.local [hbm:s6], s5  }
0x9e: {  	_ =	swait.ge [sflag:s7], s5  }
0x9f: {  	s5 =	ssub.s32 $0x0, s5;
	[sflag:s7] =	ssyncset.done $0x0  }
0xa0: {  	[sflag:s7] =	ssyncadd.s32 s5;
	_ =	sdelay $0x1  }
0xa1: {  	s23 =	simm.s32 $0x1B8B  }
0xa2: {  	_ =	swait.ge [sflag:s23], $0x1  }
0xa3: {  	[sflag:s23] =	ssyncset.done $0x0  }
0xa4: {  	[sflag:s23] =	ssyncadd.s32 $0xFFFFFFFF  }
0xa5: {  	s5 =	sld [smem:$0x0]  }
0xa6: {  	s6 =	sand.u32 $0xFFFFFFFE, s1  }
0xa7: {  	p0 =	sne.s32 s1, s6  }
0xa8: {  	s6 =	sshll.u32 @p0 s6, $0xE  }
0xa9: {  	s6 =	sadd.s32 @p0 $0x11B8D, s6;
	s7 =	sshll.u32 @p0 s5, $0x11  }
0xaa: {  	s6 =	sor.u32 @p0 s7, s6  }
0xab: {  	[sflag:s6] =	ssyncadd.remote.s32 @p0 $0x1;
	_ =	sdelay $0x1  }
0xac: {  	s6 =	simm.s32 @p0 $0x1B8D  }
0xad: {  	_ =	swait.eq @p0 [sflag:s6], $0x1  }
0xae: {  	[sflag:s6] =	ssyncadd.s32 @p0 $0xFFFFFFFF  }
0xaf: {  	s7 =	sshll.u32 @!p0 s1, $0xE  }
0xb0: {  	s7 =	sor.u32 @!p0 $0x4000, s7;
	s6 =	simm.s32 @!p0 $0x1B8D  }
0xb1: {  	s5 =	sshll.u32 @!p0 s5, $0x11;
	s7 =	sadd.s32 @!p0 $0x11B8D, s7;
	_ =	swait.eq @!p0 [sflag:s6], $0x1  }
0xb2: {  	s5 =	sor.u32 @!p0 s5, s7;
	[sflag:s6] =	ssyncadd.s32 @!p0 $0xFFFFFFFF  }
0xb3: {  	s25 =	simm.s32 $0x1B8E;
	s24 =	sld [smem:$0x3FFE];
	[sflag:s5] =	ssyncadd.remote.s32 @!p0 $0x1  }
0xb4: {  	s26 =	simm.s32 $execute0_lowered;
	[smem:$0x3FD2] =	sst s25  }
0xb5: {  	s6 =	sshll.u32 s26, $0x1;
	_ =	strace $0x8000004C;
	[dreg:$0x1] =	wrdreg $0xFFFFFFFF  }
0xb6: {  	s28 =	simm.s32 $_size_execute0_lowered;
	s4 =	sadd.s32 s4, s6;
	[dreg:$0x0] =	wrdreg $0x0  }
0xb7: {  	s6 =	sshll.u32 s28, $0x1;
	[dreg:$0x2] =	wrdreg s4  }
0xb8: {  	[dreg:$0x3] =	wrdreg s6  }
0xb9: {  	[dreg:$0x4] =	wrdreg $0xC0  }
0xba: {  	_ =	task [dreg:s22], $0x5FFFF  }
0xbb: {  	[dreg:$0x1] =	wrdreg $0xFFFFFFFF  }
0xbc: {  	[dreg:$0x0] =	wrdreg $0x60  }
0xbd: {  	[dreg:$0x2] =	wrdreg s18  }
0xbe: {  	[dreg:$0x3] =	wrdreg s24  }
0xbf: {  	[dreg:$0x4] =	wrdreg $0xA  }
0xc0: {  	_ =	task.clear_ibuf [dreg:s22], $0x5FFFF;
	_ =	strace $0x9000004C  }
0xc1: {  	s29 =	simm.s32 $0xA;
	_ =	strace $0x8000004E  }
0xc2: {  	_ =	swait.ge [sflag:s29], $0x1  }
0xc3: {  	[sflag:s29] =	ssyncadd.s32 $0xFFFFFFFF  }
0xc4: {  	_ =	strace $0x9000004E  }
0xc5: {  	_ =	sfence  }
0xc6: {  	s30 =	sld [smem:$0x0];
	_ =	sdelay $0x2  }
0xc7: {  	s31 =	sshll.u32 s1, $0xD;
	s1 =	sshrl.u32 s1, $0x2  }
0xc8: {  	s4 =	sand.u32 $0x4000, s31;
	s1 =	sadd.s32 s1, s30  }
0xc9: {  	s0 =	sor.u32 s4, s0;
	s1 =	sshll.u32 s1, $0x11  }
0xca: {  	s0 =	sor.u32 s1, s0  }
0xcb: {  	s0 =	sadd.s32 $0x8F2B, s0  }
0xcc: {  	[sflag:s0] =	ssyncadd.remote.s32 $0x1  }
0xcd: {  	_ =	sfence.sel $0xFFFF  }
0xce: {  	[dreg:$0x0] =	wrdreg $0xFFFFFFFF;
	(pc) =	sbr.abs _section_cstart, $3  }
0xcf: {  	[dreg:$0x1] =	wrdreg $0xFFFFFFFF  }
0xd0: {  	_ =	task.clear_ibuf [dreg:s22], $0x2FFFF;
	_ =	strace $0x9FFFFFFF  }
0xd1: {  	(tm) =	ssettm $0x7FFFFFFF  }
tec
execute0_lowered:
.L_overlay_start_1:
0x0: {  	(tag) =	ssettag $0x1  }
0x1: {  	s2 =	rddreg [dreg:$0x0];
	s1 =	srdreg.scid  }
0x2: {  	s0 =	stileid.u32;
	s4 =	rddreg [dreg:$0x1]  }
0x3: {  	s3 =	simm.s32 $0x0;
	s10 =	simm.s32 $0xC8;
	s11 =	simm.s32 $0x100  }
0x4: {  	s12 =	simm.s32 $0x6500;
	s13 =	simm.s32 $0x6600;
	s6 =	smul.u32 $0x960, s0  }
0x5: {  	s14 =	simm.s32 $0x1;
	s5 =	sand.u32 $0x1, s1;
	s8 =	smul.u32 $0x9600, s0  }
0x6: {  	s15 =	simm.s32 $0x2;
	s1 =	rddreg [dreg:$0x2];
	s7 =	smul.u32 $0x4B0, s5  }
0x7: {  	s16 =	simm.s32 $0x0;
	[smem:$0x7FF] =	sst s3;
	s9 =	smul.u32 $0x4B00, s5  }
0x8: {  	_ =	strace $0x8000004D;
	s5 =	ssub.s32 $0x2, s5;
	s29 =	sadd.s32 s8, s4  }
0x9: {  	s30 =	sshrl.u32 s5, $0x1;
	s6 =	sadd.s32 s7, s6;
	s7 =	sadd.s32 s9, s29  }
0xa: {  	s5 =	ssub.s32 s5, s30;
	s9 =	simm.s32 $0x3;
	s6 =	sshrl.u32 s6, $0x3  }
0xb: {  	s5 =	smax.u32 s5, $0x1;
	s31 =	sadd.s32 s6, s4;
	s4 =	sadd.s32 $0x29C200, s7  }
0xc: {  	s6 =	sadd.s32 $0x332200, s7;
	s7 =	sadd.s32 $0xA600, s31;
	s8 =	sadd.s32 $0xE200, s31  }
.LBB2_1:
0xd: {  	s17 =	sadd.s32 $0x0, s8  }
0xe: {  	[tilespmem:s3], [sflag:$0x3] =	stream.linear.gather [hbm4b:s17+s3], $0xC8, $0x38;
	[tilespmem:$0xCA00] =	vst v63  }
0xf: {  	_ =	swait.ge [sflag:s9], $0xC8  }
0x10: {  	[sflag:s9] =	ssyncset.done $0x0  }
0x11: {  	[sflag:s9] =	ssyncadd.s32 $0xFFFFFF38  }
0x12: {  	[tilespmem:s11], [sflag:$0x1] =	stream.indirect.gather [hbm4b:s2+s10], $0x80, s3, s10, $0xb8;
	[tilespmem:$0xCA00] =	vst v63  }
0x13: {  	s31 =	sadd.s32 $0x0, s7  }
0x14: {  	[tilespmem:s12], [sflag:$0x3] =	stream.linear.gather [hbm4b:s31+s3], $0xC8, $0x38;
	[tilespmem:$0xCA00] =	vst v63  }
0x15: {  	_ =	swait.ge [sflag:s9], $0xC8  }
0x16: {  	[sflag:s9] =	ssyncset.done $0x0  }
0x17: {  	[sflag:s9] =	ssyncadd.s32 $0xFFFFFF38  }
0x18: {  	[tilespmem:s13], [sflag:$0x2] =	stream.indirect.gather [hbm4b:s2+s10], $0x80, s12, s10, $0xb8;
	[tilespmem:$0xCA00] =	vst v63  }
0x19: {  	_ =	swait.ge [sflag:s14], $0x6400  }
0x1a: {  	[sflag:s14] =	ssyncset.done $0x0  }
0x1b: {  	[sflag:s14] =	ssyncadd.s32 $0xFFFF9C00  }
0x1c: {  	[hbm4b:s4+s3] =	stream.linear.scatter [tilespmem:s11], [sflag:$0x3], $0x6400, $0x38;
	[tilespmem:$0xCA00] =	vst v63  }
0x1d: {  	_ =	swait.ge [sflag:s9], $0x6400  }
0x1e: {  	[sflag:s9] =	ssyncset.done $0x0  }
0x1f: {  	[sflag:s9] =	ssyncadd.s32 $0xFFFF9C00  }
0x20: {  	_ =	swait.ge [sflag:s15], $0x6400  }
0x21: {  	[sflag:s15] =	ssyncset.done $0x0  }
0x22: {  	[sflag:s15] =	ssyncadd.s32 $0xFFFF9C00  }
0x23: {  	[hbm4b:s6+s3] =	stream.linear.scatter [tilespmem:s13], [sflag:$0x3], $0x6400, $0x38;
	[tilespmem:$0xCA00] =	vst v63  }
0x24: {  	s19 =	simm.s32 $0x19;
	s20 =	simm.s32 $0x32;
	_ =	swait.ge [sflag:s9], $0x6400  }
0x25: {  	s18 =	sadd.s32 $0xC80, s4;
	s17 =	sadd.s32 $0xC80, s6;
	[sflag:s9] =	ssyncset.done $0x0  }
.LBB2_2:
0x26: {  	s21 =	sadd.s32 s19, s8  }
0x27: {  	[sflag:s9] =	ssyncadd.s32 $0xFFFF9C00;
	s22 =	smov.u32 s20;
	s23 =	sadd.s32 $0x19, s20  }
0x28: {  	[tilespmem:s3], [sflag:$0x3] =	stream.linear.gather [hbm4b:s21+s3], $0xC8, $0x38;
	[tilespmem:$0xCA00] =	vst v63  }
0x29: {  	p0 =	sne.s32 s20, $0x7D;
	_ =	swait.ge [sflag:s9], $0xC8  }
0x2a: {  	[sflag:s9] =	ssyncset.done $0x0  }
0x2b: {  	[sflag:s9] =	ssyncadd.s32 $0xFFFFFF38  }
0x2c: {  	[tilespmem:s11], [sflag:$0x1] =	stream.indirect.gather [hbm4b:s2+s10], $0x80, s3, s10, $0xb8;
	[tilespmem:$0xCA00] =	vst v63  }
0x2d: {  	s20 =	sadd.s32 s19, s7;
	s19 =	smov.u32 s22  }
0x2e: {  	[tilespmem:s12], [sflag:$0x3] =	stream.linear.gather [hbm4b:s20+s3], $0xC8, $0x38;
	[tilespmem:$0xCA00] =	vst v63  }
0x2f: {  	_ =	swait.ge [sflag:s9], $0xC8  }
0x30: {  	[sflag:s9] =	ssyncset.done $0x0  }
0x31: {  	[sflag:s9] =	ssyncadd.s32 $0xFFFFFF38  }
0x32: {  	[tilespmem:s13], [sflag:$0x2] =	stream.indirect.gather [hbm4b:s2+s10], $0x80, s12, s10, $0xb8;
	[tilespmem:$0xCA00] =	vst v63  }
0x33: {  	_ =	swait.ge [sflag:s14], $0x6400  }
0x34: {  	[sflag:s14] =	ssyncset.done $0x0  }
0x35: {  	[sflag:s14] =	ssyncadd.s32 $0xFFFF9C00  }
0x36: {  	[hbm4b:s18+s3] =	stream.linear.scatter [tilespmem:s11], [sflag:$0x3], $0x6400, $0x38;
	[tilespmem:$0xCA00] =	vst v63  }
0x37: {  	_ =	swait.ge [sflag:s9], $0x6400  }
0x38: {  	[sflag:s9] =	ssyncset.done $0x0  }
0x39: {  	[sflag:s9] =	ssyncadd.s32 $0xFFFF9C00  }
0x3a: {  	_ =	swait.ge [sflag:s15], $0x6400  }
.Ltmp0:
0x3b: {  	[sflag:s15] =	ssyncset.done $0x0;
	(pc) =	sbr.rel @p0 .LBB2_2-.Ltmp0, $4  }
0x3c: {  	[sflag:s15] =	ssyncadd.s32 $0xFFFF9C00  }
0x3d: {  	[hbm4b:s17+s3] =	stream.linear.scatter [tilespmem:s13], [sflag:$0x3], $0x6400, $0x38;
	[tilespmem:$0xCA00] =	vst v63  }
0x3e: {  	s20 =	smov.u32 s23;
	_ =	swait.ge [sflag:s9], $0x6400  }
0x3f: {  	s18 =	sadd.s32 $0xC80, s18;
	s17 =	sadd.s32 $0xC80, s17;
	[sflag:s9] =	ssyncset.done $0x0  }
0x40: {  	s20 =	sadd.s32 s19, s8;
	[sflag:s9] =	ssyncadd.s32 $0xFFFF9C00  }
0x41: {  	[tilespmem:s3], [sflag:$0x3] =	stream.linear.gather [hbm4b:s20+s3], $0xC8, $0x38;
	[tilespmem:$0xCA00] =	vst v63  }
0x42: {  	_ =	swait.ge [sflag:s9], $0xC8  }
0x43: {  	[sflag:s9] =	ssyncset.done $0x0  }
0x44: {  	[sflag:s9] =	ssyncadd.s32 $0xFFFFFF38  }
0x45: {  	[tilespmem:s11], [sflag:$0x1] =	stream.indirect.gather [hbm4b:s2+s10], $0x80, s3, s10, $0xb8;
	[tilespmem:$0xCA00] =	vst v63  }
0x46: {  	s31 =	sadd.s32 s19, s7  }
0x47: {  	[tilespmem:s12], [sflag:$0x3] =	stream.linear.gather [hbm4b:s31+s3], $0xC8, $0x38;
	[tilespmem:$0xCA00] =	vst v63  }
0x48: {  	_ =	swait.ge [sflag:s9], $0xC8  }
0x49: {  	[sflag:s9] =	ssyncset.done $0x0  }
0x4a: {  	[sflag:s9] =	ssyncadd.s32 $0xFFFFFF38  }
0x4b: {  	[tilespmem:s13], [sflag:$0x2] =	stream.indirect.gather [hbm4b:s2+s10], $0x80, s12, s10, $0xb8;
	[tilespmem:$0xCA00] =	vst v63  }
0x4c: {  	_ =	swait.ge [sflag:s14], $0x6400  }
0x4d: {  	[sflag:s14] =	ssyncset.done $0x0  }
0x4e: {  	[sflag:s14] =	ssyncadd.s32 $0xFFFF9C00  }
0x4f: {  	[hbm4b:s18+s3] =	stream.linear.scatter [tilespmem:s11], [sflag:$0x3], $0x6400, $0x38;
	[tilespmem:$0xCA00] =	vst v63  }
0x50: {  	_ =	swait.ge [sflag:s9], $0x6400  }
0x51: {  	[sflag:s9] =	ssyncset.done $0x0  }
0x52: {  	[sflag:s9] =	ssyncadd.s32 $0xFFFF9C00  }
0x53: {  	s16 =	sadd.s32 $0x1, s16;
	_ =	swait.ge [sflag:s15], $0x6400  }
0x54: {  	p0 =	sne.s32 s16, s5;
	[sflag:s15] =	ssyncset.done $0x0  }
.Ltmp1:
0x55: {  	[sflag:s15] =	ssyncadd.s32 $0xFFFF9C00;
	(pc) =	sbr.rel @p0 .LBB2_1-.Ltmp1, $4  }
0x56: {  	[hbm4b:s17+s3] =	stream.linear.scatter [tilespmem:s13], [sflag:$0x3], $0x6400, $0x38;
	[tilespmem:$0xCA00] =	vst v63  }
0x57: {  	_ =	swait.ge [sflag:s9], $0x6400  }
0x58: {  	[sflag:s9] =	ssyncset.done $0x0  }
0x59: {  	[sflag:s9] =	ssyncadd.s32 $0xFFFF9C00  }
0x5a: {  	_ =	sfence.sel $0x180000  }
0x5b: {  	[bflag:$0x0] =	sbarrier.arrive $0xFFFF  }
0x5c: {  	p0 =	sne.s32 s0, $0x0;
	_ =	strace $0x9000004D  }
0x5d: {  	s0 =	sadd.s32 @!p0 $0x100000, s1;
	[bflag:$0x2] =	sbarrier.arrive $0xFFFF  }
0x5e: {  	[sflag:s0] =	ssyncadd.tile.s32 @!p0 $0x1;
	_ =	shalt  }
.Lfunc_end2:
_tile_overlayer_lowered:
.L_overlay_start_2:
0x5f: {  	(tag) =	ssettag $0x2  }
0x60: {  	s0 =	rddreg [dreg:$0x0];
	s2 =	stileid.u32  }
0x61: {  	s1 =	rddreg [dreg:$0x1];
	p0 =	sne.s32 s2, $0x0  }
0x62: {  	s3 =	rddreg [dreg:$0x2];
	[bflag:$0x3] =	sbarrier.arrive $0xFFFF;
	s2 =	simm.s32 @!p0 $0x1C03  }
0x63: {  	[timem:s3], [sflag:s2] =	dma.local @!p0 [hbm:s0], s1  }
0x64: {  	s0 =	simm.s32 @!p0 $0x3  }
0x65: {  	_ =	swait.ge @!p0 [sflag:s0], s1  }
0x66: {  	s1 =	ssub.s32 @!p0 $0x0, s1;
	[sflag:s0] =	ssyncset.done @!p0 $0x0  }
0x67: {  	[sflag:s0] =	ssyncadd.s32 @!p0 s1  }
0x68: {  	[bflag:$0x3] =	sbarrier.arrive $0xFFFF  }
0x69: {  	_ =	shalt  }

// kernel: kernel.20.cloned.1.call-start
scs
__scs_entry_jumppad:
0x0: {  	(pc) =	sbr.rel $0x88, $3  }
0x1: {  	(tag) =	ssettag $0x0;
	lr =	simm.s32 $0x1  }
0x2: {  	[smem:$0x3F8C] =	sst lr;
	_ =	strace $0xD0000000  }
0x3: {  	_ = 	snop  }
0x4: {  	_ = 	snop  }
0x5: {  	_ = 	snop  }
0x6: {  	_ = 	snop  }
0x7: {  	_ = 	snop  }
__scs_overlays_trampoline_lowered:
0x8: {  	[smem:$0x3F9B] =	sst s0  }
0x9: {  	[smem:$0x3F9C] =	sst s1  }
0xa: {  	[smem:$0x3F9D] =	sst s2  }
0xb: {  	[smem:$0x3F9E] =	sst s3  }
0xc: {  	[smem:$0x3F9F] =	sst s4  }
0xd: {  	[smem:$0x3FA0] =	sst s5  }
0xe: {  	[smem:$0x3FA1] =	sst s6  }
0xf: {  	[smem:$0x3FA2] =	sst s7  }
0x10: {  	[smem:$0x3FA3] =	sst s8  }
0x11: {  	[smem:$0x3FA4] =	sst s9;
	s0 =	simm.s32 @!p0 $0x0  }
0x12: {  	s1 =	sld [smem:$0x3F8A];
	s0 =	simm.s32 @p0 $0x1  }
0x13: {  	[smem:$0x3FA5] =	sst s0;
	s0 =	simm.s32 @!p1 $0x0  }
0x14: {  	s2 =	sld [smem:$0x3F89];
	s0 =	simm.s32 @p1 $0x1  }
0x15: {  	[smem:$0x3FA6] =	sst s0;
	s0 =	simm.s32 @!p2 $0x0  }
0x16: {  	s3 =	sld [smem:$0x3FDB];
	s0 =	simm.s32 @p2 $0x1  }
0x17: {  	s4 =	simm.s32 $0x1BF5;
	[smem:$0x3FA8] =	sst s0  }
0x18: {  	s0 =	sld [smem:$0x3F8B];
	_ =	swait.ge [sflag:s4], $0x0  }
0x19: {  	s7 =	sld [smem:$0x3F8C]  }
0x1a: {  	s8 =	sadd.s32 $0xFFFFE003, lr  }
0x1b: {  	s9 =	sadd.s32 $0xFFFFFEF7, lr;
	s5 =	simm.s32 $0xFFFFFFFF;
	p2 =	slt.u32 s8, $0xFFFFF086  }
0x1c: {  	p1 =	slt.u32 s9, $0xF7A;
	s5 =	simm.s32 @!p2 $0x0  }
0x1d: {  	s5 =	simm.s32 @p1 $0x1;
	p0 =	seq.s32 s7, s2  }
0x1e: {  	s7 =	smul.u32 @!p0 $0xF7A, s2;
	p2 =	seq.s32 @!p0 s5, $0x0  }
0x1f: {  	s9 =	smul.u32 $0xF7A, s1;
	s8 =	simm.s32 @!p0 $0x1BF5;
	p2 =	por !p2, p0  }
0x20: {  	[sflag:s8] =	ssyncset.s32 @!p0 $0xFFFFF086;
	s6 =	sadd.s32 @!p0 s3, s7;
	s7 =	simm.s32 @!p0 $0x108  }
0x21: {  	s3 =	sadd.s32 s3, s9;
	s6 =	sadd.s32 @!p0 $0x88, s6;
	s7 =	simm.s32 @p2 $0x1082  }
0x22: {  	[simem:s7], [sflag:s8] =	dma.local @!p0 [hbm:s6], $0xF7A  }
0x23: {  	s9 =	sor.u32 $0xD0000000, s2;
	s6 =	simm.s32 $0x108;
	_ =	swait.ge @!p0 [sflag:s8], $0x0  }
0x24: {  	s3 =	sadd.s32 $0x88, s3;
	s6 =	simm.s32 @!p1 $0x1082;
	[sflag:s4] =	ssyncset.s32 $0xFFFFF086  }
0x25: {  	[simem:s6], [sflag:s4] =	dma.local [hbm:s3], $0xF7A  }
0x26: {  	[smem:$0x3F8C] =	sst s1;
	(tag) =	ssettag s2;
	_ =	strace s9  }
0x27: {  	s1 =	sld [smem:$0x3F9C]  }
0x28: {  	s2 =	sld [smem:$0x3F9D]  }
0x29: {  	s4 =	sld [smem:$0x3F9F]  }
0x2a: {  	p0 =	seq.s32 s5, $0x0;
	s5 =	sld [smem:$0x3FA0]  }
0x2b: {  	s6 =	sld [smem:$0x3FA1]  }
0x2c: {  	s7 =	sld [smem:$0x3FA2]  }
0x2d: {  	s3 =	simm.s32 $0x108;
	s8 =	sld [smem:$0x3FA3]  }
0x2e: {  	s3 =	simm.s32 @!p0 $0x1082;
	s9 =	sld [smem:$0x3FA4]  }
0x2f: {  	lr =	sadd.s32 s0, s3;
	s0 =	sld [smem:$0x3F9B]  }
0x30: {  	s3 =	sld [smem:$0x3F9E]  }
0x31: {  	[smem:$0x3FA7] =	sst s10  }
0x32: {  	s10 =	sld [smem:$0x3FA5];
	_ =	sdelay $0x3  }
0x33: {  	p0 =	seq.s32 s10, $0x1;
	s10 =	sld [smem:$0x3FA7];
	_ =	sdelay $0x3  }
0x34: {  	[smem:$0x3FA7] =	sst s10  }
0x35: {  	s10 =	sld [smem:$0x3FA6];
	_ =	sdelay $0x3  }
0x36: {  	p1 =	seq.s32 s10, $0x1;
	s10 =	sld [smem:$0x3FA7];
	_ =	sdelay $0x3  }
0x37: {  	[smem:$0x3FA7] =	sst s10  }
0x38: {  	s10 =	sld [smem:$0x3FA8]  }
0x39: {  	_ = 	snop;
	(pc) =	sbr.ind lr, $3  }
0x3a: {  	_ = 	snop  }
0x3b: {  	_ = 	snop  }
0x3c: {  	p2 =	seq.s32 s10, $0x1;
	s10 =	sld [smem:$0x3FA7]  }
0x3d: {  	_ =	shalt  }
0x3e: {  	_ =	shalt  }
0x3f: {  	_ =	shalt  }
0x40: {  	_ =	shalt  }
0x41: {  	_ =	shalt  }
0x42: {  	_ =	shalt  }
0x43: {  	_ =	shalt  }
0x44: {  	_ =	shalt  }
0x45: {  	_ =	shalt  }
0x46: {  	_ =	shalt  }
0x47: {  	_ =	shalt  }
0x48: {  	_ =	shalt  }
0x49: {  	_ =	shalt  }
0x4a: {  	_ =	shalt  }
0x4b: {  	_ =	shalt  }
0x4c: {  	_ =	shalt  }
0x4d: {  	_ =	shalt  }
0x4e: {  	_ =	shalt  }
0x4f: {  	_ =	shalt  }
0x50: {  	_ =	shalt  }
0x51: {  	_ =	shalt  }
0x52: {  	_ =	shalt  }
0x53: {  	_ =	shalt  }
0x54: {  	_ =	shalt  }
0x55: {  	_ =	shalt  }
0x56: {  	_ =	shalt  }
0x57: {  	_ =	shalt  }
0x58: {  	_ =	shalt  }
0x59: {  	_ =	shalt  }
0x5a: {  	_ =	shalt  }
0x5b: {  	_ =	shalt  }
0x5c: {  	_ =	shalt  }
0x5d: {  	_ =	shalt  }
0x5e: {  	_ =	shalt  }
0x5f: {  	_ =	shalt  }
0x60: {  	_ =	shalt  }
0x61: {  	_ =	shalt  }
0x62: {  	_ =	shalt  }
0x63: {  	_ =	shalt  }
0x64: {  	_ =	shalt  }
0x65: {  	_ =	shalt  }
0x66: {  	_ =	shalt  }
0x67: {  	_ =	shalt  }
0x68: {  	_ =	shalt  }
0x69: {  	_ =	shalt  }
0x6a: {  	_ =	shalt  }
0x6b: {  	_ =	shalt  }
0x6c: {  	_ =	shalt  }
0x6d: {  	_ =	shalt  }
0x6e: {  	_ =	shalt  }
0x6f: {  	_ =	shalt  }
0x70: {  	_ =	shalt  }
0x71: {  	_ =	shalt  }
0x72: {  	_ =	shalt  }
0x73: {  	_ =	shalt  }
0x74: {  	_ =	shalt  }
0x75: {  	_ =	shalt  }
0x76: {  	_ =	shalt  }
0x77: {  	_ =	shalt  }
0x78: {  	_ =	shalt  }
0x79: {  	_ =	shalt  }
0x7a: {  	_ =	shalt  }
0x7b: {  	_ =	shalt  }
0x7c: {  	_ =	shalt  }
0x7d: {  	_ =	shalt  }
0x7e: {  	_ =	shalt  }
0x7f: {  	_ =	shalt  }
0x80: {  	_ =	shalt  }
0x81: {  	_ =	shalt  }
0x82: {  	_ =	shalt  }
0x83: {  	_ =	shalt  }
0x84: {  	_ =	shalt  }
0x85: {  	_ =	shalt  }
0x86: {  	_ =	shalt  }
0x87: {  	_ =	shalt  }
.Lfunc_end0:
.L_simem_size_0:
called_computation.2_lowered:
.L_overlay_start_0:
0x88: {  	s2 =	sld [smem:$0x3FD9]  }
0x89: {  	s3 =	sld [smem:$0x3FFE];
	_ =	sdelay $0x1  }
0x8a: {  	s1 =	srdreg.scid  }
0x8b: {  	s0 =	sand.u32 $0x1, s1  }
0x8c: {  	s17 =	sshll.u32 s0, $0xA;
	s2 =	sadd.s32 s3, s2  }
0x8d: {  	s2 =	sadd.s32 s2, s17  }
0x8e: {  	[smem:$0x3FB3] =	sst s2  }
0x8f: {  	_ = 	snop  }
0x90: {  	s2 =	sld [smem:$0x3FD0];
	(tm) =	ssettm $0x1  }
0x91: {  	s18 =	sld [smem:$0x3FFB];
	_ =	sdelay $0x3  }
0x92: {  	_ =	strace s18  }
0x93: {  	s3 =	sld [smem:$0x3FFC];
	_ =	sdelay $0x3  }
0x94: {  	_ =	strace s3  }
0x95: {  	s3 =	sld [smem:$0x3FFD];
	_ =	sdelay $0x3  }
0x96: {  	_ =	strace s3  }
0x97: {  	_ =	strace $0x8FFFFFFF  }
0x98: {  	s19 =	sld [smem:$0x3FDB];
	_ =	sdelay $0x1  }
0x99: {  	s4 =	simm.s32 $_scs_section_size  }
0x9a: {  	s5 =	simm.s32 $_size__tile_overlayer_lowered;
	s6 =	simm.s32 $_tile_overlayer_lowered  }
0x9b: {  	s22 =	simm.s32 $0x1BFF;
	s21 =	sshll.u32 s6, $0x1;
	s3 =	sadd.s32 s4, s19  }
0x9c: {  	s7 =	simm.s32 $0x0;
	s20 =	sshll.u32 s5, $0x1;
	s5 =	sadd.s32 s21, s3  }
0x9d: {  	[timem:s7], [sflag:s22] =	dma.local [hbm:s5], s20  }
0x9e: {  	_ =	swait.ge [sflag:s22], s20  }
0x9f: {  	s4 =	ssub.s32 $0x0, s20;
	[sflag:s22] =	ssyncset.done $0x0  }
0xa0: {  	[sflag:s22] =	ssyncadd.s32 s4;
	_ =	sdelay $0x1  }
0xa1: {  	s23 =	simm.s32 $0x1B8B  }
0xa2: {  	_ =	swait.ge [sflag:s23], $0x1  }
0xa3: {  	[sflag:s23] =	ssyncset.done $0x0  }
0xa4: {  	s25 =	simm.s32 $0x1B8E;
	s24 =	sld [smem:$0x3FFE];
	[sflag:s23] =	ssyncadd.s32 $0xFFFFFFFF  }
0xa5: {  	s26 =	simm.s32 $execute0_lowered;
	[smem:$0x3FD2] =	sst s25  }
0xa6: {  	s5 =	sshll.u32 s26, $0x1;
	_ =	strace $0x80000046;
	[dreg:$0x1] =	wrdreg $0xFFFFFFFF  }
0xa7: {  	s28 =	simm.s32 $_size_execute0_lowered;
	s3 =	sadd.s32 s3, s5;
	[dreg:$0x0] =	wrdreg $0x0  }
0xa8: {  	s5 =	sshll.u32 s28, $0x1;
	[dreg:$0x2] =	wrdreg s3  }
0xa9: {  	[dreg:$0x3] =	wrdreg s5  }
0xaa: {  	[dreg:$0x4] =	wrdreg $0xC0  }
0xab: {  	_ =	task [dreg:s7], $0x5FFFF  }
0xac: {  	[dreg:$0x1] =	wrdreg $0xFFFFFFFF  }
0xad: {  	[dreg:$0x0] =	wrdreg $0x60  }
0xae: {  	[dreg:$0x2] =	wrdreg s2  }
0xaf: {  	[dreg:$0x3] =	wrdreg s24  }
0xb0: {  	[dreg:$0x4] =	wrdreg $0xB  }
0xb1: {  	_ =	task.clear_ibuf [dreg:s7], $0x5FFFF;
	_ =	strace $0x90000046  }
0xb2: {  	s29 =	simm.s32 $0xB;
	_ =	strace $0x80000048  }
0xb3: {  	_ =	swait.ge [sflag:s29], $0x1  }
0xb4: {  	[sflag:s29] =	ssyncadd.s32 $0xFFFFFFFF  }
0xb5: {  	_ =	strace $0x90000048  }
0xb6: {  	_ =	sfence  }
0xb7: {  	s30 =	sld [smem:$0x0];
	_ =	sdelay $0x2  }
0xb8: {  	s31 =	sshll.u32 s1, $0xD;
	s1 =	sshrl.u32 s1, $0x2  }
0xb9: {  	s3 =	sand.u32 $0x4000, s31;
	s1 =	sadd.s32 s1, s30  }
0xba: {  	s0 =	sor.u32 s3, s0;
	s1 =	sshll.u32 s1, $0x11  }
0xbb: {  	s0 =	sor.u32 s1, s0  }
0xbc: {  	s0 =	sadd.s32 $0x8F2B, s0  }
0xbd: {  	[sflag:s0] =	ssyncadd.remote.s32 $0x1  }
0xbe: {  	_ =	sfence.sel $0xFFFF  }
0xbf: {  	[dreg:$0x0] =	wrdreg $0xFFFFFFFF;
	(pc) =	sbr.abs _section_cstart, $3  }
0xc0: {  	[dreg:$0x1] =	wrdreg $0xFFFFFFFF  }
0xc1: {  	_ =	task.clear_ibuf [dreg:s7], $0x2FFFF;
	_ =	strace $0x9FFFFFFF  }
0xc2: {  	(tm) =	ssettm $0x7FFFFFFF  }
0xc3: {  	_ =	shalt  }
tec
execute0_lowered:
.L_overlay_start_1:
0x0: {  	(tag) =	ssettag $0x1  }
0x1: {  	s2 =	rddreg [dreg:$0x0]  }
0x2: {  	s4 =	rddreg [dreg:$0x1]  }
0x3: {  	s0 =	rddreg [dreg:$0x2];
	s5 =	srdreg.scid  }
0x4: {  	s1 =	stileid.u32;
	s3 =	simm.s32 $0x0;
	s10 =	simm.s32 $0xC8  }
0x5: {  	s11 =	simm.s32 $0x100;
	s12 =	simm.s32 $0x6500;
	s13 =	simm.s32 $0x6600  }
0x6: {  	s14 =	simm.s32 $0x1;
	s15 =	simm.s32 $0x2;
	s6 =	smul.u32 $0x960, s1  }
0x7: {  	s16 =	simm.s32 $0x0;
	s5 =	sand.u32 $0x1, s5;
	s8 =	smul.u32 $0x9600, s1  }
0x8: {  	[smem:$0x7FF] =	sst s3;
	s7 =	smul.u32 $0x4B0, s5;
	s9 =	ssub.s32 $0x2, s5  }
0x9: {  	_ =	strace $0x80000047;
	s5 =	smul.u32 $0x4B00, s5;
	s29 =	sshrl.u32 s9, $0x1  }
0xa: {  	s8 =	sadd.s32 s8, s4;
	s6 =	sadd.s32 s7, s6;
	s7 =	ssub.s32 s9, s29  }
0xb: {  	s31 =	sadd.s32 s5, s8;
	s9 =	simm.s32 $0x3;
	s6 =	sshrl.u32 s6, $0x3  }
0xc: {  	s5 =	sadd.s32 $0xF600, s31;
	s30 =	sadd.s32 s6, s4;
	s4 =	smax.u32 s7, $0x1  }
0xd: {  	s6 =	sadd.s32 $0xA5600, s31;
	s7 =	sadd.s32 $0x7E00, s30;
	s8 =	sadd.s32 $0x9200, s30  }
.LBB2_1:
0xe: {  	s17 =	sadd.s32 $0x0, s8  }
0xf: {  	[tilespmem:s3], [sflag:$0x3] =	stream.linear.gather [hbm4b:s17+s3], $0xC8, $0x38;
	[tilespmem:$0xCA00] =	vst v63  }
0x10: {  	_ =	swait.ge [sflag:s9], $0xC8  }
0x11: {  	[sflag:s9] =	ssyncset.done $0x0  }
0x12: {  	[sflag:s9] =	ssyncadd.s32 $0xFFFFFF38  }
0x13: {  	[tilespmem:s11], [sflag:$0x1] =	stream.indirect.gather [hbm4b:s2+s10], $0x80, s3, s10, $0xb8;
	[tilespmem:$0xCA00] =	vst v63  }
0x14: {  	s31 =	sadd.s32 $0x0, s7  }
0x15: {  	[tilespmem:s12], [sflag:$0x3] =	stream.linear.gather [hbm4b:s31+s3], $0xC8, $0x38;
	[tilespmem:$0xCA00] =	vst v63  }
0x16: {  	_ =	swait.ge [sflag:s9], $0xC8  }
0x17: {  	[sflag:s9] =	ssyncset.done $0x0  }
0x18: {  	[sflag:s9] =	ssyncadd.s32 $0xFFFFFF38  }
0x19: {  	[tilespmem:s13], [sflag:$0x2] =	stream.indirect.gather [hbm4b:s2+s10], $0x80, s12, s10, $0xb8;
	[tilespmem:$0xCA00] =	vst v63  }
0x1a: {  	_ =	swait.ge [sflag:s14], $0x6400  }
0x1b: {  	[sflag:s14] =	ssyncset.done $0x0  }
0x1c: {  	[sflag:s14] =	ssyncadd.s32 $0xFFFF9C00  }
0x1d: {  	[hbm4b:s5+s3] =	stream.linear.scatter [tilespmem:s11], [sflag:$0x3], $0x6400, $0x38;
	[tilespmem:$0xCA00] =	vst v63  }
0x1e: {  	_ =	swait.ge [sflag:s9], $0x6400  }
0x1f: {  	[sflag:s9] =	ssyncset.done $0x0  }
0x20: {  	[sflag:s9] =	ssyncadd.s32 $0xFFFF9C00  }
0x21: {  	_ =	swait.ge [sflag:s15], $0x6400  }
0x22: {  	[sflag:s15] =	ssyncset.done $0x0  }
0x23: {  	[sflag:s15] =	ssyncadd.s32 $0xFFFF9C00  }
0x24: {  	[hbm4b:s6+s3] =	stream.linear.scatter [tilespmem:s13], [sflag:$0x3], $0x6400, $0x38;
	[tilespmem:$0xCA00] =	vst v63  }
0x25: {  	s19 =	simm.s32 $0x19;
	s20 =	simm.s32 $0x32;
	_ =	swait.ge [sflag:s9], $0x6400  }
0x26: {  	s18 =	sadd.s32 $0xC80, s5;
	s17 =	sadd.s32 $0xC80, s6;
	[sflag:s9] =	ssyncset.done $0x0  }
.LBB2_2:
0x27: {  	s21 =	sadd.s32 s19, s8  }
0x28: {  	[sflag:s9] =	ssyncadd.s32 $0xFFFF9C00;
	s22 =	smov.u32 s20;
	s23 =	sadd.s32 $0x19, s20  }
0x29: {  	[tilespmem:s3], [sflag:$0x3] =	stream.linear.gather [hbm4b:s21+s3], $0xC8, $0x38;
	[tilespmem:$0xCA00] =	vst v63  }
0x2a: {  	p0 =	sne.s32 s20, $0x7D;
	_ =	swait.ge [sflag:s9], $0xC8  }
0x2b: {  	[sflag:s9] =	ssyncset.done $0x0  }
0x2c: {  	[sflag:s9] =	ssyncadd.s32 $0xFFFFFF38  }
0x2d: {  	[tilespmem:s11], [sflag:$0x1] =	stream.indirect.gather [hbm4b:s2+s10], $0x80, s3, s10, $0xb8;
	[tilespmem:$0xCA00] =	vst v63  }
0x2e: {  	s20 =	sadd.s32 s19, s7;
	s19 =	smov.u32 s22  }
0x2f: {  	[tilespmem:s12], [sflag:$0x3] =	stream.linear.gather [hbm4b:s20+s3], $0xC8, $0x38;
	[tilespmem:$0xCA00] =	vst v63  }
0x30: {  	_ =	swait.ge [sflag:s9], $0xC8  }
0x31: {  	[sflag:s9] =	ssyncset.done $0x0  }
0x32: {  	[sflag:s9] =	ssyncadd.s32 $0xFFFFFF38  }
0x33: {  	[tilespmem:s13], [sflag:$0x2] =	stream.indirect.gather [hbm4b:s2+s10], $0x80, s12, s10, $0xb8;
	[tilespmem:$0xCA00] =	vst v63  }
0x34: {  	_ =	swait.ge [sflag:s14], $0x6400  }
0x35: {  	[sflag:s14] =	ssyncset.done $0x0  }
0x36: {  	[sflag:s14] =	ssyncadd.s32 $0xFFFF9C00  }
0x37: {  	[hbm4b:s18+s3] =	stream.linear.scatter [tilespmem:s11], [sflag:$0x3], $0x6400, $0x38;
	[tilespmem:$0xCA00] =	vst v63  }
0x38: {  	_ =	swait.ge [sflag:s9], $0x6400  }
0x39: {  	[sflag:s9] =	ssyncset.done $0x0  }
0x3a: {  	[sflag:s9] =	ssyncadd.s32 $0xFFFF9C00  }
0x3b: {  	_ =	swait.ge [sflag:s15], $0x6400  }
.Ltmp0:
0x3c: {  	[sflag:s15] =	ssyncset.done $0x0;
	(pc) =	sbr.rel @p0 .LBB2_2-.Ltmp0, $4  }
0x3d: {  	[sflag:s15] =	ssyncadd.s32 $0xFFFF9C00  }
0x3e: {  	[hbm4b:s17+s3] =	stream.linear.scatter [tilespmem:s13], [sflag:$0x3], $0x6400, $0x38;
	[tilespmem:$0xCA00] =	vst v63  }
0x3f: {  	s20 =	smov.u32 s23;
	_ =	swait.ge [sflag:s9], $0x6400  }
0x40: {  	s18 =	sadd.s32 $0xC80, s18;
	s17 =	sadd.s32 $0xC80, s17;
	[sflag:s9] =	ssyncset.done $0x0  }
0x41: {  	s20 =	sadd.s32 s19, s8;
	[sflag:s9] =	ssyncadd.s32 $0xFFFF9C00  }
0x42: {  	[tilespmem:s3], [sflag:$0x3] =	stream.linear.gather [hbm4b:s20+s3], $0xC8, $0x38;
	[tilespmem:$0xCA00] =	vst v63  }
0x43: {  	_ =	swait.ge [sflag:s9], $0xC8  }
0x44: {  	[sflag:s9] =	ssyncset.done $0x0  }
0x45: {  	[sflag:s9] =	ssyncadd.s32 $0xFFFFFF38  }
0x46: {  	[tilespmem:s11], [sflag:$0x1] =	stream.indirect.gather [hbm4b:s2+s10], $0x80, s3, s10, $0xb8;
	[tilespmem:$0xCA00] =	vst v63  }
0x47: {  	s31 =	sadd.s32 s19, s7  }
0x48: {  	[tilespmem:s12], [sflag:$0x3] =	stream.linear.gather [hbm4b:s31+s3], $0xC8, $0x38;
	[tilespmem:$0xCA00] =	vst v63  }
0x49: {  	_ =	swait.ge [sflag:s9], $0xC8  }
0x4a: {  	[sflag:s9] =	ssyncset.done $0x0  }
0x4b: {  	[sflag:s9] =	ssyncadd.s32 $0xFFFFFF38  }
0x4c: {  	[tilespmem:s13], [sflag:$0x2] =	stream.indirect.gather [hbm4b:s2+s10], $0x80, s12, s10, $0xb8;
	[tilespmem:$0xCA00] =	vst v63  }
0x4d: {  	_ =	swait.ge [sflag:s14], $0x6400  }
0x4e: {  	[sflag:s14] =	ssyncset.done $0x0  }
0x4f: {  	[sflag:s14] =	ssyncadd.s32 $0xFFFF9C00  }
0x50: {  	[hbm4b:s18+s3] =	stream.linear.scatter [tilespmem:s11], [sflag:$0x3], $0x6400, $0x38;
	[tilespmem:$0xCA00] =	vst v63  }
0x51: {  	_ =	swait.ge [sflag:s9], $0x6400  }
0x52: {  	[sflag:s9] =	ssyncset.done $0x0  }
0x53: {  	[sflag:s9] =	ssyncadd.s32 $0xFFFF9C00  }
0x54: {  	s16 =	sadd.s32 $0x1, s16;
	_ =	swait.ge [sflag:s15], $0x6400  }
0x55: {  	p0 =	sne.s32 s16, s4;
	[sflag:s15] =	ssyncset.done $0x0  }
.Ltmp1:
0x56: {  	[sflag:s15] =	ssyncadd.s32 $0xFFFF9C00;
	(pc) =	sbr.rel @p0 .LBB2_1-.Ltmp1, $4  }
0x57: {  	[hbm4b:s17+s3] =	stream.linear.scatter [tilespmem:s13], [sflag:$0x3], $0x6400, $0x38;
	[tilespmem:$0xCA00] =	vst v63  }
0x58: {  	_ =	swait.ge [sflag:s9], $0x6400  }
0x59: {  	[sflag:s9] =	ssyncset.done $0x0  }
0x5a: {  	[sflag:s9] =	ssyncadd.s32 $0xFFFF9C00  }
0x5b: {  	_ =	sfence.sel $0x180000  }
0x5c: {  	[bflag:$0x0] =	sbarrier.arrive $0xFFFF  }
0x5d: {  	p0 =	sne.s32 s1, $0x0;
	_ =	strace $0x90000047  }
0x5e: {  	s0 =	sadd.s32 @!p0 $0x100000, s0;
	[bflag:$0x2] =	sbarrier.arrive $0xFFFF  }
0x5f: {  	[sflag:s0] =	ssyncadd.tile.s32 @!p0 $0x1;
	_ =	shalt  }
.Lfunc_end2:
_tile_overlayer_lowered:
.L_overlay_start_2:
0x60: {  	(tag) =	ssettag $0x2  }
0x61: {  	s0 =	rddreg [dreg:$0x0];
	s2 =	stileid.u32  }
0x62: {  	s1 =	rddreg [dreg:$0x1];
	p0 =	sne.s32 s2, $0x0  }
0x63: {  	s3 =	rddreg [dreg:$0x2];
	[bflag:$0x3] =	sbarrier.arrive $0xFFFF;
	s2 =	simm.s32 @!p0 $0x1C03  }
0x64: {  	[timem:s3], [sflag:s2] =	dma.local @!p0 [hbm:s0], s1  }
0x65: {  	s0 =	simm.s32 @!p0 $0x3  }
0x66: {  	_ =	swait.ge @!p0 [sflag:s0], s1  }
0x67: {  	s1 =	ssub.s32 @!p0 $0x0, s1;
	[sflag:s0] =	ssyncset.done @!p0 $0x0  }
0x68: {  	[sflag:s0] =	ssyncadd.s32 @!p0 s1  }
0x69: {  	[bflag:$0x3] =	sbarrier.arrive $0xFFFF  }
0x6a: {  	_ =	shalt  }

// kernel: kernel.23.cloned.1.call-start
scs
__scs_entry_jumppad:
0x0: {  	(pc) =	sbr.rel $0x88, $3  }
0x1: {  	(tag) =	ssettag $0x0;
	lr =	simm.s32 $0x1  }
0x2: {  	[smem:$0x3F8C] =	sst lr;
	_ =	strace $0xD0000000  }
0x3: {  	_ = 	snop  }
0x4: {  	_ = 	snop  }
0x5: {  	_ = 	snop  }
0x6: {  	_ = 	snop  }
0x7: {  	_ = 	snop  }
__scs_overlays_trampoline_lowered:
0x8: {  	[smem:$0x3F9B] =	sst s0  }
0x9: {  	[smem:$0x3F9C] =	sst s1  }
0xa: {  	[smem:$0x3F9D] =	sst s2  }
0xb: {  	[smem:$0x3F9E] =	sst s3  }
0xc: {  	[smem:$0x3F9F] =	sst s4  }
0xd: {  	[smem:$0x3FA0] =	sst s5  }
0xe: {  	[smem:$0x3FA1] =	sst s6  }
0xf: {  	[smem:$0x3FA2] =	sst s7  }
0x10: {  	[smem:$0x3FA3] =	sst s8  }
0x11: {  	[smem:$0x3FA4] =	sst s9;
	s0 =	simm.s32 @!p0 $0x0  }
0x12: {  	s1 =	sld [smem:$0x3F8A];
	s0 =	simm.s32 @p0 $0x1  }
0x13: {  	[smem:$0x3FA5] =	sst s0;
	s0 =	simm.s32 @!p1 $0x0  }
0x14: {  	s2 =	sld [smem:$0x3F89];
	s0 =	simm.s32 @p1 $0x1  }
0x15: {  	[smem:$0x3FA6] =	sst s0;
	s0 =	simm.s32 @!p2 $0x0  }
0x16: {  	s3 =	sld [smem:$0x3FDB];
	s0 =	simm.s32 @p2 $0x1  }
0x17: {  	s4 =	simm.s32 $0x1BF5;
	[smem:$0x3FA8] =	sst s0  }
0x18: {  	s0 =	sld [smem:$0x3F8B];
	_ =	swait.ge [sflag:s4], $0x0  }
0x19: {  	s7 =	sld [smem:$0x3F8C]  }
0x1a: {  	s8 =	sadd.s32 $0xFFFFE003, lr  }
0x1b: {  	s9 =	sadd.s32 $0xFFFFFEF7, lr;
	s5 =	simm.s32 $0xFFFFFFFF;
	p2 =	slt.u32 s8, $0xFFFFF086  }
0x1c: {  	p1 =	slt.u32 s9, $0xF7A;
	s5 =	simm.s32 @!p2 $0x0  }
0x1d: {  	s5 =	simm.s32 @p1 $0x1;
	p0 =	seq.s32 s7, s2  }
0x1e: {  	s7 =	smul.u32 @!p0 $0xF7A, s2;
	p2 =	seq.s32 @!p0 s5, $0x0  }
0x1f: {  	s9 =	smul.u32 $0xF7A, s1;
	s8 =	simm.s32 @!p0 $0x1BF5;
	p2 =	por !p2, p0  }
0x20: {  	[sflag:s8] =	ssyncset.s32 @!p0 $0xFFFFF086;
	s6 =	sadd.s32 @!p0 s3, s7;
	s7 =	simm.s32 @!p0 $0x108  }
0x21: {  	s3 =	sadd.s32 s3, s9;
	s6 =	sadd.s32 @!p0 $0x88, s6;
	s7 =	simm.s32 @p2 $0x1082  }
0x22: {  	[simem:s7], [sflag:s8] =	dma.local @!p0 [hbm:s6], $0xF7A  }
0x23: {  	s9 =	sor.u32 $0xD0000000, s2;
	s6 =	simm.s32 $0x108;
	_ =	swait.ge @!p0 [sflag:s8], $0x0  }
0x24: {  	s3 =	sadd.s32 $0x88, s3;
	s6 =	simm.s32 @!p1 $0x1082;
	[sflag:s4] =	ssyncset.s32 $0xFFFFF086  }
0x25: {  	[simem:s6], [sflag:s4] =	dma.local [hbm:s3], $0xF7A  }
0x26: {  	[smem:$0x3F8C] =	sst s1;
	(tag) =	ssettag s2;
	_ =	strace s9  }
0x27: {  	s1 =	sld [smem:$0x3F9C]  }
0x28: {  	s2 =	sld [smem:$0x3F9D]  }
0x29: {  	s4 =	sld [smem:$0x3F9F]  }
0x2a: {  	p0 =	seq.s32 s5, $0x0;
	s5 =	sld [smem:$0x3FA0]  }
0x2b: {  	s6 =	sld [smem:$0x3FA1]  }
0x2c: {  	s7 =	sld [smem:$0x3FA2]  }
0x2d: {  	s3 =	simm.s32 $0x108;
	s8 =	sld [smem:$0x3FA3]  }
0x2e: {  	s3 =	simm.s32 @!p0 $0x1082;
	s9 =	sld [smem:$0x3FA4]  }
0x2f: {  	lr =	sadd.s32 s0, s3;
	s0 =	sld [smem:$0x3F9B]  }
0x30: {  	s3 =	sld [smem:$0x3F9E]  }
0x31: {  	[smem:$0x3FA7] =	sst s10  }
0x32: {  	s10 =	sld [smem:$0x3FA5];
	_ =	sdelay $0x3  }
0x33: {  	p0 =	seq.s32 s10, $0x1;
	s10 =	sld [smem:$0x3FA7];
	_ =	sdelay $0x3  }
0x34: {  	[smem:$0x3FA7] =	sst s10  }
0x35: {  	s10 =	sld [smem:$0x3FA6];
	_ =	sdelay $0x3  }
0x36: {  	p1 =	seq.s32 s10, $0x1;
	s10 =	sld [smem:$0x3FA7];
	_ =	sdelay $0x3  }
0x37: {  	[smem:$0x3FA7] =	sst s10  }
0x38: {  	s10 =	sld [smem:$0x3FA8]  }
0x39: {  	_ = 	snop;
	(pc) =	sbr.ind lr, $3  }
0x3a: {  	_ = 	snop  }
0x3b: {  	_ = 	snop  }
0x3c: {  	p2 =	seq.s32 s10, $0x1;
	s10 =	sld [smem:$0x3FA7]  }
0x3d: {  	_ =	shalt  }
0x3e: {  	_ =	shalt  }
0x3f: {  	_ =	shalt  }
0x40: {  	_ =	shalt  }
0x41: {  	_ =	shalt  }
0x42: {  	_ =	shalt  }
0x43: {  	_ =	shalt  }
0x44: {  	_ =	shalt  }
0x45: {  	_ =	shalt  }
0x46: {  	_ =	shalt  }
0x47: {  	_ =	shalt  }
0x48: {  	_ =	shalt  }
0x49: {  	_ =	shalt  }
0x4a: {  	_ =	shalt  }
0x4b: {  	_ =	shalt  }
0x4c: {  	_ =	shalt  }
0x4d: {  	_ =	shalt  }
0x4e: {  	_ =	shalt  }
0x4f: {  	_ =	shalt  }
0x50: {  	_ =	shalt  }
0x51: {  	_ =	shalt  }
0x52: {  	_ =	shalt  }
0x53: {  	_ =	shalt  }
0x54: {  	_ =	shalt  }
0x55: {  	_ =	shalt  }
0x56: {  	_ =	shalt  }
0x57: {  	_ =	shalt  }
0x58: {  	_ =	shalt  }
0x59: {  	_ =	shalt  }
0x5a: {  	_ =	shalt  }
0x5b: {  	_ =	shalt  }
0x5c: {  	_ =	shalt  }
0x5d: {  	_ =	shalt  }
0x5e: {  	_ =	shalt  }
0x5f: {  	_ =	shalt  }
0x60: {  	_ =	shalt  }
0x61: {  	_ =	shalt  }
0x62: {  	_ =	shalt  }
0x63: {  	_ =	shalt  }
0x64: {  	_ =	shalt  }
0x65: {  	_ =	shalt  }
0x66: {  	_ =	shalt  }
0x67: {  	_ =	shalt  }
0x68: {  	_ =	shalt  }
0x69: {  	_ =	shalt  }
0x6a: {  	_ =	shalt  }
0x6b: {  	_ =	shalt  }
0x6c: {  	_ =	shalt  }
0x6d: {  	_ =	shalt  }
0x6e: {  	_ =	shalt  }
0x6f: {  	_ =	shalt  }
0x70: {  	_ =	shalt  }
0x71: {  	_ =	shalt  }
0x72: {  	_ =	shalt  }
0x73: {  	_ =	shalt  }
0x74: {  	_ =	shalt  }
0x75: {  	_ =	shalt  }
0x76: {  	_ =	shalt  }
0x77: {  	_ =	shalt  }
0x78: {  	_ =	shalt  }
0x79: {  	_ =	shalt  }
0x7a: {  	_ =	shalt  }
0x7b: {  	_ =	shalt  }
0x7c: {  	_ =	shalt  }
0x7d: {  	_ =	shalt  }
0x7e: {  	_ =	shalt  }
0x7f: {  	_ =	shalt  }
0x80: {  	_ =	shalt  }
0x81: {  	_ =	shalt  }
0x82: {  	_ =	shalt  }
0x83: {  	_ =	shalt  }
0x84: {  	_ =	shalt  }
0x85: {  	_ =	shalt  }
0x86: {  	_ =	shalt  }
0x87: {  	_ =	shalt  }
.Lfunc_end0:
.L_simem_size_0:
called_computation.3_lowered:
.L_overlay_start_0:
0x88: {  	s2 =	sld [smem:$0x3FD9]  }
0x89: {  	s3 =	sld [smem:$0x3FFE];
	_ =	sdelay $0x1  }
0x8a: {  	s1 =	srdreg.scid  }
0x8b: {  	s0 =	sand.u32 $0x1, s1  }
0x8c: {  	s17 =	sshll.u32 s0, $0xA;
	s2 =	sadd.s32 s3, s2  }
0x8d: {  	s2 =	sadd.s32 s2, s17  }
0x8e: {  	[smem:$0x3FB3] =	sst s2  }
0x8f: {  	_ = 	snop  }
0x90: {  	s18 =	sld [smem:$0x3FD0];
	(tm) =	ssettm $0x1  }
0x91: {  	s19 =	sld [smem:$0x3FFB];
	_ =	sdelay $0x3  }
0x92: {  	_ =	strace s19  }
0x93: {  	s2 =	sld [smem:$0x3FFC];
	_ =	sdelay $0x3  }
0x94: {  	_ =	strace s2  }
0x95: {  	s2 =	sld [smem:$0x3FFD];
	_ =	sdelay $0x3  }
0x96: {  	_ =	strace s2  }
0x97: {  	_ =	strace $0x8FFFFFFF  }
0x98: {  	s20 =	sld [smem:$0x3FDB];
	_ =	sdelay $0x1  }
0x99: {  	s4 =	simm.s32 $_scs_section_size  }
0x9a: {  	s5 =	simm.s32 $_size__tile_overlayer_lowered;
	s6 =	simm.s32 $_tile_overlayer_lowered  }
0x9b: {  	s7 =	simm.s32 $0x1BFF;
	s21 =	sshll.u32 s6, $0x1;
	s4 =	sadd.s32 s4, s20  }
0x9c: {  	s22 =	simm.s32 $0x0;
	s5 =	sshll.u32 s5, $0x1;
	s6 =	sadd.s32 s21, s4  }
0x9d: {  	[timem:s22], [sflag:s7] =	dma.local [hbm:s6], s5  }
0x9e: {  	_ =	swait.ge [sflag:s7], s5  }
0x9f: {  	s5 =	ssub.s32 $0x0, s5;
	[sflag:s7] =	ssyncset.done $0x0  }
0xa0: {  	[sflag:s7] =	ssyncadd.s32 s5;
	_ =	sdelay $0x1  }
0xa1: {  	s23 =	simm.s32 $0x1B8B  }
0xa2: {  	_ =	swait.ge [sflag:s23], $0x1  }
0xa3: {  	[sflag:s23] =	ssyncset.done $0x0  }
0xa4: {  	[sflag:s23] =	ssyncadd.s32 $0xFFFFFFFF  }
0xa5: {  	s5 =	sld [smem:$0x0]  }
0xa6: {  	s6 =	sand.u32 $0xFFFFFFFE, s1  }
0xa7: {  	p0 =	sne.s32 s1, s6  }
0xa8: {  	s6 =	sshll.u32 @p0 s6, $0xE  }
0xa9: {  	s6 =	sadd.s32 @p0 $0x11B8D, s6;
	s7 =	sshll.u32 @p0 s5, $0x11  }
0xaa: {  	s6 =	sor.u32 @p0 s7, s6  }
0xab: {  	[sflag:s6] =	ssyncadd.remote.s32 @p0 $0x1;
	_ =	sdelay $0x1  }
0xac: {  	s6 =	simm.s32 @p0 $0x1B8D  }
0xad: {  	_ =	swait.eq @p0 [sflag:s6], $0x1  }
0xae: {  	[sflag:s6] =	ssyncadd.s32 @p0 $0xFFFFFFFF  }
0xaf: {  	s7 =	sshll.u32 @!p0 s1, $0xE  }
0xb0: {  	s7 =	sor.u32 @!p0 $0x4000, s7;
	s6 =	simm.s32 @!p0 $0x1B8D  }
0xb1: {  	s5 =	sshll.u32 @!p0 s5, $0x11;
	s7 =	sadd.s32 @!p0 $0x11B8D, s7;
	_ =	swait.eq @!p0 [sflag:s6], $0x1  }
0xb2: {  	s5 =	sor.u32 @!p0 s5, s7;
	[sflag:s6] =	ssyncadd.s32 @!p0 $0xFFFFFFFF  }
0xb3: {  	s25 =	simm.s32 $0x1B8E;
	s24 =	sld [smem:$0x3FFE];
	[sflag:s5] =	ssyncadd.remote.s32 @!p0 $0x1  }
0xb4: {  	s26 =	simm.s32 $execute0_lowered;
	[smem:$0x3FD2] =	sst s25  }
0xb5: {  	s6 =	sshll.u32 s26, $0x1;
	_ =	strace $0x80000049;
	[dreg:$0x1] =	wrdreg $0xFFFFFFFF  }
0xb6: {  	s28 =	simm.s32 $_size_execute0_lowered;
	s4 =	sadd.s32 s4, s6;
	[dreg:$0x0] =	wrdreg $0x0  }
0xb7: {  	s6 =	sshll.u32 s28, $0x1;
	[dreg:$0x2] =	wrdreg s4  }
0xb8: {  	[dreg:$0x3] =	wrdreg s6  }
0xb9: {  	[dreg:$0x4] =	wrdreg $0xC0  }
0xba: {  	_ =	task [dreg:s22], $0x5FFFF  }
0xbb: {  	[dreg:$0x1] =	wrdreg $0xFFFFFFFF  }
0xbc: {  	[dreg:$0x0] =	wrdreg $0x60  }
0xbd: {  	[dreg:$0x2] =	wrdreg s18  }
0xbe: {  	[dreg:$0x3] =	wrdreg s24  }
0xbf: {  	[dreg:$0x4] =	wrdreg $0xC  }
0xc0: {  	_ =	task.clear_ibuf [dreg:s22], $0x5FFFF;
	_ =	strace $0x90000049  }
0xc1: {  	s29 =	simm.s32 $0xC;
	_ =	strace $0x8000004B  }
0xc2: {  	_ =	swait.ge [sflag:s29], $0x1  }
0xc3: {  	[sflag:s29] =	ssyncadd.s32 $0xFFFFFFFF  }
0xc4: {  	_ =	strace $0x9000004B  }
0xc5: {  	_ =	sfence  }
0xc6: {  	s30 =	sld [smem:$0x0];
	_ =	sdelay $0x2  }
0xc7: {  	s31 =	sshll.u32 s1, $0xD;
	s1 =	sshrl.u32 s1, $0x2  }
0xc8: {  	s4 =	sand.u32 $0x4000, s31;
	s1 =	sadd.s32 s1, s30  }
0xc9: {  	s0 =	sor.u32 s4, s0;
	s1 =	sshll.u32 s1, $0x11  }
0xca: {  	s0 =	sor.u32 s1, s0  }
0xcb: {  	s0 =	sadd.s32 $0x8F2B, s0  }
0xcc: {  	[sflag:s0] =	ssyncadd.remote.s32 $0x1  }
0xcd: {  	_ =	sfence.sel $0xFFFF  }
0xce: {  	[dreg:$0x0] =	wrdreg $0xFFFFFFFF;
	(pc) =	sbr.abs _section_cstart, $3  }
0xcf: {  	[dreg:$0x1] =	wrdreg $0xFFFFFFFF  }
0xd0: {  	_ =	task.clear_ibuf [dreg:s22], $0x2FFFF;
	_ =	strace $0x9FFFFFFF  }
0xd1: {  	(tm) =	ssettm $0x7FFFFFFF  }
tec
execute0_lowered:
.L_overlay_start_1:
0x0: {  	(tag) =	ssettag $0x1  }
0x1: {  	s2 =	rddreg [dreg:$0x0];
	s1 =	srdreg.scid  }
0x2: {  	s0 =	stileid.u32;
	s4 =	rddreg [dreg:$0x1]  }
0x3: {  	s3 =	simm.s32 $0x0;
	s10 =	simm.s32 $0xC8;
	s11 =	simm.s32 $0x100  }
0x4: {  	s12 =	simm.s32 $0x6500;
	s13 =	simm.s32 $0x6600;
	s6 =	smul.u32 $0xAF0, s0  }
0x5: {  	s14 =	simm.s32 $0x1;
	s5 =	sand.u32 $0x1, s1;
	s8 =	smul.u32 $0xAF00, s0  }
0x6: {  	s15 =	simm.s32 $0x2;
	s1 =	rddreg [dreg:$0x2];
	s7 =	smul.u32 $0x578, s5  }
0x7: {  	s16 =	simm.s32 $0x0;
	[smem:$0x7FF] =	sst s3;
	s9 =	smul.u32 $0x5780, s5  }
0x8: {  	_ =	strace $0x8000004A;
	s5 =	ssub.s32 $0x2, s5;
	s29 =	sadd.s32 s8, s4  }
0x9: {  	s30 =	sshrl.u32 s5, $0x1;
	s6 =	sadd.s32 s7, s6;
	s7 =	sadd.s32 s9, s29  }
0xa: {  	s5 =	ssub.s32 s5, s30;
	s9 =	simm.s32 $0x3;
	s6 =	sshrl.u32 s6, $0x3  }
0xb: {  	s31 =	sadd.s32 s6, s4;
	s4 =	sadd.s32 $0x13E200, s7;
	s6 =	sadd.s32 $0x1ED200, s7  }
0xc: {  	s5 =	smax.u32 s5, $0x1;
	s7 =	sadd.s32 $0x13CC00, s31;
	s8 =	sadd.s32 $0x13B600, s31  }
.LBB2_1:
0xd: {  	s17 =	sadd.s32 $0x0, s8  }
0xe: {  	[tilespmem:s3], [sflag:$0x3] =	stream.linear.gather [hbm4b:s17+s3], $0xC8, $0x38;
	[tilespmem:$0xCA00] =	vst v63  }
0xf: {  	_ =	swait.ge [sflag:s9], $0xC8  }
0x10: {  	[sflag:s9] =	ssyncset.done $0x0  }
0x11: {  	[sflag:s9] =	ssyncadd.s32 $0xFFFFFF38  }
0x12: {  	[tilespmem:s11], [sflag:$0x1] =	stream.indirect.gather [hbm4b:s2+s10], $0x80, s3, s10, $0xb8;
	[tilespmem:$0xCA00] =	vst v63  }
0x13: {  	s31 =	sadd.s32 $0x0, s7  }
0x14: {  	[tilespmem:s12], [sflag:$0x3] =	stream.linear.gather [hbm4b:s31+s3], $0xC8, $0x38;
	[tilespmem:$0xCA00] =	vst v63  }
0x15: {  	_ =	swait.ge [sflag:s9], $0xC8  }
0x16: {  	[sflag:s9] =	ssyncset.done $0x0  }
0x17: {  	[sflag:s9] =	ssyncadd.s32 $0xFFFFFF38  }
0x18: {  	[tilespmem:s13], [sflag:$0x2] =	stream.indirect.gather [hbm4b:s2+s10], $0x80, s12, s10, $0xb8;
	[tilespmem:$0xCA00] =	vst v63  }
0x19: {  	_ =	swait.ge [sflag:s14], $0x6400  }
0x1a: {  	[sflag:s14] =	ssyncset.done $0x0  }
0x1b: {  	[sflag:s14] =	ssyncadd.s32 $0xFFFF9C00  }
0x1c: {  	[hbm4b:s4+s3] =	stream.linear.scatter [tilespmem:s11], [sflag:$0x3], $0x6400, $0x38;
	[tilespmem:$0xCA00] =	vst v63  }
0x1d: {  	_ =	swait.ge [sflag:s9], $0x6400  }
0x1e: {  	[sflag:s9] =	ssyncset.done $0x0  }
0x1f: {  	[sflag:s9] =	ssyncadd.s32 $0xFFFF9C00  }
0x20: {  	_ =	swait.ge [sflag:s15], $0x6400  }
0x21: {  	[sflag:s15] =	ssyncset.done $0x0  }
0x22: {  	[sflag:s15] =	ssyncadd.s32 $0xFFFF9C00  }
0x23: {  	[hbm4b:s6+s3] =	stream.linear.scatter [tilespmem:s13], [sflag:$0x3], $0x6400, $0x38;
	[tilespmem:$0xCA00] =	vst v63  }
0x24: {  	s19 =	simm.s32 $0x19;
	s20 =	simm.s32 $0x32;
	_ =	swait.ge [sflag:s9], $0x6400  }
0x25: {  	s18 =	sadd.s32 $0xC80, s4;
	s17 =	sadd.s32 $0xC80, s6;
	[sflag:s9] =	ssyncset.done $0x0  }
.LBB2_2:
0x26: {  	s21 =	sadd.s32 s19, s8  }
0x27: {  	[sflag:s9] =	ssyncadd.s32 $0xFFFF9C00;
	s22 =	smov.u32 s20;
	s23 =	sadd.s32 $0x19, s20  }
0x28: {  	[tilespmem:s3], [sflag:$0x3] =	stream.linear.gather [hbm4b:s21+s3], $0xC8, $0x38;
	[tilespmem:$0xCA00] =	vst v63  }
0x29: {  	p0 =	sne.s32 s20, $0x96;
	_ =	swait.ge [sflag:s9], $0xC8  }
0x2a: {  	[sflag:s9] =	ssyncset.done $0x0  }
0x2b: {  	[sflag:s9] =	ssyncadd.s32 $0xFFFFFF38  }
0x2c: {  	[tilespmem:s11], [sflag:$0x1] =	stream.indirect.gather [hbm4b:s2+s10], $0x80, s3, s10, $0xb8;
	[tilespmem:$0xCA00] =	vst v63  }
0x2d: {  	s20 =	sadd.s32 s19, s7;
	s19 =	smov.u32 s22  }
0x2e: {  	[tilespmem:s12], [sflag:$0x3] =	stream.linear.gather [hbm4b:s20+s3], $0xC8, $0x38;
	[tilespmem:$0xCA00] =	vst v63  }
0x2f: {  	_ =	swait.ge [sflag:s9], $0xC8  }
0x30: {  	[sflag:s9] =	ssyncset.done $0x0  }
0x31: {  	[sflag:s9] =	ssyncadd.s32 $0xFFFFFF38  }
0x32: {  	[tilespmem:s13], [sflag:$0x2] =	stream.indirect.gather [hbm4b:s2+s10], $0x80, s12, s10, $0xb8;
	[tilespmem:$0xCA00] =	vst v63  }
0x33: {  	_ =	swait.ge [sflag:s14], $0x6400  }
0x34: {  	[sflag:s14] =	ssyncset.done $0x0  }
0x35: {  	[sflag:s14] =	ssyncadd.s32 $0xFFFF9C00  }
0x36: {  	[hbm4b:s18+s3] =	stream.linear.scatter [tilespmem:s11], [sflag:$0x3], $0x6400, $0x38;
	[tilespmem:$0xCA00] =	vst v63  }
0x37: {  	_ =	swait.ge [sflag:s9], $0x6400  }
0x38: {  	[sflag:s9] =	ssyncset.done $0x0  }
0x39: {  	[sflag:s9] =	ssyncadd.s32 $0xFFFF9C00  }
0x3a: {  	_ =	swait.ge [sflag:s15], $0x6400  }
.Ltmp0:
0x3b: {  	[sflag:s15] =	ssyncset.done $0x0;
	(pc) =	sbr.rel @p0 .LBB2_2-.Ltmp0, $4  }
0x3c: {  	[sflag:s15] =	ssyncadd.s32 $0xFFFF9C00  }
0x3d: {  	[hbm4b:s17+s3] =	stream.linear.scatter [tilespmem:s13], [sflag:$0x3], $0x6400, $0x38;
	[tilespmem:$0xCA00] =	vst v63  }
0x3e: {  	s20 =	smov.u32 s23;
	_ =	swait.ge [sflag:s9], $0x6400  }
0x3f: {  	s18 =	sadd.s32 $0xC80, s18;
	s17 =	sadd.s32 $0xC80, s17;
	[sflag:s9] =	ssyncset.done $0x0  }
0x40: {  	s20 =	sadd.s32 s19, s8;
	[sflag:s9] =	ssyncadd.s32 $0xFFFF9C00  }
0x41: {  	[tilespmem:s3], [sflag:$0x3] =	stream.linear.gather [hbm4b:s20+s3], $0xC8, $0x38;
	[tilespmem:$0xCA00] =	vst v63  }
0x42: {  	_ =	swait.ge [sflag:s9], $0xC8  }
0x43: {  	[sflag:s9] =	ssyncset.done $0x0  }
0x44: {  	[sflag:s9] =	ssyncadd.s32 $0xFFFFFF38  }
0x45: {  	[tilespmem:s11], [sflag:$0x1] =	stream.indirect.gather [hbm4b:s2+s10], $0x80, s3, s10, $0xb8;
	[tilespmem:$0xCA00] =	vst v63  }
0x46: {  	s31 =	sadd.s32 s19, s7  }
0x47: {  	[tilespmem:s12], [sflag:$0x3] =	stream.linear.gather [hbm4b:s31+s3], $0xC8, $0x38;
	[tilespmem:$0xCA00] =	vst v63  }
0x48: {  	_ =	swait.ge [sflag:s9], $0xC8  }
0x49: {  	[sflag:s9] =	ssyncset.done $0x0  }
0x4a: {  	[sflag:s9] =	ssyncadd.s32 $0xFFFFFF38  }
0x4b: {  	[tilespmem:s13], [sflag:$0x2] =	stream.indirect.gather [hbm4b:s2+s10], $0x80, s12, s10, $0xb8;
	[tilespmem:$0xCA00] =	vst v63  }
0x4c: {  	_ =	swait.ge [sflag:s14], $0x6400  }
0x4d: {  	[sflag:s14] =	ssyncset.done $0x0  }
0x4e: {  	[sflag:s14] =	ssyncadd.s32 $0xFFFF9C00  }
0x4f: {  	[hbm4b:s18+s3] =	stream.linear.scatter [tilespmem:s11], [sflag:$0x3], $0x6400, $0x38;
	[tilespmem:$0xCA00] =	vst v63  }
0x50: {  	_ =	swait.ge [sflag:s9], $0x6400  }
0x51: {  	[sflag:s9] =	ssyncset.done $0x0  }
0x52: {  	[sflag:s9] =	ssyncadd.s32 $0xFFFF9C00  }
0x53: {  	s16 =	sadd.s32 $0x1, s16;
	_ =	swait.ge [sflag:s15], $0x6400  }
0x54: {  	p0 =	sne.s32 s16, s5;
	[sflag:s15] =	ssyncset.done $0x0  }
.Ltmp1:
0x55: {  	[sflag:s15] =	ssyncadd.s32 $0xFFFF9C00;
	(pc) =	sbr.rel @p0 .LBB2_1-.Ltmp1, $4  }
0x56: {  	[hbm4b:s17+s3] =	stream.linear.scatter [tilespmem:s13], [sflag:$0x3], $0x6400, $0x38;
	[tilespmem:$0xCA00] =	vst v63  }
0x57: {  	_ =	swait.ge [sflag:s9], $0x6400  }
0x58: {  	[sflag:s9] =	ssyncset.done $0x0  }
0x59: {  	[sflag:s9] =	ssyncadd.s32 $0xFFFF9C00  }
0x5a: {  	_ =	sfence.sel $0x180000  }
0x5b: {  	[bflag:$0x0] =	sbarrier.arrive $0xFFFF  }
0x5c: {  	p0 =	sne.s32 s0, $0x0;
	_ =	strace $0x9000004A  }
0x5d: {  	s0 =	sadd.s32 @!p0 $0x100000, s1;
	[bflag:$0x2] =	sbarrier.arrive $0xFFFF  }
0x5e: {  	[sflag:s0] =	ssyncadd.tile.s32 @!p0 $0x1;
	_ =	shalt  }
.Lfunc_end2:
_tile_overlayer_lowered:
.L_overlay_start_2:
0x5f: {  	(tag) =	ssettag $0x2  }
0x60: {  	s0 =	rddreg [dreg:$0x0];
	s2 =	stileid.u32  }
0x61: {  	s1 =	rddreg [dreg:$0x1];
	p0 =	sne.s32 s2, $0x0  }
0x62: {  	s3 =	rddreg [dreg:$0x2];
	[bflag:$0x3] =	sbarrier.arrive $0xFFFF;
	s2 =	simm.s32 @!p0 $0x1C03  }
0x63: {  	[timem:s3], [sflag:s2] =	dma.local @!p0 [hbm:s0], s1  }
0x64: {  	s0 =	simm.s32 @!p0 $0x3  }
0x65: {  	_ =	swait.ge @!p0 [sflag:s0], s1  }
0x66: {  	s1 =	ssub.s32 @!p0 $0x0, s1;
	[sflag:s0] =	ssyncset.done @!p0 $0x0  }
0x67: {  	[sflag:s0] =	ssyncadd.s32 @!p0 s1  }
0x68: {  	[bflag:$0x3] =	sbarrier.arrive $0xFFFF  }
0x69: {  	_ =	shalt  }

// kernel: kernel.26.cloned.1.call-start
scs
__scs_entry_jumppad:
0x0: {  	(pc) =	sbr.rel $0x88, $3  }
0x1: {  	(tag) =	ssettag $0x0;
	lr =	simm.s32 $0x1  }
0x2: {  	[smem:$0x3F8C] =	sst lr;
	_ =	strace $0xD0000000  }
0x3: {  	_ = 	snop  }
0x4: {  	_ = 	snop  }
0x5: {  	_ = 	snop  }
0x6: {  	_ = 	snop  }
0x7: {  	_ = 	snop  }
__scs_overlays_trampoline_lowered:
0x8: {  	[smem:$0x3F9B] =	sst s0  }
0x9: {  	[smem:$0x3F9C] =	sst s1  }
0xa: {  	[smem:$0x3F9D] =	sst s2  }
0xb: {  	[smem:$0x3F9E] =	sst s3  }
0xc: {  	[smem:$0x3F9F] =	sst s4  }
0xd: {  	[smem:$0x3FA0] =	sst s5  }
0xe: {  	[smem:$0x3FA1] =	sst s6  }
0xf: {  	[smem:$0x3FA2] =	sst s7  }
0x10: {  	[smem:$0x3FA3] =	sst s8  }
0x11: {  	[smem:$0x3FA4] =	sst s9;
	s0 =	simm.s32 @!p0 $0x0  }
0x12: {  	s1 =	sld [smem:$0x3F8A];
	s0 =	simm.s32 @p0 $0x1  }
0x13: {  	[smem:$0x3FA5] =	sst s0;
	s0 =	simm.s32 @!p1 $0x0  }
0x14: {  	s2 =	sld [smem:$0x3F89];
	s0 =	simm.s32 @p1 $0x1  }
0x15: {  	[smem:$0x3FA6] =	sst s0;
	s0 =	simm.s32 @!p2 $0x0  }
0x16: {  	s3 =	sld [smem:$0x3FDB];
	s0 =	simm.s32 @p2 $0x1  }
0x17: {  	s4 =	simm.s32 $0x1BF5;
	[smem:$0x3FA8] =	sst s0  }
0x18: {  	s0 =	sld [smem:$0x3F8B];
	_ =	swait.ge [sflag:s4], $0x0  }
0x19: {  	s7 =	sld [smem:$0x3F8C]  }
0x1a: {  	s8 =	sadd.s32 $0xFFFFE003, lr  }
0x1b: {  	s9 =	sadd.s32 $0xFFFFFEF7, lr;
	s5 =	simm.s32 $0xFFFFFFFF;
	p2 =	slt.u32 s8, $0xFFFFF086  }
0x1c: {  	p1 =	slt.u32 s9, $0xF7A;
	s5 =	simm.s32 @!p2 $0x0  }
0x1d: {  	s5 =	simm.s32 @p1 $0x1;
	p0 =	seq.s32 s7, s2  }
0x1e: {  	s7 =	smul.u32 @!p0 $0xF7A, s2;
	p2 =	seq.s32 @!p0 s5, $0x0  }
0x1f: {  	s9 =	smul.u32 $0xF7A, s1;
	s8 =	simm.s32 @!p0 $0x1BF5;
	p2 =	por !p2, p0  }
0x20: {  	[sflag:s8] =	ssyncset.s32 @!p0 $0xFFFFF086;
	s6 =	sadd.s32 @!p0 s3, s7;
	s7 =	simm.s32 @!p0 $0x108  }
0x21: {  	s3 =	sadd.s32 s3, s9;
	s6 =	sadd.s32 @!p0 $0x88, s6;
	s7 =	simm.s32 @p2 $0x1082  }
0x22: {  	[simem:s7], [sflag:s8] =	dma.local @!p0 [hbm:s6], $0xF7A  }
0x23: {  	s9 =	sor.u32 $0xD0000000, s2;
	s6 =	simm.s32 $0x108;
	_ =	swait.ge @!p0 [sflag:s8], $0x0  }
0x24: {  	s3 =	sadd.s32 $0x88, s3;
	s6 =	simm.s32 @!p1 $0x1082;
	[sflag:s4] =	ssyncset.s32 $0xFFFFF086  }
0x25: {  	[simem:s6], [sflag:s4] =	dma.local [hbm:s3], $0xF7A  }
0x26: {  	[smem:$0x3F8C] =	sst s1;
	(tag) =	ssettag s2;
	_ =	strace s9  }
0x27: {  	s1 =	sld [smem:$0x3F9C]  }
0x28: {  	s2 =	sld [smem:$0x3F9D]  }
0x29: {  	s4 =	sld [smem:$0x3F9F]  }
0x2a: {  	p0 =	seq.s32 s5, $0x0;
	s5 =	sld [smem:$0x3FA0]  }
0x2b: {  	s6 =	sld [smem:$0x3FA1]  }
0x2c: {  	s7 =	sld [smem:$0x3FA2]  }
0x2d: {  	s3 =	simm.s32 $0x108;
	s8 =	sld [smem:$0x3FA3]  }
0x2e: {  	s3 =	simm.s32 @!p0 $0x1082;
	s9 =	sld [smem:$0x3FA4]  }
0x2f: {  	lr =	sadd.s32 s0, s3;
	s0 =	sld [smem:$0x3F9B]  }
0x30: {  	s3 =	sld [smem:$0x3F9E]  }
0x31: {  	[smem:$0x3FA7] =	sst s10  }
0x32: {  	s10 =	sld [smem:$0x3FA5];
	_ =	sdelay $0x3  }
0x33: {  	p0 =	seq.s32 s10, $0x1;
	s10 =	sld [smem:$0x3FA7];
	_ =	sdelay $0x3  }
0x34: {  	[smem:$0x3FA7] =	sst s10  }
0x35: {  	s10 =	sld [smem:$0x3FA6];
	_ =	sdelay $0x3  }
0x36: {  	p1 =	seq.s32 s10, $0x1;
	s10 =	sld [smem:$0x3FA7];
	_ =	sdelay $0x3  }
0x37: {  	[smem:$0x3FA7] =	sst s10  }
0x38: {  	s10 =	sld [smem:$0x3FA8]  }
0x39: {  	_ = 	snop;
	(pc) =	sbr.ind lr, $3  }
0x3a: {  	_ = 	snop  }
0x3b: {  	_ = 	snop  }
0x3c: {  	p2 =	seq.s32 s10, $0x1;
	s10 =	sld [smem:$0x3FA7]  }
0x3d: {  	_ =	shalt  }
0x3e: {  	_ =	shalt  }
0x3f: {  	_ =	shalt  }
0x40: {  	_ =	shalt  }
0x41: {  	_ =	shalt  }
0x42: {  	_ =	shalt  }
0x43: {  	_ =	shalt  }
0x44: {  	_ =	shalt  }
0x45: {  	_ =	shalt  }
0x46: {  	_ =	shalt  }
0x47: {  	_ =	shalt  }
0x48: {  	_ =	shalt  }
0x49: {  	_ =	shalt  }
0x4a: {  	_ =	shalt  }
0x4b: {  	_ =	shalt  }
0x4c: {  	_ =	shalt  }
0x4d: {  	_ =	shalt  }
0x4e: {  	_ =	shalt  }
0x4f: {  	_ =	shalt  }
0x50: {  	_ =	shalt  }
0x51: {  	_ =	shalt  }
0x52: {  	_ =	shalt  }
0x53: {  	_ =	shalt  }
0x54: {  	_ =	shalt  }
0x55: {  	_ =	shalt  }
0x56: {  	_ =	shalt  }
0x57: {  	_ =	shalt  }
0x58: {  	_ =	shalt  }
0x59: {  	_ =	shalt  }
0x5a: {  	_ =	shalt  }
0x5b: {  	_ =	shalt  }
0x5c: {  	_ =	shalt  }
0x5d: {  	_ =	shalt  }
0x5e: {  	_ =	shalt  }
0x5f: {  	_ =	shalt  }
0x60: {  	_ =	shalt  }
0x61: {  	_ =	shalt  }
0x62: {  	_ =	shalt  }
0x63: {  	_ =	shalt  }
0x64: {  	_ =	shalt  }
0x65: {  	_ =	shalt  }
0x66: {  	_ =	shalt  }
0x67: {  	_ =	shalt  }
0x68: {  	_ =	shalt  }
0x69: {  	_ =	shalt  }
0x6a: {  	_ =	shalt  }
0x6b: {  	_ =	shalt  }
0x6c: {  	_ =	shalt  }
0x6d: {  	_ =	shalt  }
0x6e: {  	_ =	shalt  }
0x6f: {  	_ =	shalt  }
0x70: {  	_ =	shalt  }
0x71: {  	_ =	shalt  }
0x72: {  	_ =	shalt  }
0x73: {  	_ =	shalt  }
0x74: {  	_ =	shalt  }
0x75: {  	_ =	shalt  }
0x76: {  	_ =	shalt  }
0x77: {  	_ =	shalt  }
0x78: {  	_ =	shalt  }
0x79: {  	_ =	shalt  }
0x7a: {  	_ =	shalt  }
0x7b: {  	_ =	shalt  }
0x7c: {  	_ =	shalt  }
0x7d: {  	_ =	shalt  }
0x7e: {  	_ =	shalt  }
0x7f: {  	_ =	shalt  }
0x80: {  	_ =	shalt  }
0x81: {  	_ =	shalt  }
0x82: {  	_ =	shalt  }
0x83: {  	_ =	shalt  }
0x84: {  	_ =	shalt  }
0x85: {  	_ =	shalt  }
0x86: {  	_ =	shalt  }
0x87: {  	_ =	shalt  }
.Lfunc_end0:
.L_simem_size_0:
called_computation.4_lowered:
.L_overlay_start_0:
0x88: {  	s2 =	sld [smem:$0x3FD9]  }
0x89: {  	s3 =	sld [smem:$0x3FFE];
	_ =	sdelay $0x1  }
0x8a: {  	s1 =	srdreg.scid  }
0x8b: {  	s0 =	sand.u32 $0x1, s1  }
0x8c: {  	s17 =	sshll.u32 s0, $0xA;
	s2 =	sadd.s32 s3, s2  }
0x8d: {  	s2 =	sadd.s32 s2, s17  }
0x8e: {  	[smem:$0x3FB3] =	sst s2  }
0x8f: {  	_ = 	snop  }
0x90: {  	s18 =	sld [smem:$0x3FD0];
	(tm) =	ssettm $0x1  }
0x91: {  	s19 =	sld [smem:$0x3FFB];
	_ =	sdelay $0x3  }
0x92: {  	_ =	strace s19  }
0x93: {  	s2 =	sld [smem:$0x3FFC];
	_ =	sdelay $0x3  }
0x94: {  	_ =	strace s2  }
0x95: {  	s2 =	sld [smem:$0x3FFD];
	_ =	sdelay $0x3  }
0x96: {  	_ =	strace s2  }
0x97: {  	_ =	strace $0x8FFFFFFF  }
0x98: {  	s20 =	sld [smem:$0x3FDB];
	_ =	sdelay $0x1  }
0x99: {  	s4 =	simm.s32 $_scs_section_size  }
0x9a: {  	s5 =	simm.s32 $_size__tile_overlayer_lowered;
	s6 =	simm.s32 $_tile_overlayer_lowered  }
0x9b: {  	s7 =	simm.s32 $0x1BFF;
	s21 =	sshll.u32 s6, $0x1;
	s4 =	sadd.s32 s4, s20  }
0x9c: {  	s22 =	simm.s32 $0x0;
	s5 =	sshll.u32 s5, $0x1;
	s6 =	sadd.s32 s21, s4  }
0x9d: {  	[timem:s22], [sflag:s7] =	dma.local [hbm:s6], s5  }
0x9e: {  	_ =	swait.ge [sflag:s7], s5  }
0x9f: {  	s5 =	ssub.s32 $0x0, s5;
	[sflag:s7] =	ssyncset.done $0x0  }
0xa0: {  	[sflag:s7] =	ssyncadd.s32 s5;
	_ =	sdelay $0x1  }
0xa1: {  	s23 =	simm.s32 $0x1B8B  }
0xa2: {  	_ =	swait.ge [sflag:s23], $0x1  }
0xa3: {  	[sflag:s23] =	ssyncset.done $0x0  }
0xa4: {  	[sflag:s23] =	ssyncadd.s32 $0xFFFFFFFF  }
0xa5: {  	s5 =	sld [smem:$0x0]  }
0xa6: {  	s6 =	sand.u32 $0xFFFFFFFE, s1  }
0xa7: {  	p0 =	sne.s32 s1, s6  }
0xa8: {  	s6 =	sshll.u32 @p0 s6, $0xE  }
0xa9: {  	s6 =	sadd.s32 @p0 $0x11B8D, s6;
	s7 =	sshll.u32 @p0 s5, $0x11  }
0xaa: {  	s6 =	sor.u32 @p0 s7, s6  }
0xab: {  	[sflag:s6] =	ssyncadd.remote.s32 @p0 $0x1;
	_ =	sdelay $0x1  }
0xac: {  	s6 =	simm.s32 @p0 $0x1B8D  }
0xad: {  	_ =	swait.eq @p0 [sflag:s6], $0x1  }
0xae: {  	[sflag:s6] =	ssyncadd.s32 @p0 $0xFFFFFFFF  }
0xaf: {  	s7 =	sshll.u32 @!p0 s1, $0xE  }
0xb0: {  	s7 =	sor.u32 @!p0 $0x4000, s7;
	s6 =	simm.s32 @!p0 $0x1B8D  }
0xb1: {  	s5 =	sshll.u32 @!p0 s5, $0x11;
	s7 =	sadd.s32 @!p0 $0x11B8D, s7;
	_ =	swait.eq @!p0 [sflag:s6], $0x1  }
0xb2: {  	s5 =	sor.u32 @!p0 s5, s7;
	[sflag:s6] =	ssyncadd.s32 @!p0 $0xFFFFFFFF  }
0xb3: {  	s25 =	simm.s32 $0x1B8E;
	s24 =	sld [smem:$0x3FFE];
	[sflag:s5] =	ssyncadd.remote.s32 @!p0 $0x1  }
0xb4: {  	s26 =	simm.s32 $execute0_lowered;
	[smem:$0x3FD2] =	sst s25  }
0xb5: {  	s6 =	sshll.u32 s26, $0x1;
	_ =	strace $0x80000055;
	[dreg:$0x1] =	wrdreg $0xFFFFFFFF  }
0xb6: {  	s28 =	simm.s32 $_size_execute0_lowered;
	s4 =	sadd.s32 s4, s6;
	[dreg:$0x0] =	wrdreg $0x0  }
0xb7: {  	s6 =	sshll.u32 s28, $0x1;
	[dreg:$0x2] =	wrdreg s4  }
0xb8: {  	[dreg:$0x3] =	wrdreg s6  }
0xb9: {  	[dreg:$0x4] =	wrdreg $0xC0  }
0xba: {  	_ =	task [dreg:s22], $0x5FFFF  }
0xbb: {  	[dreg:$0x1] =	wrdreg $0xFFFFFFFF  }
0xbc: {  	[dreg:$0x0] =	wrdreg $0x60  }
0xbd: {  	[dreg:$0x2] =	wrdreg s24  }
0xbe: {  	[dreg:$0x3] =	wrdreg s18  }
0xbf: {  	[dreg:$0x4] =	wrdreg $0x65000  }
0xc0: {  	[dreg:$0x5] =	wrdreg $0x9  }
0xc1: {  	_ =	task.clear_ibuf [dreg:s22], $0x6FFFF;
	_ =	strace $0x90000055  }
0xc2: {  	s29 =	simm.s32 $0x9;
	_ =	strace $0x80000057  }
0xc3: {  	_ =	swait.ge [sflag:s29], $0x1  }
0xc4: {  	[sflag:s29] =	ssyncadd.s32 $0xFFFFFFFF  }
0xc5: {  	_ =	strace $0x90000057  }
0xc6: {  	_ =	sfence  }
0xc7: {  	s30 =	sld [smem:$0x0];
	_ =	sdelay $0x2  }
0xc8: {  	s31 =	sshll.u32 s1, $0xD;
	s1 =	sshrl.u32 s1, $0x2  }
0xc9: {  	s4 =	sand.u32 $0x4000, s31;
	s1 =	sadd.s32 s1, s30  }
0xca: {  	s0 =	sor.u32 s4, s0;
	s1 =	sshll.u32 s1, $0x11  }
0xcb: {  	s0 =	sor.u32 s1, s0  }
0xcc: {  	s0 =	sadd.s32 $0x8F2B, s0  }
0xcd: {  	[sflag:s0] =	ssyncadd.remote.s32 $0x1  }
0xce: {  	_ =	sfence.sel $0xFFFF  }
0xcf: {  	[dreg:$0x0] =	wrdreg $0xFFFFFFFF;
	(pc) =	sbr.abs _section_cstart, $3  }
0xd0: {  	[dreg:$0x1] =	wrdreg $0xFFFFFFFF  }
0xd1: {  	_ =	task.clear_ibuf [dreg:s22], $0x2FFFF;
	_ =	strace $0x9FFFFFFF  }
0xd2: {  	(tm) =	ssettm $0x7FFFFFFF  }
0xd3: {  	_ =	shalt  }
tec
execute0_lowered:
.L_overlay_start_1:
0x0: {  	(tag) =	ssettag $0x1  }
0x1: {  	s0 =	rddreg [dreg:$0x0];
	s22 =	stileid.u32  }
0x2: {  	s19 =	rddreg [dreg:$0x1];
	s1 =	smul.u32 $0x9600, s22  }
0x3: {  	s3 =	rddreg [dreg:$0x2];
	s4 =	simm.s32 $0x0;
	s2 =	smul.u32 $0x12C, s22  }
0x4: {  	s21 =	srdreg.scid;
	s28 =	simm.s32 $0x100;
	s7 =	smul.u32 $0x19000, s22  }
0x5: {  	s29 =	simm.s32 $0xC8;
	s9 =	sor.u32 $0x10, s22;
	s16 =	smul.u32 $0xC80, s22  }
0x6: {  	s30 =	simm.s32 $0x0;
	s11 =	sor.u32 $0x20, s22;
	s10 =	smul.u32 $0x19000, s9  }
0x7: {  	[smem:$0x7FF] =	sst s4;
	s14 =	sor.u32 $0x30, s22;
	s13 =	smul.u32 $0x19000, s11  }
0x8: {  	s5 =	sadd.s32 $0xBE600, s0;
	s6 =	sadd.s32 $0x10D800, s0;
	s15 =	smul.u32 $0x19000, s14  }
0x9: {  	s23 =	sshll.u32 s22, $0x6;
	p1 =	sgt.u32 s22, $0x1;
	s17 =	smul.u32 $0xC80, s9  }
0xa: {  	p2 =	slt.u32 s22, $0x2;
	_ =	strace $0x80000056;
	s18 =	smul.u32 $0xC80, s11  }
0xb: {  	s31 =	smul.u32 $0xC80, s14;
	s1 =	sadd.s32 s1, s0;
	s2 =	sadd.s32 s2, s0  }
0xc: {  	s0 =	sand.u32 $0x1, s21;
	s7 =	sshrl.u32 s7, $0x2;
	s24 =	sadd.s32 s6, s16  }
0xd: {  	s16 =	sadd.s32 s19, s16;
	s8 =	ssub.s32 $0x2, s0;
	s7 =	sadd.s32 s7, s3  }
0xe: {  	s10 =	sshrl.u32 s10, $0x2;
	s13 =	sshrl.u32 s13, $0x2;
	s15 =	sshrl.u32 s15, $0x2  }
0xf: {  	[dreg:$0x4] =	wrdreg s24;
	s25 =	sadd.s32 s6, s17;
	s26 =	sadd.s32 s6, s18  }
0x10: {  	[dreg:$0x7] =	wrdreg s31;
	s17 =	sadd.s32 s19, s17;
	s18 =	sadd.s32 s19, s18  }
0x11: {  	s20 =	sadd.s32 $0x1D4200, s1;
	s21 =	sadd.s32 $0xCE00, s2;
	p0 =	sne.s32 s0, $0x0  }
.Ltmp0:
0x12: {  	s24 =	sadd.s32 $0xBA00, s2;
	s12 =	sshrl.u32 s8, $0x1;
	(pc) =	sbr.rel .LBB2_1-.Ltmp0, $4  }
0x13: {  	s9 =	sadd.s32 s10, s3;
	s10 =	sadd.s32 s13, s3;
	[dreg:$0x5] =	wrdreg s25  }
0x14: {  	s11 =	sadd.s32 s15, s3;
	[dreg:$0x6] =	wrdreg s26;
	s25 =	sadd.s32 $0xA600, s2  }
0x15: {  	s26 =	simm.s32 $0x1;
	s12 =	ssub.s32 s8, s12;
	s8 =	sor.u32 $0x1C01, s23  }
0x16: {  	s23 =	sadd.s32 $0xE200, s2;
	s19 =	smax.u32 s12, $0x1;
	s12 =	sadd.s32 $0x13E200, s1  }
.LBB2_18:
0x17: {  	s1 =	rddreg [dreg:$0x7]  }
0x18: {  	s31 =	sshrl.u32 s11, $0x3;
	s0 =	sadd.s32 s0, s1  }
0x19: {  	[hbm:s0], [sflag:s8] =	dma.local [spmem:s31], $0xC80  }
0x1a: {  	_ =	swait.ge [sflag:s26], $0xC80  }
0x1b: {  	[sflag:s26] =	ssyncset.done $0x0  }
0x1c: {  	[sflag:s26] =	ssyncadd.s32 $0xFFFFF380  }
.LBB2_19:
0x1d: {  	s30 =	sadd.s32 $0x1, s30  }
0x1e: {  	p3 =	sne.s32 s30, s19  }
.Ltmp1:
0x1f: {  	_ = 	snop;
	(pc) =	sbr.rel @!p3 .LBB2_20-.Ltmp1, $1  }
0x20: {  	_ =	sdelay $0x3  }
.LBB2_1:
0x21: {  	s0 =	sshrl.u32 s7, $0x3  }
0x22: {  	[spmem:s0], [sflag:s8] =	dma.local [hbm:s5], $0xC80  }
0x23: {  	_ =	swait.ge [sflag:s26], $0xC80  }
0x24: {  	[sflag:s26] =	ssyncset.done $0x0  }
0x25: {  	s1 =	sshrl.u32 s9, $0x3;
	[sflag:s26] =	ssyncadd.s32 $0xFFFFF380  }
0x26: {  	[spmem:s1], [sflag:s8] =	dma.local [hbm:s5], $0xC80  }
0x27: {  	_ =	swait.ge [sflag:s26], $0xC80  }
0x28: {  	[sflag:s26] =	ssyncset.done $0x0  }
0x29: {  	s31 =	sshrl.u32 s10, $0x3;
	[sflag:s26] =	ssyncadd.s32 $0xFFFFF380  }
0x2a: {  	[spmem:s31], [sflag:s8] =	dma.local [hbm:s5], $0xC80  }
0x2b: {  	_ =	swait.ge [sflag:s26], $0xC80  }
0x2c: {  	[sflag:s26] =	ssyncset.done $0x0  }
0x2d: {  	s2 =	sshrl.u32 @!p1 s11, $0x3;
	[sflag:s26] =	ssyncadd.s32 $0xFFFFF380  }
0x2e: {  	[spmem:s2], [sflag:s8] =	dma.local @!p1 [hbm:s5], $0xC80  }
0x2f: {  	s2 =	simm.s32 @!p1 $0x1  }
.Ltmp2:
0x30: {  	_ =	swait.ge @!p1 [sflag:s2], $0xC80;
	(pc) =	sbr.rel @p0 .LBB2_10-.Ltmp2, $3  }
0x31: {  	[sflag:s2] =	ssyncset.done @!p1 $0x0  }
0x32: {  	[sflag:s2] =	ssyncadd.s32 @!p1 $0xFFFFF380  }
0x33: {  	[bflag:$0x0] =	sbarrier.arrive $0xFFFF;
	_ =	sdelay $0x1  }
0x34: {  	s13 =	sadd.s32 $0x0, s24;
	s2 =	simm.s32 $0x0  }
0x35: {  	[tilespmem:s2], [sflag:$0x1] =	stream.linear.gather [hbm4b:s13+s2], $0xC8, $0x38;
	[tilespmem:$0x19D80] =	vst v63  }
0x36: {  	_ =	swait.ge [sflag:s26], $0xC8  }
0x37: {  	[sflag:s26] =	ssyncset.done $0x0  }
0x38: {  	[sflag:s26] =	ssyncadd.s32 $0xFFFFFF38  }
0x39: {  	[tilespmem:s28], [sflag:$0x1] =	stream.linear.gather [hbm4b:s20+s2], $0x6400, $0x38;
	[tilespmem:$0x19D80] =	vst v63  }
0x3a: {  	_ =	swait.ge [sflag:s26], $0x6400  }
0x3b: {  	[sflag:s26] =	ssyncset.done $0x0  }
0x3c: {  	[sflag:s26] =	ssyncadd.s32 $0xFFFF9C00  }
0x3d: {  	[spmem:s3] =	stream.indirect.scatter.add.f32 [tilespmem:s28], [sflag:$0x1], $0x80, s2, s29, $0xb8;
	[tilespmem:$0x19D80] =	vst v63  }
0x3e: {  	s14 =	sadd.s32 $0x19, s24;
	_ =	swait.ge [sflag:s26], $0x6400  }
0x3f: {  	s22 =	sadd.s32 $0xC80, s20;
	s13 =	simm.s32 $0x32;
	[sflag:s26] =	ssyncset.done $0x0  }
.LBB2_3:
0x40: {  	s15 =	sadd.s32 s13, s24;
	[sflag:s26] =	ssyncadd.s32 $0xFFFF9C00  }
0x41: {  	[tilespmem:s2], [sflag:$0x1] =	stream.linear.gather [hbm4b:s14+s2], $0xC8, $0x38;
	[tilespmem:$0x19D80] =	vst v63  }
0x42: {  	p3 =	sne.s32 s13, $0x113;
	s13 =	sadd.s32 $0x19, s13;
	_ =	swait.ge [sflag:s26], $0xC8  }
0x43: {  	s14 =	smov.u32 s15;
	[sflag:s26] =	ssyncset.done $0x0  }
0x44: {  	[sflag:s26] =	ssyncadd.s32 $0xFFFFFF38  }
0x45: {  	[tilespmem:s28], [sflag:$0x1] =	stream.linear.gather [hbm4b:s22+s2], $0x6400, $0x38;
	[tilespmem:$0x19D80] =	vst v63  }
0x46: {  	_ =	swait.ge [sflag:s26], $0x6400  }
.Ltmp3:
0x47: {  	[sflag:s26] =	ssyncset.done $0x0;
	(pc) =	sbr.rel @p3 .LBB2_3-.Ltmp3, $4  }
0x48: {  	[sflag:s26] =	ssyncadd.s32 $0xFFFF9C00  }
0x49: {  	[spmem:s3] =	stream.indirect.scatter.add.f32 [tilespmem:s28], [sflag:$0x1], $0x80, s2, s29, $0xb8;
	[tilespmem:$0x19D80] =	vst v63  }
0x4a: {  	_ =	swait.ge [sflag:s26], $0x6400  }
0x4b: {  	s22 =	sadd.s32 $0xC80, s22;
	[sflag:s26] =	ssyncset.done $0x0  }
0x4c: {  	s13 =	simm.s32 $0x0;
	[sflag:s26] =	ssyncadd.s32 $0xFFFF9C00  }
0x4d: {  	[tilespmem:s13], [sflag:$0x1] =	stream.linear.gather [hbm4b:s14+s13], $0xC8, $0x38;
	[tilespmem:$0x19D80] =	vst v63  }
0x4e: {  	_ =	swait.ge [sflag:s26], $0xC8  }
0x4f: {  	[sflag:s26] =	ssyncset.done $0x0  }
0x50: {  	[sflag:s26] =	ssyncadd.s32 $0xFFFFFF38  }
0x51: {  	[tilespmem:s28], [sflag:$0x1] =	stream.linear.gather [hbm4b:s22+s13], $0x6400, $0x38;
	[tilespmem:$0x19D80] =	vst v63  }
0x52: {  	_ =	swait.ge [sflag:s26], $0x6400  }
0x53: {  	p4 =	por $0x1, $0x1;
	[sflag:s26] =	ssyncset.done $0x0  }
.Ltmp4:
0x54: {  	[sflag:s26] =	ssyncadd.s32 $0xFFFF9C00;
	(pc) =	sbr.rel @!p4 .LBB2_9-.Ltmp4, $4  }
0x55: {  	[spmem:s3] =	stream.indirect.scatter.add.f32 [tilespmem:s28], [sflag:$0x1], $0x80, s13, s29, $0xb8;
	[tilespmem:$0x19D80] =	vst v63  }
0x56: {  	_ =	swait.ge [sflag:s26], $0x6400  }
0x57: {  	s2 =	simm.s32 $0x19;
	[sflag:s26] =	ssyncset.done $0x0  }
0x58: {  	p3 =	por $0x0, $0x0;
	s22 =	smov.u32 s12;
	[sflag:s26] =	ssyncadd.s32 $0xFFFF9C00  }
0x59: {  	s13 =	sadd.s32 $0x0, s25  }
0x5a: {  	[tilespmem:s4], [sflag:$0x1] =	stream.linear.gather [hbm4b:s13+s4], $0xC8, $0x38;
	[tilespmem:$0x19D80] =	vst v63  }
0x5b: {  	_ =	swait.ge [sflag:s26], $0xC8  }
0x5c: {  	[sflag:s26] =	ssyncset.done $0x0  }
0x5d: {  	[sflag:s26] =	ssyncadd.s32 $0xFFFFFF38  }
0x5e: {  	[tilespmem:s28], [sflag:$0x1] =	stream.linear.gather [hbm4b:s12+s4], $0x6400, $0x38;
	[tilespmem:$0x19D80] =	vst v63  }
0x5f: {  	p4 =	por $0x1, $0x1;
	_ =	swait.ge [sflag:s26], $0x6400  }
.Ltmp5:
0x60: {  	[sflag:s26] =	ssyncset.done $0x0;
	(pc) =	sbr.rel @!p4 .LBB2_6-.Ltmp5, $4  }
0x61: {  	[sflag:s26] =	ssyncadd.s32 $0xFFFF9C00  }
0x62: {  	[spmem:s3] =	stream.indirect.scatter.add.f32 [tilespmem:s28], [sflag:$0x1], $0x80, s4, s29, $0xb8;
	[tilespmem:$0x19D80] =	vst v63  }
0x63: {  	s22 =	sadd.s32 $0xC80, s12;
	_ =	swait.ge [sflag:s26], $0x6400  }
0x64: {  	p3 =	por $0x1, $0x1;
	s13 =	simm.s32 $0x32;
	[sflag:s26] =	ssyncset.done $0x0  }
.LBB2_7:
0x65: {  	s14 =	sadd.s32 s2, s25  }
0x66: {  	[sflag:s26] =	ssyncadd.s32 $0xFFFF9C00;
	s2 =	smov.u32 s13;
	s15 =	sadd.s32 $0x19, s13  }
0x67: {  	[tilespmem:s4], [sflag:$0x1] =	stream.linear.gather [hbm4b:s14+s4], $0xC8, $0x38;
	[tilespmem:$0x19D80] =	vst v63  }
0x68: {  	p4 =	sne.s32 s13, $0x113;
	_ =	swait.ge [sflag:s26], $0xC8  }
0x69: {  	[sflag:s26] =	ssyncset.done $0x0  }
0x6a: {  	[sflag:s26] =	ssyncadd.s32 $0xFFFFFF38  }
0x6b: {  	[tilespmem:s28], [sflag:$0x1] =	stream.linear.gather [hbm4b:s22+s4], $0x6400, $0x38;
	[tilespmem:$0x19D80] =	vst v63  }
0x6c: {  	_ =	swait.ge [sflag:s26], $0x6400  }
.Ltmp6:
0x6d: {  	[sflag:s26] =	ssyncset.done $0x0;
	(pc) =	sbr.rel @p4 .LBB2_7-.Ltmp6, $4  }
0x6e: {  	[sflag:s26] =	ssyncadd.s32 $0xFFFF9C00  }
0x6f: {  	[spmem:s3] =	stream.indirect.scatter.add.f32 [tilespmem:s28], [sflag:$0x1], $0x80, s4, s29, $0xb8;
	[tilespmem:$0x19D80] =	vst v63  }
0x70: {  	_ =	swait.ge [sflag:s26], $0x6400  }
0x71: {  	s13 =	smov.u32 s15;
	s22 =	sadd.s32 $0xC80, s22;
	[sflag:s26] =	ssyncset.done $0x0  }
0x72: {  	s13 =	smov.u32 s2  }
.LBB2_9:
0x73: {  	s2 =	sadd.s32 s13, s25;
	[sflag:s26] =	ssyncadd.s32 @p3 $0xFFFF9C00  }
0x74: {  	[tilespmem:s4], [sflag:$0x1] =	stream.linear.gather [hbm4b:s2+s4], $0xC8, $0x38;
	[tilespmem:$0x19D80] =	vst v63  }
0x75: {  	_ =	swait.ge [sflag:s26], $0xC8  }
0x76: {  	[sflag:s26] =	ssyncset.done $0x0  }
0x77: {  	[sflag:s26] =	ssyncadd.s32 $0xFFFFFF38  }
0x78: {  	[tilespmem:s28], [sflag:$0x1] =	stream.linear.gather [hbm4b:s22+s4], $0x6400, $0x38;
	[tilespmem:$0x19D80] =	vst v63  }
0x79: {  	_ =	swait.ge [sflag:s26], $0x6400  }
0x7a: {  	[sflag:s26] =	ssyncset.done $0x0  }
0x7b: {  	[sflag:s26] =	ssyncadd.s32 $0xFFFF9C00  }
0x7c: {  	[spmem:s3] =	stream.indirect.scatter.add.f32 [tilespmem:s28], [sflag:$0x1], $0x80, s4, s29, $0xb8;
	[tilespmem:$0x19D80] =	vst v63  }
0x7d: {  	_ =	swait.ge [sflag:s26], $0x6400  }
0x7e: {  	[sflag:s26] =	ssyncset.done $0x0  }
0x7f: {  	[sflag:s26] =	ssyncadd.s32 $0xFFFF9C00  }
0x80: {  	[bflag:$0x0] =	sbarrier.arrive $0xFFFF  }
0x81: {  	[hbm:s16], [sflag:s8] =	dma.local [spmem:s0], $0xC80  }
0x82: {  	_ =	swait.ge [sflag:s26], $0xC80  }
0x83: {  	[sflag:s26] =	ssyncset.done $0x0  }
0x84: {  	[sflag:s26] =	ssyncadd.s32 $0xFFFFF380  }
0x85: {  	[hbm:s17], [sflag:s8] =	dma.local [spmem:s1], $0xC80  }
0x86: {  	_ =	swait.ge [sflag:s26], $0xC80  }
0x87: {  	[sflag:s26] =	ssyncset.done $0x0  }
0x88: {  	[sflag:s26] =	ssyncadd.s32 $0xFFFFF380  }
0x89: {  	[hbm:s18], [sflag:s8] =	dma.local [spmem:s31], $0xC80  }
.Ltmp7:
0x8a: {  	_ = 	snop;
	(pc) =	sbr.rel @p2 .LBB2_18-.Ltmp7, $4  }
.Ltmp8:
0x8b: {  	_ =	swait.ge [sflag:s26], $0xC80;
	(pc) =	sbr.rel @!p2 .LBB2_19-.Ltmp8, $4  }
0x8c: {  	[sflag:s26] =	ssyncset.done $0x0  }
0x8d: {  	[sflag:s26] =	ssyncadd.s32 $0xFFFFF380  }
0x8e: {  	s0 =	rddreg [dreg:$0x1]  }
0x8f: {  	_ = 	snop  }
.LBB2_10:
0x90: {  	s13 =	sadd.s32 $0x0, s21;
	s2 =	simm.s32 $0x0  }
0x91: {  	[tilespmem:s2], [sflag:$0x1] =	stream.linear.gather [hbm4b:s13+s2], $0xC8, $0x38;
	[tilespmem:$0x19D80] =	vst v63  }
0x92: {  	_ =	swait.ge [sflag:s26], $0xC8  }
0x93: {  	[sflag:s26] =	ssyncset.done $0x0  }
0x94: {  	[sflag:s26] =	ssyncadd.s32 $0xFFFFFF38  }
0x95: {  	[tilespmem:s28], [sflag:$0x1] =	stream.linear.gather [hbm4b:s20+s2], $0x6400, $0x38;
	[tilespmem:$0x19D80] =	vst v63  }
0x96: {  	_ =	swait.ge [sflag:s26], $0x6400  }
0x97: {  	[sflag:s26] =	ssyncset.done $0x0  }
0x98: {  	[sflag:s26] =	ssyncadd.s32 $0xFFFF9C00  }
0x99: {  	[spmem:s3] =	stream.indirect.scatter.add.f32 [tilespmem:s28], [sflag:$0x1], $0x80, s2, s29, $0xb8;
	[tilespmem:$0x19D80] =	vst v63  }
0x9a: {  	s14 =	sadd.s32 $0x19, s21;
	_ =	swait.ge [sflag:s26], $0x6400  }
0x9b: {  	s22 =	sadd.s32 $0xC80, s20;
	s13 =	simm.s32 $0x32;
	[sflag:s26] =	ssyncset.done $0x0  }
.LBB2_11:
0x9c: {  	s15 =	sadd.s32 s13, s21;
	[sflag:s26] =	ssyncadd.s32 $0xFFFF9C00  }
0x9d: {  	[tilespmem:s2], [sflag:$0x1] =	stream.linear.gather [hbm4b:s14+s2], $0xC8, $0x38;
	[tilespmem:$0x19D80] =	vst v63  }
0x9e: {  	p3 =	sne.s32 s13, $0x113;
	s13 =	sadd.s32 $0x19, s13;
	_ =	swait.ge [sflag:s26], $0xC8  }
0x9f: {  	s14 =	smov.u32 s15;
	[sflag:s26] =	ssyncset.done $0x0  }
0xa0: {  	[sflag:s26] =	ssyncadd.s32 $0xFFFFFF38  }
0xa1: {  	[tilespmem:s28], [sflag:$0x1] =	stream.linear.gather [hbm4b:s22+s2], $0x6400, $0x38;
	[tilespmem:$0x19D80] =	vst v63  }
0xa2: {  	_ =	swait.ge [sflag:s26], $0x6400  }
.Ltmp9:
0xa3: {  	[sflag:s26] =	ssyncset.done $0x0;
	(pc) =	sbr.rel @p3 .LBB2_11-.Ltmp9, $4  }
0xa4: {  	[sflag:s26] =	ssyncadd.s32 $0xFFFF9C00  }
0xa5: {  	[spmem:s3] =	stream.indirect.scatter.add.f32 [tilespmem:s28], [sflag:$0x1], $0x80, s2, s29, $0xb8;
	[tilespmem:$0x19D80] =	vst v63  }
0xa6: {  	_ =	swait.ge [sflag:s26], $0x6400  }
0xa7: {  	s22 =	sadd.s32 $0xC80, s22;
	[sflag:s26] =	ssyncset.done $0x0  }
0xa8: {  	s13 =	simm.s32 $0x0;
	[sflag:s26] =	ssyncadd.s32 $0xFFFF9C00  }
0xa9: {  	[tilespmem:s13], [sflag:$0x1] =	stream.linear.gather [hbm4b:s14+s13], $0xC8, $0x38;
	[tilespmem:$0x19D80] =	vst v63  }
0xaa: {  	_ =	swait.ge [sflag:s26], $0xC8  }
0xab: {  	[sflag:s26] =	ssyncset.done $0x0  }
0xac: {  	[sflag:s26] =	ssyncadd.s32 $0xFFFFFF38  }
0xad: {  	[tilespmem:s28], [sflag:$0x1] =	stream.linear.gather [hbm4b:s22+s13], $0x6400, $0x38;
	[tilespmem:$0x19D80] =	vst v63  }
0xae: {  	_ =	swait.ge [sflag:s26], $0x6400  }
0xaf: {  	p4 =	por $0x1, $0x1;
	[sflag:s26] =	ssyncset.done $0x0  }
.Ltmp10:
0xb0: {  	[sflag:s26] =	ssyncadd.s32 $0xFFFF9C00;
	(pc) =	sbr.rel @!p4 .LBB2_17-.Ltmp10, $4  }
0xb1: {  	[spmem:s3] =	stream.indirect.scatter.add.f32 [tilespmem:s28], [sflag:$0x1], $0x80, s13, s29, $0xb8;
	[tilespmem:$0x19D80] =	vst v63  }
0xb2: {  	_ =	swait.ge [sflag:s26], $0x6400  }
0xb3: {  	s2 =	simm.s32 $0x19;
	[sflag:s26] =	ssyncset.done $0x0  }
0xb4: {  	p3 =	por $0x0, $0x0;
	s22 =	smov.u32 s12;
	[sflag:s26] =	ssyncadd.s32 $0xFFFF9C00  }
0xb5: {  	s13 =	sadd.s32 $0x0, s23  }
0xb6: {  	[tilespmem:s4], [sflag:$0x1] =	stream.linear.gather [hbm4b:s13+s4], $0xC8, $0x38;
	[tilespmem:$0x19D80] =	vst v63  }
0xb7: {  	_ =	swait.ge [sflag:s26], $0xC8  }
0xb8: {  	[sflag:s26] =	ssyncset.done $0x0  }
0xb9: {  	[sflag:s26] =	ssyncadd.s32 $0xFFFFFF38  }
0xba: {  	[tilespmem:s28], [sflag:$0x1] =	stream.linear.gather [hbm4b:s12+s4], $0x6400, $0x38;
	[tilespmem:$0x19D80] =	vst v63  }
0xbb: {  	p4 =	por $0x1, $0x1;
	_ =	swait.ge [sflag:s26], $0x6400  }
.Ltmp11:
0xbc: {  	[sflag:s26] =	ssyncset.done $0x0;
	(pc) =	sbr.rel @!p4 .LBB2_14-.Ltmp11, $4  }
0xbd: {  	[sflag:s26] =	ssyncadd.s32 $0xFFFF9C00  }
0xbe: {  	[spmem:s3] =	stream.indirect.scatter.add.f32 [tilespmem:s28], [sflag:$0x1], $0x80, s4, s29, $0xb8;
	[tilespmem:$0x19D80] =	vst v63  }
0xbf: {  	s22 =	sadd.s32 $0xC80, s12;
	_ =	swait.ge [sflag:s26], $0x6400  }
0xc0: {  	p3 =	por $0x1, $0x1;
	s13 =	simm.s32 $0x32;
	[sflag:s26] =	ssyncset.done $0x0  }
.LBB2_15:
0xc1: {  	s14 =	sadd.s32 s2, s23  }
0xc2: {  	[sflag:s26] =	ssyncadd.s32 $0xFFFF9C00;
	s2 =	smov.u32 s13;
	s15 =	sadd.s32 $0x19, s13  }
0xc3: {  	[tilespmem:s4], [sflag:$0x1] =	stream.linear.gather [hbm4b:s14+s4], $0xC8, $0x38;
	[tilespmem:$0x19D80] =	vst v63  }
0xc4: {  	p4 =	sne.s32 s13, $0x113;
	_ =	swait.ge [sflag:s26], $0xC8  }
0xc5: {  	[sflag:s26] =	ssyncset.done $0x0  }
0xc6: {  	[sflag:s26] =	ssyncadd.s32 $0xFFFFFF38  }
0xc7: {  	[tilespmem:s28], [sflag:$0x1] =	stream.linear.gather [hbm4b:s22+s4], $0x6400, $0x38;
	[tilespmem:$0x19D80] =	vst v63  }
0xc8: {  	_ =	swait.ge [sflag:s26], $0x6400  }
.Ltmp12:
0xc9: {  	[sflag:s26] =	ssyncset.done $0x0;
	(pc) =	sbr.rel @p4 .LBB2_15-.Ltmp12, $4  }
0xca: {  	[sflag:s26] =	ssyncadd.s32 $0xFFFF9C00  }
0xcb: {  	[spmem:s3] =	stream.indirect.scatter.add.f32 [tilespmem:s28], [sflag:$0x1], $0x80, s4, s29, $0xb8;
	[tilespmem:$0x19D80] =	vst v63  }
0xcc: {  	_ =	swait.ge [sflag:s26], $0x6400  }
0xcd: {  	s13 =	smov.u32 s15;
	s22 =	sadd.s32 $0xC80, s22;
	[sflag:s26] =	ssyncset.done $0x0  }
0xce: {  	s13 =	smov.u32 s2  }
.LBB2_17:
0xcf: {  	s2 =	sadd.s32 s13, s23;
	[sflag:s26] =	ssyncadd.s32 @p3 $0xFFFF9C00  }
0xd0: {  	[tilespmem:s4], [sflag:$0x1] =	stream.linear.gather [hbm4b:s2+s4], $0xC8, $0x38;
	[tilespmem:$0x19D80] =	vst v63  }
0xd1: {  	_ =	swait.ge [sflag:s26], $0xC8  }
0xd2: {  	[sflag:s26] =	ssyncset.done $0x0  }
0xd3: {  	[sflag:s26] =	ssyncadd.s32 $0xFFFFFF38  }
0xd4: {  	[tilespmem:s28], [sflag:$0x1] =	stream.linear.gather [hbm4b:s22+s4], $0x6400, $0x38;
	[tilespmem:$0x19D80] =	vst v63  }
0xd5: {  	_ =	swait.ge [sflag:s26], $0x6400  }
0xd6: {  	[sflag:s26] =	ssyncset.done $0x0  }
0xd7: {  	[sflag:s26] =	ssyncadd.s32 $0xFFFF9C00  }
0xd8: {  	[spmem:s3] =	stream.indirect.scatter.add.f32 [tilespmem:s28], [sflag:$0x1], $0x80, s4, s29, $0xb8;
	[tilespmem:$0x19D80] =	vst v63  }
0xd9: {  	_ =	swait.ge [sflag:s26], $0x6400  }
0xda: {  	[sflag:s26] =	ssyncset.done $0x0  }
0xdb: {  	[sflag:s26] =	ssyncadd.s32 $0xFFFF9C00  }
0xdc: {  	[bflag:$0x0] =	sbarrier.arrive $0xFFFF  }
0xdd: {  	s14 =	rddreg [dreg:$0x4]  }
0xde: {  	[hbm:s14], [sflag:s8] =	dma.local [spmem:s0], $0xC80  }
0xdf: {  	_ =	swait.ge [sflag:s26], $0xC80  }
0xe0: {  	[sflag:s26] =	ssyncset.done $0x0  }
0xe1: {  	s15 =	rddreg [dreg:$0x5];
	[sflag:s26] =	ssyncadd.s32 $0xFFFFF380  }
0xe2: {  	[hbm:s15], [sflag:s8] =	dma.local [spmem:s1], $0xC80  }
0xe3: {  	_ =	swait.ge [sflag:s26], $0xC80  }
0xe4: {  	[sflag:s26] =	ssyncset.done $0x0  }
0xe5: {  	s22 =	rddreg [dreg:$0x6];
	[sflag:s26] =	ssyncadd.s32 $0xFFFFF380  }
0xe6: {  	[hbm:s22], [sflag:s8] =	dma.local [spmem:s31], $0xC80  }
.Ltmp13:
0xe7: {  	_ = 	snop;
	(pc) =	sbr.rel @p1 .LBB2_19-.Ltmp13, $4  }
.Ltmp14:
0xe8: {  	_ = 	snop;
	(pc) =	sbr.rel @!p1 .LBB2_18-.Ltmp14, $4  }
0xe9: {  	_ =	swait.ge [sflag:s26], $0xC80  }
0xea: {  	[sflag:s26] =	ssyncset.done $0x0  }
0xeb: {  	s0 =	smov.u32 s6;
	[sflag:s26] =	ssyncadd.s32 $0xFFFFF380  }
0xec: {  	_ = 	snop  }
.LBB2_6:
.Ltmp15:
0xed: {  	(pc) =	sbr.rel .LBB2_9-.Ltmp15, $2  }
0xee: {  	_ =	sdelay $0x2  }
0xef: {  	s13 =	simm.s32 $0x19  }
.LBB2_14:
.Ltmp16:
0xf0: {  	(pc) =	sbr.rel .LBB2_17-.Ltmp16, $2  }
0xf1: {  	_ =	sdelay $0x2  }
0xf2: {  	s13 =	simm.s32 $0x19  }
.LBB2_20:
0xf3: {  	_ =	sfence.sel $0x180000  }
0xf4: {  	[bflag:$0x0] =	sbarrier.arrive $0xFFFF  }
0xf5: {  	_ =	strace $0x90000056  }
0xf6: {  	s0 =	stileid.u32;
	[bflag:$0x2] =	sbarrier.arrive $0xFFFF  }
0xf7: {  	p0 =	sne.s32 s0, $0x0;
	s0 =	rddreg [dreg:$0x3]  }
0xf8: {  	s0 =	sadd.s32 @!p0 $0x100000, s0  }
0xf9: {  	[sflag:s0] =	ssyncadd.tile.s32 @!p0 $0x1;
	_ =	shalt  }
.Lfunc_end2:
_tile_overlayer_lowered:
.L_overlay_start_2:
0xfa: {  	(tag) =	ssettag $0x2  }
0xfb: {  	s0 =	rddreg [dreg:$0x0];
	s2 =	stileid.u32  }
0xfc: {  	s1 =	rddreg [dreg:$0x1];
	p0 =	sne.s32 s2, $0x0  }
0xfd: {  	s3 =	rddreg [dreg:$0x2];
	[bflag:$0x3] =	sbarrier.arrive $0xFFFF;
	s2 =	simm.s32 @!p0 $0x1C01  }
0xfe: {  	[timem:s3], [sflag:s2] =	dma.local @!p0 [hbm:s0], s1  }
0xff: {  	s0 =	simm.s32 @!p0 $0x1  }
0x100: {  	_ =	swait.ge @!p0 [sflag:s0], s1  }
0x101: {  	s1 =	ssub.s32 @!p0 $0x0, s1;
	[sflag:s0] =	ssyncset.done @!p0 $0x0  }
0x102: {  	[sflag:s0] =	ssyncadd.s32 @!p0 s1  }
0x103: {  	[bflag:$0x3] =	sbarrier.arrive $0xFFFF  }
0x104: {  	_ =	shalt  }

// kernel: kernel.29.cloned.1.call-start
scs
__scs_entry_jumppad:
0x0: {  	(pc) =	sbr.rel $0x88, $3  }
0x1: {  	(tag) =	ssettag $0x0;
	lr =	simm.s32 $0x1  }
0x2: {  	[smem:$0x3F8C] =	sst lr;
	_ =	strace $0xD0000000  }
0x3: {  	_ = 	snop  }
0x4: {  	_ = 	snop  }
0x5: {  	_ = 	snop  }
0x6: {  	_ = 	snop  }
0x7: {  	_ = 	snop  }
__scs_overlays_trampoline_lowered:
0x8: {  	[smem:$0x3F9B] =	sst s0  }
0x9: {  	[smem:$0x3F9C] =	sst s1  }
0xa: {  	[smem:$0x3F9D] =	sst s2  }
0xb: {  	[smem:$0x3F9E] =	sst s3  }
0xc: {  	[smem:$0x3F9F] =	sst s4  }
0xd: {  	[smem:$0x3FA0] =	sst s5  }
0xe: {  	[smem:$0x3FA1] =	sst s6  }
0xf: {  	[smem:$0x3FA2] =	sst s7  }
0x10: {  	[smem:$0x3FA3] =	sst s8  }
0x11: {  	[smem:$0x3FA4] =	sst s9;
	s0 =	simm.s32 @!p0 $0x0  }
0x12: {  	s1 =	sld [smem:$0x3F8A];
	s0 =	simm.s32 @p0 $0x1  }
0x13: {  	[smem:$0x3FA5] =	sst s0;
	s0 =	simm.s32 @!p1 $0x0  }
0x14: {  	s2 =	sld [smem:$0x3F89];
	s0 =	simm.s32 @p1 $0x1  }
0x15: {  	[smem:$0x3FA6] =	sst s0;
	s0 =	simm.s32 @!p2 $0x0  }
0x16: {  	s3 =	sld [smem:$0x3FDB];
	s0 =	simm.s32 @p2 $0x1  }
0x17: {  	s4 =	simm.s32 $0x1BF5;
	[smem:$0x3FA8] =	sst s0  }
0x18: {  	s0 =	sld [smem:$0x3F8B];
	_ =	swait.ge [sflag:s4], $0x0  }
0x19: {  	s7 =	sld [smem:$0x3F8C]  }
0x1a: {  	s8 =	sadd.s32 $0xFFFFE003, lr  }
0x1b: {  	s9 =	sadd.s32 $0xFFFFFEF7, lr;
	s5 =	simm.s32 $0xFFFFFFFF;
	p2 =	slt.u32 s8, $0xFFFFF086  }
0x1c: {  	p1 =	slt.u32 s9, $0xF7A;
	s5 =	simm.s32 @!p2 $0x0  }
0x1d: {  	s5 =	simm.s32 @p1 $0x1;
	p0 =	seq.s32 s7, s2  }
0x1e: {  	s7 =	smul.u32 @!p0 $0xF7A, s2;
	p2 =	seq.s32 @!p0 s5, $0x0  }
0x1f: {  	s9 =	smul.u32 $0xF7A, s1;
	s8 =	simm.s32 @!p0 $0x1BF5;
	p2 =	por !p2, p0  }
0x20: {  	[sflag:s8] =	ssyncset.s32 @!p0 $0xFFFFF086;
	s6 =	sadd.s32 @!p0 s3, s7;
	s7 =	simm.s32 @!p0 $0x108  }
0x21: {  	s3 =	sadd.s32 s3, s9;
	s6 =	sadd.s32 @!p0 $0x88, s6;
	s7 =	simm.s32 @p2 $0x1082  }
0x22: {  	[simem:s7], [sflag:s8] =	dma.local @!p0 [hbm:s6], $0xF7A  }
0x23: {  	s9 =	sor.u32 $0xD0000000, s2;
	s6 =	simm.s32 $0x108;
	_ =	swait.ge @!p0 [sflag:s8], $0x0  }
0x24: {  	s3 =	sadd.s32 $0x88, s3;
	s6 =	simm.s32 @!p1 $0x1082;
	[sflag:s4] =	ssyncset.s32 $0xFFFFF086  }
0x25: {  	[simem:s6], [sflag:s4] =	dma.local [hbm:s3], $0xF7A  }
0x26: {  	[smem:$0x3F8C] =	sst s1;
	(tag) =	ssettag s2;
	_ =	strace s9  }
0x27: {  	s1 =	sld [smem:$0x3F9C]  }
0x28: {  	s2 =	sld [smem:$0x3F9D]  }
0x29: {  	s4 =	sld [smem:$0x3F9F]  }
0x2a: {  	p0 =	seq.s32 s5, $0x0;
	s5 =	sld [smem:$0x3FA0]  }
0x2b: {  	s6 =	sld [smem:$0x3FA1]  }
0x2c: {  	s7 =	sld [smem:$0x3FA2]  }
0x2d: {  	s3 =	simm.s32 $0x108;
	s8 =	sld [smem:$0x3FA3]  }
0x2e: {  	s3 =	simm.s32 @!p0 $0x1082;
	s9 =	sld [smem:$0x3FA4]  }
0x2f: {  	lr =	sadd.s32 s0, s3;
	s0 =	sld [smem:$0x3F9B]  }
0x30: {  	s3 =	sld [smem:$0x3F9E]  }
0x31: {  	[smem:$0x3FA7] =	sst s10  }
0x32: {  	s10 =	sld [smem:$0x3FA5];
	_ =	sdelay $0x3  }
0x33: {  	p0 =	seq.s32 s10, $0x1;
	s10 =	sld [smem:$0x3FA7];
	_ =	sdelay $0x3  }
0x34: {  	[smem:$0x3FA7] =	sst s10  }
0x35: {  	s10 =	sld [smem:$0x3FA6];
	_ =	sdelay $0x3  }
0x36: {  	p1 =	seq.s32 s10, $0x1;
	s10 =	sld [smem:$0x3FA7];
	_ =	sdelay $0x3  }
0x37: {  	[smem:$0x3FA7] =	sst s10  }
0x38: {  	s10 =	sld [smem:$0x3FA8]  }
0x39: {  	_ = 	snop;
	(pc) =	sbr.ind lr, $3  }
0x3a: {  	_ = 	snop  }
0x3b: {  	_ = 	snop  }
0x3c: {  	p2 =	seq.s32 s10, $0x1;
	s10 =	sld [smem:$0x3FA7]  }
0x3d: {  	_ =	shalt  }
0x3e: {  	_ =	shalt  }
0x3f: {  	_ =	shalt  }
0x40: {  	_ =	shalt  }
0x41: {  	_ =	shalt  }
0x42: {  	_ =	shalt  }
0x43: {  	_ =	shalt  }
0x44: {  	_ =	shalt  }
0x45: {  	_ =	shalt  }
0x46: {  	_ =	shalt  }
0x47: {  	_ =	shalt  }
0x48: {  	_ =	shalt  }
0x49: {  	_ =	shalt  }
0x4a: {  	_ =	shalt  }
0x4b: {  	_ =	shalt  }
0x4c: {  	_ =	shalt  }
0x4d: {  	_ =	shalt  }
0x4e: {  	_ =	shalt  }
0x4f: {  	_ =	shalt  }
0x50: {  	_ =	shalt  }
0x51: {  	_ =	shalt  }
0x52: {  	_ =	shalt  }
0x53: {  	_ =	shalt  }
0x54: {  	_ =	shalt  }
0x55: {  	_ =	shalt  }
0x56: {  	_ =	shalt  }
0x57: {  	_ =	shalt  }
0x58: {  	_ =	shalt  }
0x59: {  	_ =	shalt  }
0x5a: {  	_ =	shalt  }
0x5b: {  	_ =	shalt  }
0x5c: {  	_ =	shalt  }
0x5d: {  	_ =	shalt  }
0x5e: {  	_ =	shalt  }
0x5f: {  	_ =	shalt  }
0x60: {  	_ =	shalt  }
0x61: {  	_ =	shalt  }
0x62: {  	_ =	shalt  }
0x63: {  	_ =	shalt  }
0x64: {  	_ =	shalt  }
0x65: {  	_ =	shalt  }
0x66: {  	_ =	shalt  }
0x67: {  	_ =	shalt  }
0x68: {  	_ =	shalt  }
0x69: {  	_ =	shalt  }
0x6a: {  	_ =	shalt  }
0x6b: {  	_ =	shalt  }
0x6c: {  	_ =	shalt  }
0x6d: {  	_ =	shalt  }
0x6e: {  	_ =	shalt  }
0x6f: {  	_ =	shalt  }
0x70: {  	_ =	shalt  }
0x71: {  	_ =	shalt  }
0x72: {  	_ =	shalt  }
0x73: {  	_ =	shalt  }
0x74: {  	_ =	shalt  }
0x75: {  	_ =	shalt  }
0x76: {  	_ =	shalt  }
0x77: {  	_ =	shalt  }
0x78: {  	_ =	shalt  }
0x79: {  	_ =	shalt  }
0x7a: {  	_ =	shalt  }
0x7b: {  	_ =	shalt  }
0x7c: {  	_ =	shalt  }
0x7d: {  	_ =	shalt  }
0x7e: {  	_ =	shalt  }
0x7f: {  	_ =	shalt  }
0x80: {  	_ =	shalt  }
0x81: {  	_ =	shalt  }
0x82: {  	_ =	shalt  }
0x83: {  	_ =	shalt  }
0x84: {  	_ =	shalt  }
0x85: {  	_ =	shalt  }
0x86: {  	_ =	shalt  }
0x87: {  	_ =	shalt  }
.Lfunc_end0:
.L_simem_size_0:
called_computation.5_lowered:
.L_overlay_start_0:
0x88: {  	s2 =	sld [smem:$0x3FD9]  }
0x89: {  	s3 =	sld [smem:$0x3FFE];
	_ =	sdelay $0x1  }
0x8a: {  	s1 =	srdreg.scid  }
0x8b: {  	s0 =	sand.u32 $0x1, s1  }
0x8c: {  	s17 =	sshll.u32 s0, $0xA;
	s2 =	sadd.s32 s3, s2  }
0x8d: {  	s2 =	sadd.s32 s2, s17  }
0x8e: {  	[smem:$0x3FB3] =	sst s2  }
0x8f: {  	_ = 	snop  }
0x90: {  	(tm) =	ssettm $0x1  }
0x91: {  	s18 =	sld [smem:$0x3FFB];
	_ =	sdelay $0x3  }
0x92: {  	_ =	strace s18  }
0x93: {  	s2 =	sld [smem:$0x3FFC];
	_ =	sdelay $0x3  }
0x94: {  	_ =	strace s2  }
0x95: {  	s2 =	sld [smem:$0x3FFD];
	_ =	sdelay $0x3  }
0x96: {  	_ =	strace s2  }
0x97: {  	_ =	strace $0x8FFFFFFF  }
0x98: {  	s19 =	sld [smem:$0x3FDB];
	_ =	sdelay $0x1  }
0x99: {  	s20 =	simm.s32 $_scs_section_size  }
0x9a: {  	s4 =	simm.s32 $_size__tile_overlayer_lowered;
	s5 =	simm.s32 $_tile_overlayer_lowered  }
0x9b: {  	s6 =	simm.s32 $0x1BFF;
	s21 =	sshll.u32 s5, $0x1;
	s3 =	sadd.s32 s20, s19  }
0x9c: {  	s22 =	simm.s32 $0x0;
	s4 =	sshll.u32 s4, $0x1;
	s5 =	sadd.s32 s21, s3  }
0x9d: {  	[timem:s22], [sflag:s6] =	dma.local [hbm:s5], s4  }
0x9e: {  	_ =	swait.ge [sflag:s6], s4  }
0x9f: {  	s4 =	ssub.s32 $0x0, s4;
	[sflag:s6] =	ssyncset.done $0x0  }
0xa0: {  	[sflag:s6] =	ssyncadd.s32 s4;
	_ =	sdelay $0x1  }
0xa1: {  	s23 =	simm.s32 $0x1B8B  }
0xa2: {  	_ =	swait.ge [sflag:s23], $0x1  }
0xa3: {  	[sflag:s23] =	ssyncset.done $0x0  }
0xa4: {  	[sflag:s23] =	ssyncadd.s32 $0xFFFFFFFF  }
0xa5: {  	s4 =	sld [smem:$0x0]  }
0xa6: {  	s5 =	sand.u32 $0xFFFFFFFE, s1  }
0xa7: {  	p0 =	sne.s32 s1, s5  }
0xa8: {  	s5 =	sshll.u32 @p0 s5, $0xE  }
0xa9: {  	s5 =	sadd.s32 @p0 $0x11B8D, s5;
	s6 =	sshll.u32 @p0 s4, $0x11  }
0xaa: {  	s5 =	sor.u32 @p0 s6, s5  }
0xab: {  	[sflag:s5] =	ssyncadd.remote.s32 @p0 $0x1;
	_ =	sdelay $0x1  }
0xac: {  	s5 =	simm.s32 @p0 $0x1B8D  }
0xad: {  	_ =	swait.eq @p0 [sflag:s5], $0x1  }
0xae: {  	[sflag:s5] =	ssyncadd.s32 @p0 $0xFFFFFFFF  }
0xaf: {  	s6 =	sshll.u32 @!p0 s1, $0xE  }
0xb0: {  	s6 =	sor.u32 @!p0 $0x4000, s6;
	s5 =	simm.s32 @!p0 $0x1B8D  }
0xb1: {  	s4 =	sshll.u32 @!p0 s4, $0x11;
	s6 =	sadd.s32 @!p0 $0x11B8D, s6;
	_ =	swait.eq @!p0 [sflag:s5], $0x1  }
0xb2: {  	s4 =	sor.u32 @!p0 s4, s6;
	[sflag:s5] =	ssyncadd.s32 @!p0 $0xFFFFFFFF  }
0xb3: {  	s25 =	simm.s32 $0x1B8E;
	s24 =	sld [smem:$0x3FFE];
	[sflag:s4] =	ssyncadd.remote.s32 @!p0 $0x1  }
0xb4: {  	s26 =	simm.s32 $execute0_lowered;
	[smem:$0x3FD2] =	sst s25  }
0xb5: {  	s5 =	sshll.u32 s26, $0x1;
	_ =	strace $0x80000052;
	[dreg:$0x1] =	wrdreg $0xFFFFFFFF  }
0xb6: {  	s28 =	simm.s32 $_size_execute0_lowered;
	s3 =	sadd.s32 s3, s5;
	[dreg:$0x0] =	wrdreg $0x0  }
0xb7: {  	s5 =	sshll.u32 s28, $0x1;
	[dreg:$0x2] =	wrdreg s3  }
0xb8: {  	[dreg:$0x3] =	wrdreg s5  }
0xb9: {  	[dreg:$0x4] =	wrdreg $0xC0  }
0xba: {  	_ =	task [dreg:s22], $0x5FFFF  }
0xbb: {  	[dreg:$0x1] =	wrdreg $0xFFFFFFFF  }
0xbc: {  	[dreg:$0x0] =	wrdreg $0x60  }
0xbd: {  	[dreg:$0x2] =	wrdreg s24  }
0xbe: {  	[dreg:$0x3] =	wrdreg $0x65000  }
0xbf: {  	[dreg:$0x4] =	wrdreg $0xB  }
0xc0: {  	_ =	task.clear_ibuf [dreg:s22], $0x5FFFF;
	_ =	strace $0x90000052  }
0xc1: {  	s29 =	simm.s32 $0xB;
	_ =	strace $0x80000054  }
0xc2: {  	_ =	swait.ge [sflag:s29], $0x1  }
0xc3: {  	[sflag:s29] =	ssyncadd.s32 $0xFFFFFFFF  }
0xc4: {  	_ =	strace $0x90000054  }
0xc5: {  	_ =	sfence  }
0xc6: {  	s30 =	sld [smem:$0x0];
	_ =	sdelay $0x2  }
0xc7: {  	s31 =	sshll.u32 s1, $0xD;
	s1 =	sshrl.u32 s1, $0x2  }
0xc8: {  	s4 =	sand.u32 $0x4000, s31;
	s1 =	sadd.s32 s1, s30  }
0xc9: {  	s0 =	sor.u32 s4, s0;
	s1 =	sshll.u32 s1, $0x11  }
0xca: {  	s0 =	sor.u32 s1, s0  }
0xcb: {  	s0 =	sadd.s32 $0x8F2B, s0  }
0xcc: {  	[sflag:s0] =	ssyncadd.remote.s32 $0x1  }
0xcd: {  	_ =	sfence.sel $0xFFFF  }
0xce: {  	[dreg:$0x0] =	wrdreg $0xFFFFFFFF;
	(pc) =	sbr.abs _section_cstart, $3  }
0xcf: {  	[dreg:$0x1] =	wrdreg $0xFFFFFFFF  }
0xd0: {  	_ =	task.clear_ibuf [dreg:s22], $0x2FFFF;
	_ =	strace $0x9FFFFFFF  }
0xd1: {  	(tm) =	ssettm $0x7FFFFFFF  }
tec
execute0_lowered:
.L_overlay_start_1:
0x0: {  	(tag) =	ssettag $0x1  }
0x1: {  	s23 =	stileid.u32  }
0x2: {  	s1 =	smul.u32 $0x9600, s23  }
0x3: {  	s0 =	rddreg [dreg:$0x0];
	s4 =	smul.u32 $0xAF00, s23  }
0x4: {  	s2 =	rddreg [dreg:$0x1];
	s5 =	smul.u32 $0x12C, s23  }
0x5: {  	s3 =	simm.s32 $0x0;
	s20 =	srdreg.scid;
	s6 =	smul.u32 $0x15E, s23  }
0x6: {  	s28 =	simm.s32 $0x100;
	s29 =	simm.s32 $0xC8;
	s7 =	smul.u32 $0x19000, s23  }
0x7: {  	s30 =	simm.s32 $0x0;
	s9 =	sor.u32 $0x10, s23;
	s19 =	smul.u32 $0xC80, s23  }
0x8: {  	[smem:$0x7FF] =	sst s3;
	s11 =	sor.u32 $0x20, s23;
	s10 =	smul.u32 $0x19000, s9  }
0x9: {  	s17 =	sor.u32 $0x30, s23;
	s21 =	sshll.u32 s23, $0x6;
	s16 =	smul.u32 $0x19000, s11  }
0xa: {  	p1 =	sgt.u32 s23, $0x1;
	p2 =	slt.u32 s23, $0x2;
	s18 =	smul.u32 $0x19000, s17  }
0xb: {  	_ =	strace $0x80000053;
	s26 =	smul.u32 $0xC80, s17;
	s1 =	sadd.s32 s1, s0  }
0xc: {  	s12 =	sadd.s32 s4, s0;
	s14 =	sadd.s32 s5, s0;
	s15 =	sadd.s32 s6, s0  }
0xd: {  	s4 =	sadd.s32 $0xBE600, s0;
	s5 =	sadd.s32 $0xBF400, s0;
	s6 =	sadd.s32 $0xE6600, s0  }
0xe: {  	s0 =	sand.u32 $0x1, s20;
	s7 =	sshrl.u32 s7, $0x2;
	s20 =	smul.u32 $0xC80, s9  }
0xf: {  	s8 =	ssub.s32 $0x2, s0;
	s7 =	sadd.s32 s7, s2;
	s10 =	sshrl.u32 s10, $0x2  }
0x10: {  	s16 =	sshrl.u32 s16, $0x2;
	s18 =	sshrl.u32 s18, $0x2;
	s22 =	sadd.s32 s6, s19  }
0x11: {  	[dreg:$0x6] =	wrdreg s26;
	s31 =	sadd.s32 s5, s19;
	p0 =	sne.s32 s0, $0x0  }
0x12: {  	s26 =	simm.s32 $0x1;
	s13 =	sshrl.u32 s8, $0x1;
	s9 =	sadd.s32 s10, s2  }
0x13: {  	s10 =	sadd.s32 s16, s2;
	[dreg:$0x3] =	wrdreg s22;
	s24 =	sadd.s32 s6, s20  }
0x14: {  	[dreg:$0x7] =	wrdreg s31;
	s17 =	sadd.s32 s5, s20;
	s20 =	sadd.s32 $0x4F4200, s1  }
.Ltmp0:
0x15: {  	s22 =	sadd.s32 $0x13B600, s15;
	s13 =	ssub.s32 s8, s13;
	(pc) =	sbr.rel .LBB2_1-.Ltmp0, $4  }
0x16: {  	s8 =	sor.u32 $0x1C01, s21;
	s21 =	smul.u32 $0xC80, s11;
	s11 =	sadd.s32 s18, s2  }
0x17: {  	[dreg:$0x4] =	wrdreg s24;
	s24 =	sadd.s32 $0x7E00, s14;
	s19 =	smax.u32 s13, $0x1  }
0x18: {  	s13 =	sadd.s32 $0xF600, s12;
	s25 =	sadd.s32 s6, s21;
	s18 =	sadd.s32 s5, s21  }
0x19: {  	s21 =	sadd.s32 $0x9200, s14;
	[dreg:$0x5] =	wrdreg s25;
	s25 =	sadd.s32 $0x13CC00, s15  }
.LBB2_18:
0x1a: {  	s1 =	rddreg [dreg:$0x6]  }
0x1b: {  	s31 =	sshrl.u32 s11, $0x3;
	s0 =	sadd.s32 s0, s1  }
0x1c: {  	[hbm:s0], [sflag:s8] =	dma.local [spmem:s31], $0xC80  }
0x1d: {  	_ =	swait.ge [sflag:s26], $0xC80  }
0x1e: {  	[sflag:s26] =	ssyncset.done $0x0  }
0x1f: {  	[sflag:s26] =	ssyncadd.s32 $0xFFFFF380  }
.LBB2_19:
0x20: {  	s30 =	sadd.s32 $0x1, s30  }
0x21: {  	p3 =	sne.s32 s30, s19  }
.Ltmp1:
0x22: {  	_ = 	snop;
	(pc) =	sbr.rel @!p3 .LBB2_20-.Ltmp1, $1  }
0x23: {  	_ =	sdelay $0x3  }
.LBB2_1:
0x24: {  	s0 =	sshrl.u32 s7, $0x3  }
0x25: {  	[spmem:s0], [sflag:s8] =	dma.local [hbm:s4], $0xC80  }
0x26: {  	_ =	swait.ge [sflag:s26], $0xC80  }
0x27: {  	[sflag:s26] =	ssyncset.done $0x0  }
0x28: {  	s1 =	sshrl.u32 s9, $0x3;
	[sflag:s26] =	ssyncadd.s32 $0xFFFFF380  }
0x29: {  	[spmem:s1], [sflag:s8] =	dma.local [hbm:s4], $0xC80  }
0x2a: {  	_ =	swait.ge [sflag:s26], $0xC80  }
0x2b: {  	[sflag:s26] =	ssyncset.done $0x0  }
0x2c: {  	s31 =	sshrl.u32 s10, $0x3;
	[sflag:s26] =	ssyncadd.s32 $0xFFFFF380  }
0x2d: {  	[spmem:s31], [sflag:s8] =	dma.local [hbm:s4], $0xC80  }
0x2e: {  	_ =	swait.ge [sflag:s26], $0xC80  }
0x2f: {  	[sflag:s26] =	ssyncset.done $0x0  }
0x30: {  	s12 =	sshrl.u32 @!p1 s11, $0x3;
	[sflag:s26] =	ssyncadd.s32 $0xFFFFF380  }
0x31: {  	[spmem:s12], [sflag:s8] =	dma.local @!p1 [hbm:s4], $0xC80  }
0x32: {  	s12 =	simm.s32 @!p1 $0x1  }
.Ltmp2:
0x33: {  	_ =	swait.ge @!p1 [sflag:s12], $0xC80;
	(pc) =	sbr.rel @p0 .LBB2_10-.Ltmp2, $3  }
0x34: {  	[sflag:s12] =	ssyncset.done @!p1 $0x0  }
0x35: {  	[sflag:s12] =	ssyncadd.s32 @!p1 $0xFFFFF380  }
0x36: {  	[bflag:$0x0] =	sbarrier.arrive $0xFFFF;
	_ =	sdelay $0x1  }
0x37: {  	s14 =	sadd.s32 $0x0, s24;
	s12 =	simm.s32 $0x0  }
0x38: {  	[tilespmem:s12], [sflag:$0x1] =	stream.linear.gather [hbm4b:s14+s12], $0xC8, $0x38;
	[tilespmem:$0x19D80] =	vst v63  }
0x39: {  	_ =	swait.ge [sflag:s26], $0xC8  }
0x3a: {  	[sflag:s26] =	ssyncset.done $0x0  }
0x3b: {  	[sflag:s26] =	ssyncadd.s32 $0xFFFFFF38  }
0x3c: {  	[tilespmem:s28], [sflag:$0x1] =	stream.linear.gather [hbm4b:s20+s12], $0x6400, $0x38;
	[tilespmem:$0x19D80] =	vst v63  }
0x3d: {  	_ =	swait.ge [sflag:s26], $0x6400  }
0x3e: {  	[sflag:s26] =	ssyncset.done $0x0  }
0x3f: {  	[sflag:s26] =	ssyncadd.s32 $0xFFFF9C00  }
0x40: {  	[spmem:s2] =	stream.indirect.scatter.add.f32 [tilespmem:s28], [sflag:$0x1], $0x80, s12, s29, $0xb8;
	[tilespmem:$0x19D80] =	vst v63  }
0x41: {  	s15 =	sadd.s32 $0x19, s24;
	_ =	swait.ge [sflag:s26], $0x6400  }
0x42: {  	s23 =	sadd.s32 $0xC80, s20;
	s14 =	simm.s32 $0x32;
	[sflag:s26] =	ssyncset.done $0x0  }
.LBB2_3:
0x43: {  	s16 =	sadd.s32 s14, s24;
	[sflag:s26] =	ssyncadd.s32 $0xFFFF9C00  }
0x44: {  	[tilespmem:s12], [sflag:$0x1] =	stream.linear.gather [hbm4b:s15+s12], $0xC8, $0x38;
	[tilespmem:$0x19D80] =	vst v63  }
0x45: {  	p3 =	sne.s32 s14, $0x113;
	s14 =	sadd.s32 $0x19, s14;
	_ =	swait.ge [sflag:s26], $0xC8  }
0x46: {  	s15 =	smov.u32 s16;
	[sflag:s26] =	ssyncset.done $0x0  }
0x47: {  	[sflag:s26] =	ssyncadd.s32 $0xFFFFFF38  }
0x48: {  	[tilespmem:s28], [sflag:$0x1] =	stream.linear.gather [hbm4b:s23+s12], $0x6400, $0x38;
	[tilespmem:$0x19D80] =	vst v63  }
0x49: {  	_ =	swait.ge [sflag:s26], $0x6400  }
.Ltmp3:
0x4a: {  	[sflag:s26] =	ssyncset.done $0x0;
	(pc) =	sbr.rel @p3 .LBB2_3-.Ltmp3, $4  }
0x4b: {  	[sflag:s26] =	ssyncadd.s32 $0xFFFF9C00  }
0x4c: {  	[spmem:s2] =	stream.indirect.scatter.add.f32 [tilespmem:s28], [sflag:$0x1], $0x80, s12, s29, $0xb8;
	[tilespmem:$0x19D80] =	vst v63  }
0x4d: {  	_ =	swait.ge [sflag:s26], $0x6400  }
0x4e: {  	s23 =	sadd.s32 $0xC80, s23;
	[sflag:s26] =	ssyncset.done $0x0  }
0x4f: {  	s14 =	simm.s32 $0x0;
	[sflag:s26] =	ssyncadd.s32 $0xFFFF9C00  }
0x50: {  	[tilespmem:s14], [sflag:$0x1] =	stream.linear.gather [hbm4b:s15+s14], $0xC8, $0x38;
	[tilespmem:$0x19D80] =	vst v63  }
0x51: {  	_ =	swait.ge [sflag:s26], $0xC8  }
0x52: {  	[sflag:s26] =	ssyncset.done $0x0  }
0x53: {  	[sflag:s26] =	ssyncadd.s32 $0xFFFFFF38  }
0x54: {  	[tilespmem:s28], [sflag:$0x1] =	stream.linear.gather [hbm4b:s23+s14], $0x6400, $0x38;
	[tilespmem:$0x19D80] =	vst v63  }
0x55: {  	_ =	swait.ge [sflag:s26], $0x6400  }
0x56: {  	p4 =	por $0x1, $0x1;
	[sflag:s26] =	ssyncset.done $0x0  }
.Ltmp4:
0x57: {  	[sflag:s26] =	ssyncadd.s32 $0xFFFF9C00;
	(pc) =	sbr.rel @!p4 .LBB2_9-.Ltmp4, $4  }
0x58: {  	[spmem:s2] =	stream.indirect.scatter.add.f32 [tilespmem:s28], [sflag:$0x1], $0x80, s14, s29, $0xb8;
	[tilespmem:$0x19D80] =	vst v63  }
0x59: {  	_ =	swait.ge [sflag:s26], $0x6400  }
0x5a: {  	s12 =	simm.s32 $0x19;
	[sflag:s26] =	ssyncset.done $0x0  }
0x5b: {  	p3 =	por $0x0, $0x0;
	s23 =	smov.u32 s13;
	[sflag:s26] =	ssyncadd.s32 $0xFFFF9C00  }
0x5c: {  	s14 =	sadd.s32 $0x0, s25  }
0x5d: {  	[tilespmem:s3], [sflag:$0x1] =	stream.linear.gather [hbm4b:s14+s3], $0xC8, $0x38;
	[tilespmem:$0x19D80] =	vst v63  }
0x5e: {  	_ =	swait.ge [sflag:s26], $0xC8  }
0x5f: {  	[sflag:s26] =	ssyncset.done $0x0  }
0x60: {  	[sflag:s26] =	ssyncadd.s32 $0xFFFFFF38  }
0x61: {  	[tilespmem:s28], [sflag:$0x1] =	stream.linear.gather [hbm4b:s13+s3], $0x6400, $0x38;
	[tilespmem:$0x19D80] =	vst v63  }
0x62: {  	p4 =	por $0x1, $0x1;
	_ =	swait.ge [sflag:s26], $0x6400  }
.Ltmp5:
0x63: {  	[sflag:s26] =	ssyncset.done $0x0;
	(pc) =	sbr.rel @!p4 .LBB2_6-.Ltmp5, $4  }
0x64: {  	[sflag:s26] =	ssyncadd.s32 $0xFFFF9C00  }
0x65: {  	[spmem:s2] =	stream.indirect.scatter.add.f32 [tilespmem:s28], [sflag:$0x1], $0x80, s3, s29, $0xb8;
	[tilespmem:$0x19D80] =	vst v63  }
0x66: {  	s23 =	sadd.s32 $0xC80, s13;
	_ =	swait.ge [sflag:s26], $0x6400  }
0x67: {  	p3 =	por $0x1, $0x1;
	s14 =	simm.s32 $0x32;
	[sflag:s26] =	ssyncset.done $0x0  }
.LBB2_7:
0x68: {  	s15 =	sadd.s32 s12, s25  }
0x69: {  	[sflag:s26] =	ssyncadd.s32 $0xFFFF9C00;
	s12 =	smov.u32 s14;
	s16 =	sadd.s32 $0x19, s14  }
0x6a: {  	[tilespmem:s3], [sflag:$0x1] =	stream.linear.gather [hbm4b:s15+s3], $0xC8, $0x38;
	[tilespmem:$0x19D80] =	vst v63  }
0x6b: {  	p4 =	sne.s32 s14, $0x145;
	_ =	swait.ge [sflag:s26], $0xC8  }
0x6c: {  	[sflag:s26] =	ssyncset.done $0x0  }
0x6d: {  	[sflag:s26] =	ssyncadd.s32 $0xFFFFFF38  }
0x6e: {  	[tilespmem:s28], [sflag:$0x1] =	stream.linear.gather [hbm4b:s23+s3], $0x6400, $0x38;
	[tilespmem:$0x19D80] =	vst v63  }
0x6f: {  	_ =	swait.ge [sflag:s26], $0x6400  }
.Ltmp6:
0x70: {  	[sflag:s26] =	ssyncset.done $0x0;
	(pc) =	sbr.rel @p4 .LBB2_7-.Ltmp6, $4  }
0x71: {  	[sflag:s26] =	ssyncadd.s32 $0xFFFF9C00  }
0x72: {  	[spmem:s2] =	stream.indirect.scatter.add.f32 [tilespmem:s28], [sflag:$0x1], $0x80, s3, s29, $0xb8;
	[tilespmem:$0x19D80] =	vst v63  }
0x73: {  	_ =	swait.ge [sflag:s26], $0x6400  }
0x74: {  	s14 =	smov.u32 s16;
	s23 =	sadd.s32 $0xC80, s23;
	[sflag:s26] =	ssyncset.done $0x0  }
0x75: {  	s14 =	smov.u32 s12  }
.LBB2_9:
0x76: {  	s12 =	sadd.s32 s14, s25;
	[sflag:s26] =	ssyncadd.s32 @p3 $0xFFFF9C00  }
0x77: {  	[tilespmem:s3], [sflag:$0x1] =	stream.linear.gather [hbm4b:s12+s3], $0xC8, $0x38;
	[tilespmem:$0x19D80] =	vst v63  }
0x78: {  	_ =	swait.ge [sflag:s26], $0xC8  }
0x79: {  	[sflag:s26] =	ssyncset.done $0x0  }
0x7a: {  	[sflag:s26] =	ssyncadd.s32 $0xFFFFFF38  }
0x7b: {  	[tilespmem:s28], [sflag:$0x1] =	stream.linear.gather [hbm4b:s23+s3], $0x6400, $0x38;
	[tilespmem:$0x19D80] =	vst v63  }
0x7c: {  	_ =	swait.ge [sflag:s26], $0x6400  }
0x7d: {  	[sflag:s26] =	ssyncset.done $0x0  }
0x7e: {  	[sflag:s26] =	ssyncadd.s32 $0xFFFF9C00  }
0x7f: {  	[spmem:s2] =	stream.indirect.scatter.add.f32 [tilespmem:s28], [sflag:$0x1], $0x80, s3, s29, $0xb8;
	[tilespmem:$0x19D80] =	vst v63  }
0x80: {  	_ =	swait.ge [sflag:s26], $0x6400  }
0x81: {  	[sflag:s26] =	ssyncset.done $0x0  }
0x82: {  	[sflag:s26] =	ssyncadd.s32 $0xFFFF9C00  }
0x83: {  	[bflag:$0x0] =	sbarrier.arrive $0xFFFF  }
0x84: {  	s23 =	rddreg [dreg:$0x7]  }
0x85: {  	[hbm:s23], [sflag:s8] =	dma.local [spmem:s0], $0xC80  }
0x86: {  	_ =	swait.ge [sflag:s26], $0xC80  }
0x87: {  	[sflag:s26] =	ssyncset.done $0x0  }
0x88: {  	[sflag:s26] =	ssyncadd.s32 $0xFFFFF380  }
0x89: {  	[hbm:s17], [sflag:s8] =	dma.local [spmem:s1], $0xC80  }
0x8a: {  	_ =	swait.ge [sflag:s26], $0xC80  }
0x8b: {  	[sflag:s26] =	ssyncset.done $0x0  }
0x8c: {  	[sflag:s26] =	ssyncadd.s32 $0xFFFFF380  }
0x8d: {  	[hbm:s18], [sflag:s8] =	dma.local [spmem:s31], $0xC80  }
.Ltmp7:
0x8e: {  	_ = 	snop;
	(pc) =	sbr.rel @p2 .LBB2_18-.Ltmp7, $4  }
.Ltmp8:
0x8f: {  	_ = 	snop;
	(pc) =	sbr.rel @!p2 .LBB2_19-.Ltmp8, $4  }
0x90: {  	_ =	swait.ge [sflag:s26], $0xC80  }
0x91: {  	[sflag:s26] =	ssyncset.done $0x0  }
0x92: {  	s0 =	smov.u32 s5;
	[sflag:s26] =	ssyncadd.s32 $0xFFFFF380  }
0x93: {  	_ = 	snop  }
.LBB2_10:
0x94: {  	s14 =	sadd.s32 $0x0, s21;
	s12 =	simm.s32 $0x0  }
0x95: {  	[tilespmem:s12], [sflag:$0x1] =	stream.linear.gather [hbm4b:s14+s12], $0xC8, $0x38;
	[tilespmem:$0x19D80] =	vst v63  }
0x96: {  	_ =	swait.ge [sflag:s26], $0xC8  }
0x97: {  	[sflag:s26] =	ssyncset.done $0x0  }
0x98: {  	[sflag:s26] =	ssyncadd.s32 $0xFFFFFF38  }
0x99: {  	[tilespmem:s28], [sflag:$0x1] =	stream.linear.gather [hbm4b:s20+s12], $0x6400, $0x38;
	[tilespmem:$0x19D80] =	vst v63  }
0x9a: {  	_ =	swait.ge [sflag:s26], $0x6400  }
0x9b: {  	[sflag:s26] =	ssyncset.done $0x0  }
0x9c: {  	[sflag:s26] =	ssyncadd.s32 $0xFFFF9C00  }
0x9d: {  	[spmem:s2] =	stream.indirect.scatter.add.f32 [tilespmem:s28], [sflag:$0x1], $0x80, s12, s29, $0xb8;
	[tilespmem:$0x19D80] =	vst v63  }
0x9e: {  	s15 =	sadd.s32 $0x19, s21;
	_ =	swait.ge [sflag:s26], $0x6400  }
0x9f: {  	s23 =	sadd.s32 $0xC80, s20;
	s14 =	simm.s32 $0x32;
	[sflag:s26] =	ssyncset.done $0x0  }
.LBB2_11:
0xa0: {  	s16 =	sadd.s32 s14, s21;
	[sflag:s26] =	ssyncadd.s32 $0xFFFF9C00  }
0xa1: {  	[tilespmem:s12], [sflag:$0x1] =	stream.linear.gather [hbm4b:s15+s12], $0xC8, $0x38;
	[tilespmem:$0x19D80] =	vst v63  }
0xa2: {  	p3 =	sne.s32 s14, $0x113;
	s14 =	sadd.s32 $0x19, s14;
	_ =	swait.ge [sflag:s26], $0xC8  }
0xa3: {  	s15 =	smov.u32 s16;
	[sflag:s26] =	ssyncset.done $0x0  }
0xa4: {  	[sflag:s26] =	ssyncadd.s32 $0xFFFFFF38  }
0xa5: {  	[tilespmem:s28], [sflag:$0x1] =	stream.linear.gather [hbm4b:s23+s12], $0x6400, $0x38;
	[tilespmem:$0x19D80] =	vst v63  }
0xa6: {  	_ =	swait.ge [sflag:s26], $0x6400  }
.Ltmp9:
0xa7: {  	[sflag:s26] =	ssyncset.done $0x0;
	(pc) =	sbr.rel @p3 .LBB2_11-.Ltmp9, $4  }
0xa8: {  	[sflag:s26] =	ssyncadd.s32 $0xFFFF9C00  }
0xa9: {  	[spmem:s2] =	stream.indirect.scatter.add.f32 [tilespmem:s28], [sflag:$0x1], $0x80, s12, s29, $0xb8;
	[tilespmem:$0x19D80] =	vst v63  }
0xaa: {  	_ =	swait.ge [sflag:s26], $0x6400  }
0xab: {  	s23 =	sadd.s32 $0xC80, s23;
	[sflag:s26] =	ssyncset.done $0x0  }
0xac: {  	s14 =	simm.s32 $0x0;
	[sflag:s26] =	ssyncadd.s32 $0xFFFF9C00  }
0xad: {  	[tilespmem:s14], [sflag:$0x1] =	stream.linear.gather [hbm4b:s15+s14], $0xC8, $0x38;
	[tilespmem:$0x19D80] =	vst v63  }
0xae: {  	_ =	swait.ge [sflag:s26], $0xC8  }
0xaf: {  	[sflag:s26] =	ssyncset.done $0x0  }
0xb0: {  	[sflag:s26] =	ssyncadd.s32 $0xFFFFFF38  }
0xb1: {  	[tilespmem:s28], [sflag:$0x1] =	stream.linear.gather [hbm4b:s23+s14], $0x6400, $0x38;
	[tilespmem:$0x19D80] =	vst v63  }
0xb2: {  	_ =	swait.ge [sflag:s26], $0x6400  }
0xb3: {  	p4 =	por $0x1, $0x1;
	[sflag:s26] =	ssyncset.done $0x0  }
.Ltmp10:
0xb4: {  	[sflag:s26] =	ssyncadd.s32 $0xFFFF9C00;
	(pc) =	sbr.rel @!p4 .LBB2_17-.Ltmp10, $4  }
0xb5: {  	[spmem:s2] =	stream.indirect.scatter.add.f32 [tilespmem:s28], [sflag:$0x1], $0x80, s14, s29, $0xb8;
	[tilespmem:$0x19D80] =	vst v63  }
0xb6: {  	_ =	swait.ge [sflag:s26], $0x6400  }
0xb7: {  	s12 =	simm.s32 $0x19;
	[sflag:s26] =	ssyncset.done $0x0  }
0xb8: {  	p3 =	por $0x0, $0x0;
	s23 =	smov.u32 s13;
	[sflag:s26] =	ssyncadd.s32 $0xFFFF9C00  }
0xb9: {  	s14 =	sadd.s32 $0x0, s22  }
0xba: {  	[tilespmem:s3], [sflag:$0x1] =	stream.linear.gather [hbm4b:s14+s3], $0xC8, $0x38;
	[tilespmem:$0x19D80] =	vst v63  }
0xbb: {  	_ =	swait.ge [sflag:s26], $0xC8  }
0xbc: {  	[sflag:s26] =	ssyncset.done $0x0  }
0xbd: {  	[sflag:s26] =	ssyncadd.s32 $0xFFFFFF38  }
0xbe: {  	[tilespmem:s28], [sflag:$0x1] =	stream.linear.gather [hbm4b:s13+s3], $0x6400, $0x38;
	[tilespmem:$0x19D80] =	vst v63  }
0xbf: {  	p4 =	por $0x1, $0x1;
	_ =	swait.ge [sflag:s26], $0x6400  }
.Ltmp11:
0xc0: {  	[sflag:s26] =	ssyncset.done $0x0;
	(pc) =	sbr.rel @!p4 .LBB2_14-.Ltmp11, $4  }
0xc1: {  	[sflag:s26] =	ssyncadd.s32 $0xFFFF9C00  }
0xc2: {  	[spmem:s2] =	stream.indirect.scatter.add.f32 [tilespmem:s28], [sflag:$0x1], $0x80, s3, s29, $0xb8;
	[tilespmem:$0x19D80] =	vst v63  }
0xc3: {  	s23 =	sadd.s32 $0xC80, s13;
	_ =	swait.ge [sflag:s26], $0x6400  }
0xc4: {  	p3 =	por $0x1, $0x1;
	s14 =	simm.s32 $0x32;
	[sflag:s26] =	ssyncset.done $0x0  }
.LBB2_15:
0xc5: {  	s15 =	sadd.s32 s12, s22  }
0xc6: {  	[sflag:s26] =	ssyncadd.s32 $0xFFFF9C00;
	s12 =	smov.u32 s14;
	s16 =	sadd.s32 $0x19, s14  }
0xc7: {  	[tilespmem:s3], [sflag:$0x1] =	stream.linear.gather [hbm4b:s15+s3], $0xC8, $0x38;
	[tilespmem:$0x19D80] =	vst v63  }
0xc8: {  	p4 =	sne.s32 s14, $0x145;
	_ =	swait.ge [sflag:s26], $0xC8  }
0xc9: {  	[sflag:s26] =	ssyncset.done $0x0  }
0xca: {  	[sflag:s26] =	ssyncadd.s32 $0xFFFFFF38  }
0xcb: {  	[tilespmem:s28], [sflag:$0x1] =	stream.linear.gather [hbm4b:s23+s3], $0x6400, $0x38;
	[tilespmem:$0x19D80] =	vst v63  }
0xcc: {  	_ =	swait.ge [sflag:s26], $0x6400  }
.Ltmp12:
0xcd: {  	[sflag:s26] =	ssyncset.done $0x0;
	(pc) =	sbr.rel @p4 .LBB2_15-.Ltmp12, $4  }
0xce: {  	[sflag:s26] =	ssyncadd.s32 $0xFFFF9C00  }
0xcf: {  	[spmem:s2] =	stream.indirect.scatter.add.f32 [tilespmem:s28], [sflag:$0x1], $0x80, s3, s29, $0xb8;
	[tilespmem:$0x19D80] =	vst v63  }
0xd0: {  	_ =	swait.ge [sflag:s26], $0x6400  }
0xd1: {  	s14 =	smov.u32 s16;
	s23 =	sadd.s32 $0xC80, s23;
	[sflag:s26] =	ssyncset.done $0x0  }
0xd2: {  	s14 =	smov.u32 s12  }
.LBB2_17:
0xd3: {  	s12 =	sadd.s32 s14, s22;
	[sflag:s26] =	ssyncadd.s32 @p3 $0xFFFF9C00  }
0xd4: {  	[tilespmem:s3], [sflag:$0x1] =	stream.linear.gather [hbm4b:s12+s3], $0xC8, $0x38;
	[tilespmem:$0x19D80] =	vst v63  }
0xd5: {  	_ =	swait.ge [sflag:s26], $0xC8  }
0xd6: {  	[sflag:s26] =	ssyncset.done $0x0  }
0xd7: {  	[sflag:s26] =	ssyncadd.s32 $0xFFFFFF38  }
0xd8: {  	[tilespmem:s28], [sflag:$0x1] =	stream.linear.gather [hbm4b:s23+s3], $0x6400, $0x38;
	[tilespmem:$0x19D80] =	vst v63  }
0xd9: {  	_ =	swait.ge [sflag:s26], $0x6400  }
0xda: {  	[sflag:s26] =	ssyncset.done $0x0  }
0xdb: {  	[sflag:s26] =	ssyncadd.s32 $0xFFFF9C00  }
0xdc: {  	[spmem:s2] =	stream.indirect.scatter.add.f32 [tilespmem:s28], [sflag:$0x1], $0x80, s3, s29, $0xb8;
	[tilespmem:$0x19D80] =	vst v63  }
0xdd: {  	_ =	swait.ge [sflag:s26], $0x6400  }
0xde: {  	[sflag:s26] =	ssyncset.done $0x0  }
0xdf: {  	[sflag:s26] =	ssyncadd.s32 $0xFFFF9C00  }
0xe0: {  	[bflag:$0x0] =	sbarrier.arrive $0xFFFF  }
0xe1: {  	s15 =	rddreg [dreg:$0x3]  }
0xe2: {  	[hbm:s15], [sflag:s8] =	dma.local [spmem:s0], $0xC80  }
0xe3: {  	_ =	swait.ge [sflag:s26], $0xC80  }
0xe4: {  	[sflag:s26] =	ssyncset.done $0x0  }
0xe5: {  	s16 =	rddreg [dreg:$0x4];
	[sflag:s26] =	ssyncadd.s32 $0xFFFFF380  }
0xe6: {  	[hbm:s16], [sflag:s8] =	dma.local [spmem:s1], $0xC80  }
0xe7: {  	_ =	swait.ge [sflag:s26], $0xC80  }
0xe8: {  	[sflag:s26] =	ssyncset.done $0x0  }
0xe9: {  	s23 =	rddreg [dreg:$0x5];
	[sflag:s26] =	ssyncadd.s32 $0xFFFFF380  }
0xea: {  	[hbm:s23], [sflag:s8] =	dma.local [spmem:s31], $0xC80  }
.Ltmp13:
0xeb: {  	_ = 	snop;
	(pc) =	sbr.rel @p1 .LBB2_19-.Ltmp13, $4  }
.Ltmp14:
0xec: {  	_ = 	snop;
	(pc) =	sbr.rel @!p1 .LBB2_18-.Ltmp14, $4  }
0xed: {  	_ =	swait.ge [sflag:s26], $0xC80  }
0xee: {  	[sflag:s26] =	ssyncset.done $0x0  }
0xef: {  	s0 =	smov.u32 s6;
	[sflag:s26] =	ssyncadd.s32 $0xFFFFF380  }
0xf0: {  	_ = 	snop  }
.LBB2_6:
.Ltmp15:
0xf1: {  	(pc) =	sbr.rel .LBB2_9-.Ltmp15, $2  }
0xf2: {  	_ =	sdelay $0x2  }
0xf3: {  	s14 =	simm.s32 $0x19  }
.LBB2_14:
.Ltmp16:
0xf4: {  	(pc) =	sbr.rel .LBB2_17-.Ltmp16, $2  }
0xf5: {  	_ =	sdelay $0x2  }
0xf6: {  	s14 =	simm.s32 $0x19  }
.LBB2_20:
0xf7: {  	_ =	sfence.sel $0x180000  }
0xf8: {  	[bflag:$0x0] =	sbarrier.arrive $0xFFFF  }
0xf9: {  	_ =	strace $0x90000053  }
0xfa: {  	s0 =	stileid.u32;
	[bflag:$0x2] =	sbarrier.arrive $0xFFFF  }
0xfb: {  	p0 =	sne.s32 s0, $0x0;
	s0 =	rddreg [dreg:$0x2]  }
0xfc: {  	s0 =	sadd.s32 @!p0 $0x100000, s0  }
0xfd: {  	[sflag:s0] =	ssyncadd.tile.s32 @!p0 $0x1;
	_ =	shalt  }
.Lfunc_end2:
_tile_overlayer_lowered:
.L_overlay_start_2:
0xfe: {  	(tag) =	ssettag $0x2  }
0xff: {  	s0 =	rddreg [dreg:$0x0];
	s2 =	stileid.u32  }
0x100: {  	s1 =	rddreg [dreg:$0x1];
	p0 =	sne.s32 s2, $0x0  }
0x101: {  	s3 =	rddreg [dreg:$0x2];
	[bflag:$0x3] =	sbarrier.arrive $0xFFFF;
	s2 =	simm.s32 @!p0 $0x1C01  }
0x102: {  	[timem:s3], [sflag:s2] =	dma.local @!p0 [hbm:s0], s1  }
0x103: {  	s0 =	simm.s32 @!p0 $0x1  }
0x104: {  	_ =	swait.ge @!p0 [sflag:s0], s1  }
0x105: {  	s1 =	ssub.s32 @!p0 $0x0, s1;
	[sflag:s0] =	ssyncset.done @!p0 $0x0  }
0x106: {  	[sflag:s0] =	ssyncadd.s32 @!p0 s1  }
0x107: {  	[bflag:$0x3] =	sbarrier.arrive $0xFFFF  }
0x108: {  	_ =	shalt  }

</sc_bundles>
